<compile_context>
chip_gen: v7x
topology: tpu7x:2x2x1
jax: 0.10.2.dev20260603
libtpu: 0.0.44.dev20260713+nightly
codegen_flags: <defaults>
</compile_context>

<pallas_src>
import functools

import jax
import jax.numpy as jnp
from jax import lax
from jax.experimental import pallas as pl
from jax.experimental.pallas import tpu as pltpu
from jax.experimental.pallas import tpu_sc as plsc

N_NODE = 10000
D = 256
E_TOTAL = 160000
NC, NS = 2, 16

NP = 10240
NAGG = 10112
EPT = 10240
E_PAD = NS * EPT
CHUNK = 128
BLK1 = 1024
BLK2 = 1000



def _project_body(x_ref, w_ref, b_ref, o_ref):
    jj = pl.program_id(0)
    is_fac = (jj < NP // BLK1).astype(jnp.float32)
    acc = jnp.dot(x_ref[...], w_ref[...], preferred_element_type=jnp.float32)
    p = (acc + is_fac * b_ref[...]).astype(jnp.bfloat16)
    o_ref[0] = p[:, 0:128]
    o_ref[1] = p[:, 128:256]


def _project(x_pad, w_msg, b2):
    grid = (2 * NP // BLK1,)
    return pl.pallas_call(
        _project_body,
        grid=grid,
        in_specs=[
            pl.BlockSpec((BLK1, D), lambda j: (j, 0)),
            pl.BlockSpec((D, D), lambda j: (j // (NP // BLK1), 0)),
            pl.BlockSpec((1, D), lambda j: (0, 0)),
        ],
        out_specs=pl.BlockSpec((2, BLK1, 128), lambda j: (0, j, 0)),
        out_shape=jax.ShapeDtypeStruct((2, 2 * NP, 128), jnp.bfloat16),
    )(x_pad, w_msg, b2)



def _edge_sc_body(htab, snd, rcv, out, agg, rall, sall,
                  gf0, gf1, gv0, gv1, rs0, rs1,
                  pf0, pf1, pv0, pv1, mg0, mg1,
                  sgf0, sgf1, sgv0, sgv1, ssc0, ssc1):
    c = lax.axis_index("c")
    s = lax.axis_index("s")
    GF, GV, RS = (gf0, gf1), (gv0, gv1), (rs0, rs1)
    PF, PV, MG = (pf0, pf1), (pv0, pv1), (mg0, mg1)
    SGF, SGV, SSC = (sgf0, sgf1), (sgv0, sgv1), (ssc0, ssc1)
    NCH = EPT // CHUNK
    TROWS = NAGG // NS

    pltpu.sync_copy(rcv.at[pl.ds(s * EPT, EPT)], rall)
    pltpu.sync_copy(snd.at[pl.ds(s * EPT, EPT)], sall)

    offf = c * (2 * NP)
    offv = c * (2 * NP) + NP

    def _zrow(i, _):
        for j in range(4):
            mg0[i, pl.ds(j * 32, 32)] = jnp.zeros((32,), jnp.bfloat16)
        return _
    lax.fori_loop(0, CHUNK, _zrow, None)
    for k in range(TROWS // CHUNK):
        pltpu.sync_copy(mg0, agg.at[pl.ds(s * TROWS + k * CHUNK, CHUNK)])
    rem = TROWS % CHUNK
    if rem:
        pltpu.sync_copy(mg0.at[pl.ds(0, rem)],
                        agg.at[pl.ds(s * TROWS + (TROWS // CHUNK) * CHUNK, rem)])
    plsc.subcore_barrier()

    def prep_gidx(k, slot):
        base = k * CHUNK
        for j in range(CHUNK // 16):
            sl = pl.ds(j * 16, 16)
            GF[slot][sl] = rall[pl.ds(base + j * 16, 16)] + offf
            GV[slot][sl] = sall[pl.ds(base + j * 16, 16)] + offv

    def issue_gather(k, slot):
        prep_gidx(k, slot)
        pltpu.async_copy(htab.at[GF[slot]], PF[slot], SGF[slot])
        pltpu.async_copy(htab.at[GV[slot]], PV[slot], SGV[slot])

    def wait_gather(slot):
        pltpu.make_async_copy(htab.at[GF[slot]], PF[slot], SGF[slot]).wait()
        pltpu.make_async_copy(htab.at[GV[slot]], PV[slot], SGV[slot]).wait()

    def compute(slot):
        def _row(i, _2):
            a = [PF[slot][i, pl.ds(j * 32, 32)] for j in range(4)]
            b = [PV[slot][i, pl.ds(j * 32, 32)] for j in range(4)]
            m = [jnp.maximum(a[j] + b[j], jnp.bfloat16(0.0)) for j in range(4)]
            for j in range(4):
                MG[slot][i, pl.ds(j * 32, 32)] = m[j]
            return _2
        lax.fori_loop(0, CHUNK, _row, None, unroll=4)

    def prep_sidx(k, slot):
        base = k * CHUNK
        for j in range(CHUNK // 16):
            RS[slot][pl.ds(j * 16, 16)] = rall[pl.ds(base + j * 16, 16)]

    def issue_scatter(slot):
        pltpu.async_copy(MG[slot], agg.at[RS[slot]], SSC[slot], add=True)

    def wait_scatter(slot):
        pltpu.make_async_copy(MG[slot], agg.at[RS[slot]], SSC[slot]).wait()

    issue_gather(0, 0)
    issue_gather(1, 1)
    for slot in (0, 1):
        wait_gather(slot)
        compute(slot)
        prep_sidx(slot, slot)
        issue_scatter(slot)
        issue_gather(slot + 2, slot)

    def _pair(p, _):
        for slot in (0, 1):
            k = 2 * p + slot
            wait_gather(slot)
            wait_scatter(slot)
            compute(slot)
            prep_sidx(k, slot)
            issue_scatter(slot)

            @pl.when(k + 2 < NCH)
            def _():
                issue_gather(k + 2, slot)
        return _
    lax.fori_loop(1, NCH // 2, _pair, None)
    wait_scatter(0)
    wait_scatter(1)
    plsc.subcore_barrier()

    pltpu.sync_copy(agg.at[pl.ds(s * TROWS, TROWS)],
                    out.at[c, pl.ds(s * TROWS, TROWS)])


@functools.cache
def _edge_sc():
    mesh = plsc.VectorSubcoreMesh(
        core_axis_name="c", subcore_axis_name="s", num_cores=NC, num_subcores=NS)
    return pl.kernel(
        _edge_sc_body,
        out_type=jax.ShapeDtypeStruct((NC, NAGG, 128), jnp.bfloat16),
        mesh=mesh,
        scratch_types=(
            [pltpu.VMEM_SHARED((NAGG, 128), jnp.bfloat16)]
            + [pltpu.VMEM((EPT,), jnp.int32)] * 2
            + [pltpu.VMEM((CHUNK,), jnp.int32)] * 6
            + [pltpu.VMEM((CHUNK, 128), jnp.bfloat16)] * 6
            + [pltpu.SemaphoreType.DMA] * 6
        ),
        compiler_params=pltpu.CompilerParams(use_tc_tiling_on_sc=False),
    )



def _combine_body(f_ref, a_ref, w_ref, b_ref, o_ref):
    acc = jnp.dot(f_ref[...], w_ref[0:256, :], preferred_element_type=jnp.float32)
    acc += jnp.dot(a_ref[0].astype(jnp.float32), w_ref[256:384, :],
                   preferred_element_type=jnp.float32)
    acc += jnp.dot(a_ref[1].astype(jnp.float32), w_ref[384:512, :],
                   preferred_element_type=jnp.float32)
    o_ref[...] = jnp.maximum(acc + b_ref[...], 0.0)


def _combine(factors, hagg, w_comb, b2):
    grid = (N_NODE // BLK2,)
    return pl.pallas_call(
        _combine_body,
        grid=grid,
        in_specs=[
            pl.BlockSpec((BLK2, D), lambda i: (i, 0)),
            pl.BlockSpec((NC, BLK2, 128), lambda i: (0, i, 0)),
            pl.BlockSpec((2 * D, D), lambda i: (0, 0)),
            pl.BlockSpec((1, D), lambda i: (0, 0)),
        ],
        out_specs=pl.BlockSpec((BLK2, D), lambda i: (i, 0)),
        out_shape=jax.ShapeDtypeStruct((N_NODE, D), jnp.float32),
    )(factors, hagg, w_comb, b2)



def kernel(variables, factors, senders, receivers, W_msg, b_msg, W_comb, b_comb):
    x_pad = jnp.zeros((2 * NP, D), jnp.float32)
    x_pad = x_pad.at[0:N_NODE].set(factors)
    x_pad = x_pad.at[NP:NP + N_NODE].set(variables)

    p_all = _project(x_pad, W_msg, b_msg.reshape(1, D))
    htab = p_all.reshape(4 * NP, 128)

    snd_pad = jnp.concatenate([senders, jnp.zeros((E_PAD - E_TOTAL,), jnp.int32)])
    rcv_pad = jnp.concatenate(
        [receivers, jnp.full((E_PAD - E_TOTAL,), N_NODE, jnp.int32)])

    hagg = _edge_sc()(htab, snd_pad, rcv_pad)

    out = _combine(factors, hagg, W_comb, b_comb.reshape(1, D))
    return out

# --- scband reference (transcript-rebuilt; emitter-appended) ---
"""Pipeline reference for scband-bipartite-gnnconv-variable-to-factor-15564961481299 (READ-ONLY COPY).

The authoritative reference and input builder live on the scoring server;
editing this copy changes nothing except your own understanding.
"""

import jax, jax.numpy as jnp
import numpy as np

N_VAR = 10000
N_FAC = 10000
E = 160000
D = 256

def setup_inputs(seed: int = 0) -> dict:
    key = jax.random.key(seed)
    ks = jax.random.split(key, 8)
    variables = jax.random.normal(ks[0], (N_VAR, D), dtype=jnp.float32)
    factors = jax.random.normal(ks[1], (N_FAC, D), dtype=jnp.float32)
    senders = jax.random.randint(ks[2], (E,), 0, N_VAR, dtype=jnp.int32)
    receivers = jax.random.randint(ks[3], (E,), 0, N_FAC, dtype=jnp.int32)
    # MLPLayer(message_func): Linear(in_channels*2 -> out_channels) + activation
    W_msg = jax.random.normal(ks[4], (2 * D, D), dtype=jnp.float32) * 0.02
    b_msg = jnp.zeros((D,), dtype=jnp.float32)
    # MLPLayer(combine): Linear(out_channels*2 -> out_channels) + activation
    W_comb = jax.random.normal(ks[5], (2 * D, D), dtype=jnp.float32) * 0.02
    b_comb = jnp.zeros((D,), dtype=jnp.float32)
    return {
        "variables": variables,
        "factors": factors,
        "senders": senders,
        "receivers": receivers,
        "W_msg": W_msg,
        "b_msg": b_msg,
        "W_comb": W_comb,
        "b_comb": b_comb,
    }


def reference(variables, factors, senders, receivers, W_msg, b_msg, W_comb, b_comb):
    # gather endpoint features per edge
    x_i = jnp.take(factors, receivers, axis=0)   # (E, D) receiver = factor side
    x_j = jnp.take(variables, senders, axis=0)   # (E, D) sender = variable side
    x = jnp.concatenate([x_i, x_j], axis=-1)     # (E, 2D)
    # message_func MLP
    msg = jax.nn.relu(x @ W_msg + b_msg)         # (E, D)
    # scatter-add messages by receiver (factor) index
    agg = jax.ops.segment_sum(msg, receivers, num_segments=factors.shape[0])  # (N_FAC, D)
    # combine with factor embeddings
    h = jnp.concatenate([factors, agg], axis=-1)  # (N_FAC, 2D)
    out = jax.nn.relu(h @ W_comb + b_comb)        # (N_FAC, D)
    return out

if __name__ == "__main__":
    import jax
    _d = setup_inputs()
    print(jax.jit(kernel)(*tuple(_d.values())))

</pallas_src>

<mosaic_0001>
#map = affine_map<(d0, d1) -> (0, 0)>
#map1 = affine_map<(d0, d1) -> (0)>
#map2 = affine_map<(d0, d1) -> (0, 0, 0)>
module attributes {stable_mosaic.version = 14 : i64} {
  func.func @_edge_sc_body(%arg0: i32, %arg1: i32, %arg2: memref<40960x128xbf16, #tpu.memory_space<hbm>>, %arg3: memref<163840xi32, #tpu.memory_space<hbm>>, %arg4: memref<163840xi32, #tpu.memory_space<hbm>>, %arg5: memref<2x10112x128xbf16, #tpu.memory_space<hbm>>, %arg6: memref<10112x128xbf16, #tpu.memory_space<vmem_shared>>, %arg7: memref<10240xi32, #tpu.memory_space<vmem>>, %arg8: memref<10240xi32, #tpu.memory_space<vmem>>, %arg9: memref<128xi32, #tpu.memory_space<vmem>>, %arg10: memref<128xi32, #tpu.memory_space<vmem>>, %arg11: memref<128xi32, #tpu.memory_space<vmem>>, %arg12: memref<128xi32, #tpu.memory_space<vmem>>, %arg13: memref<128xi32, #tpu.memory_space<vmem>>, %arg14: memref<128xi32, #tpu.memory_space<vmem>>, %arg15: memref<128x128xbf16, #tpu.memory_space<vmem>>, %arg16: memref<128x128xbf16, #tpu.memory_space<vmem>>, %arg17: memref<128x128xbf16, #tpu.memory_space<vmem>>, %arg18: memref<128x128xbf16, #tpu.memory_space<vmem>>, %arg19: memref<128x128xbf16, #tpu.memory_space<vmem>>, %arg20: memref<128x128xbf16, #tpu.memory_space<vmem>>, %arg21: memref<!tpu.dma_semaphore, #tpu.memory_space<semaphore_mem>>, %arg22: memref<!tpu.dma_semaphore, #tpu.memory_space<semaphore_mem>>, %arg23: memref<!tpu.dma_semaphore, #tpu.memory_space<semaphore_mem>>, %arg24: memref<!tpu.dma_semaphore, #tpu.memory_space<semaphore_mem>>, %arg25: memref<!tpu.dma_semaphore, #tpu.memory_space<semaphore_mem>>, %arg26: memref<!tpu.dma_semaphore, #tpu.memory_space<semaphore_mem>>) attributes {dimension_semantics = [#tpu.dimension_semantics<core_parallel>, #tpu.dimension_semantics<subcore_parallel>], iteration_bounds = array<i64: 2, 16>, scalar_prefetch = 0 : i64, scratch_operands = 21 : i64, tpu.core_type = #tpu.core_type<sc_vector_subcore>, window_params = [{transform_indices = #map}, {transform_indices = #map1}, {transform_indices = #map1}, {transform_indices = #map2}]} {
    %mul3A = arith.constant 10240 : i32
    %mul3A_0 = arith.muli %arg1, %mul3A : i32
    "tpu.region"() ({
      %run_scoped3A = tpu.sem_alloc : memref<!tpu.dma_semaphore, #tpu.memory_space<semaphore_mem>>
      %dma_start3A_784 = tpu.memref_slice %arg4[%mul3A_0] : memref<163840xi32, #tpu.memory_space<hbm>> -> memref<10240xi32, #tpu.memory_space<hbm>>
      %dma_start3A_785 = tpu.memref_slice %arg4[%mul3A_0] : memref<163840xi32, #tpu.memory_space<hbm>> -> memref<10240xi32, #tpu.memory_space<hbm>>
      tpu.enqueue_dma source(%dma_start3A_785 : memref<10240xi32, #tpu.memory_space<hbm>>) target(%arg7 : memref<10240xi32, #tpu.memory_space<vmem>>) target_semaphore(%run_scoped3A : memref<!tpu.dma_semaphore, #tpu.memory_space<semaphore_mem>>)
      %dma_wait3A_786 = tpu.memref_slice %arg4[%mul3A_0] : memref<163840xi32, #tpu.memory_space<hbm>> -> memref<10240xi32, #tpu.memory_space<hbm>>
      %dma_wait3A_787 = tpu.memref_slice %arg4[%mul3A_0] : memref<163840xi32, #tpu.memory_space<hbm>> -> memref<10240xi32, #tpu.memory_space<hbm>>
      tpu.wait_dma2 semaphore(%run_scoped3A : memref<!tpu.dma_semaphore, #tpu.memory_space<semaphore_mem>>) src(%dma_wait3A_787 : memref<10240xi32, #tpu.memory_space<hbm>>) dst(%arg7 : memref<10240xi32, #tpu.memory_space<vmem>>)
      tpu.yield
    }) : () -> ()
    %mul3A_1 = arith.constant 10240 : i32
    %mul3A_2 = arith.muli %arg1, %mul3A_1 : i32
    "tpu.region"() ({
      %run_scoped3A = tpu.sem_alloc : memref<!tpu.dma_semaphore, #tpu.memory_space<semaphore_mem>>
      %dma_start3A_784 = tpu.memref_slice %arg3[%mul3A_2] : memref<163840xi32, #tpu.memory_space<hbm>> -> memref<10240xi32, #tpu.memory_space<hbm>>
      %dma_start3A_785 = tpu.memref_slice %arg3[%mul3A_2] : memref<163840xi32, #tpu.memory_space<hbm>> -> memref<10240xi32, #tpu.memory_space<hbm>>
      tpu.enqueue_dma source(%dma_start3A_785 : memref<10240xi32, #tpu.memory_space<hbm>>) target(%arg8 : memref<10240xi32, #tpu.memory_space<vmem>>) target_semaphore(%run_scoped3A : memref<!tpu.dma_semaphore, #tpu.memory_space<semaphore_mem>>)
      %dma_wait3A_786 = tpu.memref_slice %arg3[%mul3A_2] : memref<163840xi32, #tpu.memory_space<hbm>> -> memref<10240xi32, #tpu.memory_space<hbm>>
      %dma_wait3A_787 = tpu.memref_slice %arg3[%mul3A_2] : memref<163840xi32, #tpu.memory_space<hbm>> -> memref<10240xi32, #tpu.memory_space<hbm>>
      tpu.wait_dma2 semaphore(%run_scoped3A : memref<!tpu.dma_semaphore, #tpu.memory_space<semaphore_mem>>) src(%dma_wait3A_787 : memref<10240xi32, #tpu.memory_space<hbm>>) dst(%arg8 : memref<10240xi32, #tpu.memory_space<vmem>>)
      tpu.yield
    }) : () -> ()
    %mul3A_3 = arith.constant 20480 : i32
    %mul3A_4 = arith.muli %arg0, %mul3A_3 : i32
    %mul3A_5 = arith.constant 20480 : i32
    %mul3A_6 = arith.muli %arg0, %mul3A_5 : i32
    %add3A = arith.constant 10240 : i32
    %add3A_7 = arith.addi %mul3A_6, %add3A : i32
    %scan3A = arith.constant 0 : i32
    %scan3A_8 = arith.constant 128 : i32
    %scan3A_9 = arith.addi %scan3A, %scan3A_8 : i32
    %scan3A_10 = arith.constant 1 : i32
    scf.for %scan3A_784 = %scan3A to %scan3A_9 step %scan3A_10  : i32 {
      %broadcast_in_dim3A = arith.constant 0.000000e+00 : bf16
      %broadcast_in_dim3A_785 = vector.broadcast %broadcast_in_dim3A : bf16 to vector<32xbf16>
      %swap3A_786 = arith.index_cast %scan3A_784 : i32 to index
      %swap3A_787 = arith.constant 0 : index
      %swap3A_788 = tpu.vector_load %arg19[%swap3A_786, %swap3A_787] {strides = array<i32>} : memref<128x128xbf16, #tpu.memory_space<vmem>>, vector<1x32xbf16>,
      %swap3A_789 = vector.shape_cast %swap3A_788 : vector<1x32xbf16> to vector<32xbf16>
      %swap3A_790 = vector.shape_cast %broadcast_in_dim3A_785 : vector<32xbf16> to vector<1x32xbf16>
      tpu.vector_store %arg19[%swap3A_786, %swap3A_787], %swap3A_790 {strides = array<i32>} : memref<128x128xbf16, #tpu.memory_space<vmem>>, vector<1x32xbf16>,
      %broadcast_in_dim3A_791 = arith.constant 0.000000e+00 : bf16
      %broadcast_in_dim3A_792 = vector.broadcast %broadcast_in_dim3A_791 : bf16 to vector<32xbf16>
      %swap3A_793 = arith.index_cast %scan3A_784 : i32 to index
      %swap3A_794 = arith.constant 32 : index
      %swap3A_795 = tpu.vector_load %arg19[%swap3A_793, %swap3A_794] {strides = array<i32>} : memref<128x128xbf16, #tpu.memory_space<vmem>>, vector<1x32xbf16>,
      %swap3A_796 = vector.shape_cast %swap3A_795 : vector<1x32xbf16> to vector<32xbf16>
      %swap3A_797 = vector.shape_cast %broadcast_in_dim3A_792 : vector<32xbf16> to vector<1x32xbf16>
      tpu.vector_store %arg19[%swap3A_793, %swap3A_794], %swap3A_797 {strides = array<i32>} : memref<128x128xbf16, #tpu.memory_space<vmem>>, vector<1x32xbf16>,
      %broadcast_in_dim3A_798 = arith.constant 0.000000e+00 : bf16
      %broadcast_in_dim3A_799 = vector.broadcast %broadcast_in_dim3A_798 : bf16 to vector<32xbf16>
      %swap3A_800 = arith.index_cast %scan3A_784 : i32 to index
      %swap3A_801 = arith.constant 64 : index
      %swap3A_802 = tpu.vector_load %arg19[%swap3A_800, %swap3A_801] {strides = array<i32>} : memref<128x128xbf16, #tpu.memory_space<vmem>>, vector<1x32xbf16>,
      %swap3A_803 = vector.shape_cast %swap3A_802 : vector<1x32xbf16> to vector<32xbf16>
      %swap3A_804 = vector.shape_cast %broadcast_in_dim3A_799 : vector<32xbf16> to vector<1x32xbf16>
      tpu.vector_store %arg19[%swap3A_800, %swap3A_801], %swap3A_804 {strides = array<i32>} : memref<128x128xbf16, #tpu.memory_space<vmem>>, vector<1x32xbf16>,
      %broadcast_in_dim3A_805 = arith.constant 0.000000e+00 : bf16
      %broadcast_in_dim3A_806 = vector.broadcast %broadcast_in_dim3A_805 : bf16 to vector<32xbf16>
      %swap3A_807 = arith.index_cast %scan3A_784 : i32 to index
      %swap3A_808 = arith.constant 96 : index
      %swap3A_809 = tpu.vector_load %arg19[%swap3A_807, %swap3A_808] {strides = array<i32>} : memref<128x128xbf16, #tpu.memory_space<vmem>>, vector<1x32xbf16>,
      %swap3A_810 = vector.shape_cast %swap3A_809 : vector<1x32xbf16> to vector<32xbf16>
      %swap3A_811 = vector.shape_cast %broadcast_in_dim3A_806 : vector<32xbf16> to vector<1x32xbf16>
      tpu.vector_store %arg19[%swap3A_807, %swap3A_808], %swap3A_811 {strides = array<i32>} : memref<128x128xbf16, #tpu.memory_space<vmem>>, vector<1x32xbf16>,
    }
    %scan3A_11 = arith.constant 128 : i32
    %mul3A_12 = arith.constant 632 : i32
    %mul3A_13 = arith.muli %arg1, %mul3A_12 : i32
    %add3A_14 = arith.constant 0 : i32
    %add3A_15 = arith.addi %mul3A_13, %add3A_14 : i32
    "tpu.region"() ({
      %run_scoped3A = tpu.sem_alloc : memref<!tpu.dma_semaphore, #tpu.memory_space<semaphore_mem>>
      %dma_start3A_784 = arith.constant 0 : i32
      %dma_start3A_785 = tpu.memref_slice %arg6[%add3A_15, %dma_start3A_784] : memref<10112x128xbf16, #tpu.memory_space<vmem_shared>> -> memref<128x128xbf16, #tpu.memory_space<vmem_shared>>
      %dma_start3A_786 = arith.constant 0 : i32
      %dma_start3A_787 = tpu.memref_slice %arg6[%add3A_15, %dma_start3A_786] : memref<10112x128xbf16, #tpu.memory_space<vmem_shared>> -> memref<128x128xbf16, #tpu.memory_space<vmem_shared>>
      tpu.enqueue_dma source(%arg19 : memref<128x128xbf16, #tpu.memory_space<vmem>>) target(%dma_start3A_787 : memref<128x128xbf16, #tpu.memory_space<vmem_shared>>) target_semaphore(%run_scoped3A : memref<!tpu.dma_semaphore, #tpu.memory_space<semaphore_mem>>)
      %dma_wait3A_788 = arith.constant 0 : i32
      %dma_wait3A_789 = tpu.memref_slice %arg6[%add3A_15, %dma_wait3A_788] : memref<10112x128xbf16, #tpu.memory_space<vmem_shared>> -> memref<128x128xbf16, #tpu.memory_space<vmem_shared>>
      %dma_wait3A_790 = arith.constant 0 : i32
      %dma_wait3A_791 = tpu.memref_slice %arg6[%add3A_15, %dma_wait3A_790] : memref<10112x128xbf16, #tpu.memory_space<vmem_shared>> -> memref<128x128xbf16, #tpu.memory_space<vmem_shared>>
      tpu.wait_dma2 semaphore(%run_scoped3A : memref<!tpu.dma_semaphore, #tpu.memory_space<semaphore_mem>>) src(%arg19 : memref<128x128xbf16, #tpu.memory_space<vmem>>) dst(%dma_wait3A_791 : memref<128x128xbf16, #tpu.memory_space<vmem_shared>>)
      tpu.yield
    }) : () -> ()
    %mul3A_16 = arith.constant 632 : i32
    %mul3A_17 = arith.muli %arg1, %mul3A_16 : i32
    %add3A_18 = arith.constant 128 : i32
    %add3A_19 = arith.addi %mul3A_17, %add3A_18 : i32
    "tpu.region"() ({
      %run_scoped3A = tpu.sem_alloc : memref<!tpu.dma_semaphore, #tpu.memory_space<semaphore_mem>>
      %dma_start3A_784 = arith.constant 0 : i32
      %dma_start3A_785 = tpu.memref_slice %arg6[%add3A_19, %dma_start3A_784] : memref<10112x128xbf16, #tpu.memory_space<vmem_shared>> -> memref<128x128xbf16, #tpu.memory_space<vmem_shared>>
      %dma_start3A_786 = arith.constant 0 : i32
      %dma_start3A_787 = tpu.memref_slice %arg6[%add3A_19, %dma_start3A_786] : memref<10112x128xbf16, #tpu.memory_space<vmem_shared>> -> memref<128x128xbf16, #tpu.memory_space<vmem_shared>>
      tpu.enqueue_dma source(%arg19 : memref<128x128xbf16, #tpu.memory_space<vmem>>) target(%dma_start3A_787 : memref<128x128xbf16, #tpu.memory_space<vmem_shared>>) target_semaphore(%run_scoped3A : memref<!tpu.dma_semaphore, #tpu.memory_space<semaphore_mem>>)
      %dma_wait3A_788 = arith.constant 0 : i32
      %dma_wait3A_789 = tpu.memref_slice %arg6[%add3A_19, %dma_wait3A_788] : memref<10112x128xbf16, #tpu.memory_space<vmem_shared>> -> memref<128x128xbf16, #tpu.memory_space<vmem_shared>>
      %dma_wait3A_790 = arith.constant 0 : i32
      %dma_wait3A_791 = tpu.memref_slice %arg6[%add3A_19, %dma_wait3A_790] : memref<10112x128xbf16, #tpu.memory_space<vmem_shared>> -> memref<128x128xbf16, #tpu.memory_space<vmem_shared>>
      tpu.wait_dma2 semaphore(%run_scoped3A : memref<!tpu.dma_semaphore, #tpu.memory_space<semaphore_mem>>) src(%arg19 : memref<128x128xbf16, #tpu.memory_space<vmem>>) dst(%dma_wait3A_791 : memref<128x128xbf16, #tpu.memory_space<vmem_shared>>)
      tpu.yield
    }) : () -> ()
    %mul3A_20 = arith.constant 632 : i32
    %mul3A_21 = arith.muli %arg1, %mul3A_20 : i32
    %add3A_22 = arith.constant 256 : i32
    %add3A_23 = arith.addi %mul3A_21, %add3A_22 : i32
    "tpu.region"() ({
      %run_scoped3A = tpu.sem_alloc : memref<!tpu.dma_semaphore, #tpu.memory_space<semaphore_mem>>
      %dma_start3A_784 = arith.constant 0 : i32
      %dma_start3A_785 = tpu.memref_slice %arg6[%add3A_23, %dma_start3A_784] : memref<10112x128xbf16, #tpu.memory_space<vmem_shared>> -> memref<128x128xbf16, #tpu.memory_space<vmem_shared>>
      %dma_start3A_786 = arith.constant 0 : i32
      %dma_start3A_787 = tpu.memref_slice %arg6[%add3A_23, %dma_start3A_786] : memref<10112x128xbf16, #tpu.memory_space<vmem_shared>> -> memref<128x128xbf16, #tpu.memory_space<vmem_shared>>
      tpu.enqueue_dma source(%arg19 : memref<128x128xbf16, #tpu.memory_space<vmem>>) target(%dma_start3A_787 : memref<128x128xbf16, #tpu.memory_space<vmem_shared>>) target_semaphore(%run_scoped3A : memref<!tpu.dma_semaphore, #tpu.memory_space<semaphore_mem>>)
      %dma_wait3A_788 = arith.constant 0 : i32
      %dma_wait3A_789 = tpu.memref_slice %arg6[%add3A_23, %dma_wait3A_788] : memref<10112x128xbf16, #tpu.memory_space<vmem_shared>> -> memref<128x128xbf16, #tpu.memory_space<vmem_shared>>
      %dma_wait3A_790 = arith.constant 0 : i32
      %dma_wait3A_791 = tpu.memref_slice %arg6[%add3A_23, %dma_wait3A_790] : memref<10112x128xbf16, #tpu.memory_space<vmem_shared>> -> memref<128x128xbf16, #tpu.memory_space<vmem_shared>>
      tpu.wait_dma2 semaphore(%run_scoped3A : memref<!tpu.dma_semaphore, #tpu.memory_space<semaphore_mem>>) src(%arg19 : memref<128x128xbf16, #tpu.memory_space<vmem>>) dst(%dma_wait3A_791 : memref<128x128xbf16, #tpu.memory_space<vmem_shared>>)
      tpu.yield
    }) : () -> ()
    %mul3A_24 = arith.constant 632 : i32
    %mul3A_25 = arith.muli %arg1, %mul3A_24 : i32
    %add3A_26 = arith.constant 384 : i32
    %add3A_27 = arith.addi %mul3A_25, %add3A_26 : i32
    "tpu.region"() ({
      %run_scoped3A = tpu.sem_alloc : memref<!tpu.dma_semaphore, #tpu.memory_space<semaphore_mem>>
      %dma_start3A_784 = arith.constant 0 : i32
      %dma_start3A_785 = tpu.memref_slice %arg6[%add3A_27, %dma_start3A_784] : memref<10112x128xbf16, #tpu.memory_space<vmem_shared>> -> memref<128x128xbf16, #tpu.memory_space<vmem_shared>>
      %dma_start3A_786 = arith.constant 0 : i32
      %dma_start3A_787 = tpu.memref_slice %arg6[%add3A_27, %dma_start3A_786] : memref<10112x128xbf16, #tpu.memory_space<vmem_shared>> -> memref<128x128xbf16, #tpu.memory_space<vmem_shared>>
      tpu.enqueue_dma source(%arg19 : memref<128x128xbf16, #tpu.memory_space<vmem>>) target(%dma_start3A_787 : memref<128x128xbf16, #tpu.memory_space<vmem_shared>>) target_semaphore(%run_scoped3A : memref<!tpu.dma_semaphore, #tpu.memory_space<semaphore_mem>>)
      %dma_wait3A_788 = arith.constant 0 : i32
      %dma_wait3A_789 = tpu.memref_slice %arg6[%add3A_27, %dma_wait3A_788] : memref<10112x128xbf16, #tpu.memory_space<vmem_shared>> -> memref<128x128xbf16, #tpu.memory_space<vmem_shared>>
      %dma_wait3A_790 = arith.constant 0 : i32
      %dma_wait3A_791 = tpu.memref_slice %arg6[%add3A_27, %dma_wait3A_790] : memref<10112x128xbf16, #tpu.memory_space<vmem_shared>> -> memref<128x128xbf16, #tpu.memory_space<vmem_shared>>
      tpu.wait_dma2 semaphore(%run_scoped3A : memref<!tpu.dma_semaphore, #tpu.memory_space<semaphore_mem>>) src(%arg19 : memref<128x128xbf16, #tpu.memory_space<vmem>>) dst(%dma_wait3A_791 : memref<128x128xbf16, #tpu.memory_space<vmem_shared>>)
      tpu.yield
    }) : () -> ()
    %mul3A_28 = arith.constant 632 : i32
    %mul3A_29 = arith.muli %arg1, %mul3A_28 : i32
    %add3A_30 = arith.constant 512 : i32
    %add3A_31 = arith.addi %mul3A_29, %add3A_30 : i32
    "tpu.region"() ({
      %run_scoped3A = tpu.sem_alloc : memref<!tpu.dma_semaphore, #tpu.memory_space<semaphore_mem>>
      %dma_start3A_784 = arith.constant 0 : i32
      %dma_start3A_785 = arith.constant 0 : i32
      %dma_start3A_786 = tpu.memref_slice %arg19[%dma_start3A_784, %dma_start3A_785] : memref<128x128xbf16, #tpu.memory_space<vmem>> -> memref<120x128xbf16, #tpu.memory_space<vmem>>
      %dma_start3A_787 = arith.constant 0 : i32
      %dma_start3A_788 = tpu.memref_slice %arg6[%add3A_31, %dma_start3A_787] : memref<10112x128xbf16, #tpu.memory_space<vmem_shared>> -> memref<120x128xbf16, #tpu.memory_space<vmem_shared>>
      %dma_start3A_789 = arith.constant 0 : i32
      %dma_start3A_790 = tpu.memref_slice %arg6[%add3A_31, %dma_start3A_789] : memref<10112x128xbf16, #tpu.memory_space<vmem_shared>> -> memref<120x128xbf16, #tpu.memory_space<vmem_shared>>
      %dma_start3A_791 = arith.constant 0 : i32
      %dma_start3A_792 = arith.constant 0 : i32
      %dma_start3A_793 = tpu.memref_slice %arg19[%dma_start3A_791, %dma_start3A_792] : memref<128x128xbf16, #tpu.memory_space<vmem>> -> memref<120x128xbf16, #tpu.memory_space<vmem>>
      tpu.enqueue_dma source(%dma_start3A_793 : memref<120x128xbf16, #tpu.memory_space<vmem>>) target(%dma_start3A_790 : memref<120x128xbf16, #tpu.memory_space<vmem_shared>>) target_semaphore(%run_scoped3A : memref<!tpu.dma_semaphore, #tpu.memory_space<semaphore_mem>>)
      %dma_wait3A_794 = arith.constant 0 : i32
      %dma_wait3A_795 = arith.constant 0 : i32
      %dma_wait3A_796 = tpu.memref_slice %arg19[%dma_wait3A_794, %dma_wait3A_795] : memref<128x128xbf16, #tpu.memory_space<vmem>> -> memref<120x128xbf16, #tpu.memory_space<vmem>>
      %dma_wait3A_797 = arith.constant 0 : i32
      %dma_wait3A_798 = tpu.memref_slice %arg6[%add3A_31, %dma_wait3A_797] : memref<10112x128xbf16, #tpu.memory_space<vmem_shared>> -> memref<120x128xbf16, #tpu.memory_space<vmem_shared>>
      %dma_wait3A_799 = arith.constant 0 : i32
      %dma_wait3A_800 = tpu.memref_slice %arg6[%add3A_31, %dma_wait3A_799] : memref<10112x128xbf16, #tpu.memory_space<vmem_shared>> -> memref<120x128xbf16, #tpu.memory_space<vmem_shared>>
      %dma_wait3A_801 = arith.constant 0 : i32
      %dma_wait3A_802 = arith.constant 0 : i32
      %dma_wait3A_803 = tpu.memref_slice %arg19[%dma_wait3A_801, %dma_wait3A_802] : memref<128x128xbf16, #tpu.memory_space<vmem>> -> memref<120x128xbf16, #tpu.memory_space<vmem>>
      tpu.wait_dma2 semaphore(%run_scoped3A : memref<!tpu.dma_semaphore, #tpu.memory_space<semaphore_mem>>) src(%dma_wait3A_803 : memref<120x128xbf16, #tpu.memory_space<vmem>>) dst(%dma_wait3A_800 : memref<120x128xbf16, #tpu.memory_space<vmem_shared>>)
      tpu.yield
    }) : () -> ()
    %barrier3A = arith.constant 0 : index
    tpu.barrier barrier_id(%barrier3A)
    %get3A = arith.constant 0 : index
    %get3A_32 = tpu.vector_load %arg7[%get3A] {strides = array<i32>} : memref<10240xi32, #tpu.memory_space<vmem>>, vector<16xi32>,
    %get3A_33 = vector.shape_cast %get3A_32 : vector<16xi32> to vector<16xi32>
    %add3A_34 = vector.broadcast %mul3A_4 : i32 to vector<16xi32>
    %add3A_35 = arith.addi %get3A_33, %add3A_34 : vector<16xi32>
    %swap3A = arith.constant 0 : index
    %swap3A_36 = tpu.vector_load %arg9[%swap3A] {strides = array<i32>} : memref<128xi32, #tpu.memory_space<vmem>>, vector<16xi32>,
    %swap3A_37 = vector.shape_cast %swap3A_36 : vector<16xi32> to vector<16xi32>
    %swap3A_38 = vector.shape_cast %add3A_35 : vector<16xi32> to vector<16xi32>
    tpu.vector_store %arg9[%swap3A], %swap3A_38 {strides = array<i32>} : memref<128xi32, #tpu.memory_space<vmem>>, vector<16xi32>,
    %get3A_39 = arith.constant 0 : index
    %get3A_40 = tpu.vector_load %arg8[%get3A_39] {strides = array<i32>} : memref<10240xi32, #tpu.memory_space<vmem>>, vector<16xi32>,
    %get3A_41 = vector.shape_cast %get3A_40 : vector<16xi32> to vector<16xi32>
    %add3A_42 = vector.broadcast %add3A_7 : i32 to vector<16xi32>
    %add3A_43 = arith.addi %get3A_41, %add3A_42 : vector<16xi32>
    %swap3A_44 = arith.constant 0 : index
    %swap3A_45 = tpu.vector_load %arg11[%swap3A_44] {strides = array<i32>} : memref<128xi32, #tpu.memory_space<vmem>>, vector<16xi32>,
    %swap3A_46 = vector.shape_cast %swap3A_45 : vector<16xi32> to vector<16xi32>
    %swap3A_47 = vector.shape_cast %add3A_43 : vector<16xi32> to vector<16xi32>
    tpu.vector_store %arg11[%swap3A_44], %swap3A_47 {strides = array<i32>} : memref<128xi32, #tpu.memory_space<vmem>>, vector<16xi32>,
    %get3A_48 = arith.constant 16 : index
    %get3A_49 = tpu.vector_load %arg7[%get3A_48] {strides = array<i32>} : memref<10240xi32, #tpu.memory_space<vmem>>, vector<16xi32>,
    %get3A_50 = vector.shape_cast %get3A_49 : vector<16xi32> to vector<16xi32>
    %add3A_51 = vector.broadcast %mul3A_4 : i32 to vector<16xi32>
    %add3A_52 = arith.addi %get3A_50, %add3A_51 : vector<16xi32>
    %swap3A_53 = arith.constant 16 : index
    %swap3A_54 = tpu.vector_load %arg9[%swap3A_53] {strides = array<i32>} : memref<128xi32, #tpu.memory_space<vmem>>, vector<16xi32>,
    %swap3A_55 = vector.shape_cast %swap3A_54 : vector<16xi32> to vector<16xi32>
    %swap3A_56 = vector.shape_cast %add3A_52 : vector<16xi32> to vector<16xi32>
    tpu.vector_store %arg9[%swap3A_53], %swap3A_56 {strides = array<i32>} : memref<128xi32, #tpu.memory_space<vmem>>, vector<16xi32>,
    %get3A_57 = arith.constant 16 : index
    %get3A_58 = tpu.vector_load %arg8[%get3A_57] {strides = array<i32>} : memref<10240xi32, #tpu.memory_space<vmem>>, vector<16xi32>,
    %get3A_59 = vector.shape_cast %get3A_58 : vector<16xi32> to vector<16xi32>
    %add3A_60 = vector.broadcast %add3A_7 : i32 to vector<16xi32>
    %add3A_61 = arith.addi %get3A_59, %add3A_60 : vector<16xi32>
    %swap3A_62 = arith.constant 16 : index
    %swap3A_63 = tpu.vector_load %arg11[%swap3A_62] {strides = array<i32>} : memref<128xi32, #tpu.memory_space<vmem>>, vector<16xi32>,
    %swap3A_64 = vector.shape_cast %swap3A_63 : vector<16xi32> to vector<16xi32>
    %swap3A_65 = vector.shape_cast %add3A_61 : vector<16xi32> to vector<16xi32>
    tpu.vector_store %arg11[%swap3A_62], %swap3A_65 {strides = array<i32>} : memref<128xi32, #tpu.memory_space<vmem>>, vector<16xi32>,
    %get3A_66 = arith.constant 32 : index
    %get3A_67 = tpu.vector_load %arg7[%get3A_66] {strides = array<i32>} : memref<10240xi32, #tpu.memory_space<vmem>>, vector<16xi32>,
    %get3A_68 = vector.shape_cast %get3A_67 : vector<16xi32> to vector<16xi32>
    %add3A_69 = vector.broadcast %mul3A_4 : i32 to vector<16xi32>
    %add3A_70 = arith.addi %get3A_68, %add3A_69 : vector<16xi32>
    %swap3A_71 = arith.constant 32 : index
    %swap3A_72 = tpu.vector_load %arg9[%swap3A_71] {strides = array<i32>} : memref<128xi32, #tpu.memory_space<vmem>>, vector<16xi32>,
    %swap3A_73 = vector.shape_cast %swap3A_72 : vector<16xi32> to vector<16xi32>
    %swap3A_74 = vector.shape_cast %add3A_70 : vector<16xi32> to vector<16xi32>
    tpu.vector_store %arg9[%swap3A_71], %swap3A_74 {strides = array<i32>} : memref<128xi32, #tpu.memory_space<vmem>>, vector<16xi32>,
    %get3A_75 = arith.constant 32 : index
    %get3A_76 = tpu.vector_load %arg8[%get3A_75] {strides = array<i32>} : memref<10240xi32, #tpu.memory_space<vmem>>, vector<16xi32>,
    %get3A_77 = vector.shape_cast %get3A_76 : vector<16xi32> to vector<16xi32>
    %add3A_78 = vector.broadcast %add3A_7 : i32 to vector<16xi32>
    %add3A_79 = arith.addi %get3A_77, %add3A_78 : vector<16xi32>
    %swap3A_80 = arith.constant 32 : index
    %swap3A_81 = tpu.vector_load %arg11[%swap3A_80] {strides = array<i32>} : memref<128xi32, #tpu.memory_space<vmem>>, vector<16xi32>,
    %swap3A_82 = vector.shape_cast %swap3A_81 : vector<16xi32> to vector<16xi32>
    %swap3A_83 = vector.shape_cast %add3A_79 : vector<16xi32> to vector<16xi32>
    tpu.vector_store %arg11[%swap3A_80], %swap3A_83 {strides = array<i32>} : memref<128xi32, #tpu.memory_space<vmem>>, vector<16xi32>,
    %get3A_84 = arith.constant 48 : index
    %get3A_85 = tpu.vector_load %arg7[%get3A_84] {strides = array<i32>} : memref<10240xi32, #tpu.memory_space<vmem>>, vector<16xi32>,
    %get3A_86 = vector.shape_cast %get3A_85 : vector<16xi32> to vector<16xi32>
    %add3A_87 = vector.broadcast %mul3A_4 : i32 to vector<16xi32>
    %add3A_88 = arith.addi %get3A_86, %add3A_87 : vector<16xi32>
    %swap3A_89 = arith.constant 48 : index
    %swap3A_90 = tpu.vector_load %arg9[%swap3A_89] {strides = array<i32>} : memref<128xi32, #tpu.memory_space<vmem>>, vector<16xi32>,
    %swap3A_91 = vector.shape_cast %swap3A_90 : vector<16xi32> to vector<16xi32>
    %swap3A_92 = vector.shape_cast %add3A_88 : vector<16xi32> to vector<16xi32>
    tpu.vector_store %arg9[%swap3A_89], %swap3A_92 {strides = array<i32>} : memref<128xi32, #tpu.memory_space<vmem>>, vector<16xi32>,
    %get3A_93 = arith.constant 48 : index
    %get3A_94 = tpu.vector_load %arg8[%get3A_93] {strides = array<i32>} : memref<10240xi32, #tpu.memory_space<vmem>>, vector<16xi32>,
    %get3A_95 = vector.shape_cast %get3A_94 : vector<16xi32> to vector<16xi32>
    %add3A_96 = vector.broadcast %add3A_7 : i32 to vector<16xi32>
    %add3A_97 = arith.addi %get3A_95, %add3A_96 : vector<16xi32>
    %swap3A_98 = arith.constant 48 : index
    %swap3A_99 = tpu.vector_load %arg11[%swap3A_98] {strides = array<i32>} : memref<128xi32, #tpu.memory_space<vmem>>, vector<16xi32>,
    %swap3A_100 = vector.shape_cast %swap3A_99 : vector<16xi32> to vector<16xi32>
    %swap3A_101 = vector.shape_cast %add3A_97 : vector<16xi32> to vector<16xi32>
    tpu.vector_store %arg11[%swap3A_98], %swap3A_101 {strides = array<i32>} : memref<128xi32, #tpu.memory_space<vmem>>, vector<16xi32>,
    %get3A_102 = arith.constant 64 : index
    %get3A_103 = tpu.vector_load %arg7[%get3A_102] {strides = array<i32>} : memref<10240xi32, #tpu.memory_space<vmem>>, vector<16xi32>,
    %get3A_104 = vector.shape_cast %get3A_103 : vector<16xi32> to vector<16xi32>
    %add3A_105 = vector.broadcast %mul3A_4 : i32 to vector<16xi32>
    %add3A_106 = arith.addi %get3A_104, %add3A_105 : vector<16xi32>
    %swap3A_107 = arith.constant 64 : index
    %swap3A_108 = tpu.vector_load %arg9[%swap3A_107] {strides = array<i32>} : memref<128xi32, #tpu.memory_space<vmem>>, vector<16xi32>,
    %swap3A_109 = vector.shape_cast %swap3A_108 : vector<16xi32> to vector<16xi32>
    %swap3A_110 = vector.shape_cast %add3A_106 : vector<16xi32> to vector<16xi32>
    tpu.vector_store %arg9[%swap3A_107], %swap3A_110 {strides = array<i32>} : memref<128xi32, #tpu.memory_space<vmem>>, vector<16xi32>,
    %get3A_111 = arith.constant 64 : index
    %get3A_112 = tpu.vector_load %arg8[%get3A_111] {strides = array<i32>} : memref<10240xi32, #tpu.memory_space<vmem>>, vector<16xi32>,
    %get3A_113 = vector.shape_cast %get3A_112 : vector<16xi32> to vector<16xi32>
    %add3A_114 = vector.broadcast %add3A_7 : i32 to vector<16xi32>
    %add3A_115 = arith.addi %get3A_113, %add3A_114 : vector<16xi32>
    %swap3A_116 = arith.constant 64 : index
    %swap3A_117 = tpu.vector_load %arg11[%swap3A_116] {strides = array<i32>} : memref<128xi32, #tpu.memory_space<vmem>>, vector<16xi32>,
    %swap3A_118 = vector.shape_cast %swap3A_117 : vector<16xi32> to vector<16xi32>
    %swap3A_119 = vector.shape_cast %add3A_115 : vector<16xi32> to vector<16xi32>
    tpu.vector_store %arg11[%swap3A_116], %swap3A_119 {strides = array<i32>} : memref<128xi32, #tpu.memory_space<vmem>>, vector<16xi32>,
    %get3A_120 = arith.constant 80 : index
    %get3A_121 = tpu.vector_load %arg7[%get3A_120] {strides = array<i32>} : memref<10240xi32, #tpu.memory_space<vmem>>, vector<16xi32>,
    %get3A_122 = vector.shape_cast %get3A_121 : vector<16xi32> to vector<16xi32>
    %add3A_123 = vector.broadcast %mul3A_4 : i32 to vector<16xi32>
    %add3A_124 = arith.addi %get3A_122, %add3A_123 : vector<16xi32>
    %swap3A_125 = arith.constant 80 : index
    %swap3A_126 = tpu.vector_load %arg9[%swap3A_125] {strides = array<i32>} : memref<128xi32, #tpu.memory_space<vmem>>, vector<16xi32>,
    %swap3A_127 = vector.shape_cast %swap3A_126 : vector<16xi32> to vector<16xi32>
    %swap3A_128 = vector.shape_cast %add3A_124 : vector<16xi32> to vector<16xi32>
    tpu.vector_store %arg9[%swap3A_125], %swap3A_128 {strides = array<i32>} : memref<128xi32, #tpu.memory_space<vmem>>, vector<16xi32>,
    %get3A_129 = arith.constant 80 : index
    %get3A_130 = tpu.vector_load %arg8[%get3A_129] {strides = array<i32>} : memref<10240xi32, #tpu.memory_space<vmem>>, vector<16xi32>,
    %get3A_131 = vector.shape_cast %get3A_130 : vector<16xi32> to vector<16xi32>
    %add3A_132 = vector.broadcast %add3A_7 : i32 to vector<16xi32>
    %add3A_133 = arith.addi %get3A_131, %add3A_132 : vector<16xi32>
    %swap3A_134 = arith.constant 80 : index
    %swap3A_135 = tpu.vector_load %arg11[%swap3A_134] {strides = array<i32>} : memref<128xi32, #tpu.memory_space<vmem>>, vector<16xi32>,
    %swap3A_136 = vector.shape_cast %swap3A_135 : vector<16xi32> to vector<16xi32>
    %swap3A_137 = vector.shape_cast %add3A_133 : vector<16xi32> to vector<16xi32>
    tpu.vector_store %arg11[%swap3A_134], %swap3A_137 {strides = array<i32>} : memref<128xi32, #tpu.memory_space<vmem>>, vector<16xi32>,
    %get3A_138 = arith.constant 96 : index
    %get3A_139 = tpu.vector_load %arg7[%get3A_138] {strides = array<i32>} : memref<10240xi32, #tpu.memory_space<vmem>>, vector<16xi32>,
    %get3A_140 = vector.shape_cast %get3A_139 : vector<16xi32> to vector<16xi32>
    %add3A_141 = vector.broadcast %mul3A_4 : i32 to vector<16xi32>
    %add3A_142 = arith.addi %get3A_140, %add3A_141 : vector<16xi32>
    %swap3A_143 = arith.constant 96 : index
    %swap3A_144 = tpu.vector_load %arg9[%swap3A_143] {strides = array<i32>} : memref<128xi32, #tpu.memory_space<vmem>>, vector<16xi32>,
    %swap3A_145 = vector.shape_cast %swap3A_144 : vector<16xi32> to vector<16xi32>
    %swap3A_146 = vector.shape_cast %add3A_142 : vector<16xi32> to vector<16xi32>
    tpu.vector_store %arg9[%swap3A_143], %swap3A_146 {strides = array<i32>} : memref<128xi32, #tpu.memory_space<vmem>>, vector<16xi32>,
    %get3A_147 = arith.constant 96 : index
    %get3A_148 = tpu.vector_load %arg8[%get3A_147] {strides = array<i32>} : memref<10240xi32, #tpu.memory_space<vmem>>, vector<16xi32>,
    %get3A_149 = vector.shape_cast %get3A_148 : vector<16xi32> to vector<16xi32>
    %add3A_150 = vector.broadcast %add3A_7 : i32 to vector<16xi32>
    %add3A_151 = arith.addi %get3A_149, %add3A_150 : vector<16xi32>
    %swap3A_152 = arith.constant 96 : index
    %swap3A_153 = tpu.vector_load %arg11[%swap3A_152] {strides = array<i32>} : memref<128xi32, #tpu.memory_space<vmem>>, vector<16xi32>,
    %swap3A_154 = vector.shape_cast %swap3A_153 : vector<16xi32> to vector<16xi32>
    %swap3A_155 = vector.shape_cast %add3A_151 : vector<16xi32> to vector<16xi32>
    tpu.vector_store %arg11[%swap3A_152], %swap3A_155 {strides = array<i32>} : memref<128xi32, #tpu.memory_space<vmem>>, vector<16xi32>,
    %get3A_156 = arith.constant 112 : index
    %get3A_157 = tpu.vector_load %arg7[%get3A_156] {strides = array<i32>} : memref<10240xi32, #tpu.memory_space<vmem>>, vector<16xi32>,
    %get3A_158 = vector.shape_cast %get3A_157 : vector<16xi32> to vector<16xi32>
    %add3A_159 = vector.broadcast %mul3A_4 : i32 to vector<16xi32>
    %add3A_160 = arith.addi %get3A_158, %add3A_159 : vector<16xi32>
    %swap3A_161 = arith.constant 112 : index
    %swap3A_162 = tpu.vector_load %arg9[%swap3A_161] {strides = array<i32>} : memref<128xi32, #tpu.memory_space<vmem>>, vector<16xi32>,
    %swap3A_163 = vector.shape_cast %swap3A_162 : vector<16xi32> to vector<16xi32>
    %swap3A_164 = vector.shape_cast %add3A_160 : vector<16xi32> to vector<16xi32>
    tpu.vector_store %arg9[%swap3A_161], %swap3A_164 {strides = array<i32>} : memref<128xi32, #tpu.memory_space<vmem>>, vector<16xi32>,
    %get3A_165 = arith.constant 112 : index
    %get3A_166 = tpu.vector_load %arg8[%get3A_165] {strides = array<i32>} : memref<10240xi32, #tpu.memory_space<vmem>>, vector<16xi32>,
    %get3A_167 = vector.shape_cast %get3A_166 : vector<16xi32> to vector<16xi32>
    %add3A_168 = vector.broadcast %add3A_7 : i32 to vector<16xi32>
    %add3A_169 = arith.addi %get3A_167, %add3A_168 : vector<16xi32>
    %swap3A_170 = arith.constant 112 : index
    %swap3A_171 = tpu.vector_load %arg11[%swap3A_170] {strides = array<i32>} : memref<128xi32, #tpu.memory_space<vmem>>, vector<16xi32>,
    %swap3A_172 = vector.shape_cast %swap3A_171 : vector<16xi32> to vector<16xi32>
    %swap3A_173 = vector.shape_cast %add3A_169 : vector<16xi32> to vector<16xi32>
    tpu.vector_store %arg11[%swap3A_170], %swap3A_173 {strides = array<i32>} : memref<128xi32, #tpu.memory_space<vmem>>, vector<16xi32>,
    %dma_start3A = arith.constant 0 : i32
    %dma_start3A_174 = arith.constant 0 : i32
    %dma_start3A_175 = tpu.memref_slice %arg2[%dma_start3A, %dma_start3A_174] : memref<40960x128xbf16, #tpu.memory_space<hbm>> -> memref<40960x128xbf16, #tpu.memory_space<hbm>>
    tpu.enqueue_indirect_dma source(%dma_start3A_175 : memref<40960x128xbf16, #tpu.memory_space<hbm>>) target(%arg15 : memref<128x128xbf16, #tpu.memory_space<vmem>>) offsets(%arg9 : memref<128xi32, #tpu.memory_space<vmem>>) semaphore(%arg21 : memref<!tpu.dma_semaphore, #tpu.memory_space<semaphore_mem>>)
    %dma_start3A_176 = arith.constant 0 : i32
    %dma_start3A_177 = arith.constant 0 : i32
    %dma_start3A_178 = tpu.memref_slice %arg2[%dma_start3A_176, %dma_start3A_177] : memref<40960x128xbf16, #tpu.memory_space<hbm>> -> memref<40960x128xbf16, #tpu.memory_space<hbm>>
    tpu.enqueue_indirect_dma source(%dma_start3A_178 : memref<40960x128xbf16, #tpu.memory_space<hbm>>) target(%arg17 : memref<128x128xbf16, #tpu.memory_space<vmem>>) offsets(%arg11 : memref<128xi32, #tpu.memory_space<vmem>>) semaphore(%arg23 : memref<!tpu.dma_semaphore, #tpu.memory_space<semaphore_mem>>)
    %get3A_179 = arith.constant 128 : index
    %get3A_180 = tpu.vector_load %arg7[%get3A_179] {strides = array<i32>} : memref<10240xi32, #tpu.memory_space<vmem>>, vector<16xi32>,
    %get3A_181 = vector.shape_cast %get3A_180 : vector<16xi32> to vector<16xi32>
    %add3A_182 = vector.broadcast %mul3A_4 : i32 to vector<16xi32>
    %add3A_183 = arith.addi %get3A_181, %add3A_182 : vector<16xi32>
    %swap3A_184 = arith.constant 0 : index
    %swap3A_185 = tpu.vector_load %arg10[%swap3A_184] {strides = array<i32>} : memref<128xi32, #tpu.memory_space<vmem>>, vector<16xi32>,
    %swap3A_186 = vector.shape_cast %swap3A_185 : vector<16xi32> to vector<16xi32>
    %swap3A_187 = vector.shape_cast %add3A_183 : vector<16xi32> to vector<16xi32>
    tpu.vector_store %arg10[%swap3A_184], %swap3A_187 {strides = array<i32>} : memref<128xi32, #tpu.memory_space<vmem>>, vector<16xi32>,
    %get3A_188 = arith.constant 128 : index
    %get3A_189 = tpu.vector_load %arg8[%get3A_188] {strides = array<i32>} : memref<10240xi32, #tpu.memory_space<vmem>>, vector<16xi32>,
    %get3A_190 = vector.shape_cast %get3A_189 : vector<16xi32> to vector<16xi32>
    %add3A_191 = vector.broadcast %add3A_7 : i32 to vector<16xi32>
    %add3A_192 = arith.addi %get3A_190, %add3A_191 : vector<16xi32>
    %swap3A_193 = arith.constant 0 : index
    %swap3A_194 = tpu.vector_load %arg12[%swap3A_193] {strides = array<i32>} : memref<128xi32, #tpu.memory_space<vmem>>, vector<16xi32>,
    %swap3A_195 = vector.shape_cast %swap3A_194 : vector<16xi32> to vector<16xi32>
    %swap3A_196 = vector.shape_cast %add3A_192 : vector<16xi32> to vector<16xi32>
    tpu.vector_store %arg12[%swap3A_193], %swap3A_196 {strides = array<i32>} : memref<128xi32, #tpu.memory_space<vmem>>, vector<16xi32>,
    %get3A_197 = arith.constant 144 : index
    %get3A_198 = tpu.vector_load %arg7[%get3A_197] {strides = array<i32>} : memref<10240xi32, #tpu.memory_space<vmem>>, vector<16xi32>,
    %get3A_199 = vector.shape_cast %get3A_198 : vector<16xi32> to vector<16xi32>
    %add3A_200 = vector.broadcast %mul3A_4 : i32 to vector<16xi32>
    %add3A_201 = arith.addi %get3A_199, %add3A_200 : vector<16xi32>
    %swap3A_202 = arith.constant 16 : index
    %swap3A_203 = tpu.vector_load %arg10[%swap3A_202] {strides = array<i32>} : memref<128xi32, #tpu.memory_space<vmem>>, vector<16xi32>,
    %swap3A_204 = vector.shape_cast %swap3A_203 : vector<16xi32> to vector<16xi32>
    %swap3A_205 = vector.shape_cast %add3A_201 : vector<16xi32> to vector<16xi32>
    tpu.vector_store %arg10[%swap3A_202], %swap3A_205 {strides = array<i32>} : memref<128xi32, #tpu.memory_space<vmem>>, vector<16xi32>,
    %get3A_206 = arith.constant 144 : index
    %get3A_207 = tpu.vector_load %arg8[%get3A_206] {strides = array<i32>} : memref<10240xi32, #tpu.memory_space<vmem>>, vector<16xi32>,
    %get3A_208 = vector.shape_cast %get3A_207 : vector<16xi32> to vector<16xi32>
    %add3A_209 = vector.broadcast %add3A_7 : i32 to vector<16xi32>
    %add3A_210 = arith.addi %get3A_208, %add3A_209 : vector<16xi32>
    %swap3A_211 = arith.constant 16 : index
    %swap3A_212 = tpu.vector_load %arg12[%swap3A_211] {strides = array<i32>} : memref<128xi32, #tpu.memory_space<vmem>>, vector<16xi32>,
    %swap3A_213 = vector.shape_cast %swap3A_212 : vector<16xi32> to vector<16xi32>
    %swap3A_214 = vector.shape_cast %add3A_210 : vector<16xi32> to vector<16xi32>
    tpu.vector_store %arg12[%swap3A_211], %swap3A_214 {strides = array<i32>} : memref<128xi32, #tpu.memory_space<vmem>>, vector<16xi32>,
    %get3A_215 = arith.constant 160 : index
    %get3A_216 = tpu.vector_load %arg7[%get3A_215] {strides = array<i32>} : memref<10240xi32, #tpu.memory_space<vmem>>, vector<16xi32>,
    %get3A_217 = vector.shape_cast %get3A_216 : vector<16xi32> to vector<16xi32>
    %add3A_218 = vector.broadcast %mul3A_4 : i32 to vector<16xi32>
    %add3A_219 = arith.addi %get3A_217, %add3A_218 : vector<16xi32>
    %swap3A_220 = arith.constant 32 : index
    %swap3A_221 = tpu.vector_load %arg10[%swap3A_220] {strides = array<i32>} : memref<128xi32, #tpu.memory_space<vmem>>, vector<16xi32>,
    %swap3A_222 = vector.shape_cast %swap3A_221 : vector<16xi32> to vector<16xi32>
    %swap3A_223 = vector.shape_cast %add3A_219 : vector<16xi32> to vector<16xi32>
    tpu.vector_store %arg10[%swap3A_220], %swap3A_223 {strides = array<i32>} : memref<128xi32, #tpu.memory_space<vmem>>, vector<16xi32>,
    %get3A_224 = arith.constant 160 : index
    %get3A_225 = tpu.vector_load %arg8[%get3A_224] {strides = array<i32>} : memref<10240xi32, #tpu.memory_space<vmem>>, vector<16xi32>,
    %get3A_226 = vector.shape_cast %get3A_225 : vector<16xi32> to vector<16xi32>
    %add3A_227 = vector.broadcast %add3A_7 : i32 to vector<16xi32>
    %add3A_228 = arith.addi %get3A_226, %add3A_227 : vector<16xi32>
    %swap3A_229 = arith.constant 32 : index
    %swap3A_230 = tpu.vector_load %arg12[%swap3A_229] {strides = array<i32>} : memref<128xi32, #tpu.memory_space<vmem>>, vector<16xi32>,
    %swap3A_231 = vector.shape_cast %swap3A_230 : vector<16xi32> to vector<16xi32>
    %swap3A_232 = vector.shape_cast %add3A_228 : vector<16xi32> to vector<16xi32>
    tpu.vector_store %arg12[%swap3A_229], %swap3A_232 {strides = array<i32>} : memref<128xi32, #tpu.memory_space<vmem>>, vector<16xi32>,
    %get3A_233 = arith.constant 176 : index
    %get3A_234 = tpu.vector_load %arg7[%get3A_233] {strides = array<i32>} : memref<10240xi32, #tpu.memory_space<vmem>>, vector<16xi32>,
    %get3A_235 = vector.shape_cast %get3A_234 : vector<16xi32> to vector<16xi32>
    %add3A_236 = vector.broadcast %mul3A_4 : i32 to vector<16xi32>
    %add3A_237 = arith.addi %get3A_235, %add3A_236 : vector<16xi32>
    %swap3A_238 = arith.constant 48 : index
    %swap3A_239 = tpu.vector_load %arg10[%swap3A_238] {strides = array<i32>} : memref<128xi32, #tpu.memory_space<vmem>>, vector<16xi32>,
    %swap3A_240 = vector.shape_cast %swap3A_239 : vector<16xi32> to vector<16xi32>
    %swap3A_241 = vector.shape_cast %add3A_237 : vector<16xi32> to vector<16xi32>
    tpu.vector_store %arg10[%swap3A_238], %swap3A_241 {strides = array<i32>} : memref<128xi32, #tpu.memory_space<vmem>>, vector<16xi32>,
    %get3A_242 = arith.constant 176 : index
    %get3A_243 = tpu.vector_load %arg8[%get3A_242] {strides = array<i32>} : memref<10240xi32, #tpu.memory_space<vmem>>, vector<16xi32>,
    %get3A_244 = vector.shape_cast %get3A_243 : vector<16xi32> to vector<16xi32>
    %add3A_245 = vector.broadcast %add3A_7 : i32 to vector<16xi32>
    %add3A_246 = arith.addi %get3A_244, %add3A_245 : vector<16xi32>
    %swap3A_247 = arith.constant 48 : index
    %swap3A_248 = tpu.vector_load %arg12[%swap3A_247] {strides = array<i32>} : memref<128xi32, #tpu.memory_space<vmem>>, vector<16xi32>,
    %swap3A_249 = vector.shape_cast %swap3A_248 : vector<16xi32> to vector<16xi32>
    %swap3A_250 = vector.shape_cast %add3A_246 : vector<16xi32> to vector<16xi32>
    tpu.vector_store %arg12[%swap3A_247], %swap3A_250 {strides = array<i32>} : memref<128xi32, #tpu.memory_space<vmem>>, vector<16xi32>,
    %get3A_251 = arith.constant 192 : index
    %get3A_252 = tpu.vector_load %arg7[%get3A_251] {strides = array<i32>} : memref<10240xi32, #tpu.memory_space<vmem>>, vector<16xi32>,
    %get3A_253 = vector.shape_cast %get3A_252 : vector<16xi32> to vector<16xi32>
    %add3A_254 = vector.broadcast %mul3A_4 : i32 to vector<16xi32>
    %add3A_255 = arith.addi %get3A_253, %add3A_254 : vector<16xi32>
    %swap3A_256 = arith.constant 64 : index
    %swap3A_257 = tpu.vector_load %arg10[%swap3A_256] {strides = array<i32>} : memref<128xi32, #tpu.memory_space<vmem>>, vector<16xi32>,
    %swap3A_258 = vector.shape_cast %swap3A_257 : vector<16xi32> to vector<16xi32>
    %swap3A_259 = vector.shape_cast %add3A_255 : vector<16xi32> to vector<16xi32>
    tpu.vector_store %arg10[%swap3A_256], %swap3A_259 {strides = array<i32>} : memref<128xi32, #tpu.memory_space<vmem>>, vector<16xi32>,
    %get3A_260 = arith.constant 192 : index
    %get3A_261 = tpu.vector_load %arg8[%get3A_260] {strides = array<i32>} : memref<10240xi32, #tpu.memory_space<vmem>>, vector<16xi32>,
    %get3A_262 = vector.shape_cast %get3A_261 : vector<16xi32> to vector<16xi32>
    %add3A_263 = vector.broadcast %add3A_7 : i32 to vector<16xi32>
    %add3A_264 = arith.addi %get3A_262, %add3A_263 : vector<16xi32>
    %swap3A_265 = arith.constant 64 : index
    %swap3A_266 = tpu.vector_load %arg12[%swap3A_265] {strides = array<i32>} : memref<128xi32, #tpu.memory_space<vmem>>, vector<16xi32>,
    %swap3A_267 = vector.shape_cast %swap3A_266 : vector<16xi32> to vector<16xi32>
    %swap3A_268 = vector.shape_cast %add3A_264 : vector<16xi32> to vector<16xi32>
    tpu.vector_store %arg12[%swap3A_265], %swap3A_268 {strides = array<i32>} : memref<128xi32, #tpu.memory_space<vmem>>, vector<16xi32>,
    %get3A_269 = arith.constant 208 : index
    %get3A_270 = tpu.vector_load %arg7[%get3A_269] {strides = array<i32>} : memref<10240xi32, #tpu.memory_space<vmem>>, vector<16xi32>,
    %get3A_271 = vector.shape_cast %get3A_270 : vector<16xi32> to vector<16xi32>
    %add3A_272 = vector.broadcast %mul3A_4 : i32 to vector<16xi32>
    %add3A_273 = arith.addi %get3A_271, %add3A_272 : vector<16xi32>
    %swap3A_274 = arith.constant 80 : index
    %swap3A_275 = tpu.vector_load %arg10[%swap3A_274] {strides = array<i32>} : memref<128xi32, #tpu.memory_space<vmem>>, vector<16xi32>,
    %swap3A_276 = vector.shape_cast %swap3A_275 : vector<16xi32> to vector<16xi32>
    %swap3A_277 = vector.shape_cast %add3A_273 : vector<16xi32> to vector<16xi32>
    tpu.vector_store %arg10[%swap3A_274], %swap3A_277 {strides = array<i32>} : memref<128xi32, #tpu.memory_space<vmem>>, vector<16xi32>,
    %get3A_278 = arith.constant 208 : index
    %get3A_279 = tpu.vector_load %arg8[%get3A_278] {strides = array<i32>} : memref<10240xi32, #tpu.memory_space<vmem>>, vector<16xi32>,
    %get3A_280 = vector.shape_cast %get3A_279 : vector<16xi32> to vector<16xi32>
    %add3A_281 = vector.broadcast %add3A_7 : i32 to vector<16xi32>
    %add3A_282 = arith.addi %get3A_280, %add3A_281 : vector<16xi32>
    %swap3A_283 = arith.constant 80 : index
    %swap3A_284 = tpu.vector_load %arg12[%swap3A_283] {strides = array<i32>} : memref<128xi32, #tpu.memory_space<vmem>>, vector<16xi32>,
    %swap3A_285 = vector.shape_cast %swap3A_284 : vector<16xi32> to vector<16xi32>
    %swap3A_286 = vector.shape_cast %add3A_282 : vector<16xi32> to vector<16xi32>
    tpu.vector_store %arg12[%swap3A_283], %swap3A_286 {strides = array<i32>} : memref<128xi32, #tpu.memory_space<vmem>>, vector<16xi32>,
    %get3A_287 = arith.constant 224 : index
    %get3A_288 = tpu.vector_load %arg7[%get3A_287] {strides = array<i32>} : memref<10240xi32, #tpu.memory_space<vmem>>, vector<16xi32>,
    %get3A_289 = vector.shape_cast %get3A_288 : vector<16xi32> to vector<16xi32>
    %add3A_290 = vector.broadcast %mul3A_4 : i32 to vector<16xi32>
    %add3A_291 = arith.addi %get3A_289, %add3A_290 : vector<16xi32>
    %swap3A_292 = arith.constant 96 : index
    %swap3A_293 = tpu.vector_load %arg10[%swap3A_292] {strides = array<i32>} : memref<128xi32, #tpu.memory_space<vmem>>, vector<16xi32>,
    %swap3A_294 = vector.shape_cast %swap3A_293 : vector<16xi32> to vector<16xi32>
    %swap3A_295 = vector.shape_cast %add3A_291 : vector<16xi32> to vector<16xi32>
    tpu.vector_store %arg10[%swap3A_292], %swap3A_295 {strides = array<i32>} : memref<128xi32, #tpu.memory_space<vmem>>, vector<16xi32>,
    %get3A_296 = arith.constant 224 : index
    %get3A_297 = tpu.vector_load %arg8[%get3A_296] {strides = array<i32>} : memref<10240xi32, #tpu.memory_space<vmem>>, vector<16xi32>,
    %get3A_298 = vector.shape_cast %get3A_297 : vector<16xi32> to vector<16xi32>
    %add3A_299 = vector.broadcast %add3A_7 : i32 to vector<16xi32>
    %add3A_300 = arith.addi %get3A_298, %add3A_299 : vector<16xi32>
    %swap3A_301 = arith.constant 96 : index
    %swap3A_302 = tpu.vector_load %arg12[%swap3A_301] {strides = array<i32>} : memref<128xi32, #tpu.memory_space<vmem>>, vector<16xi32>,
    %swap3A_303 = vector.shape_cast %swap3A_302 : vector<16xi32> to vector<16xi32>
    %swap3A_304 = vector.shape_cast %add3A_300 : vector<16xi32> to vector<16xi32>
    tpu.vector_store %arg12[%swap3A_301], %swap3A_304 {strides = array<i32>} : memref<128xi32, #tpu.memory_space<vmem>>, vector<16xi32>,
    %get3A_305 = arith.constant 240 : index
    %get3A_306 = tpu.vector_load %arg7[%get3A_305] {strides = array<i32>} : memref<10240xi32, #tpu.memory_space<vmem>>, vector<16xi32>,
    %get3A_307 = vector.shape_cast %get3A_306 : vector<16xi32> to vector<16xi32>
    %add3A_308 = vector.broadcast %mul3A_4 : i32 to vector<16xi32>
    %add3A_309 = arith.addi %get3A_307, %add3A_308 : vector<16xi32>
    %swap3A_310 = arith.constant 112 : index
    %swap3A_311 = tpu.vector_load %arg10[%swap3A_310] {strides = array<i32>} : memref<128xi32, #tpu.memory_space<vmem>>, vector<16xi32>,
    %swap3A_312 = vector.shape_cast %swap3A_311 : vector<16xi32> to vector<16xi32>
    %swap3A_313 = vector.shape_cast %add3A_309 : vector<16xi32> to vector<16xi32>
    tpu.vector_store %arg10[%swap3A_310], %swap3A_313 {strides = array<i32>} : memref<128xi32, #tpu.memory_space<vmem>>, vector<16xi32>,
    %get3A_314 = arith.constant 240 : index
    %get3A_315 = tpu.vector_load %arg8[%get3A_314] {strides = array<i32>} : memref<10240xi32, #tpu.memory_space<vmem>>, vector<16xi32>,
    %get3A_316 = vector.shape_cast %get3A_315 : vector<16xi32> to vector<16xi32>
    %add3A_317 = vector.broadcast %add3A_7 : i32 to vector<16xi32>
    %add3A_318 = arith.addi %get3A_316, %add3A_317 : vector<16xi32>
    %swap3A_319 = arith.constant 112 : index
    %swap3A_320 = tpu.vector_load %arg12[%swap3A_319] {strides = array<i32>} : memref<128xi32, #tpu.memory_space<vmem>>, vector<16xi32>,
    %swap3A_321 = vector.shape_cast %swap3A_320 : vector<16xi32> to vector<16xi32>
    %swap3A_322 = vector.shape_cast %add3A_318 : vector<16xi32> to vector<16xi32>
    tpu.vector_store %arg12[%swap3A_319], %swap3A_322 {strides = array<i32>} : memref<128xi32, #tpu.memory_space<vmem>>, vector<16xi32>,
    %dma_start3A_323 = arith.constant 0 : i32
    %dma_start3A_324 = arith.constant 0 : i32
    %dma_start3A_325 = tpu.memref_slice %arg2[%dma_start3A_323, %dma_start3A_324] : memref<40960x128xbf16, #tpu.memory_space<hbm>> -> memref<40960x128xbf16, #tpu.memory_space<hbm>>
    tpu.enqueue_indirect_dma source(%dma_start3A_325 : memref<40960x128xbf16, #tpu.memory_space<hbm>>) target(%arg16 : memref<128x128xbf16, #tpu.memory_space<vmem>>) offsets(%arg10 : memref<128xi32, #tpu.memory_space<vmem>>) semaphore(%arg22 : memref<!tpu.dma_semaphore, #tpu.memory_space<semaphore_mem>>)
    %dma_start3A_326 = arith.constant 0 : i32
    %dma_start3A_327 = arith.constant 0 : i32
    %dma_start3A_328 = tpu.memref_slice %arg2[%dma_start3A_326, %dma_start3A_327] : memref<40960x128xbf16, #tpu.memory_space<hbm>> -> memref<40960x128xbf16, #tpu.memory_space<hbm>>
    tpu.enqueue_indirect_dma source(%dma_start3A_328 : memref<40960x128xbf16, #tpu.memory_space<hbm>>) target(%arg18 : memref<128x128xbf16, #tpu.memory_space<vmem>>) offsets(%arg12 : memref<128xi32, #tpu.memory_space<vmem>>) semaphore(%arg24 : memref<!tpu.dma_semaphore, #tpu.memory_space<semaphore_mem>>)
    %dma_wait3A = arith.constant 0 : i32
    %dma_wait3A_329 = arith.constant 0 : i32
    %dma_wait3A_330 = tpu.memref_slice %arg2[%dma_wait3A, %dma_wait3A_329] : memref<40960x128xbf16, #tpu.memory_space<hbm>> -> memref<40960x128xbf16, #tpu.memory_space<hbm>>
    tpu.wait_indirect_dma semaphore(%arg21 : memref<!tpu.dma_semaphore, #tpu.memory_space<semaphore_mem>>) src(%dma_wait3A_330 : memref<40960x128xbf16, #tpu.memory_space<hbm>>) dst(%arg15 : memref<128x128xbf16, #tpu.memory_space<vmem>>)
    %dma_wait3A_331 = arith.constant 0 : i32
    %dma_wait3A_332 = arith.constant 0 : i32
    %dma_wait3A_333 = tpu.memref_slice %arg2[%dma_wait3A_331, %dma_wait3A_332] : memref<40960x128xbf16, #tpu.memory_space<hbm>> -> memref<40960x128xbf16, #tpu.memory_space<hbm>>
    tpu.wait_indirect_dma semaphore(%arg23 : memref<!tpu.dma_semaphore, #tpu.memory_space<semaphore_mem>>) src(%dma_wait3A_333 : memref<40960x128xbf16, #tpu.memory_space<hbm>>) dst(%arg17 : memref<128x128xbf16, #tpu.memory_space<vmem>>)
    %scan3A_334 = arith.constant 0 : i32
    %scan3A_335 = arith.constant 128 : i32
    %scan3A_336 = arith.addi %scan3A_334, %scan3A_335 : i32
    %scan3A_337 = arith.constant 4 : i32
    scf.for %scan3A_784 = %scan3A_334 to %scan3A_336 step %scan3A_337  : i32 {
      %get3A_785 = arith.index_cast %scan3A_784 : i32 to index
      %get3A_786 = arith.constant 0 : index
      %get3A_787 = tpu.vector_load %arg15[%get3A_785, %get3A_786] {strides = array<i32>} : memref<128x128xbf16, #tpu.memory_space<vmem>>, vector<1x32xbf16>,
      %get3A_788 = vector.shape_cast %get3A_787 : vector<1x32xbf16> to vector<32xbf16>
      %get3A_789 = arith.index_cast %scan3A_784 : i32 to index
      %get3A_790 = arith.constant 32 : index
      %get3A_791 = tpu.vector_load %arg15[%get3A_789, %get3A_790] {strides = array<i32>} : memref<128x128xbf16, #tpu.memory_space<vmem>>, vector<1x32xbf16>,
      %get3A_792 = vector.shape_cast %get3A_791 : vector<1x32xbf16> to vector<32xbf16>
      %get3A_793 = arith.index_cast %scan3A_784 : i32 to index
      %get3A_794 = arith.constant 64 : index
      %get3A_795 = tpu.vector_load %arg15[%get3A_793, %get3A_794] {strides = array<i32>} : memref<128x128xbf16, #tpu.memory_space<vmem>>, vector<1x32xbf16>,
      %get3A_796 = vector.shape_cast %get3A_795 : vector<1x32xbf16> to vector<32xbf16>
      %get3A_797 = arith.index_cast %scan3A_784 : i32 to index
      %get3A_798 = arith.constant 96 : index
      %get3A_799 = tpu.vector_load %arg15[%get3A_797, %get3A_798] {strides = array<i32>} : memref<128x128xbf16, #tpu.memory_space<vmem>>, vector<1x32xbf16>,
      %get3A_800 = vector.shape_cast %get3A_799 : vector<1x32xbf16> to vector<32xbf16>
      %get3A_801 = arith.index_cast %scan3A_784 : i32 to index
      %get3A_802 = arith.constant 0 : index
      %get3A_803 = tpu.vector_load %arg17[%get3A_801, %get3A_802] {strides = array<i32>} : memref<128x128xbf16, #tpu.memory_space<vmem>>, vector<1x32xbf16>,
      %get3A_804 = vector.shape_cast %get3A_803 : vector<1x32xbf16> to vector<32xbf16>
      %get3A_805 = arith.index_cast %scan3A_784 : i32 to index
      %get3A_806 = arith.constant 32 : index
      %get3A_807 = tpu.vector_load %arg17[%get3A_805, %get3A_806] {strides = array<i32>} : memref<128x128xbf16, #tpu.memory_space<vmem>>, vector<1x32xbf16>,
      %get3A_808 = vector.shape_cast %get3A_807 : vector<1x32xbf16> to vector<32xbf16>
      %get3A_809 = arith.index_cast %scan3A_784 : i32 to index
      %get3A_810 = arith.constant 64 : index
      %get3A_811 = tpu.vector_load %arg17[%get3A_809, %get3A_810] {strides = array<i32>} : memref<128x128xbf16, #tpu.memory_space<vmem>>, vector<1x32xbf16>,
      %get3A_812 = vector.shape_cast %get3A_811 : vector<1x32xbf16> to vector<32xbf16>
      %get3A_813 = arith.index_cast %scan3A_784 : i32 to index
      %get3A_814 = arith.constant 96 : index
      %get3A_815 = tpu.vector_load %arg17[%get3A_813, %get3A_814] {strides = array<i32>} : memref<128x128xbf16, #tpu.memory_space<vmem>>, vector<1x32xbf16>,
      %get3A_816 = vector.shape_cast %get3A_815 : vector<1x32xbf16> to vector<32xbf16>
      %add3A_817 = arith.addf %get3A_788, %get3A_804 : vector<32xbf16>
      %max3A = arith.constant 0.000000e+00 : bf16
      %max3A_818 = vector.broadcast %max3A : bf16 to vector<32xbf16>
      %max3A_819 = arith.maximumf %add3A_817, %max3A_818 : vector<32xbf16>
      %add3A_820 = arith.addf %get3A_792, %get3A_808 : vector<32xbf16>
      %max3A_821 = arith.constant 0.000000e+00 : bf16
      %max3A_822 = vector.broadcast %max3A_821 : bf16 to vector<32xbf16>
      %max3A_823 = arith.maximumf %add3A_820, %max3A_822 : vector<32xbf16>
      %add3A_824 = arith.addf %get3A_796, %get3A_812 : vector<32xbf16>
      %max3A_825 = arith.constant 0.000000e+00 : bf16
      %max3A_826 = vector.broadcast %max3A_825 : bf16 to vector<32xbf16>
      %max3A_827 = arith.maximumf %add3A_824, %max3A_826 : vector<32xbf16>
      %add3A_828 = arith.addf %get3A_800, %get3A_816 : vector<32xbf16>
      %max3A_829 = arith.constant 0.000000e+00 : bf16
      %max3A_830 = vector.broadcast %max3A_829 : bf16 to vector<32xbf16>
      %max3A_831 = arith.maximumf %add3A_828, %max3A_830 : vector<32xbf16>
      %swap3A_832 = arith.index_cast %scan3A_784 : i32 to index
      %swap3A_833 = arith.constant 0 : index
      %swap3A_834 = tpu.vector_load %arg19[%swap3A_832, %swap3A_833] {strides = array<i32>} : memref<128x128xbf16, #tpu.memory_space<vmem>>, vector<1x32xbf16>,
      %swap3A_835 = vector.shape_cast %swap3A_834 : vector<1x32xbf16> to vector<32xbf16>
      %swap3A_836 = vector.shape_cast %max3A_819 : vector<32xbf16> to vector<1x32xbf16>
      tpu.vector_store %arg19[%swap3A_832, %swap3A_833], %swap3A_836 {strides = array<i32>} : memref<128x128xbf16, #tpu.memory_space<vmem>>, vector<1x32xbf16>,
      %swap3A_837 = arith.index_cast %scan3A_784 : i32 to index
      %swap3A_838 = arith.constant 32 : index
      %swap3A_839 = tpu.vector_load %arg19[%swap3A_837, %swap3A_838] {strides = array<i32>} : memref<128x128xbf16, #tpu.memory_space<vmem>>, vector<1x32xbf16>,
      %swap3A_840 = vector.shape_cast %swap3A_839 : vector<1x32xbf16> to vector<32xbf16>
      %swap3A_841 = vector.shape_cast %max3A_823 : vector<32xbf16> to vector<1x32xbf16>
      tpu.vector_store %arg19[%swap3A_837, %swap3A_838], %swap3A_841 {strides = array<i32>} : memref<128x128xbf16, #tpu.memory_space<vmem>>, vector<1x32xbf16>,
      %swap3A_842 = arith.index_cast %scan3A_784 : i32 to index
      %swap3A_843 = arith.constant 64 : index
      %swap3A_844 = tpu.vector_load %arg19[%swap3A_842, %swap3A_843] {strides = array<i32>} : memref<128x128xbf16, #tpu.memory_space<vmem>>, vector<1x32xbf16>,
      %swap3A_845 = vector.shape_cast %swap3A_844 : vector<1x32xbf16> to vector<32xbf16>
      %swap3A_846 = vector.shape_cast %max3A_827 : vector<32xbf16> to vector<1x32xbf16>
      tpu.vector_store %arg19[%swap3A_842, %swap3A_843], %swap3A_846 {strides = array<i32>} : memref<128x128xbf16, #tpu.memory_space<vmem>>, vector<1x32xbf16>,
      %swap3A_847 = arith.index_cast %scan3A_784 : i32 to index
      %swap3A_848 = arith.constant 96 : index
      %swap3A_849 = tpu.vector_load %arg19[%swap3A_847, %swap3A_848] {strides = array<i32>} : memref<128x128xbf16, #tpu.memory_space<vmem>>, vector<1x32xbf16>,
      %swap3A_850 = vector.shape_cast %swap3A_849 : vector<1x32xbf16> to vector<32xbf16>
      %swap3A_851 = vector.shape_cast %max3A_831 : vector<32xbf16> to vector<1x32xbf16>
      tpu.vector_store %arg19[%swap3A_847, %swap3A_848], %swap3A_851 {strides = array<i32>} : memref<128x128xbf16, #tpu.memory_space<vmem>>, vector<1x32xbf16>,
      %scan3A_852 = arith.constant 1 : i32
      %scan3A_853 = arith.addi %scan3A_784, %scan3A_852 : i32
      %get3A_854 = arith.index_cast %scan3A_853 : i32 to index
      %get3A_855 = arith.constant 0 : index
      %get3A_856 = tpu.vector_load %arg15[%get3A_854, %get3A_855] {strides = array<i32>} : memref<128x128xbf16, #tpu.memory_space<vmem>>, vector<1x32xbf16>,
      %get3A_857 = vector.shape_cast %get3A_856 : vector<1x32xbf16> to vector<32xbf16>
      %get3A_858 = arith.index_cast %scan3A_853 : i32 to index
      %get3A_859 = arith.constant 32 : index
      %get3A_860 = tpu.vector_load %arg15[%get3A_858, %get3A_859] {strides = array<i32>} : memref<128x128xbf16, #tpu.memory_space<vmem>>, vector<1x32xbf16>,
      %get3A_861 = vector.shape_cast %get3A_860 : vector<1x32xbf16> to vector<32xbf16>
      %get3A_862 = arith.index_cast %scan3A_853 : i32 to index
      %get3A_863 = arith.constant 64 : index
      %get3A_864 = tpu.vector_load %arg15[%get3A_862, %get3A_863] {strides = array<i32>} : memref<128x128xbf16, #tpu.memory_space<vmem>>, vector<1x32xbf16>,
      %get3A_865 = vector.shape_cast %get3A_864 : vector<1x32xbf16> to vector<32xbf16>
      %get3A_866 = arith.index_cast %scan3A_853 : i32 to index
      %get3A_867 = arith.constant 96 : index
      %get3A_868 = tpu.vector_load %arg15[%get3A_866, %get3A_867] {strides = array<i32>} : memref<128x128xbf16, #tpu.memory_space<vmem>>, vector<1x32xbf16>,
      %get3A_869 = vector.shape_cast %get3A_868 : vector<1x32xbf16> to vector<32xbf16>
      %get3A_870 = arith.index_cast %scan3A_853 : i32 to index
      %get3A_871 = arith.constant 0 : index
      %get3A_872 = tpu.vector_load %arg17[%get3A_870, %get3A_871] {strides = array<i32>} : memref<128x128xbf16, #tpu.memory_space<vmem>>, vector<1x32xbf16>,
      %get3A_873 = vector.shape_cast %get3A_872 : vector<1x32xbf16> to vector<32xbf16>
      %get3A_874 = arith.index_cast %scan3A_853 : i32 to index
      %get3A_875 = arith.constant 32 : index
      %get3A_876 = tpu.vector_load %arg17[%get3A_874, %get3A_875] {strides = array<i32>} : memref<128x128xbf16, #tpu.memory_space<vmem>>, vector<1x32xbf16>,
      %get3A_877 = vector.shape_cast %get3A_876 : vector<1x32xbf16> to vector<32xbf16>
      %get3A_878 = arith.index_cast %scan3A_853 : i32 to index
      %get3A_879 = arith.constant 64 : index
      %get3A_880 = tpu.vector_load %arg17[%get3A_878, %get3A_879] {strides = array<i32>} : memref<128x128xbf16, #tpu.memory_space<vmem>>, vector<1x32xbf16>,
      %get3A_881 = vector.shape_cast %get3A_880 : vector<1x32xbf16> to vector<32xbf16>
      %get3A_882 = arith.index_cast %scan3A_853 : i32 to index
      %get3A_883 = arith.constant 96 : index
      %get3A_884 = tpu.vector_load %arg17[%get3A_882, %get3A_883] {strides = array<i32>} : memref<128x128xbf16, #tpu.memory_space<vmem>>, vector<1x32xbf16>,
      %get3A_885 = vector.shape_cast %get3A_884 : vector<1x32xbf16> to vector<32xbf16>
      %add3A_886 = arith.addf %get3A_857, %get3A_873 : vector<32xbf16>
      %max3A_887 = arith.constant 0.000000e+00 : bf16
      %max3A_888 = vector.broadcast %max3A_887 : bf16 to vector<32xbf16>
      %max3A_889 = arith.maximumf %add3A_886, %max3A_888 : vector<32xbf16>
      %add3A_890 = arith.addf %get3A_861, %get3A_877 : vector<32xbf16>
      %max3A_891 = arith.constant 0.000000e+00 : bf16
      %max3A_892 = vector.broadcast %max3A_891 : bf16 to vector<32xbf16>
      %max3A_893 = arith.maximumf %add3A_890, %max3A_892 : vector<32xbf16>
      %add3A_894 = arith.addf %get3A_865, %get3A_881 : vector<32xbf16>
      %max3A_895 = arith.constant 0.000000e+00 : bf16
      %max3A_896 = vector.broadcast %max3A_895 : bf16 to vector<32xbf16>
      %max3A_897 = arith.maximumf %add3A_894, %max3A_896 : vector<32xbf16>
      %add3A_898 = arith.addf %get3A_869, %get3A_885 : vector<32xbf16>
      %max3A_899 = arith.constant 0.000000e+00 : bf16
      %max3A_900 = vector.broadcast %max3A_899 : bf16 to vector<32xbf16>
      %max3A_901 = arith.maximumf %add3A_898, %max3A_900 : vector<32xbf16>
      %swap3A_902 = arith.index_cast %scan3A_853 : i32 to index
      %swap3A_903 = arith.constant 0 : index
      %swap3A_904 = tpu.vector_load %arg19[%swap3A_902, %swap3A_903] {strides = array<i32>} : memref<128x128xbf16, #tpu.memory_space<vmem>>, vector<1x32xbf16>,
      %swap3A_905 = vector.shape_cast %swap3A_904 : vector<1x32xbf16> to vector<32xbf16>
      %swap3A_906 = vector.shape_cast %max3A_889 : vector<32xbf16> to vector<1x32xbf16>
      tpu.vector_store %arg19[%swap3A_902, %swap3A_903], %swap3A_906 {strides = array<i32>} : memref<128x128xbf16, #tpu.memory_space<vmem>>, vector<1x32xbf16>,
      %swap3A_907 = arith.index_cast %scan3A_853 : i32 to index
      %swap3A_908 = arith.constant 32 : index
      %swap3A_909 = tpu.vector_load %arg19[%swap3A_907, %swap3A_908] {strides = array<i32>} : memref<128x128xbf16, #tpu.memory_space<vmem>>, vector<1x32xbf16>,
      %swap3A_910 = vector.shape_cast %swap3A_909 : vector<1x32xbf16> to vector<32xbf16>
      %swap3A_911 = vector.shape_cast %max3A_893 : vector<32xbf16> to vector<1x32xbf16>
      tpu.vector_store %arg19[%swap3A_907, %swap3A_908], %swap3A_911 {strides = array<i32>} : memref<128x128xbf16, #tpu.memory_space<vmem>>, vector<1x32xbf16>,
      %swap3A_912 = arith.index_cast %scan3A_853 : i32 to index
      %swap3A_913 = arith.constant 64 : index
      %swap3A_914 = tpu.vector_load %arg19[%swap3A_912, %swap3A_913] {strides = array<i32>} : memref<128x128xbf16, #tpu.memory_space<vmem>>, vector<1x32xbf16>,
      %swap3A_915 = vector.shape_cast %swap3A_914 : vector<1x32xbf16> to vector<32xbf16>
      %swap3A_916 = vector.shape_cast %max3A_897 : vector<32xbf16> to vector<1x32xbf16>
      tpu.vector_store %arg19[%swap3A_912, %swap3A_913], %swap3A_916 {strides = array<i32>} : memref<128x128xbf16, #tpu.memory_space<vmem>>, vector<1x32xbf16>,
      %swap3A_917 = arith.index_cast %scan3A_853 : i32 to index
      %swap3A_918 = arith.constant 96 : index
      %swap3A_919 = tpu.vector_load %arg19[%swap3A_917, %swap3A_918] {strides = array<i32>} : memref<128x128xbf16, #tpu.memory_space<vmem>>, vector<1x32xbf16>,
      %swap3A_920 = vector.shape_cast %swap3A_919 : vector<1x32xbf16> to vector<32xbf16>
      %swap3A_921 = vector.shape_cast %max3A_901 : vector<32xbf16> to vector<1x32xbf16>
      tpu.vector_store %arg19[%swap3A_917, %swap3A_918], %swap3A_921 {strides = array<i32>} : memref<128x128xbf16, #tpu.memory_space<vmem>>, vector<1x32xbf16>,
      %scan3A_922 = arith.constant 2 : i32
      %scan3A_923 = arith.addi %scan3A_784, %scan3A_922 : i32
      %get3A_924 = arith.index_cast %scan3A_923 : i32 to index
      %get3A_925 = arith.constant 0 : index
      %get3A_926 = tpu.vector_load %arg15[%get3A_924, %get3A_925] {strides = array<i32>} : memref<128x128xbf16, #tpu.memory_space<vmem>>, vector<1x32xbf16>,
      %get3A_927 = vector.shape_cast %get3A_926 : vector<1x32xbf16> to vector<32xbf16>
      %get3A_928 = arith.index_cast %scan3A_923 : i32 to index
      %get3A_929 = arith.constant 32 : index
      %get3A_930 = tpu.vector_load %arg15[%get3A_928, %get3A_929] {strides = array<i32>} : memref<128x128xbf16, #tpu.memory_space<vmem>>, vector<1x32xbf16>,
      %get3A_931 = vector.shape_cast %get3A_930 : vector<1x32xbf16> to vector<32xbf16>
      %get3A_932 = arith.index_cast %scan3A_923 : i32 to index
      %get3A_933 = arith.constant 64 : index
      %get3A_934 = tpu.vector_load %arg15[%get3A_932, %get3A_933] {strides = array<i32>} : memref<128x128xbf16, #tpu.memory_space<vmem>>, vector<1x32xbf16>,
      %get3A_935 = vector.shape_cast %get3A_934 : vector<1x32xbf16> to vector<32xbf16>
      %get3A_936 = arith.index_cast %scan3A_923 : i32 to index
      %get3A_937 = arith.constant 96 : index
      %get3A_938 = tpu.vector_load %arg15[%get3A_936, %get3A_937] {strides = array<i32>} : memref<128x128xbf16, #tpu.memory_space<vmem>>, vector<1x32xbf16>,
      %get3A_939 = vector.shape_cast %get3A_938 : vector<1x32xbf16> to vector<32xbf16>
      %get3A_940 = arith.index_cast %scan3A_923 : i32 to index
      %get3A_941 = arith.constant 0 : index
      %get3A_942 = tpu.vector_load %arg17[%get3A_940, %get3A_941] {strides = array<i32>} : memref<128x128xbf16, #tpu.memory_space<vmem>>, vector<1x32xbf16>,
      %get3A_943 = vector.shape_cast %get3A_942 : vector<1x32xbf16> to vector<32xbf16>
      %get3A_944 = arith.index_cast %scan3A_923 : i32 to index
      %get3A_945 = arith.constant 32 : index
      %get3A_946 = tpu.vector_load %arg17[%get3A_944, %get3A_945] {strides = array<i32>} : memref<128x128xbf16, #tpu.memory_space<vmem>>, vector<1x32xbf16>,
      %get3A_947 = vector.shape_cast %get3A_946 : vector<1x32xbf16> to vector<32xbf16>
      %get3A_948 = arith.index_cast %scan3A_923 : i32 to index
      %get3A_949 = arith.constant 64 : index
      %get3A_950 = tpu.vector_load %arg17[%get3A_948, %get3A_949] {strides = array<i32>} : memref<128x128xbf16, #tpu.memory_space<vmem>>, vector<1x32xbf16>,
      %get3A_951 = vector.shape_cast %get3A_950 : vector<1x32xbf16> to vector<32xbf16>
      %get3A_952 = arith.index_cast %scan3A_923 : i32 to index
      %get3A_953 = arith.constant 96 : index
      %get3A_954 = tpu.vector_load %arg17[%get3A_952, %get3A_953] {strides = array<i32>} : memref<128x128xbf16, #tpu.memory_space<vmem>>, vector<1x32xbf16>,
      %get3A_955 = vector.shape_cast %get3A_954 : vector<1x32xbf16> to vector<32xbf16>
      %add3A_956 = arith.addf %get3A_927, %get3A_943 : vector<32xbf16>
      %max3A_957 = arith.constant 0.000000e+00 : bf16
      %max3A_958 = vector.broadcast %max3A_957 : bf16 to vector<32xbf16>
      %max3A_959 = arith.maximumf %add3A_956, %max3A_958 : vector<32xbf16>
      %add3A_960 = arith.addf %get3A_931, %get3A_947 : vector<32xbf16>
      %max3A_961 = arith.constant 0.000000e+00 : bf16
      %max3A_962 = vector.broadcast %max3A_961 : bf16 to vector<32xbf16>
      %max3A_963 = arith.maximumf %add3A_960, %max3A_962 : vector<32xbf16>
      %add3A_964 = arith.addf %get3A_935, %get3A_951 : vector<32xbf16>
      %max3A_965 = arith.constant 0.000000e+00 : bf16
      %max3A_966 = vector.broadcast %max3A_965 : bf16 to vector<32xbf16>
      %max3A_967 = arith.maximumf %add3A_964, %max3A_966 : vector<32xbf16>
      %add3A_968 = arith.addf %get3A_939, %get3A_955 : vector<32xbf16>
      %max3A_969 = arith.constant 0.000000e+00 : bf16
      %max3A_970 = vector.broadcast %max3A_969 : bf16 to vector<32xbf16>
      %max3A_971 = arith.maximumf %add3A_968, %max3A_970 : vector<32xbf16>
      %swap3A_972 = arith.index_cast %scan3A_923 : i32 to index
      %swap3A_973 = arith.constant 0 : index
      %swap3A_974 = tpu.vector_load %arg19[%swap3A_972, %swap3A_973] {strides = array<i32>} : memref<128x128xbf16, #tpu.memory_space<vmem>>, vector<1x32xbf16>,
      %swap3A_975 = vector.shape_cast %swap3A_974 : vector<1x32xbf16> to vector<32xbf16>
      %swap3A_976 = vector.shape_cast %max3A_959 : vector<32xbf16> to vector<1x32xbf16>
      tpu.vector_store %arg19[%swap3A_972, %swap3A_973], %swap3A_976 {strides = array<i32>} : memref<128x128xbf16, #tpu.memory_space<vmem>>, vector<1x32xbf16>,
      %swap3A_977 = arith.index_cast %scan3A_923 : i32 to index
      %swap3A_978 = arith.constant 32 : index
      %swap3A_979 = tpu.vector_load %arg19[%swap3A_977, %swap3A_978] {strides = array<i32>} : memref<128x128xbf16, #tpu.memory_space<vmem>>, vector<1x32xbf16>,
      %swap3A_980 = vector.shape_cast %swap3A_979 : vector<1x32xbf16> to vector<32xbf16>
      %swap3A_981 = vector.shape_cast %max3A_963 : vector<32xbf16> to vector<1x32xbf16>
      tpu.vector_store %arg19[%swap3A_977, %swap3A_978], %swap3A_981 {strides = array<i32>} : memref<128x128xbf16, #tpu.memory_space<vmem>>, vector<1x32xbf16>,
      %swap3A_982 = arith.index_cast %scan3A_923 : i32 to index
      %swap3A_983 = arith.constant 64 : index
      %swap3A_984 = tpu.vector_load %arg19[%swap3A_982, %swap3A_983] {strides = array<i32>} : memref<128x128xbf16, #tpu.memory_space<vmem>>, vector<1x32xbf16>,
      %swap3A_985 = vector.shape_cast %swap3A_984 : vector<1x32xbf16> to vector<32xbf16>
      %swap3A_986 = vector.shape_cast %max3A_967 : vector<32xbf16> to vector<1x32xbf16>
      tpu.vector_store %arg19[%swap3A_982, %swap3A_983], %swap3A_986 {strides = array<i32>} : memref<128x128xbf16, #tpu.memory_space<vmem>>, vector<1x32xbf16>,
      %swap3A_987 = arith.index_cast %scan3A_923 : i32 to index
      %swap3A_988 = arith.constant 96 : index
      %swap3A_989 = tpu.vector_load %arg19[%swap3A_987, %swap3A_988] {strides = array<i32>} : memref<128x128xbf16, #tpu.memory_space<vmem>>, vector<1x32xbf16>,
      %swap3A_990 = vector.shape_cast %swap3A_989 : vector<1x32xbf16> to vector<32xbf16>
      %swap3A_991 = vector.shape_cast %max3A_971 : vector<32xbf16> to vector<1x32xbf16>
      tpu.vector_store %arg19[%swap3A_987, %swap3A_988], %swap3A_991 {strides = array<i32>} : memref<128x128xbf16, #tpu.memory_space<vmem>>, vector<1x32xbf16>,
      %scan3A_992 = arith.constant 3 : i32
      %scan3A_993 = arith.addi %scan3A_784, %scan3A_992 : i32
      %get3A_994 = arith.index_cast %scan3A_993 : i32 to index
      %get3A_995 = arith.constant 0 : index
      %get3A_996 = tpu.vector_load %arg15[%get3A_994, %get3A_995] {strides = array<i32>} : memref<128x128xbf16, #tpu.memory_space<vmem>>, vector<1x32xbf16>,
      %get3A_997 = vector.shape_cast %get3A_996 : vector<1x32xbf16> to vector<32xbf16>
      %get3A_998 = arith.index_cast %scan3A_993 : i32 to index
      %get3A_999 = arith.constant 32 : index
      %get3A_1000 = tpu.vector_load %arg15[%get3A_998, %get3A_999] {strides = array<i32>} : memref<128x128xbf16, #tpu.memory_space<vmem>>, vector<1x32xbf16>,
      %get3A_1001 = vector.shape_cast %get3A_1000 : vector<1x32xbf16> to vector<32xbf16>
      %get3A_1002 = arith.index_cast %scan3A_993 : i32 to index
      %get3A_1003 = arith.constant 64 : index
      %get3A_1004 = tpu.vector_load %arg15[%get3A_1002, %get3A_1003] {strides = array<i32>} : memref<128x128xbf16, #tpu.memory_space<vmem>>, vector<1x32xbf16>,
      %get3A_1005 = vector.shape_cast %get3A_1004 : vector<1x32xbf16> to vector<32xbf16>
      %get3A_1006 = arith.index_cast %scan3A_993 : i32 to index
      %get3A_1007 = arith.constant 96 : index
      %get3A_1008 = tpu.vector_load %arg15[%get3A_1006, %get3A_1007] {strides = array<i32>} : memref<128x128xbf16, #tpu.memory_space<vmem>>, vector<1x32xbf16>,
      %get3A_1009 = vector.shape_cast %get3A_1008 : vector<1x32xbf16> to vector<32xbf16>
      %get3A_1010 = arith.index_cast %scan3A_993 : i32 to index
      %get3A_1011 = arith.constant 0 : index
      %get3A_1012 = tpu.vector_load %arg17[%get3A_1010, %get3A_1011] {strides = array<i32>} : memref<128x128xbf16, #tpu.memory_space<vmem>>, vector<1x32xbf16>,
      %get3A_1013 = vector.shape_cast %get3A_1012 : vector<1x32xbf16> to vector<32xbf16>
      %get3A_1014 = arith.index_cast %scan3A_993 : i32 to index
      %get3A_1015 = arith.constant 32 : index
      %get3A_1016 = tpu.vector_load %arg17[%get3A_1014, %get3A_1015] {strides = array<i32>} : memref<128x128xbf16, #tpu.memory_space<vmem>>, vector<1x32xbf16>,
      %get3A_1017 = vector.shape_cast %get3A_1016 : vector<1x32xbf16> to vector<32xbf16>
      %get3A_1018 = arith.index_cast %scan3A_993 : i32 to index
      %get3A_1019 = arith.constant 64 : index
      %get3A_1020 = tpu.vector_load %arg17[%get3A_1018, %get3A_1019] {strides = array<i32>} : memref<128x128xbf16, #tpu.memory_space<vmem>>, vector<1x32xbf16>,
      %get3A_1021 = vector.shape_cast %get3A_1020 : vector<1x32xbf16> to vector<32xbf16>
      %get3A_1022 = arith.index_cast %scan3A_993 : i32 to index
      %get3A_1023 = arith.constant 96 : index
      %get3A_1024 = tpu.vector_load %arg17[%get3A_1022, %get3A_1023] {strides = array<i32>} : memref<128x128xbf16, #tpu.memory_space<vmem>>, vector<1x32xbf16>,
      %get3A_1025 = vector.shape_cast %get3A_1024 : vector<1x32xbf16> to vector<32xbf16>
      %add3A_1026 = arith.addf %get3A_997, %get3A_1013 : vector<32xbf16>
      %max3A_1027 = arith.constant 0.000000e+00 : bf16
      %max3A_1028 = vector.broadcast %max3A_1027 : bf16 to vector<32xbf16>
      %max3A_1029 = arith.maximumf %add3A_1026, %max3A_1028 : vector<32xbf16>
      %add3A_1030 = arith.addf %get3A_1001, %get3A_1017 : vector<32xbf16>
      %max3A_1031 = arith.constant 0.000000e+00 : bf16
      %max3A_1032 = vector.broadcast %max3A_1031 : bf16 to vector<32xbf16>
      %max3A_1033 = arith.maximumf %add3A_1030, %max3A_1032 : vector<32xbf16>
      %add3A_1034 = arith.addf %get3A_1005, %get3A_1021 : vector<32xbf16>
      %max3A_1035 = arith.constant 0.000000e+00 : bf16
      %max3A_1036 = vector.broadcast %max3A_1035 : bf16 to vector<32xbf16>
      %max3A_1037 = arith.maximumf %add3A_1034, %max3A_1036 : vector<32xbf16>
      %add3A_1038 = arith.addf %get3A_1009, %get3A_1025 : vector<32xbf16>
      %max3A_1039 = arith.constant 0.000000e+00 : bf16
      %max3A_1040 = vector.broadcast %max3A_1039 : bf16 to vector<32xbf16>
      %max3A_1041 = arith.maximumf %add3A_1038, %max3A_1040 : vector<32xbf16>
      %swap3A_1042 = arith.index_cast %scan3A_993 : i32 to index
      %swap3A_1043 = arith.constant 0 : index
      %swap3A_1044 = tpu.vector_load %arg19[%swap3A_1042, %swap3A_1043] {strides = array<i32>} : memref<128x128xbf16, #tpu.memory_space<vmem>>, vector<1x32xbf16>,
      %swap3A_1045 = vector.shape_cast %swap3A_1044 : vector<1x32xbf16> to vector<32xbf16>
      %swap3A_1046 = vector.shape_cast %max3A_1029 : vector<32xbf16> to vector<1x32xbf16>
      tpu.vector_store %arg19[%swap3A_1042, %swap3A_1043], %swap3A_1046 {strides = array<i32>} : memref<128x128xbf16, #tpu.memory_space<vmem>>, vector<1x32xbf16>,
      %swap3A_1047 = arith.index_cast %scan3A_993 : i32 to index
      %swap3A_1048 = arith.constant 32 : index
      %swap3A_1049 = tpu.vector_load %arg19[%swap3A_1047, %swap3A_1048] {strides = array<i32>} : memref<128x128xbf16, #tpu.memory_space<vmem>>, vector<1x32xbf16>,
      %swap3A_1050 = vector.shape_cast %swap3A_1049 : vector<1x32xbf16> to vector<32xbf16>
      %swap3A_1051 = vector.shape_cast %max3A_1033 : vector<32xbf16> to vector<1x32xbf16>
      tpu.vector_store %arg19[%swap3A_1047, %swap3A_1048], %swap3A_1051 {strides = array<i32>} : memref<128x128xbf16, #tpu.memory_space<vmem>>, vector<1x32xbf16>,
      %swap3A_1052 = arith.index_cast %scan3A_993 : i32 to index
      %swap3A_1053 = arith.constant 64 : index
      %swap3A_1054 = tpu.vector_load %arg19[%swap3A_1052, %swap3A_1053] {strides = array<i32>} : memref<128x128xbf16, #tpu.memory_space<vmem>>, vector<1x32xbf16>,
      %swap3A_1055 = vector.shape_cast %swap3A_1054 : vector<1x32xbf16> to vector<32xbf16>
      %swap3A_1056 = vector.shape_cast %max3A_1037 : vector<32xbf16> to vector<1x32xbf16>
      tpu.vector_store %arg19[%swap3A_1052, %swap3A_1053], %swap3A_1056 {strides = array<i32>} : memref<128x128xbf16, #tpu.memory_space<vmem>>, vector<1x32xbf16>,
      %swap3A_1057 = arith.index_cast %scan3A_993 : i32 to index
      %swap3A_1058 = arith.constant 96 : index
      %swap3A_1059 = tpu.vector_load %arg19[%swap3A_1057, %swap3A_1058] {strides = array<i32>} : memref<128x128xbf16, #tpu.memory_space<vmem>>, vector<1x32xbf16>,
      %swap3A_1060 = vector.shape_cast %swap3A_1059 : vector<1x32xbf16> to vector<32xbf16>
      %swap3A_1061 = vector.shape_cast %max3A_1041 : vector<32xbf16> to vector<1x32xbf16>
      tpu.vector_store %arg19[%swap3A_1057, %swap3A_1058], %swap3A_1061 {strides = array<i32>} : memref<128x128xbf16, #tpu.memory_space<vmem>>, vector<1x32xbf16>,
    }
    %scan3A_338 = arith.constant 128 : i32
    %get3A_339 = arith.constant 0 : index
    %get3A_340 = tpu.vector_load %arg7[%get3A_339] {strides = array<i32>} : memref<10240xi32, #tpu.memory_space<vmem>>, vector<16xi32>,
    %get3A_341 = vector.shape_cast %get3A_340 : vector<16xi32> to vector<16xi32>
    %swap3A_342 = arith.constant 0 : index
    %swap3A_343 = tpu.vector_load %arg13[%swap3A_342] {strides = array<i32>} : memref<128xi32, #tpu.memory_space<vmem>>, vector<16xi32>,
    %swap3A_344 = vector.shape_cast %swap3A_343 : vector<16xi32> to vector<16xi32>
    %swap3A_345 = vector.shape_cast %get3A_341 : vector<16xi32> to vector<16xi32>
    tpu.vector_store %arg13[%swap3A_342], %swap3A_345 {strides = array<i32>} : memref<128xi32, #tpu.memory_space<vmem>>, vector<16xi32>,
    %get3A_346 = arith.constant 16 : index
    %get3A_347 = tpu.vector_load %arg7[%get3A_346] {strides = array<i32>} : memref<10240xi32, #tpu.memory_space<vmem>>, vector<16xi32>,
    %get3A_348 = vector.shape_cast %get3A_347 : vector<16xi32> to vector<16xi32>
    %swap3A_349 = arith.constant 16 : index
    %swap3A_350 = tpu.vector_load %arg13[%swap3A_349] {strides = array<i32>} : memref<128xi32, #tpu.memory_space<vmem>>, vector<16xi32>,
    %swap3A_351 = vector.shape_cast %swap3A_350 : vector<16xi32> to vector<16xi32>
    %swap3A_352 = vector.shape_cast %get3A_348 : vector<16xi32> to vector<16xi32>
    tpu.vector_store %arg13[%swap3A_349], %swap3A_352 {strides = array<i32>} : memref<128xi32, #tpu.memory_space<vmem>>, vector<16xi32>,
    %get3A_353 = arith.constant 32 : index
    %get3A_354 = tpu.vector_load %arg7[%get3A_353] {strides = array<i32>} : memref<10240xi32, #tpu.memory_space<vmem>>, vector<16xi32>,
    %get3A_355 = vector.shape_cast %get3A_354 : vector<16xi32> to vector<16xi32>
    %swap3A_356 = arith.constant 32 : index
    %swap3A_357 = tpu.vector_load %arg13[%swap3A_356] {strides = array<i32>} : memref<128xi32, #tpu.memory_space<vmem>>, vector<16xi32>,
    %swap3A_358 = vector.shape_cast %swap3A_357 : vector<16xi32> to vector<16xi32>
    %swap3A_359 = vector.shape_cast %get3A_355 : vector<16xi32> to vector<16xi32>
    tpu.vector_store %arg13[%swap3A_356], %swap3A_359 {strides = array<i32>} : memref<128xi32, #tpu.memory_space<vmem>>, vector<16xi32>,
    %get3A_360 = arith.constant 48 : index
    %get3A_361 = tpu.vector_load %arg7[%get3A_360] {strides = array<i32>} : memref<10240xi32, #tpu.memory_space<vmem>>, vector<16xi32>,
    %get3A_362 = vector.shape_cast %get3A_361 : vector<16xi32> to vector<16xi32>
    %swap3A_363 = arith.constant 48 : index
    %swap3A_364 = tpu.vector_load %arg13[%swap3A_363] {strides = array<i32>} : memref<128xi32, #tpu.memory_space<vmem>>, vector<16xi32>,
    %swap3A_365 = vector.shape_cast %swap3A_364 : vector<16xi32> to vector<16xi32>
    %swap3A_366 = vector.shape_cast %get3A_362 : vector<16xi32> to vector<16xi32>
    tpu.vector_store %arg13[%swap3A_363], %swap3A_366 {strides = array<i32>} : memref<128xi32, #tpu.memory_space<vmem>>, vector<16xi32>,
    %get3A_367 = arith.constant 64 : index
    %get3A_368 = tpu.vector_load %arg7[%get3A_367] {strides = array<i32>} : memref<10240xi32, #tpu.memory_space<vmem>>, vector<16xi32>,
    %get3A_369 = vector.shape_cast %get3A_368 : vector<16xi32> to vector<16xi32>
    %swap3A_370 = arith.constant 64 : index
    %swap3A_371 = tpu.vector_load %arg13[%swap3A_370] {strides = array<i32>} : memref<128xi32, #tpu.memory_space<vmem>>, vector<16xi32>,
    %swap3A_372 = vector.shape_cast %swap3A_371 : vector<16xi32> to vector<16xi32>
    %swap3A_373 = vector.shape_cast %get3A_369 : vector<16xi32> to vector<16xi32>
    tpu.vector_store %arg13[%swap3A_370], %swap3A_373 {strides = array<i32>} : memref<128xi32, #tpu.memory_space<vmem>>, vector<16xi32>,
    %get3A_374 = arith.constant 80 : index
    %get3A_375 = tpu.vector_load %arg7[%get3A_374] {strides = array<i32>} : memref<10240xi32, #tpu.memory_space<vmem>>, vector<16xi32>,
    %get3A_376 = vector.shape_cast %get3A_375 : vector<16xi32> to vector<16xi32>
    %swap3A_377 = arith.constant 80 : index
    %swap3A_378 = tpu.vector_load %arg13[%swap3A_377] {strides = array<i32>} : memref<128xi32, #tpu.memory_space<vmem>>, vector<16xi32>,
    %swap3A_379 = vector.shape_cast %swap3A_378 : vector<16xi32> to vector<16xi32>
    %swap3A_380 = vector.shape_cast %get3A_376 : vector<16xi32> to vector<16xi32>
    tpu.vector_store %arg13[%swap3A_377], %swap3A_380 {strides = array<i32>} : memref<128xi32, #tpu.memory_space<vmem>>, vector<16xi32>,
    %get3A_381 = arith.constant 96 : index
    %get3A_382 = tpu.vector_load %arg7[%get3A_381] {strides = array<i32>} : memref<10240xi32, #tpu.memory_space<vmem>>, vector<16xi32>,
    %get3A_383 = vector.shape_cast %get3A_382 : vector<16xi32> to vector<16xi32>
    %swap3A_384 = arith.constant 96 : index
    %swap3A_385 = tpu.vector_load %arg13[%swap3A_384] {strides = array<i32>} : memref<128xi32, #tpu.memory_space<vmem>>, vector<16xi32>,
    %swap3A_386 = vector.shape_cast %swap3A_385 : vector<16xi32> to vector<16xi32>
    %swap3A_387 = vector.shape_cast %get3A_383 : vector<16xi32> to vector<16xi32>
    tpu.vector_store %arg13[%swap3A_384], %swap3A_387 {strides = array<i32>} : memref<128xi32, #tpu.memory_space<vmem>>, vector<16xi32>,
    %get3A_388 = arith.constant 112 : index
    %get3A_389 = tpu.vector_load %arg7[%get3A_388] {strides = array<i32>} : memref<10240xi32, #tpu.memory_space<vmem>>, vector<16xi32>,
    %get3A_390 = vector.shape_cast %get3A_389 : vector<16xi32> to vector<16xi32>
    %swap3A_391 = arith.constant 112 : index
    %swap3A_392 = tpu.vector_load %arg13[%swap3A_391] {strides = array<i32>} : memref<128xi32, #tpu.memory_space<vmem>>, vector<16xi32>,
    %swap3A_393 = vector.shape_cast %swap3A_392 : vector<16xi32> to vector<16xi32>
    %swap3A_394 = vector.shape_cast %get3A_390 : vector<16xi32> to vector<16xi32>
    tpu.vector_store %arg13[%swap3A_391], %swap3A_394 {strides = array<i32>} : memref<128xi32, #tpu.memory_space<vmem>>, vector<16xi32>,
    %dma_start3A_395 = arith.constant 0 : i32
    %dma_start3A_396 = arith.constant 0 : i32
    %dma_start3A_397 = tpu.memref_slice %arg6[%dma_start3A_395, %dma_start3A_396] : memref<10112x128xbf16, #tpu.memory_space<vmem_shared>> -> memref<10112x128xbf16, #tpu.memory_space<vmem_shared>>
    tpu.enqueue_indirect_dma source(%arg19 : memref<128x128xbf16, #tpu.memory_space<vmem>>) target(%dma_start3A_397 : memref<10112x128xbf16, #tpu.memory_space<vmem_shared>>) offsets(%arg13 : memref<128xi32, #tpu.memory_space<vmem>>) semaphore(%arg25 : memref<!tpu.dma_semaphore, #tpu.memory_space<semaphore_mem>>) {add = true}
    %get3A_398 = arith.constant 256 : index
    %get3A_399 = tpu.vector_load %arg7[%get3A_398] {strides = array<i32>} : memref<10240xi32, #tpu.memory_space<vmem>>, vector<16xi32>,
    %get3A_400 = vector.shape_cast %get3A_399 : vector<16xi32> to vector<16xi32>
    %add3A_401 = vector.broadcast %mul3A_4 : i32 to vector<16xi32>
    %add3A_402 = arith.addi %get3A_400, %add3A_401 : vector<16xi32>
    %swap3A_403 = arith.constant 0 : index
    %swap3A_404 = tpu.vector_load %arg9[%swap3A_403] {strides = array<i32>} : memref<128xi32, #tpu.memory_space<vmem>>, vector<16xi32>,
    %swap3A_405 = vector.shape_cast %swap3A_404 : vector<16xi32> to vector<16xi32>
    %swap3A_406 = vector.shape_cast %add3A_402 : vector<16xi32> to vector<16xi32>
    tpu.vector_store %arg9[%swap3A_403], %swap3A_406 {strides = array<i32>} : memref<128xi32, #tpu.memory_space<vmem>>, vector<16xi32>,
    %get3A_407 = arith.constant 256 : index
    %get3A_408 = tpu.vector_load %arg8[%get3A_407] {strides = array<i32>} : memref<10240xi32, #tpu.memory_space<vmem>>, vector<16xi32>,
    %get3A_409 = vector.shape_cast %get3A_408 : vector<16xi32> to vector<16xi32>
    %add3A_410 = vector.broadcast %add3A_7 : i32 to vector<16xi32>
    %add3A_411 = arith.addi %get3A_409, %add3A_410 : vector<16xi32>
    %swap3A_412 = arith.constant 0 : index
    %swap3A_413 = tpu.vector_load %arg11[%swap3A_412] {strides = array<i32>} : memref<128xi32, #tpu.memory_space<vmem>>, vector<16xi32>,
    %swap3A_414 = vector.shape_cast %swap3A_413 : vector<16xi32> to vector<16xi32>
    %swap3A_415 = vector.shape_cast %add3A_411 : vector<16xi32> to vector<16xi32>
    tpu.vector_store %arg11[%swap3A_412], %swap3A_415 {strides = array<i32>} : memref<128xi32, #tpu.memory_space<vmem>>, vector<16xi32>,
    %get3A_416 = arith.constant 272 : index
    %get3A_417 = tpu.vector_load %arg7[%get3A_416] {strides = array<i32>} : memref<10240xi32, #tpu.memory_space<vmem>>, vector<16xi32>,
    %get3A_418 = vector.shape_cast %get3A_417 : vector<16xi32> to vector<16xi32>
    %add3A_419 = vector.broadcast %mul3A_4 : i32 to vector<16xi32>
    %add3A_420 = arith.addi %get3A_418, %add3A_419 : vector<16xi32>
    %swap3A_421 = arith.constant 16 : index
    %swap3A_422 = tpu.vector_load %arg9[%swap3A_421] {strides = array<i32>} : memref<128xi32, #tpu.memory_space<vmem>>, vector<16xi32>,
    %swap3A_423 = vector.shape_cast %swap3A_422 : vector<16xi32> to vector<16xi32>
    %swap3A_424 = vector.shape_cast %add3A_420 : vector<16xi32> to vector<16xi32>
    tpu.vector_store %arg9[%swap3A_421], %swap3A_424 {strides = array<i32>} : memref<128xi32, #tpu.memory_space<vmem>>, vector<16xi32>,
    %get3A_425 = arith.constant 272 : index
    %get3A_426 = tpu.vector_load %arg8[%get3A_425] {strides = array<i32>} : memref<10240xi32, #tpu.memory_space<vmem>>, vector<16xi32>,
    %get3A_427 = vector.shape_cast %get3A_426 : vector<16xi32> to vector<16xi32>
    %add3A_428 = vector.broadcast %add3A_7 : i32 to vector<16xi32>
    %add3A_429 = arith.addi %get3A_427, %add3A_428 : vector<16xi32>
    %swap3A_430 = arith.constant 16 : index
    %swap3A_431 = tpu.vector_load %arg11[%swap3A_430] {strides = array<i32>} : memref<128xi32, #tpu.memory_space<vmem>>, vector<16xi32>,
    %swap3A_432 = vector.shape_cast %swap3A_431 : vector<16xi32> to vector<16xi32>
    %swap3A_433 = vector.shape_cast %add3A_429 : vector<16xi32> to vector<16xi32>
    tpu.vector_store %arg11[%swap3A_430], %swap3A_433 {strides = array<i32>} : memref<128xi32, #tpu.memory_space<vmem>>, vector<16xi32>,
    %get3A_434 = arith.constant 288 : index
    %get3A_435 = tpu.vector_load %arg7[%get3A_434] {strides = array<i32>} : memref<10240xi32, #tpu.memory_space<vmem>>, vector<16xi32>,
    %get3A_436 = vector.shape_cast %get3A_435 : vector<16xi32> to vector<16xi32>
    %add3A_437 = vector.broadcast %mul3A_4 : i32 to vector<16xi32>
    %add3A_438 = arith.addi %get3A_436, %add3A_437 : vector<16xi32>
    %swap3A_439 = arith.constant 32 : index
    %swap3A_440 = tpu.vector_load %arg9[%swap3A_439] {strides = array<i32>} : memref<128xi32, #tpu.memory_space<vmem>>, vector<16xi32>,
    %swap3A_441 = vector.shape_cast %swap3A_440 : vector<16xi32> to vector<16xi32>
    %swap3A_442 = vector.shape_cast %add3A_438 : vector<16xi32> to vector<16xi32>
    tpu.vector_store %arg9[%swap3A_439], %swap3A_442 {strides = array<i32>} : memref<128xi32, #tpu.memory_space<vmem>>, vector<16xi32>,
    %get3A_443 = arith.constant 288 : index
    %get3A_444 = tpu.vector_load %arg8[%get3A_443] {strides = array<i32>} : memref<10240xi32, #tpu.memory_space<vmem>>, vector<16xi32>,
    %get3A_445 = vector.shape_cast %get3A_444 : vector<16xi32> to vector<16xi32>
    %add3A_446 = vector.broadcast %add3A_7 : i32 to vector<16xi32>
    %add3A_447 = arith.addi %get3A_445, %add3A_446 : vector<16xi32>
    %swap3A_448 = arith.constant 32 : index
    %swap3A_449 = tpu.vector_load %arg11[%swap3A_448] {strides = array<i32>} : memref<128xi32, #tpu.memory_space<vmem>>, vector<16xi32>,
    %swap3A_450 = vector.shape_cast %swap3A_449 : vector<16xi32> to vector<16xi32>
    %swap3A_451 = vector.shape_cast %add3A_447 : vector<16xi32> to vector<16xi32>
    tpu.vector_store %arg11[%swap3A_448], %swap3A_451 {strides = array<i32>} : memref<128xi32, #tpu.memory_space<vmem>>, vector<16xi32>,
    %get3A_452 = arith.constant 304 : index
    %get3A_453 = tpu.vector_load %arg7[%get3A_452] {strides = array<i32>} : memref<10240xi32, #tpu.memory_space<vmem>>, vector<16xi32>,
    %get3A_454 = vector.shape_cast %get3A_453 : vector<16xi32> to vector<16xi32>
    %add3A_455 = vector.broadcast %mul3A_4 : i32 to vector<16xi32>
    %add3A_456 = arith.addi %get3A_454, %add3A_455 : vector<16xi32>
    %swap3A_457 = arith.constant 48 : index
    %swap3A_458 = tpu.vector_load %arg9[%swap3A_457] {strides = array<i32>} : memref<128xi32, #tpu.memory_space<vmem>>, vector<16xi32>,
    %swap3A_459 = vector.shape_cast %swap3A_458 : vector<16xi32> to vector<16xi32>
    %swap3A_460 = vector.shape_cast %add3A_456 : vector<16xi32> to vector<16xi32>
    tpu.vector_store %arg9[%swap3A_457], %swap3A_460 {strides = array<i32>} : memref<128xi32, #tpu.memory_space<vmem>>, vector<16xi32>,
    %get3A_461 = arith.constant 304 : index
    %get3A_462 = tpu.vector_load %arg8[%get3A_461] {strides = array<i32>} : memref<10240xi32, #tpu.memory_space<vmem>>, vector<16xi32>,
    %get3A_463 = vector.shape_cast %get3A_462 : vector<16xi32> to vector<16xi32>
    %add3A_464 = vector.broadcast %add3A_7 : i32 to vector<16xi32>
    %add3A_465 = arith.addi %get3A_463, %add3A_464 : vector<16xi32>
    %swap3A_466 = arith.constant 48 : index
    %swap3A_467 = tpu.vector_load %arg11[%swap3A_466] {strides = array<i32>} : memref<128xi32, #tpu.memory_space<vmem>>, vector<16xi32>,
    %swap3A_468 = vector.shape_cast %swap3A_467 : vector<16xi32> to vector<16xi32>
    %swap3A_469 = vector.shape_cast %add3A_465 : vector<16xi32> to vector<16xi32>
    tpu.vector_store %arg11[%swap3A_466], %swap3A_469 {strides = array<i32>} : memref<128xi32, #tpu.memory_space<vmem>>, vector<16xi32>,
    %get3A_470 = arith.constant 320 : index
    %get3A_471 = tpu.vector_load %arg7[%get3A_470] {strides = array<i32>} : memref<10240xi32, #tpu.memory_space<vmem>>, vector<16xi32>,
    %get3A_472 = vector.shape_cast %get3A_471 : vector<16xi32> to vector<16xi32>
    %add3A_473 = vector.broadcast %mul3A_4 : i32 to vector<16xi32>
    %add3A_474 = arith.addi %get3A_472, %add3A_473 : vector<16xi32>
    %swap3A_475 = arith.constant 64 : index
    %swap3A_476 = tpu.vector_load %arg9[%swap3A_475] {strides = array<i32>} : memref<128xi32, #tpu.memory_space<vmem>>, vector<16xi32>,
    %swap3A_477 = vector.shape_cast %swap3A_476 : vector<16xi32> to vector<16xi32>
    %swap3A_478 = vector.shape_cast %add3A_474 : vector<16xi32> to vector<16xi32>
    tpu.vector_store %arg9[%swap3A_475], %swap3A_478 {strides = array<i32>} : memref<128xi32, #tpu.memory_space<vmem>>, vector<16xi32>,
    %get3A_479 = arith.constant 320 : index
    %get3A_480 = tpu.vector_load %arg8[%get3A_479] {strides = array<i32>} : memref<10240xi32, #tpu.memory_space<vmem>>, vector<16xi32>,
    %get3A_481 = vector.shape_cast %get3A_480 : vector<16xi32> to vector<16xi32>
    %add3A_482 = vector.broadcast %add3A_7 : i32 to vector<16xi32>
    %add3A_483 = arith.addi %get3A_481, %add3A_482 : vector<16xi32>
    %swap3A_484 = arith.constant 64 : index
    %swap3A_485 = tpu.vector_load %arg11[%swap3A_484] {strides = array<i32>} : memref<128xi32, #tpu.memory_space<vmem>>, vector<16xi32>,
    %swap3A_486 = vector.shape_cast %swap3A_485 : vector<16xi32> to vector<16xi32>
    %swap3A_487 = vector.shape_cast %add3A_483 : vector<16xi32> to vector<16xi32>
    tpu.vector_store %arg11[%swap3A_484], %swap3A_487 {strides = array<i32>} : memref<128xi32, #tpu.memory_space<vmem>>, vector<16xi32>,
    %get3A_488 = arith.constant 336 : index
    %get3A_489 = tpu.vector_load %arg7[%get3A_488] {strides = array<i32>} : memref<10240xi32, #tpu.memory_space<vmem>>, vector<16xi32>,
    %get3A_490 = vector.shape_cast %get3A_489 : vector<16xi32> to vector<16xi32>
    %add3A_491 = vector.broadcast %mul3A_4 : i32 to vector<16xi32>
    %add3A_492 = arith.addi %get3A_490, %add3A_491 : vector<16xi32>
    %swap3A_493 = arith.constant 80 : index
    %swap3A_494 = tpu.vector_load %arg9[%swap3A_493] {strides = array<i32>} : memref<128xi32, #tpu.memory_space<vmem>>, vector<16xi32>,
    %swap3A_495 = vector.shape_cast %swap3A_494 : vector<16xi32> to vector<16xi32>
    %swap3A_496 = vector.shape_cast %add3A_492 : vector<16xi32> to vector<16xi32>
    tpu.vector_store %arg9[%swap3A_493], %swap3A_496 {strides = array<i32>} : memref<128xi32, #tpu.memory_space<vmem>>, vector<16xi32>,
    %get3A_497 = arith.constant 336 : index
    %get3A_498 = tpu.vector_load %arg8[%get3A_497] {strides = array<i32>} : memref<10240xi32, #tpu.memory_space<vmem>>, vector<16xi32>,
    %get3A_499 = vector.shape_cast %get3A_498 : vector<16xi32> to vector<16xi32>
    %add3A_500 = vector.broadcast %add3A_7 : i32 to vector<16xi32>
    %add3A_501 = arith.addi %get3A_499, %add3A_500 : vector<16xi32>
    %swap3A_502 = arith.constant 80 : index
    %swap3A_503 = tpu.vector_load %arg11[%swap3A_502] {strides = array<i32>} : memref<128xi32, #tpu.memory_space<vmem>>, vector<16xi32>,
    %swap3A_504 = vector.shape_cast %swap3A_503 : vector<16xi32> to vector<16xi32>
    %swap3A_505 = vector.shape_cast %add3A_501 : vector<16xi32> to vector<16xi32>
    tpu.vector_store %arg11[%swap3A_502], %swap3A_505 {strides = array<i32>} : memref<128xi32, #tpu.memory_space<vmem>>, vector<16xi32>,
    %get3A_506 = arith.constant 352 : index
    %get3A_507 = tpu.vector_load %arg7[%get3A_506] {strides = array<i32>} : memref<10240xi32, #tpu.memory_space<vmem>>, vector<16xi32>,
    %get3A_508 = vector.shape_cast %get3A_507 : vector<16xi32> to vector<16xi32>
    %add3A_509 = vector.broadcast %mul3A_4 : i32 to vector<16xi32>
    %add3A_510 = arith.addi %get3A_508, %add3A_509 : vector<16xi32>
    %swap3A_511 = arith.constant 96 : index
    %swap3A_512 = tpu.vector_load %arg9[%swap3A_511] {strides = array<i32>} : memref<128xi32, #tpu.memory_space<vmem>>, vector<16xi32>,
    %swap3A_513 = vector.shape_cast %swap3A_512 : vector<16xi32> to vector<16xi32>
    %swap3A_514 = vector.shape_cast %add3A_510 : vector<16xi32> to vector<16xi32>
    tpu.vector_store %arg9[%swap3A_511], %swap3A_514 {strides = array<i32>} : memref<128xi32, #tpu.memory_space<vmem>>, vector<16xi32>,
    %get3A_515 = arith.constant 352 : index
    %get3A_516 = tpu.vector_load %arg8[%get3A_515] {strides = array<i32>} : memref<10240xi32, #tpu.memory_space<vmem>>, vector<16xi32>,
    %get3A_517 = vector.shape_cast %get3A_516 : vector<16xi32> to vector<16xi32>
    %add3A_518 = vector.broadcast %add3A_7 : i32 to vector<16xi32>
    %add3A_519 = arith.addi %get3A_517, %add3A_518 : vector<16xi32>
    %swap3A_520 = arith.constant 96 : index
    %swap3A_521 = tpu.vector_load %arg11[%swap3A_520] {strides = array<i32>} : memref<128xi32, #tpu.memory_space<vmem>>, vector<16xi32>,
    %swap3A_522 = vector.shape_cast %swap3A_521 : vector<16xi32> to vector<16xi32>
    %swap3A_523 = vector.shape_cast %add3A_519 : vector<16xi32> to vector<16xi32>
    tpu.vector_store %arg11[%swap3A_520], %swap3A_523 {strides = array<i32>} : memref<128xi32, #tpu.memory_space<vmem>>, vector<16xi32>,
    %get3A_524 = arith.constant 368 : index
    %get3A_525 = tpu.vector_load %arg7[%get3A_524] {strides = array<i32>} : memref<10240xi32, #tpu.memory_space<vmem>>, vector<16xi32>,
    %get3A_526 = vector.shape_cast %get3A_525 : vector<16xi32> to vector<16xi32>
    %add3A_527 = vector.broadcast %mul3A_4 : i32 to vector<16xi32>
    %add3A_528 = arith.addi %get3A_526, %add3A_527 : vector<16xi32>
    %swap3A_529 = arith.constant 112 : index
    %swap3A_530 = tpu.vector_load %arg9[%swap3A_529] {strides = array<i32>} : memref<128xi32, #tpu.memory_space<vmem>>, vector<16xi32>,
    %swap3A_531 = vector.shape_cast %swap3A_530 : vector<16xi32> to vector<16xi32>
    %swap3A_532 = vector.shape_cast %add3A_528 : vector<16xi32> to vector<16xi32>
    tpu.vector_store %arg9[%swap3A_529], %swap3A_532 {strides = array<i32>} : memref<128xi32, #tpu.memory_space<vmem>>, vector<16xi32>,
    %get3A_533 = arith.constant 368 : index
    %get3A_534 = tpu.vector_load %arg8[%get3A_533] {strides = array<i32>} : memref<10240xi32, #tpu.memory_space<vmem>>, vector<16xi32>,
    %get3A_535 = vector.shape_cast %get3A_534 : vector<16xi32> to vector<16xi32>
    %add3A_536 = vector.broadcast %add3A_7 : i32 to vector<16xi32>
    %add3A_537 = arith.addi %get3A_535, %add3A_536 : vector<16xi32>
    %swap3A_538 = arith.constant 112 : index
    %swap3A_539 = tpu.vector_load %arg11[%swap3A_538] {strides = array<i32>} : memref<128xi32, #tpu.memory_space<vmem>>, vector<16xi32>,
    %swap3A_540 = vector.shape_cast %swap3A_539 : vector<16xi32> to vector<16xi32>
    %swap3A_541 = vector.shape_cast %add3A_537 : vector<16xi32> to vector<16xi32>
    tpu.vector_store %arg11[%swap3A_538], %swap3A_541 {strides = array<i32>} : memref<128xi32, #tpu.memory_space<vmem>>, vector<16xi32>,
    %dma_start3A_542 = arith.constant 0 : i32
    %dma_start3A_543 = arith.constant 0 : i32
    %dma_start3A_544 = tpu.memref_slice %arg2[%dma_start3A_542, %dma_start3A_543] : memref<40960x128xbf16, #tpu.memory_space<hbm>> -> memref<40960x128xbf16, #tpu.memory_space<hbm>>
    tpu.enqueue_indirect_dma source(%dma_start3A_544 : memref<40960x128xbf16, #tpu.memory_space<hbm>>) target(%arg15 : memref<128x128xbf16, #tpu.memory_space<vmem>>) offsets(%arg9 : memref<128xi32, #tpu.memory_space<vmem>>) semaphore(%arg21 : memref<!tpu.dma_semaphore, #tpu.memory_space<semaphore_mem>>)
    %dma_start3A_545 = arith.constant 0 : i32
    %dma_start3A_546 = arith.constant 0 : i32
    %dma_start3A_547 = tpu.memref_slice %arg2[%dma_start3A_545, %dma_start3A_546] : memref<40960x128xbf16, #tpu.memory_space<hbm>> -> memref<40960x128xbf16, #tpu.memory_space<hbm>>
    tpu.enqueue_indirect_dma source(%dma_start3A_547 : memref<40960x128xbf16, #tpu.memory_space<hbm>>) target(%arg17 : memref<128x128xbf16, #tpu.memory_space<vmem>>) offsets(%arg11 : memref<128xi32, #tpu.memory_space<vmem>>) semaphore(%arg23 : memref<!tpu.dma_semaphore, #tpu.memory_space<semaphore_mem>>)
    %dma_wait3A_548 = arith.constant 0 : i32
    %dma_wait3A_549 = arith.constant 0 : i32
    %dma_wait3A_550 = tpu.memref_slice %arg2[%dma_wait3A_548, %dma_wait3A_549] : memref<40960x128xbf16, #tpu.memory_space<hbm>> -> memref<40960x128xbf16, #tpu.memory_space<hbm>>
    tpu.wait_indirect_dma semaphore(%arg22 : memref<!tpu.dma_semaphore, #tpu.memory_space<semaphore_mem>>) src(%dma_wait3A_550 : memref<40960x128xbf16, #tpu.memory_space<hbm>>) dst(%arg16 : memref<128x128xbf16, #tpu.memory_space<vmem>>)
    %dma_wait3A_551 = arith.constant 0 : i32
    %dma_wait3A_552 = arith.constant 0 : i32
    %dma_wait3A_553 = tpu.memref_slice %arg2[%dma_wait3A_551, %dma_wait3A_552] : memref<40960x128xbf16, #tpu.memory_space<hbm>> -> memref<40960x128xbf16, #tpu.memory_space<hbm>>
    tpu.wait_indirect_dma semaphore(%arg24 : memref<!tpu.dma_semaphore, #tpu.memory_space<semaphore_mem>>) src(%dma_wait3A_553 : memref<40960x128xbf16, #tpu.memory_space<hbm>>) dst(%arg18 : memref<128x128xbf16, #tpu.memory_space<vmem>>)
    %scan3A_554 = arith.constant 0 : i32
    %scan3A_555 = arith.constant 128 : i32
    %scan3A_556 = arith.addi %scan3A_554, %scan3A_555 : i32
    %scan3A_557 = arith.constant 4 : i32
    scf.for %scan3A_784 = %scan3A_554 to %scan3A_556 step %scan3A_557  : i32 {
      %get3A_785 = arith.index_cast %scan3A_784 : i32 to index
      %get3A_786 = arith.constant 0 : index
      %get3A_787 = tpu.vector_load %arg16[%get3A_785, %get3A_786] {strides = array<i32>} : memref<128x128xbf16, #tpu.memory_space<vmem>>, vector<1x32xbf16>,
      %get3A_788 = vector.shape_cast %get3A_787 : vector<1x32xbf16> to vector<32xbf16>
      %get3A_789 = arith.index_cast %scan3A_784 : i32 to index
      %get3A_790 = arith.constant 32 : index
      %get3A_791 = tpu.vector_load %arg16[%get3A_789, %get3A_790] {strides = array<i32>} : memref<128x128xbf16, #tpu.memory_space<vmem>>, vector<1x32xbf16>,
      %get3A_792 = vector.shape_cast %get3A_791 : vector<1x32xbf16> to vector<32xbf16>
      %get3A_793 = arith.index_cast %scan3A_784 : i32 to index
      %get3A_794 = arith.constant 64 : index
      %get3A_795 = tpu.vector_load %arg16[%get3A_793, %get3A_794] {strides = array<i32>} : memref<128x128xbf16, #tpu.memory_space<vmem>>, vector<1x32xbf16>,
      %get3A_796 = vector.shape_cast %get3A_795 : vector<1x32xbf16> to vector<32xbf16>
      %get3A_797 = arith.index_cast %scan3A_784 : i32 to index
      %get3A_798 = arith.constant 96 : index
      %get3A_799 = tpu.vector_load %arg16[%get3A_797, %get3A_798] {strides = array<i32>} : memref<128x128xbf16, #tpu.memory_space<vmem>>, vector<1x32xbf16>,
      %get3A_800 = vector.shape_cast %get3A_799 : vector<1x32xbf16> to vector<32xbf16>
      %get3A_801 = arith.index_cast %scan3A_784 : i32 to index
      %get3A_802 = arith.constant 0 : index
      %get3A_803 = tpu.vector_load %arg18[%get3A_801, %get3A_802] {strides = array<i32>} : memref<128x128xbf16, #tpu.memory_space<vmem>>, vector<1x32xbf16>,
      %get3A_804 = vector.shape_cast %get3A_803 : vector<1x32xbf16> to vector<32xbf16>
      %get3A_805 = arith.index_cast %scan3A_784 : i32 to index
      %get3A_806 = arith.constant 32 : index
      %get3A_807 = tpu.vector_load %arg18[%get3A_805, %get3A_806] {strides = array<i32>} : memref<128x128xbf16, #tpu.memory_space<vmem>>, vector<1x32xbf16>,
      %get3A_808 = vector.shape_cast %get3A_807 : vector<1x32xbf16> to vector<32xbf16>
      %get3A_809 = arith.index_cast %scan3A_784 : i32 to index
      %get3A_810 = arith.constant 64 : index
      %get3A_811 = tpu.vector_load %arg18[%get3A_809, %get3A_810] {strides = array<i32>} : memref<128x128xbf16, #tpu.memory_space<vmem>>, vector<1x32xbf16>,
      %get3A_812 = vector.shape_cast %get3A_811 : vector<1x32xbf16> to vector<32xbf16>
      %get3A_813 = arith.index_cast %scan3A_784 : i32 to index
      %get3A_814 = arith.constant 96 : index
      %get3A_815 = tpu.vector_load %arg18[%get3A_813, %get3A_814] {strides = array<i32>} : memref<128x128xbf16, #tpu.memory_space<vmem>>, vector<1x32xbf16>,
      %get3A_816 = vector.shape_cast %get3A_815 : vector<1x32xbf16> to vector<32xbf16>
      %add3A_817 = arith.addf %get3A_788, %get3A_804 : vector<32xbf16>
      %max3A = arith.constant 0.000000e+00 : bf16
      %max3A_818 = vector.broadcast %max3A : bf16 to vector<32xbf16>
      %max3A_819 = arith.maximumf %add3A_817, %max3A_818 : vector<32xbf16>
      %add3A_820 = arith.addf %get3A_792, %get3A_808 : vector<32xbf16>
      %max3A_821 = arith.constant 0.000000e+00 : bf16
      %max3A_822 = vector.broadcast %max3A_821 : bf16 to vector<32xbf16>
      %max3A_823 = arith.maximumf %add3A_820, %max3A_822 : vector<32xbf16>
      %add3A_824 = arith.addf %get3A_796, %get3A_812 : vector<32xbf16>
      %max3A_825 = arith.constant 0.000000e+00 : bf16
      %max3A_826 = vector.broadcast %max3A_825 : bf16 to vector<32xbf16>
      %max3A_827 = arith.maximumf %add3A_824, %max3A_826 : vector<32xbf16>
      %add3A_828 = arith.addf %get3A_800, %get3A_816 : vector<32xbf16>
      %max3A_829 = arith.constant 0.000000e+00 : bf16
      %max3A_830 = vector.broadcast %max3A_829 : bf16 to vector<32xbf16>
      %max3A_831 = arith.maximumf %add3A_828, %max3A_830 : vector<32xbf16>
      %swap3A_832 = arith.index_cast %scan3A_784 : i32 to index
      %swap3A_833 = arith.constant 0 : index
      %swap3A_834 = tpu.vector_load %arg20[%swap3A_832, %swap3A_833] {strides = array<i32>} : memref<128x128xbf16, #tpu.memory_space<vmem>>, vector<1x32xbf16>,
      %swap3A_835 = vector.shape_cast %swap3A_834 : vector<1x32xbf16> to vector<32xbf16>
      %swap3A_836 = vector.shape_cast %max3A_819 : vector<32xbf16> to vector<1x32xbf16>
      tpu.vector_store %arg20[%swap3A_832, %swap3A_833], %swap3A_836 {strides = array<i32>} : memref<128x128xbf16, #tpu.memory_space<vmem>>, vector<1x32xbf16>,
      %swap3A_837 = arith.index_cast %scan3A_784 : i32 to index
      %swap3A_838 = arith.constant 32 : index
      %swap3A_839 = tpu.vector_load %arg20[%swap3A_837, %swap3A_838] {strides = array<i32>} : memref<128x128xbf16, #tpu.memory_space<vmem>>, vector<1x32xbf16>,
      %swap3A_840 = vector.shape_cast %swap3A_839 : vector<1x32xbf16> to vector<32xbf16>
      %swap3A_841 = vector.shape_cast %max3A_823 : vector<32xbf16> to vector<1x32xbf16>
      tpu.vector_store %arg20[%swap3A_837, %swap3A_838], %swap3A_841 {strides = array<i32>} : memref<128x128xbf16, #tpu.memory_space<vmem>>, vector<1x32xbf16>,
      %swap3A_842 = arith.index_cast %scan3A_784 : i32 to index
      %swap3A_843 = arith.constant 64 : index
      %swap3A_844 = tpu.vector_load %arg20[%swap3A_842, %swap3A_843] {strides = array<i32>} : memref<128x128xbf16, #tpu.memory_space<vmem>>, vector<1x32xbf16>,
      %swap3A_845 = vector.shape_cast %swap3A_844 : vector<1x32xbf16> to vector<32xbf16>
      %swap3A_846 = vector.shape_cast %max3A_827 : vector<32xbf16> to vector<1x32xbf16>
      tpu.vector_store %arg20[%swap3A_842, %swap3A_843], %swap3A_846 {strides = array<i32>} : memref<128x128xbf16, #tpu.memory_space<vmem>>, vector<1x32xbf16>,
      %swap3A_847 = arith.index_cast %scan3A_784 : i32 to index
      %swap3A_848 = arith.constant 96 : index
      %swap3A_849 = tpu.vector_load %arg20[%swap3A_847, %swap3A_848] {strides = array<i32>} : memref<128x128xbf16, #tpu.memory_space<vmem>>, vector<1x32xbf16>,
      %swap3A_850 = vector.shape_cast %swap3A_849 : vector<1x32xbf16> to vector<32xbf16>
      %swap3A_851 = vector.shape_cast %max3A_831 : vector<32xbf16> to vector<1x32xbf16>
      tpu.vector_store %arg20[%swap3A_847, %swap3A_848], %swap3A_851 {strides = array<i32>} : memref<128x128xbf16, #tpu.memory_space<vmem>>, vector<1x32xbf16>,
      %scan3A_852 = arith.constant 1 : i32
      %scan3A_853 = arith.addi %scan3A_784, %scan3A_852 : i32
      %get3A_854 = arith.index_cast %scan3A_853 : i32 to index
      %get3A_855 = arith.constant 0 : index
      %get3A_856 = tpu.vector_load %arg16[%get3A_854, %get3A_855] {strides = array<i32>} : memref<128x128xbf16, #tpu.memory_space<vmem>>, vector<1x32xbf16>,
      %get3A_857 = vector.shape_cast %get3A_856 : vector<1x32xbf16> to vector<32xbf16>
      %get3A_858 = arith.index_cast %scan3A_853 : i32 to index
      %get3A_859 = arith.constant 32 : index
      %get3A_860 = tpu.vector_load %arg16[%get3A_858, %get3A_859] {strides = array<i32>} : memref<128x128xbf16, #tpu.memory_space<vmem>>, vector<1x32xbf16>,
      %get3A_861 = vector.shape_cast %get3A_860 : vector<1x32xbf16> to vector<32xbf16>
      %get3A_862 = arith.index_cast %scan3A_853 : i32 to index
      %get3A_863 = arith.constant 64 : index
      %get3A_864 = tpu.vector_load %arg16[%get3A_862, %get3A_863] {strides = array<i32>} : memref<128x128xbf16, #tpu.memory_space<vmem>>, vector<1x32xbf16>,
      %get3A_865 = vector.shape_cast %get3A_864 : vector<1x32xbf16> to vector<32xbf16>
      %get3A_866 = arith.index_cast %scan3A_853 : i32 to index
      %get3A_867 = arith.constant 96 : index
      %get3A_868 = tpu.vector_load %arg16[%get3A_866, %get3A_867] {strides = array<i32>} : memref<128x128xbf16, #tpu.memory_space<vmem>>, vector<1x32xbf16>,
      %get3A_869 = vector.shape_cast %get3A_868 : vector<1x32xbf16> to vector<32xbf16>
      %get3A_870 = arith.index_cast %scan3A_853 : i32 to index
      %get3A_871 = arith.constant 0 : index
      %get3A_872 = tpu.vector_load %arg18[%get3A_870, %get3A_871] {strides = array<i32>} : memref<128x128xbf16, #tpu.memory_space<vmem>>, vector<1x32xbf16>,
      %get3A_873 = vector.shape_cast %get3A_872 : vector<1x32xbf16> to vector<32xbf16>
      %get3A_874 = arith.index_cast %scan3A_853 : i32 to index
      %get3A_875 = arith.constant 32 : index
      %get3A_876 = tpu.vector_load %arg18[%get3A_874, %get3A_875] {strides = array<i32>} : memref<128x128xbf16, #tpu.memory_space<vmem>>, vector<1x32xbf16>,
      %get3A_877 = vector.shape_cast %get3A_876 : vector<1x32xbf16> to vector<32xbf16>
      %get3A_878 = arith.index_cast %scan3A_853 : i32 to index
      %get3A_879 = arith.constant 64 : index
      %get3A_880 = tpu.vector_load %arg18[%get3A_878, %get3A_879] {strides = array<i32>} : memref<128x128xbf16, #tpu.memory_space<vmem>>, vector<1x32xbf16>,
      %get3A_881 = vector.shape_cast %get3A_880 : vector<1x32xbf16> to vector<32xbf16>
      %get3A_882 = arith.index_cast %scan3A_853 : i32 to index
      %get3A_883 = arith.constant 96 : index
      %get3A_884 = tpu.vector_load %arg18[%get3A_882, %get3A_883] {strides = array<i32>} : memref<128x128xbf16, #tpu.memory_space<vmem>>, vector<1x32xbf16>,
      %get3A_885 = vector.shape_cast %get3A_884 : vector<1x32xbf16> to vector<32xbf16>
      %add3A_886 = arith.addf %get3A_857, %get3A_873 : vector<32xbf16>
      %max3A_887 = arith.constant 0.000000e+00 : bf16
      %max3A_888 = vector.broadcast %max3A_887 : bf16 to vector<32xbf16>
      %max3A_889 = arith.maximumf %add3A_886, %max3A_888 : vector<32xbf16>
      %add3A_890 = arith.addf %get3A_861, %get3A_877 : vector<32xbf16>
      %max3A_891 = arith.constant 0.000000e+00 : bf16
      %max3A_892 = vector.broadcast %max3A_891 : bf16 to vector<32xbf16>
      %max3A_893 = arith.maximumf %add3A_890, %max3A_892 : vector<32xbf16>
      %add3A_894 = arith.addf %get3A_865, %get3A_881 : vector<32xbf16>
      %max3A_895 = arith.constant 0.000000e+00 : bf16
      %max3A_896 = vector.broadcast %max3A_895 : bf16 to vector<32xbf16>
      %max3A_897 = arith.maximumf %add3A_894, %max3A_896 : vector<32xbf16>
      %add3A_898 = arith.addf %get3A_869, %get3A_885 : vector<32xbf16>
      %max3A_899 = arith.constant 0.000000e+00 : bf16
      %max3A_900 = vector.broadcast %max3A_899 : bf16 to vector<32xbf16>
      %max3A_901 = arith.maximumf %add3A_898, %max3A_900 : vector<32xbf16>
      %swap3A_902 = arith.index_cast %scan3A_853 : i32 to index
      %swap3A_903 = arith.constant 0 : index
      %swap3A_904 = tpu.vector_load %arg20[%swap3A_902, %swap3A_903] {strides = array<i32>} : memref<128x128xbf16, #tpu.memory_space<vmem>>, vector<1x32xbf16>,
      %swap3A_905 = vector.shape_cast %swap3A_904 : vector<1x32xbf16> to vector<32xbf16>
      %swap3A_906 = vector.shape_cast %max3A_889 : vector<32xbf16> to vector<1x32xbf16>
      tpu.vector_store %arg20[%swap3A_902, %swap3A_903], %swap3A_906 {strides = array<i32>} : memref<128x128xbf16, #tpu.memory_space<vmem>>, vector<1x32xbf16>,
      %swap3A_907 = arith.index_cast %scan3A_853 : i32 to index
      %swap3A_908 = arith.constant 32 : index
      %swap3A_909 = tpu.vector_load %arg20[%swap3A_907, %swap3A_908] {strides = array<i32>} : memref<128x128xbf16, #tpu.memory_space<vmem>>, vector<1x32xbf16>,
      %swap3A_910 = vector.shape_cast %swap3A_909 : vector<1x32xbf16> to vector<32xbf16>
      %swap3A_911 = vector.shape_cast %max3A_893 : vector<32xbf16> to vector<1x32xbf16>
      tpu.vector_store %arg20[%swap3A_907, %swap3A_908], %swap3A_911 {strides = array<i32>} : memref<128x128xbf16, #tpu.memory_space<vmem>>, vector<1x32xbf16>,
      %swap3A_912 = arith.index_cast %scan3A_853 : i32 to index
      %swap3A_913 = arith.constant 64 : index
      %swap3A_914 = tpu.vector_load %arg20[%swap3A_912, %swap3A_913] {strides = array<i32>} : memref<128x128xbf16, #tpu.memory_space<vmem>>, vector<1x32xbf16>,
      %swap3A_915 = vector.shape_cast %swap3A_914 : vector<1x32xbf16> to vector<32xbf16>
      %swap3A_916 = vector.shape_cast %max3A_897 : vector<32xbf16> to vector<1x32xbf16>
      tpu.vector_store %arg20[%swap3A_912, %swap3A_913], %swap3A_916 {strides = array<i32>} : memref<128x128xbf16, #tpu.memory_space<vmem>>, vector<1x32xbf16>,
      %swap3A_917 = arith.index_cast %scan3A_853 : i32 to index
      %swap3A_918 = arith.constant 96 : index
      %swap3A_919 = tpu.vector_load %arg20[%swap3A_917, %swap3A_918] {strides = array<i32>} : memref<128x128xbf16, #tpu.memory_space<vmem>>, vector<1x32xbf16>,
      %swap3A_920 = vector.shape_cast %swap3A_919 : vector<1x32xbf16> to vector<32xbf16>
      %swap3A_921 = vector.shape_cast %max3A_901 : vector<32xbf16> to vector<1x32xbf16>
      tpu.vector_store %arg20[%swap3A_917, %swap3A_918], %swap3A_921 {strides = array<i32>} : memref<128x128xbf16, #tpu.memory_space<vmem>>, vector<1x32xbf16>,
      %scan3A_922 = arith.constant 2 : i32
      %scan3A_923 = arith.addi %scan3A_784, %scan3A_922 : i32
      %get3A_924 = arith.index_cast %scan3A_923 : i32 to index
      %get3A_925 = arith.constant 0 : index
      %get3A_926 = tpu.vector_load %arg16[%get3A_924, %get3A_925] {strides = array<i32>} : memref<128x128xbf16, #tpu.memory_space<vmem>>, vector<1x32xbf16>,
      %get3A_927 = vector.shape_cast %get3A_926 : vector<1x32xbf16> to vector<32xbf16>
      %get3A_928 = arith.index_cast %scan3A_923 : i32 to index
      %get3A_929 = arith.constant 32 : index
      %get3A_930 = tpu.vector_load %arg16[%get3A_928, %get3A_929] {strides = array<i32>} : memref<128x128xbf16, #tpu.memory_space<vmem>>, vector<1x32xbf16>,
      %get3A_931 = vector.shape_cast %get3A_930 : vector<1x32xbf16> to vector<32xbf16>
      %get3A_932 = arith.index_cast %scan3A_923 : i32 to index
      %get3A_933 = arith.constant 64 : index
      %get3A_934 = tpu.vector_load %arg16[%get3A_932, %get3A_933] {strides = array<i32>} : memref<128x128xbf16, #tpu.memory_space<vmem>>, vector<1x32xbf16>,
      %get3A_935 = vector.shape_cast %get3A_934 : vector<1x32xbf16> to vector<32xbf16>
      %get3A_936 = arith.index_cast %scan3A_923 : i32 to index
      %get3A_937 = arith.constant 96 : index
      %get3A_938 = tpu.vector_load %arg16[%get3A_936, %get3A_937] {strides = array<i32>} : memref<128x128xbf16, #tpu.memory_space<vmem>>, vector<1x32xbf16>,
      %get3A_939 = vector.shape_cast %get3A_938 : vector<1x32xbf16> to vector<32xbf16>
      %get3A_940 = arith.index_cast %scan3A_923 : i32 to index
      %get3A_941 = arith.constant 0 : index
      %get3A_942 = tpu.vector_load %arg18[%get3A_940, %get3A_941] {strides = array<i32>} : memref<128x128xbf16, #tpu.memory_space<vmem>>, vector<1x32xbf16>,
      %get3A_943 = vector.shape_cast %get3A_942 : vector<1x32xbf16> to vector<32xbf16>
      %get3A_944 = arith.index_cast %scan3A_923 : i32 to index
      %get3A_945 = arith.constant 32 : index
      %get3A_946 = tpu.vector_load %arg18[%get3A_944, %get3A_945] {strides = array<i32>} : memref<128x128xbf16, #tpu.memory_space<vmem>>, vector<1x32xbf16>,
      %get3A_947 = vector.shape_cast %get3A_946 : vector<1x32xbf16> to vector<32xbf16>
      %get3A_948 = arith.index_cast %scan3A_923 : i32 to index
      %get3A_949 = arith.constant 64 : index
      %get3A_950 = tpu.vector_load %arg18[%get3A_948, %get3A_949] {strides = array<i32>} : memref<128x128xbf16, #tpu.memory_space<vmem>>, vector<1x32xbf16>,
      %get3A_951 = vector.shape_cast %get3A_950 : vector<1x32xbf16> to vector<32xbf16>
      %get3A_952 = arith.index_cast %scan3A_923 : i32 to index
      %get3A_953 = arith.constant 96 : index
      %get3A_954 = tpu.vector_load %arg18[%get3A_952, %get3A_953] {strides = array<i32>} : memref<128x128xbf16, #tpu.memory_space<vmem>>, vector<1x32xbf16>,
      %get3A_955 = vector.shape_cast %get3A_954 : vector<1x32xbf16> to vector<32xbf16>
      %add3A_956 = arith.addf %get3A_927, %get3A_943 : vector<32xbf16>
      %max3A_957 = arith.constant 0.000000e+00 : bf16
      %max3A_958 = vector.broadcast %max3A_957 : bf16 to vector<32xbf16>
      %max3A_959 = arith.maximumf %add3A_956, %max3A_958 : vector<32xbf16>
      %add3A_960 = arith.addf %get3A_931, %get3A_947 : vector<32xbf16>
      %max3A_961 = arith.constant 0.000000e+00 : bf16
      %max3A_962 = vector.broadcast %max3A_961 : bf16 to vector<32xbf16>
      %max3A_963 = arith.maximumf %add3A_960, %max3A_962 : vector<32xbf16>
      %add3A_964 = arith.addf %get3A_935, %get3A_951 : vector<32xbf16>
      %max3A_965 = arith.constant 0.000000e+00 : bf16
      %max3A_966 = vector.broadcast %max3A_965 : bf16 to vector<32xbf16>
      %max3A_967 = arith.maximumf %add3A_964, %max3A_966 : vector<32xbf16>
      %add3A_968 = arith.addf %get3A_939, %get3A_955 : vector<32xbf16>
      %max3A_969 = arith.constant 0.000000e+00 : bf16
      %max3A_970 = vector.broadcast %max3A_969 : bf16 to vector<32xbf16>
      %max3A_971 = arith.maximumf %add3A_968, %max3A_970 : vector<32xbf16>
      %swap3A_972 = arith.index_cast %scan3A_923 : i32 to index
      %swap3A_973 = arith.constant 0 : index
      %swap3A_974 = tpu.vector_load %arg20[%swap3A_972, %swap3A_973] {strides = array<i32>} : memref<128x128xbf16, #tpu.memory_space<vmem>>, vector<1x32xbf16>,
      %swap3A_975 = vector.shape_cast %swap3A_974 : vector<1x32xbf16> to vector<32xbf16>
      %swap3A_976 = vector.shape_cast %max3A_959 : vector<32xbf16> to vector<1x32xbf16>
      tpu.vector_store %arg20[%swap3A_972, %swap3A_973], %swap3A_976 {strides = array<i32>} : memref<128x128xbf16, #tpu.memory_space<vmem>>, vector<1x32xbf16>,
      %swap3A_977 = arith.index_cast %scan3A_923 : i32 to index
      %swap3A_978 = arith.constant 32 : index
      %swap3A_979 = tpu.vector_load %arg20[%swap3A_977, %swap3A_978] {strides = array<i32>} : memref<128x128xbf16, #tpu.memory_space<vmem>>, vector<1x32xbf16>,
      %swap3A_980 = vector.shape_cast %swap3A_979 : vector<1x32xbf16> to vector<32xbf16>
      %swap3A_981 = vector.shape_cast %max3A_963 : vector<32xbf16> to vector<1x32xbf16>
      tpu.vector_store %arg20[%swap3A_977, %swap3A_978], %swap3A_981 {strides = array<i32>} : memref<128x128xbf16, #tpu.memory_space<vmem>>, vector<1x32xbf16>,
      %swap3A_982 = arith.index_cast %scan3A_923 : i32 to index
      %swap3A_983 = arith.constant 64 : index
      %swap3A_984 = tpu.vector_load %arg20[%swap3A_982, %swap3A_983] {strides = array<i32>} : memref<128x128xbf16, #tpu.memory_space<vmem>>, vector<1x32xbf16>,
      %swap3A_985 = vector.shape_cast %swap3A_984 : vector<1x32xbf16> to vector<32xbf16>
      %swap3A_986 = vector.shape_cast %max3A_967 : vector<32xbf16> to vector<1x32xbf16>
      tpu.vector_store %arg20[%swap3A_982, %swap3A_983], %swap3A_986 {strides = array<i32>} : memref<128x128xbf16, #tpu.memory_space<vmem>>, vector<1x32xbf16>,
      %swap3A_987 = arith.index_cast %scan3A_923 : i32 to index
      %swap3A_988 = arith.constant 96 : index
      %swap3A_989 = tpu.vector_load %arg20[%swap3A_987, %swap3A_988] {strides = array<i32>} : memref<128x128xbf16, #tpu.memory_space<vmem>>, vector<1x32xbf16>,
      %swap3A_990 = vector.shape_cast %swap3A_989 : vector<1x32xbf16> to vector<32xbf16>
      %swap3A_991 = vector.shape_cast %max3A_971 : vector<32xbf16> to vector<1x32xbf16>
      tpu.vector_store %arg20[%swap3A_987, %swap3A_988], %swap3A_991 {strides = array<i32>} : memref<128x128xbf16, #tpu.memory_space<vmem>>, vector<1x32xbf16>,
      %scan3A_992 = arith.constant 3 : i32
      %scan3A_993 = arith.addi %scan3A_784, %scan3A_992 : i32
      %get3A_994 = arith.index_cast %scan3A_993 : i32 to index
      %get3A_995 = arith.constant 0 : index
      %get3A_996 = tpu.vector_load %arg16[%get3A_994, %get3A_995] {strides = array<i32>} : memref<128x128xbf16, #tpu.memory_space<vmem>>, vector<1x32xbf16>,
      %get3A_997 = vector.shape_cast %get3A_996 : vector<1x32xbf16> to vector<32xbf16>
      %get3A_998 = arith.index_cast %scan3A_993 : i32 to index
      %get3A_999 = arith.constant 32 : index
      %get3A_1000 = tpu.vector_load %arg16[%get3A_998, %get3A_999] {strides = array<i32>} : memref<128x128xbf16, #tpu.memory_space<vmem>>, vector<1x32xbf16>,
      %get3A_1001 = vector.shape_cast %get3A_1000 : vector<1x32xbf16> to vector<32xbf16>
      %get3A_1002 = arith.index_cast %scan3A_993 : i32 to index
      %get3A_1003 = arith.constant 64 : index
      %get3A_1004 = tpu.vector_load %arg16[%get3A_1002, %get3A_1003] {strides = array<i32>} : memref<128x128xbf16, #tpu.memory_space<vmem>>, vector<1x32xbf16>,
      %get3A_1005 = vector.shape_cast %get3A_1004 : vector<1x32xbf16> to vector<32xbf16>
      %get3A_1006 = arith.index_cast %scan3A_993 : i32 to index
      %get3A_1007 = arith.constant 96 : index
      %get3A_1008 = tpu.vector_load %arg16[%get3A_1006, %get3A_1007] {strides = array<i32>} : memref<128x128xbf16, #tpu.memory_space<vmem>>, vector<1x32xbf16>,
      %get3A_1009 = vector.shape_cast %get3A_1008 : vector<1x32xbf16> to vector<32xbf16>
      %get3A_1010 = arith.index_cast %scan3A_993 : i32 to index
      %get3A_1011 = arith.constant 0 : index
      %get3A_1012 = tpu.vector_load %arg18[%get3A_1010, %get3A_1011] {strides = array<i32>} : memref<128x128xbf16, #tpu.memory_space<vmem>>, vector<1x32xbf16>,
      %get3A_1013 = vector.shape_cast %get3A_1012 : vector<1x32xbf16> to vector<32xbf16>
      %get3A_1014 = arith.index_cast %scan3A_993 : i32 to index
      %get3A_1015 = arith.constant 32 : index
      %get3A_1016 = tpu.vector_load %arg18[%get3A_1014, %get3A_1015] {strides = array<i32>} : memref<128x128xbf16, #tpu.memory_space<vmem>>, vector<1x32xbf16>,
      %get3A_1017 = vector.shape_cast %get3A_1016 : vector<1x32xbf16> to vector<32xbf16>
      %get3A_1018 = arith.index_cast %scan3A_993 : i32 to index
      %get3A_1019 = arith.constant 64 : index
      %get3A_1020 = tpu.vector_load %arg18[%get3A_1018, %get3A_1019] {strides = array<i32>} : memref<128x128xbf16, #tpu.memory_space<vmem>>, vector<1x32xbf16>,
      %get3A_1021 = vector.shape_cast %get3A_1020 : vector<1x32xbf16> to vector<32xbf16>
      %get3A_1022 = arith.index_cast %scan3A_993 : i32 to index
      %get3A_1023 = arith.constant 96 : index
      %get3A_1024 = tpu.vector_load %arg18[%get3A_1022, %get3A_1023] {strides = array<i32>} : memref<128x128xbf16, #tpu.memory_space<vmem>>, vector<1x32xbf16>,
      %get3A_1025 = vector.shape_cast %get3A_1024 : vector<1x32xbf16> to vector<32xbf16>
      %add3A_1026 = arith.addf %get3A_997, %get3A_1013 : vector<32xbf16>
      %max3A_1027 = arith.constant 0.000000e+00 : bf16
      %max3A_1028 = vector.broadcast %max3A_1027 : bf16 to vector<32xbf16>
      %max3A_1029 = arith.maximumf %add3A_1026, %max3A_1028 : vector<32xbf16>
      %add3A_1030 = arith.addf %get3A_1001, %get3A_1017 : vector<32xbf16>
      %max3A_1031 = arith.constant 0.000000e+00 : bf16
      %max3A_1032 = vector.broadcast %max3A_1031 : bf16 to vector<32xbf16>
      %max3A_1033 = arith.maximumf %add3A_1030, %max3A_1032 : vector<32xbf16>
      %add3A_1034 = arith.addf %get3A_1005, %get3A_1021 : vector<32xbf16>
      %max3A_1035 = arith.constant 0.000000e+00 : bf16
      %max3A_1036 = vector.broadcast %max3A_1035 : bf16 to vector<32xbf16>
      %max3A_1037 = arith.maximumf %add3A_1034, %max3A_1036 : vector<32xbf16>
      %add3A_1038 = arith.addf %get3A_1009, %get3A_1025 : vector<32xbf16>
      %max3A_1039 = arith.constant 0.000000e+00 : bf16
      %max3A_1040 = vector.broadcast %max3A_1039 : bf16 to vector<32xbf16>
      %max3A_1041 = arith.maximumf %add3A_1038, %max3A_1040 : vector<32xbf16>
      %swap3A_1042 = arith.index_cast %scan3A_993 : i32 to index
      %swap3A_1043 = arith.constant 0 : index
      %swap3A_1044 = tpu.vector_load %arg20[%swap3A_1042, %swap3A_1043] {strides = array<i32>} : memref<128x128xbf16, #tpu.memory_space<vmem>>, vector<1x32xbf16>,
      %swap3A_1045 = vector.shape_cast %swap3A_1044 : vector<1x32xbf16> to vector<32xbf16>
      %swap3A_1046 = vector.shape_cast %max3A_1029 : vector<32xbf16> to vector<1x32xbf16>
      tpu.vector_store %arg20[%swap3A_1042, %swap3A_1043], %swap3A_1046 {strides = array<i32>} : memref<128x128xbf16, #tpu.memory_space<vmem>>, vector<1x32xbf16>,
      %swap3A_1047 = arith.index_cast %scan3A_993 : i32 to index
      %swap3A_1048 = arith.constant 32 : index
      %swap3A_1049 = tpu.vector_load %arg20[%swap3A_1047, %swap3A_1048] {strides = array<i32>} : memref<128x128xbf16, #tpu.memory_space<vmem>>, vector<1x32xbf16>,
      %swap3A_1050 = vector.shape_cast %swap3A_1049 : vector<1x32xbf16> to vector<32xbf16>
      %swap3A_1051 = vector.shape_cast %max3A_1033 : vector<32xbf16> to vector<1x32xbf16>
      tpu.vector_store %arg20[%swap3A_1047, %swap3A_1048], %swap3A_1051 {strides = array<i32>} : memref<128x128xbf16, #tpu.memory_space<vmem>>, vector<1x32xbf16>,
      %swap3A_1052 = arith.index_cast %scan3A_993 : i32 to index
      %swap3A_1053 = arith.constant 64 : index
      %swap3A_1054 = tpu.vector_load %arg20[%swap3A_1052, %swap3A_1053] {strides = array<i32>} : memref<128x128xbf16, #tpu.memory_space<vmem>>, vector<1x32xbf16>,
      %swap3A_1055 = vector.shape_cast %swap3A_1054 : vector<1x32xbf16> to vector<32xbf16>
      %swap3A_1056 = vector.shape_cast %max3A_1037 : vector<32xbf16> to vector<1x32xbf16>
      tpu.vector_store %arg20[%swap3A_1052, %swap3A_1053], %swap3A_1056 {strides = array<i32>} : memref<128x128xbf16, #tpu.memory_space<vmem>>, vector<1x32xbf16>,
      %swap3A_1057 = arith.index_cast %scan3A_993 : i32 to index
      %swap3A_1058 = arith.constant 96 : index
      %swap3A_1059 = tpu.vector_load %arg20[%swap3A_1057, %swap3A_1058] {strides = array<i32>} : memref<128x128xbf16, #tpu.memory_space<vmem>>, vector<1x32xbf16>,
      %swap3A_1060 = vector.shape_cast %swap3A_1059 : vector<1x32xbf16> to vector<32xbf16>
      %swap3A_1061 = vector.shape_cast %max3A_1041 : vector<32xbf16> to vector<1x32xbf16>
      tpu.vector_store %arg20[%swap3A_1057, %swap3A_1058], %swap3A_1061 {strides = array<i32>} : memref<128x128xbf16, #tpu.memory_space<vmem>>, vector<1x32xbf16>,
    }
    %scan3A_558 = arith.constant 128 : i32
    %get3A_559 = arith.constant 128 : index
    %get3A_560 = tpu.vector_load %arg7[%get3A_559] {strides = array<i32>} : memref<10240xi32, #tpu.memory_space<vmem>>, vector<16xi32>,
    %get3A_561 = vector.shape_cast %get3A_560 : vector<16xi32> to vector<16xi32>
    %swap3A_562 = arith.constant 0 : index
    %swap3A_563 = tpu.vector_load %arg14[%swap3A_562] {strides = array<i32>} : memref<128xi32, #tpu.memory_space<vmem>>, vector<16xi32>,
    %swap3A_564 = vector.shape_cast %swap3A_563 : vector<16xi32> to vector<16xi32>
    %swap3A_565 = vector.shape_cast %get3A_561 : vector<16xi32> to vector<16xi32>
    tpu.vector_store %arg14[%swap3A_562], %swap3A_565 {strides = array<i32>} : memref<128xi32, #tpu.memory_space<vmem>>, vector<16xi32>,
    %get3A_566 = arith.constant 144 : index
    %get3A_567 = tpu.vector_load %arg7[%get3A_566] {strides = array<i32>} : memref<10240xi32, #tpu.memory_space<vmem>>, vector<16xi32>,
    %get3A_568 = vector.shape_cast %get3A_567 : vector<16xi32> to vector<16xi32>
    %swap3A_569 = arith.constant 16 : index
    %swap3A_570 = tpu.vector_load %arg14[%swap3A_569] {strides = array<i32>} : memref<128xi32, #tpu.memory_space<vmem>>, vector<16xi32>,
    %swap3A_571 = vector.shape_cast %swap3A_570 : vector<16xi32> to vector<16xi32>
    %swap3A_572 = vector.shape_cast %get3A_568 : vector<16xi32> to vector<16xi32>
    tpu.vector_store %arg14[%swap3A_569], %swap3A_572 {strides = array<i32>} : memref<128xi32, #tpu.memory_space<vmem>>, vector<16xi32>,
    %get3A_573 = arith.constant 160 : index
    %get3A_574 = tpu.vector_load %arg7[%get3A_573] {strides = array<i32>} : memref<10240xi32, #tpu.memory_space<vmem>>, vector<16xi32>,
    %get3A_575 = vector.shape_cast %get3A_574 : vector<16xi32> to vector<16xi32>
    %swap3A_576 = arith.constant 32 : index
    %swap3A_577 = tpu.vector_load %arg14[%swap3A_576] {strides = array<i32>} : memref<128xi32, #tpu.memory_space<vmem>>, vector<16xi32>,
    %swap3A_578 = vector.shape_cast %swap3A_577 : vector<16xi32> to vector<16xi32>
    %swap3A_579 = vector.shape_cast %get3A_575 : vector<16xi32> to vector<16xi32>
    tpu.vector_store %arg14[%swap3A_576], %swap3A_579 {strides = array<i32>} : memref<128xi32, #tpu.memory_space<vmem>>, vector<16xi32>,
    %get3A_580 = arith.constant 176 : index
    %get3A_581 = tpu.vector_load %arg7[%get3A_580] {strides = array<i32>} : memref<10240xi32, #tpu.memory_space<vmem>>, vector<16xi32>,
    %get3A_582 = vector.shape_cast %get3A_581 : vector<16xi32> to vector<16xi32>
    %swap3A_583 = arith.constant 48 : index
    %swap3A_584 = tpu.vector_load %arg14[%swap3A_583] {strides = array<i32>} : memref<128xi32, #tpu.memory_space<vmem>>, vector<16xi32>,
    %swap3A_585 = vector.shape_cast %swap3A_584 : vector<16xi32> to vector<16xi32>
    %swap3A_586 = vector.shape_cast %get3A_582 : vector<16xi32> to vector<16xi32>
    tpu.vector_store %arg14[%swap3A_583], %swap3A_586 {strides = array<i32>} : memref<128xi32, #tpu.memory_space<vmem>>, vector<16xi32>,
    %get3A_587 = arith.constant 192 : index
    %get3A_588 = tpu.vector_load %arg7[%get3A_587] {strides = array<i32>} : memref<10240xi32, #tpu.memory_space<vmem>>, vector<16xi32>,
    %get3A_589 = vector.shape_cast %get3A_588 : vector<16xi32> to vector<16xi32>
    %swap3A_590 = arith.constant 64 : index
    %swap3A_591 = tpu.vector_load %arg14[%swap3A_590] {strides = array<i32>} : memref<128xi32, #tpu.memory_space<vmem>>, vector<16xi32>,
    %swap3A_592 = vector.shape_cast %swap3A_591 : vector<16xi32> to vector<16xi32>
    %swap3A_593 = vector.shape_cast %get3A_589 : vector<16xi32> to vector<16xi32>
    tpu.vector_store %arg14[%swap3A_590], %swap3A_593 {strides = array<i32>} : memref<128xi32, #tpu.memory_space<vmem>>, vector<16xi32>,
    %get3A_594 = arith.constant 208 : index
    %get3A_595 = tpu.vector_load %arg7[%get3A_594] {strides = array<i32>} : memref<10240xi32, #tpu.memory_space<vmem>>, vector<16xi32>,
    %get3A_596 = vector.shape_cast %get3A_595 : vector<16xi32> to vector<16xi32>
    %swap3A_597 = arith.constant 80 : index
    %swap3A_598 = tpu.vector_load %arg14[%swap3A_597] {strides = array<i32>} : memref<128xi32, #tpu.memory_space<vmem>>, vector<16xi32>,
    %swap3A_599 = vector.shape_cast %swap3A_598 : vector<16xi32> to vector<16xi32>
    %swap3A_600 = vector.shape_cast %get3A_596 : vector<16xi32> to vector<16xi32>
    tpu.vector_store %arg14[%swap3A_597], %swap3A_600 {strides = array<i32>} : memref<128xi32, #tpu.memory_space<vmem>>, vector<16xi32>,
    %get3A_601 = arith.constant 224 : index
    %get3A_602 = tpu.vector_load %arg7[%get3A_601] {strides = array<i32>} : memref<10240xi32, #tpu.memory_space<vmem>>, vector<16xi32>,
    %get3A_603 = vector.shape_cast %get3A_602 : vector<16xi32> to vector<16xi32>
    %swap3A_604 = arith.constant 96 : index
    %swap3A_605 = tpu.vector_load %arg14[%swap3A_604] {strides = array<i32>} : memref<128xi32, #tpu.memory_space<vmem>>, vector<16xi32>,
    %swap3A_606 = vector.shape_cast %swap3A_605 : vector<16xi32> to vector<16xi32>
    %swap3A_607 = vector.shape_cast %get3A_603 : vector<16xi32> to vector<16xi32>
    tpu.vector_store %arg14[%swap3A_604], %swap3A_607 {strides = array<i32>} : memref<128xi32, #tpu.memory_space<vmem>>, vector<16xi32>,
    %get3A_608 = arith.constant 240 : index
    %get3A_609 = tpu.vector_load %arg7[%get3A_608] {strides = array<i32>} : memref<10240xi32, #tpu.memory_space<vmem>>, vector<16xi32>,
    %get3A_610 = vector.shape_cast %get3A_609 : vector<16xi32> to vector<16xi32>
    %swap3A_611 = arith.constant 112 : index
    %swap3A_612 = tpu.vector_load %arg14[%swap3A_611] {strides = array<i32>} : memref<128xi32, #tpu.memory_space<vmem>>, vector<16xi32>,
    %swap3A_613 = vector.shape_cast %swap3A_612 : vector<16xi32> to vector<16xi32>
    %swap3A_614 = vector.shape_cast %get3A_610 : vector<16xi32> to vector<16xi32>
    tpu.vector_store %arg14[%swap3A_611], %swap3A_614 {strides = array<i32>} : memref<128xi32, #tpu.memory_space<vmem>>, vector<16xi32>,
    %dma_start3A_615 = arith.constant 0 : i32
    %dma_start3A_616 = arith.constant 0 : i32
    %dma_start3A_617 = tpu.memref_slice %arg6[%dma_start3A_615, %dma_start3A_616] : memref<10112x128xbf16, #tpu.memory_space<vmem_shared>> -> memref<10112x128xbf16, #tpu.memory_space<vmem_shared>>
    tpu.enqueue_indirect_dma source(%arg20 : memref<128x128xbf16, #tpu.memory_space<vmem>>) target(%dma_start3A_617 : memref<10112x128xbf16, #tpu.memory_space<vmem_shared>>) offsets(%arg14 : memref<128xi32, #tpu.memory_space<vmem>>) semaphore(%arg26 : memref<!tpu.dma_semaphore, #tpu.memory_space<semaphore_mem>>) {add = true}
    %get3A_618 = arith.constant 384 : index
    %get3A_619 = tpu.vector_load %arg7[%get3A_618] {strides = array<i32>} : memref<10240xi32, #tpu.memory_space<vmem>>, vector<16xi32>,
    %get3A_620 = vector.shape_cast %get3A_619 : vector<16xi32> to vector<16xi32>
    %add3A_621 = vector.broadcast %mul3A_4 : i32 to vector<16xi32>
    %add3A_622 = arith.addi %get3A_620, %add3A_621 : vector<16xi32>
    %swap3A_623 = arith.constant 0 : index
    %swap3A_624 = tpu.vector_load %arg10[%swap3A_623] {strides = array<i32>} : memref<128xi32, #tpu.memory_space<vmem>>, vector<16xi32>,
    %swap3A_625 = vector.shape_cast %swap3A_624 : vector<16xi32> to vector<16xi32>
    %swap3A_626 = vector.shape_cast %add3A_622 : vector<16xi32> to vector<16xi32>
    tpu.vector_store %arg10[%swap3A_623], %swap3A_626 {strides = array<i32>} : memref<128xi32, #tpu.memory_space<vmem>>, vector<16xi32>,
    %get3A_627 = arith.constant 384 : index
    %get3A_628 = tpu.vector_load %arg8[%get3A_627] {strides = array<i32>} : memref<10240xi32, #tpu.memory_space<vmem>>, vector<16xi32>,
    %get3A_629 = vector.shape_cast %get3A_628 : vector<16xi32> to vector<16xi32>
    %add3A_630 = vector.broadcast %add3A_7 : i32 to vector<16xi32>
    %add3A_631 = arith.addi %get3A_629, %add3A_630 : vector<16xi32>
    %swap3A_632 = arith.constant 0 : index
    %swap3A_633 = tpu.vector_load %arg12[%swap3A_632] {strides = array<i32>} : memref<128xi32, #tpu.memory_space<vmem>>, vector<16xi32>,
    %swap3A_634 = vector.shape_cast %swap3A_633 : vector<16xi32> to vector<16xi32>
    %swap3A_635 = vector.shape_cast %add3A_631 : vector<16xi32> to vector<16xi32>
    tpu.vector_store %arg12[%swap3A_632], %swap3A_635 {strides = array<i32>} : memref<128xi32, #tpu.memory_space<vmem>>, vector<16xi32>,
    %get3A_636 = arith.constant 400 : index
    %get3A_637 = tpu.vector_load %arg7[%get3A_636] {strides = array<i32>} : memref<10240xi32, #tpu.memory_space<vmem>>, vector<16xi32>,
    %get3A_638 = vector.shape_cast %get3A_637 : vector<16xi32> to vector<16xi32>
    %add3A_639 = vector.broadcast %mul3A_4 : i32 to vector<16xi32>
    %add3A_640 = arith.addi %get3A_638, %add3A_639 : vector<16xi32>
    %swap3A_641 = arith.constant 16 : index
    %swap3A_642 = tpu.vector_load %arg10[%swap3A_641] {strides = array<i32>} : memref<128xi32, #tpu.memory_space<vmem>>, vector<16xi32>,
    %swap3A_643 = vector.shape_cast %swap3A_642 : vector<16xi32> to vector<16xi32>
    %swap3A_644 = vector.shape_cast %add3A_640 : vector<16xi32> to vector<16xi32>
    tpu.vector_store %arg10[%swap3A_641], %swap3A_644 {strides = array<i32>} : memref<128xi32, #tpu.memory_space<vmem>>, vector<16xi32>,
    %get3A_645 = arith.constant 400 : index
    %get3A_646 = tpu.vector_load %arg8[%get3A_645] {strides = array<i32>} : memref<10240xi32, #tpu.memory_space<vmem>>, vector<16xi32>,
    %get3A_647 = vector.shape_cast %get3A_646 : vector<16xi32> to vector<16xi32>
    %add3A_648 = vector.broadcast %add3A_7 : i32 to vector<16xi32>
    %add3A_649 = arith.addi %get3A_647, %add3A_648 : vector<16xi32>
    %swap3A_650 = arith.constant 16 : index
    %swap3A_651 = tpu.vector_load %arg12[%swap3A_650] {strides = array<i32>} : memref<128xi32, #tpu.memory_space<vmem>>, vector<16xi32>,
    %swap3A_652 = vector.shape_cast %swap3A_651 : vector<16xi32> to vector<16xi32>
    %swap3A_653 = vector.shape_cast %add3A_649 : vector<16xi32> to vector<16xi32>
    tpu.vector_store %arg12[%swap3A_650], %swap3A_653 {strides = array<i32>} : memref<128xi32, #tpu.memory_space<vmem>>, vector<16xi32>,
    %get3A_654 = arith.constant 416 : index
    %get3A_655 = tpu.vector_load %arg7[%get3A_654] {strides = array<i32>} : memref<10240xi32, #tpu.memory_space<vmem>>, vector<16xi32>,
    %get3A_656 = vector.shape_cast %get3A_655 : vector<16xi32> to vector<16xi32>
    %add3A_657 = vector.broadcast %mul3A_4 : i32 to vector<16xi32>
    %add3A_658 = arith.addi %get3A_656, %add3A_657 : vector<16xi32>
    %swap3A_659 = arith.constant 32 : index
    %swap3A_660 = tpu.vector_load %arg10[%swap3A_659] {strides = array<i32>} : memref<128xi32, #tpu.memory_space<vmem>>, vector<16xi32>,
    %swap3A_661 = vector.shape_cast %swap3A_660 : vector<16xi32> to vector<16xi32>
    %swap3A_662 = vector.shape_cast %add3A_658 : vector<16xi32> to vector<16xi32>
    tpu.vector_store %arg10[%swap3A_659], %swap3A_662 {strides = array<i32>} : memref<128xi32, #tpu.memory_space<vmem>>, vector<16xi32>,
    %get3A_663 = arith.constant 416 : index
    %get3A_664 = tpu.vector_load %arg8[%get3A_663] {strides = array<i32>} : memref<10240xi32, #tpu.memory_space<vmem>>, vector<16xi32>,
    %get3A_665 = vector.shape_cast %get3A_664 : vector<16xi32> to vector<16xi32>
    %add3A_666 = vector.broadcast %add3A_7 : i32 to vector<16xi32>
    %add3A_667 = arith.addi %get3A_665, %add3A_666 : vector<16xi32>
    %swap3A_668 = arith.constant 32 : index
    %swap3A_669 = tpu.vector_load %arg12[%swap3A_668] {strides = array<i32>} : memref<128xi32, #tpu.memory_space<vmem>>, vector<16xi32>,
    %swap3A_670 = vector.shape_cast %swap3A_669 : vector<16xi32> to vector<16xi32>
    %swap3A_671 = vector.shape_cast %add3A_667 : vector<16xi32> to vector<16xi32>
    tpu.vector_store %arg12[%swap3A_668], %swap3A_671 {strides = array<i32>} : memref<128xi32, #tpu.memory_space<vmem>>, vector<16xi32>,
    %get3A_672 = arith.constant 432 : index
    %get3A_673 = tpu.vector_load %arg7[%get3A_672] {strides = array<i32>} : memref<10240xi32, #tpu.memory_space<vmem>>, vector<16xi32>,
    %get3A_674 = vector.shape_cast %get3A_673 : vector<16xi32> to vector<16xi32>
    %add3A_675 = vector.broadcast %mul3A_4 : i32 to vector<16xi32>
    %add3A_676 = arith.addi %get3A_674, %add3A_675 : vector<16xi32>
    %swap3A_677 = arith.constant 48 : index
    %swap3A_678 = tpu.vector_load %arg10[%swap3A_677] {strides = array<i32>} : memref<128xi32, #tpu.memory_space<vmem>>, vector<16xi32>,
    %swap3A_679 = vector.shape_cast %swap3A_678 : vector<16xi32> to vector<16xi32>
    %swap3A_680 = vector.shape_cast %add3A_676 : vector<16xi32> to vector<16xi32>
    tpu.vector_store %arg10[%swap3A_677], %swap3A_680 {strides = array<i32>} : memref<128xi32, #tpu.memory_space<vmem>>, vector<16xi32>,
    %get3A_681 = arith.constant 432 : index
    %get3A_682 = tpu.vector_load %arg8[%get3A_681] {strides = array<i32>} : memref<10240xi32, #tpu.memory_space<vmem>>, vector<16xi32>,
    %get3A_683 = vector.shape_cast %get3A_682 : vector<16xi32> to vector<16xi32>
    %add3A_684 = vector.broadcast %add3A_7 : i32 to vector<16xi32>
    %add3A_685 = arith.addi %get3A_683, %add3A_684 : vector<16xi32>
    %swap3A_686 = arith.constant 48 : index
    %swap3A_687 = tpu.vector_load %arg12[%swap3A_686] {strides = array<i32>} : memref<128xi32, #tpu.memory_space<vmem>>, vector<16xi32>,
    %swap3A_688 = vector.shape_cast %swap3A_687 : vector<16xi32> to vector<16xi32>
    %swap3A_689 = vector.shape_cast %add3A_685 : vector<16xi32> to vector<16xi32>
    tpu.vector_store %arg12[%swap3A_686], %swap3A_689 {strides = array<i32>} : memref<128xi32, #tpu.memory_space<vmem>>, vector<16xi32>,
    %get3A_690 = arith.constant 448 : index
    %get3A_691 = tpu.vector_load %arg7[%get3A_690] {strides = array<i32>} : memref<10240xi32, #tpu.memory_space<vmem>>, vector<16xi32>,
    %get3A_692 = vector.shape_cast %get3A_691 : vector<16xi32> to vector<16xi32>
    %add3A_693 = vector.broadcast %mul3A_4 : i32 to vector<16xi32>
    %add3A_694 = arith.addi %get3A_692, %add3A_693 : vector<16xi32>
    %swap3A_695 = arith.constant 64 : index
    %swap3A_696 = tpu.vector_load %arg10[%swap3A_695] {strides = array<i32>} : memref<128xi32, #tpu.memory_space<vmem>>, vector<16xi32>,
    %swap3A_697 = vector.shape_cast %swap3A_696 : vector<16xi32> to vector<16xi32>
    %swap3A_698 = vector.shape_cast %add3A_694 : vector<16xi32> to vector<16xi32>
    tpu.vector_store %arg10[%swap3A_695], %swap3A_698 {strides = array<i32>} : memref<128xi32, #tpu.memory_space<vmem>>, vector<16xi32>,
    %get3A_699 = arith.constant 448 : index
    %get3A_700 = tpu.vector_load %arg8[%get3A_699] {strides = array<i32>} : memref<10240xi32, #tpu.memory_space<vmem>>, vector<16xi32>,
    %get3A_701 = vector.shape_cast %get3A_700 : vector<16xi32> to vector<16xi32>
    %add3A_702 = vector.broadcast %add3A_7 : i32 to vector<16xi32>
    %add3A_703 = arith.addi %get3A_701, %add3A_702 : vector<16xi32>
    %swap3A_704 = arith.constant 64 : index
    %swap3A_705 = tpu.vector_load %arg12[%swap3A_704] {strides = array<i32>} : memref<128xi32, #tpu.memory_space<vmem>>, vector<16xi32>,
    %swap3A_706 = vector.shape_cast %swap3A_705 : vector<16xi32> to vector<16xi32>
    %swap3A_707 = vector.shape_cast %add3A_703 : vector<16xi32> to vector<16xi32>
    tpu.vector_store %arg12[%swap3A_704], %swap3A_707 {strides = array<i32>} : memref<128xi32, #tpu.memory_space<vmem>>, vector<16xi32>,
    %get3A_708 = arith.constant 464 : index
    %get3A_709 = tpu.vector_load %arg7[%get3A_708] {strides = array<i32>} : memref<10240xi32, #tpu.memory_space<vmem>>, vector<16xi32>,
    %get3A_710 = vector.shape_cast %get3A_709 : vector<16xi32> to vector<16xi32>
    %add3A_711 = vector.broadcast %mul3A_4 : i32 to vector<16xi32>
    %add3A_712 = arith.addi %get3A_710, %add3A_711 : vector<16xi32>
    %swap3A_713 = arith.constant 80 : index
    %swap3A_714 = tpu.vector_load %arg10[%swap3A_713] {strides = array<i32>} : memref<128xi32, #tpu.memory_space<vmem>>, vector<16xi32>,
    %swap3A_715 = vector.shape_cast %swap3A_714 : vector<16xi32> to vector<16xi32>
    %swap3A_716 = vector.shape_cast %add3A_712 : vector<16xi32> to vector<16xi32>
    tpu.vector_store %arg10[%swap3A_713], %swap3A_716 {strides = array<i32>} : memref<128xi32, #tpu.memory_space<vmem>>, vector<16xi32>,
    %get3A_717 = arith.constant 464 : index
    %get3A_718 = tpu.vector_load %arg8[%get3A_717] {strides = array<i32>} : memref<10240xi32, #tpu.memory_space<vmem>>, vector<16xi32>,
    %get3A_719 = vector.shape_cast %get3A_718 : vector<16xi32> to vector<16xi32>
    %add3A_720 = vector.broadcast %add3A_7 : i32 to vector<16xi32>
    %add3A_721 = arith.addi %get3A_719, %add3A_720 : vector<16xi32>
    %swap3A_722 = arith.constant 80 : index
    %swap3A_723 = tpu.vector_load %arg12[%swap3A_722] {strides = array<i32>} : memref<128xi32, #tpu.memory_space<vmem>>, vector<16xi32>,
    %swap3A_724 = vector.shape_cast %swap3A_723 : vector<16xi32> to vector<16xi32>
    %swap3A_725 = vector.shape_cast %add3A_721 : vector<16xi32> to vector<16xi32>
    tpu.vector_store %arg12[%swap3A_722], %swap3A_725 {strides = array<i32>} : memref<128xi32, #tpu.memory_space<vmem>>, vector<16xi32>,
    %get3A_726 = arith.constant 480 : index
    %get3A_727 = tpu.vector_load %arg7[%get3A_726] {strides = array<i32>} : memref<10240xi32, #tpu.memory_space<vmem>>, vector<16xi32>,
    %get3A_728 = vector.shape_cast %get3A_727 : vector<16xi32> to vector<16xi32>
    %add3A_729 = vector.broadcast %mul3A_4 : i32 to vector<16xi32>
    %add3A_730 = arith.addi %get3A_728, %add3A_729 : vector<16xi32>
    %swap3A_731 = arith.constant 96 : index
    %swap3A_732 = tpu.vector_load %arg10[%swap3A_731] {strides = array<i32>} : memref<128xi32, #tpu.memory_space<vmem>>, vector<16xi32>,
    %swap3A_733 = vector.shape_cast %swap3A_732 : vector<16xi32> to vector<16xi32>
    %swap3A_734 = vector.shape_cast %add3A_730 : vector<16xi32> to vector<16xi32>
    tpu.vector_store %arg10[%swap3A_731], %swap3A_734 {strides = array<i32>} : memref<128xi32, #tpu.memory_space<vmem>>, vector<16xi32>,
    %get3A_735 = arith.constant 480 : index
    %get3A_736 = tpu.vector_load %arg8[%get3A_735] {strides = array<i32>} : memref<10240xi32, #tpu.memory_space<vmem>>, vector<16xi32>,
    %get3A_737 = vector.shape_cast %get3A_736 : vector<16xi32> to vector<16xi32>
    %add3A_738 = vector.broadcast %add3A_7 : i32 to vector<16xi32>
    %add3A_739 = arith.addi %get3A_737, %add3A_738 : vector<16xi32>
    %swap3A_740 = arith.constant 96 : index
    %swap3A_741 = tpu.vector_load %arg12[%swap3A_740] {strides = array<i32>} : memref<128xi32, #tpu.memory_space<vmem>>, vector<16xi32>,
    %swap3A_742 = vector.shape_cast %swap3A_741 : vector<16xi32> to vector<16xi32>
    %swap3A_743 = vector.shape_cast %add3A_739 : vector<16xi32> to vector<16xi32>
    tpu.vector_store %arg12[%swap3A_740], %swap3A_743 {strides = array<i32>} : memref<128xi32, #tpu.memory_space<vmem>>, vector<16xi32>,
    %get3A_744 = arith.constant 496 : index
    %get3A_745 = tpu.vector_load %arg7[%get3A_744] {strides = array<i32>} : memref<10240xi32, #tpu.memory_space<vmem>>, vector<16xi32>,
    %get3A_746 = vector.shape_cast %get3A_745 : vector<16xi32> to vector<16xi32>
    %add3A_747 = vector.broadcast %mul3A_4 : i32 to vector<16xi32>
    %add3A_748 = arith.addi %get3A_746, %add3A_747 : vector<16xi32>
    %swap3A_749 = arith.constant 112 : index
    %swap3A_750 = tpu.vector_load %arg10[%swap3A_749] {strides = array<i32>} : memref<128xi32, #tpu.memory_space<vmem>>, vector<16xi32>,
    %swap3A_751 = vector.shape_cast %swap3A_750 : vector<16xi32> to vector<16xi32>
    %swap3A_752 = vector.shape_cast %add3A_748 : vector<16xi32> to vector<16xi32>
    tpu.vector_store %arg10[%swap3A_749], %swap3A_752 {strides = array<i32>} : memref<128xi32, #tpu.memory_space<vmem>>, vector<16xi32>,
    %get3A_753 = arith.constant 496 : index
    %get3A_754 = tpu.vector_load %arg8[%get3A_753] {strides = array<i32>} : memref<10240xi32, #tpu.memory_space<vmem>>, vector<16xi32>,
    %get3A_755 = vector.shape_cast %get3A_754 : vector<16xi32> to vector<16xi32>
    %add3A_756 = vector.broadcast %add3A_7 : i32 to vector<16xi32>
    %add3A_757 = arith.addi %get3A_755, %add3A_756 : vector<16xi32>
    %swap3A_758 = arith.constant 112 : index
    %swap3A_759 = tpu.vector_load %arg12[%swap3A_758] {strides = array<i32>} : memref<128xi32, #tpu.memory_space<vmem>>, vector<16xi32>,
    %swap3A_760 = vector.shape_cast %swap3A_759 : vector<16xi32> to vector<16xi32>
    %swap3A_761 = vector.shape_cast %add3A_757 : vector<16xi32> to vector<16xi32>
    tpu.vector_store %arg12[%swap3A_758], %swap3A_761 {strides = array<i32>} : memref<128xi32, #tpu.memory_space<vmem>>, vector<16xi32>,
    %dma_start3A_762 = arith.constant 0 : i32
    %dma_start3A_763 = arith.constant 0 : i32
    %dma_start3A_764 = tpu.memref_slice %arg2[%dma_start3A_762, %dma_start3A_763] : memref<40960x128xbf16, #tpu.memory_space<hbm>> -> memref<40960x128xbf16, #tpu.memory_space<hbm>>
    tpu.enqueue_indirect_dma source(%dma_start3A_764 : memref<40960x128xbf16, #tpu.memory_space<hbm>>) target(%arg16 : memref<128x128xbf16, #tpu.memory_space<vmem>>) offsets(%arg10 : memref<128xi32, #tpu.memory_space<vmem>>) semaphore(%arg22 : memref<!tpu.dma_semaphore, #tpu.memory_space<semaphore_mem>>)
    %dma_start3A_765 = arith.constant 0 : i32
    %dma_start3A_766 = arith.constant 0 : i32
    %dma_start3A_767 = tpu.memref_slice %arg2[%dma_start3A_765, %dma_start3A_766] : memref<40960x128xbf16, #tpu.memory_space<hbm>> -> memref<40960x128xbf16, #tpu.memory_space<hbm>>
    tpu.enqueue_indirect_dma source(%dma_start3A_767 : memref<40960x128xbf16, #tpu.memory_space<hbm>>) target(%arg18 : memref<128x128xbf16, #tpu.memory_space<vmem>>) offsets(%arg12 : memref<128xi32, #tpu.memory_space<vmem>>) semaphore(%arg24 : memref<!tpu.dma_semaphore, #tpu.memory_space<semaphore_mem>>)
    %scan3A_768 = arith.constant 1 : i32
    %scan3A_769 = arith.constant 39 : i32
    %scan3A_770 = arith.addi %scan3A_768, %scan3A_769 : i32
    %scan3A_771 = arith.constant 1 : i32
    scf.for %scan3A_784 = %scan3A_768 to %scan3A_770 step %scan3A_771  : i32 {
      %mul3A_785 = arith.constant 2 : i32
      %mul3A_786 = arith.muli %mul3A_785, %scan3A_784 : i32
      %add3A_787 = arith.constant 0 : i32
      %add3A_788 = arith.addi %mul3A_786, %add3A_787 : i32
      %dma_wait3A_789 = arith.constant 0 : i32
      %dma_wait3A_790 = arith.constant 0 : i32
      %dma_wait3A_791 = tpu.memref_slice %arg2[%dma_wait3A_789, %dma_wait3A_790] : memref<40960x128xbf16, #tpu.memory_space<hbm>> -> memref<40960x128xbf16, #tpu.memory_space<hbm>>
      tpu.wait_indirect_dma semaphore(%arg21 : memref<!tpu.dma_semaphore, #tpu.memory_space<semaphore_mem>>) src(%dma_wait3A_791 : memref<40960x128xbf16, #tpu.memory_space<hbm>>) dst(%arg15 : memref<128x128xbf16, #tpu.memory_space<vmem>>)
      %dma_wait3A_792 = arith.constant 0 : i32
      %dma_wait3A_793 = arith.constant 0 : i32
      %dma_wait3A_794 = tpu.memref_slice %arg2[%dma_wait3A_792, %dma_wait3A_793] : memref<40960x128xbf16, #tpu.memory_space<hbm>> -> memref<40960x128xbf16, #tpu.memory_space<hbm>>
      tpu.wait_indirect_dma semaphore(%arg23 : memref<!tpu.dma_semaphore, #tpu.memory_space<semaphore_mem>>) src(%dma_wait3A_794 : memref<40960x128xbf16, #tpu.memory_space<hbm>>) dst(%arg17 : memref<128x128xbf16, #tpu.memory_space<vmem>>)
      %dma_wait3A_795 = arith.constant 0 : i32
      %dma_wait3A_796 = arith.constant 0 : i32
      %dma_wait3A_797 = tpu.memref_slice %arg6[%dma_wait3A_795, %dma_wait3A_796] : memref<10112x128xbf16, #tpu.memory_space<vmem_shared>> -> memref<10112x128xbf16, #tpu.memory_space<vmem_shared>>
      tpu.wait_indirect_dma semaphore(%arg25 : memref<!tpu.dma_semaphore, #tpu.memory_space<semaphore_mem>>) src(%arg19 : memref<128x128xbf16, #tpu.memory_space<vmem>>) dst(%dma_wait3A_797 : memref<10112x128xbf16, #tpu.memory_space<vmem_shared>>)
      %scan3A_798 = arith.constant 0 : i32
      %scan3A_799 = arith.constant 128 : i32
      %scan3A_800 = arith.addi %scan3A_798, %scan3A_799 : i32
      %scan3A_801 = arith.constant 4 : i32
      scf.for %scan3A_986 = %scan3A_798 to %scan3A_800 step %scan3A_801  : i32 {
        %get3A_987 = arith.index_cast %scan3A_986 : i32 to index
        %get3A_988 = arith.constant 0 : index
        %get3A_989 = tpu.vector_load %arg15[%get3A_987, %get3A_988] {strides = array<i32>} : memref<128x128xbf16, #tpu.memory_space<vmem>>, vector<1x32xbf16>,
        %get3A_990 = vector.shape_cast %get3A_989 : vector<1x32xbf16> to vector<32xbf16>
        %get3A_991 = arith.index_cast %scan3A_986 : i32 to index
        %get3A_992 = arith.constant 32 : index
        %get3A_993 = tpu.vector_load %arg15[%get3A_991, %get3A_992] {strides = array<i32>} : memref<128x128xbf16, #tpu.memory_space<vmem>>, vector<1x32xbf16>,
        %get3A_994 = vector.shape_cast %get3A_993 : vector<1x32xbf16> to vector<32xbf16>
        %get3A_995 = arith.index_cast %scan3A_986 : i32 to index
        %get3A_996 = arith.constant 64 : index
        %get3A_997 = tpu.vector_load %arg15[%get3A_995, %get3A_996] {strides = array<i32>} : memref<128x128xbf16, #tpu.memory_space<vmem>>, vector<1x32xbf16>,
        %get3A_998 = vector.shape_cast %get3A_997 : vector<1x32xbf16> to vector<32xbf16>
        %get3A_999 = arith.index_cast %scan3A_986 : i32 to index
        %get3A_1000 = arith.constant 96 : index
        %get3A_1001 = tpu.vector_load %arg15[%get3A_999, %get3A_1000] {strides = array<i32>} : memref<128x128xbf16, #tpu.memory_space<vmem>>, vector<1x32xbf16>,
        %get3A_1002 = vector.shape_cast %get3A_1001 : vector<1x32xbf16> to vector<32xbf16>
        %get3A_1003 = arith.index_cast %scan3A_986 : i32 to index
        %get3A_1004 = arith.constant 0 : index
        %get3A_1005 = tpu.vector_load %arg17[%get3A_1003, %get3A_1004] {strides = array<i32>} : memref<128x128xbf16, #tpu.memory_space<vmem>>, vector<1x32xbf16>,
        %get3A_1006 = vector.shape_cast %get3A_1005 : vector<1x32xbf16> to vector<32xbf16>
        %get3A_1007 = arith.index_cast %scan3A_986 : i32 to index
        %get3A_1008 = arith.constant 32 : index
        %get3A_1009 = tpu.vector_load %arg17[%get3A_1007, %get3A_1008] {strides = array<i32>} : memref<128x128xbf16, #tpu.memory_space<vmem>>, vector<1x32xbf16>,
        %get3A_1010 = vector.shape_cast %get3A_1009 : vector<1x32xbf16> to vector<32xbf16>
        %get3A_1011 = arith.index_cast %scan3A_986 : i32 to index
        %get3A_1012 = arith.constant 64 : index
        %get3A_1013 = tpu.vector_load %arg17[%get3A_1011, %get3A_1012] {strides = array<i32>} : memref<128x128xbf16, #tpu.memory_space<vmem>>, vector<1x32xbf16>,
        %get3A_1014 = vector.shape_cast %get3A_1013 : vector<1x32xbf16> to vector<32xbf16>
        %get3A_1015 = arith.index_cast %scan3A_986 : i32 to index
        %get3A_1016 = arith.constant 96 : index
        %get3A_1017 = tpu.vector_load %arg17[%get3A_1015, %get3A_1016] {strides = array<i32>} : memref<128x128xbf16, #tpu.memory_space<vmem>>, vector<1x32xbf16>,
        %get3A_1018 = vector.shape_cast %get3A_1017 : vector<1x32xbf16> to vector<32xbf16>
        %add3A_1019 = arith.addf %get3A_990, %get3A_1006 : vector<32xbf16>
        %max3A = arith.constant 0.000000e+00 : bf16
        %max3A_1020 = vector.broadcast %max3A : bf16 to vector<32xbf16>
        %max3A_1021 = arith.maximumf %add3A_1019, %max3A_1020 : vector<32xbf16>
        %add3A_1022 = arith.addf %get3A_994, %get3A_1010 : vector<32xbf16>
        %max3A_1023 = arith.constant 0.000000e+00 : bf16
        %max3A_1024 = vector.broadcast %max3A_1023 : bf16 to vector<32xbf16>
        %max3A_1025 = arith.maximumf %add3A_1022, %max3A_1024 : vector<32xbf16>
        %add3A_1026 = arith.addf %get3A_998, %get3A_1014 : vector<32xbf16>
        %max3A_1027 = arith.constant 0.000000e+00 : bf16
        %max3A_1028 = vector.broadcast %max3A_1027 : bf16 to vector<32xbf16>
        %max3A_1029 = arith.maximumf %add3A_1026, %max3A_1028 : vector<32xbf16>
        %add3A_1030 = arith.addf %get3A_1002, %get3A_1018 : vector<32xbf16>
        %max3A_1031 = arith.constant 0.000000e+00 : bf16
        %max3A_1032 = vector.broadcast %max3A_1031 : bf16 to vector<32xbf16>
        %max3A_1033 = arith.maximumf %add3A_1030, %max3A_1032 : vector<32xbf16>
        %swap3A_1034 = arith.index_cast %scan3A_986 : i32 to index
        %swap3A_1035 = arith.constant 0 : index
        %swap3A_1036 = tpu.vector_load %arg19[%swap3A_1034, %swap3A_1035] {strides = array<i32>} : memref<128x128xbf16, #tpu.memory_space<vmem>>, vector<1x32xbf16>,
        %swap3A_1037 = vector.shape_cast %swap3A_1036 : vector<1x32xbf16> to vector<32xbf16>
        %swap3A_1038 = vector.shape_cast %max3A_1021 : vector<32xbf16> to vector<1x32xbf16>
        tpu.vector_store %arg19[%swap3A_1034, %swap3A_1035], %swap3A_1038 {strides = array<i32>} : memref<128x128xbf16, #tpu.memory_space<vmem>>, vector<1x32xbf16>,
        %swap3A_1039 = arith.index_cast %scan3A_986 : i32 to index
        %swap3A_1040 = arith.constant 32 : index
        %swap3A_1041 = tpu.vector_load %arg19[%swap3A_1039, %swap3A_1040] {strides = array<i32>} : memref<128x128xbf16, #tpu.memory_space<vmem>>, vector<1x32xbf16>,
        %swap3A_1042 = vector.shape_cast %swap3A_1041 : vector<1x32xbf16> to vector<32xbf16>
        %swap3A_1043 = vector.shape_cast %max3A_1025 : vector<32xbf16> to vector<1x32xbf16>
        tpu.vector_store %arg19[%swap3A_1039, %swap3A_1040], %swap3A_1043 {strides = array<i32>} : memref<128x128xbf16, #tpu.memory_space<vmem>>, vector<1x32xbf16>,
        %swap3A_1044 = arith.index_cast %scan3A_986 : i32 to index
        %swap3A_1045 = arith.constant 64 : index
        %swap3A_1046 = tpu.vector_load %arg19[%swap3A_1044, %swap3A_1045] {strides = array<i32>} : memref<128x128xbf16, #tpu.memory_space<vmem>>, vector<1x32xbf16>,
        %swap3A_1047 = vector.shape_cast %swap3A_1046 : vector<1x32xbf16> to vector<32xbf16>
        %swap3A_1048 = vector.shape_cast %max3A_1029 : vector<32xbf16> to vector<1x32xbf16>
        tpu.vector_store %arg19[%swap3A_1044, %swap3A_1045], %swap3A_1048 {strides = array<i32>} : memref<128x128xbf16, #tpu.memory_space<vmem>>, vector<1x32xbf16>,
        %swap3A_1049 = arith.index_cast %scan3A_986 : i32 to index
        %swap3A_1050 = arith.constant 96 : index
        %swap3A_1051 = tpu.vector_load %arg19[%swap3A_1049, %swap3A_1050] {strides = array<i32>} : memref<128x128xbf16, #tpu.memory_space<vmem>>, vector<1x32xbf16>,
        %swap3A_1052 = vector.shape_cast %swap3A_1051 : vector<1x32xbf16> to vector<32xbf16>
        %swap3A_1053 = vector.shape_cast %max3A_1033 : vector<32xbf16> to vector<1x32xbf16>
        tpu.vector_store %arg19[%swap3A_1049, %swap3A_1050], %swap3A_1053 {strides = array<i32>} : memref<128x128xbf16, #tpu.memory_space<vmem>>, vector<1x32xbf16>,
        %scan3A_1054 = arith.constant 1 : i32
        %scan3A_1055 = arith.addi %scan3A_986, %scan3A_1054 : i32
        %get3A_1056 = arith.index_cast %scan3A_1055 : i32 to index
        %get3A_1057 = arith.constant 0 : index
        %get3A_1058 = tpu.vector_load %arg15[%get3A_1056, %get3A_1057] {strides = array<i32>} : memref<128x128xbf16, #tpu.memory_space<vmem>>, vector<1x32xbf16>,
        %get3A_1059 = vector.shape_cast %get3A_1058 : vector<1x32xbf16> to vector<32xbf16>
        %get3A_1060 = arith.index_cast %scan3A_1055 : i32 to index
        %get3A_1061 = arith.constant 32 : index
        %get3A_1062 = tpu.vector_load %arg15[%get3A_1060, %get3A_1061] {strides = array<i32>} : memref<128x128xbf16, #tpu.memory_space<vmem>>, vector<1x32xbf16>,
        %get3A_1063 = vector.shape_cast %get3A_1062 : vector<1x32xbf16> to vector<32xbf16>
        %get3A_1064 = arith.index_cast %scan3A_1055 : i32 to index
        %get3A_1065 = arith.constant 64 : index
        %get3A_1066 = tpu.vector_load %arg15[%get3A_1064, %get3A_1065] {strides = array<i32>} : memref<128x128xbf16, #tpu.memory_space<vmem>>, vector<1x32xbf16>,
        %get3A_1067 = vector.shape_cast %get3A_1066 : vector<1x32xbf16> to vector<32xbf16>
        %get3A_1068 = arith.index_cast %scan3A_1055 : i32 to index
        %get3A_1069 = arith.constant 96 : index
        %get3A_1070 = tpu.vector_load %arg15[%get3A_1068, %get3A_1069] {strides = array<i32>} : memref<128x128xbf16, #tpu.memory_space<vmem>>, vector<1x32xbf16>,
        %get3A_1071 = vector.shape_cast %get3A_1070 : vector<1x32xbf16> to vector<32xbf16>
        %get3A_1072 = arith.index_cast %scan3A_1055 : i32 to index
        %get3A_1073 = arith.constant 0 : index
        %get3A_1074 = tpu.vector_load %arg17[%get3A_1072, %get3A_1073] {strides = array<i32>} : memref<128x128xbf16, #tpu.memory_space<vmem>>, vector<1x32xbf16>,
        %get3A_1075 = vector.shape_cast %get3A_1074 : vector<1x32xbf16> to vector<32xbf16>
        %get3A_1076 = arith.index_cast %scan3A_1055 : i32 to index
        %get3A_1077 = arith.constant 32 : index
        %get3A_1078 = tpu.vector_load %arg17[%get3A_1076, %get3A_1077] {strides = array<i32>} : memref<128x128xbf16, #tpu.memory_space<vmem>>, vector<1x32xbf16>,
        %get3A_1079 = vector.shape_cast %get3A_1078 : vector<1x32xbf16> to vector<32xbf16>
        %get3A_1080 = arith.index_cast %scan3A_1055 : i32 to index
        %get3A_1081 = arith.constant 64 : index
        %get3A_1082 = tpu.vector_load %arg17[%get3A_1080, %get3A_1081] {strides = array<i32>} : memref<128x128xbf16, #tpu.memory_space<vmem>>, vector<1x32xbf16>,
        %get3A_1083 = vector.shape_cast %get3A_1082 : vector<1x32xbf16> to vector<32xbf16>
        %get3A_1084 = arith.index_cast %scan3A_1055 : i32 to index
        %get3A_1085 = arith.constant 96 : index
        %get3A_1086 = tpu.vector_load %arg17[%get3A_1084, %get3A_1085] {strides = array<i32>} : memref<128x128xbf16, #tpu.memory_space<vmem>>, vector<1x32xbf16>,
        %get3A_1087 = vector.shape_cast %get3A_1086 : vector<1x32xbf16> to vector<32xbf16>
        %add3A_1088 = arith.addf %get3A_1059, %get3A_1075 : vector<32xbf16>
        %max3A_1089 = arith.constant 0.000000e+00 : bf16
        %max3A_1090 = vector.broadcast %max3A_1089 : bf16 to vector<32xbf16>
        %max3A_1091 = arith.maximumf %add3A_1088, %max3A_1090 : vector<32xbf16>
        %add3A_1092 = arith.addf %get3A_1063, %get3A_1079 : vector<32xbf16>
        %max3A_1093 = arith.constant 0.000000e+00 : bf16
        %max3A_1094 = vector.broadcast %max3A_1093 : bf16 to vector<32xbf16>
        %max3A_1095 = arith.maximumf %add3A_1092, %max3A_1094 : vector<32xbf16>
        %add3A_1096 = arith.addf %get3A_1067, %get3A_1083 : vector<32xbf16>
        %max3A_1097 = arith.constant 0.000000e+00 : bf16
        %max3A_1098 = vector.broadcast %max3A_1097 : bf16 to vector<32xbf16>
        %max3A_1099 = arith.maximumf %add3A_1096, %max3A_1098 : vector<32xbf16>
        %add3A_1100 = arith.addf %get3A_1071, %get3A_1087 : vector<32xbf16>
        %max3A_1101 = arith.constant 0.000000e+00 : bf16
        %max3A_1102 = vector.broadcast %max3A_1101 : bf16 to vector<32xbf16>
        %max3A_1103 = arith.maximumf %add3A_1100, %max3A_1102 : vector<32xbf16>
        %swap3A_1104 = arith.index_cast %scan3A_1055 : i32 to index
        %swap3A_1105 = arith.constant 0 : index
        %swap3A_1106 = tpu.vector_load %arg19[%swap3A_1104, %swap3A_1105] {strides = array<i32>} : memref<128x128xbf16, #tpu.memory_space<vmem>>, vector<1x32xbf16>,
        %swap3A_1107 = vector.shape_cast %swap3A_1106 : vector<1x32xbf16> to vector<32xbf16>
        %swap3A_1108 = vector.shape_cast %max3A_1091 : vector<32xbf16> to vector<1x32xbf16>
        tpu.vector_store %arg19[%swap3A_1104, %swap3A_1105], %swap3A_1108 {strides = array<i32>} : memref<128x128xbf16, #tpu.memory_space<vmem>>, vector<1x32xbf16>,
        %swap3A_1109 = arith.index_cast %scan3A_1055 : i32 to index
        %swap3A_1110 = arith.constant 32 : index
        %swap3A_1111 = tpu.vector_load %arg19[%swap3A_1109, %swap3A_1110] {strides = array<i32>} : memref<128x128xbf16, #tpu.memory_space<vmem>>, vector<1x32xbf16>,
        %swap3A_1112 = vector.shape_cast %swap3A_1111 : vector<1x32xbf16> to vector<32xbf16>
        %swap3A_1113 = vector.shape_cast %max3A_1095 : vector<32xbf16> to vector<1x32xbf16>
        tpu.vector_store %arg19[%swap3A_1109, %swap3A_1110], %swap3A_1113 {strides = array<i32>} : memref<128x128xbf16, #tpu.memory_space<vmem>>, vector<1x32xbf16>,
        %swap3A_1114 = arith.index_cast %scan3A_1055 : i32 to index
        %swap3A_1115 = arith.constant 64 : index
        %swap3A_1116 = tpu.vector_load %arg19[%swap3A_1114, %swap3A_1115] {strides = array<i32>} : memref<128x128xbf16, #tpu.memory_space<vmem>>, vector<1x32xbf16>,
        %swap3A_1117 = vector.shape_cast %swap3A_1116 : vector<1x32xbf16> to vector<32xbf16>
        %swap3A_1118 = vector.shape_cast %max3A_1099 : vector<32xbf16> to vector<1x32xbf16>
        tpu.vector_store %arg19[%swap3A_1114, %swap3A_1115], %swap3A_1118 {strides = array<i32>} : memref<128x128xbf16, #tpu.memory_space<vmem>>, vector<1x32xbf16>,
        %swap3A_1119 = arith.index_cast %scan3A_1055 : i32 to index
        %swap3A_1120 = arith.constant 96 : index
        %swap3A_1121 = tpu.vector_load %arg19[%swap3A_1119, %swap3A_1120] {strides = array<i32>} : memref<128x128xbf16, #tpu.memory_space<vmem>>, vector<1x32xbf16>,
        %swap3A_1122 = vector.shape_cast %swap3A_1121 : vector<1x32xbf16> to vector<32xbf16>
        %swap3A_1123 = vector.shape_cast %max3A_1103 : vector<32xbf16> to vector<1x32xbf16>
        tpu.vector_store %arg19[%swap3A_1119, %swap3A_1120], %swap3A_1123 {strides = array<i32>} : memref<128x128xbf16, #tpu.memory_space<vmem>>, vector<1x32xbf16>,
        %scan3A_1124 = arith.constant 2 : i32
        %scan3A_1125 = arith.addi %scan3A_986, %scan3A_1124 : i32
        %get3A_1126 = arith.index_cast %scan3A_1125 : i32 to index
        %get3A_1127 = arith.constant 0 : index
        %get3A_1128 = tpu.vector_load %arg15[%get3A_1126, %get3A_1127] {strides = array<i32>} : memref<128x128xbf16, #tpu.memory_space<vmem>>, vector<1x32xbf16>,
        %get3A_1129 = vector.shape_cast %get3A_1128 : vector<1x32xbf16> to vector<32xbf16>
        %get3A_1130 = arith.index_cast %scan3A_1125 : i32 to index
        %get3A_1131 = arith.constant 32 : index
        %get3A_1132 = tpu.vector_load %arg15[%get3A_1130, %get3A_1131] {strides = array<i32>} : memref<128x128xbf16, #tpu.memory_space<vmem>>, vector<1x32xbf16>,
        %get3A_1133 = vector.shape_cast %get3A_1132 : vector<1x32xbf16> to vector<32xbf16>
        %get3A_1134 = arith.index_cast %scan3A_1125 : i32 to index
        %get3A_1135 = arith.constant 64 : index
        %get3A_1136 = tpu.vector_load %arg15[%get3A_1134, %get3A_1135] {strides = array<i32>} : memref<128x128xbf16, #tpu.memory_space<vmem>>, vector<1x32xbf16>,
        %get3A_1137 = vector.shape_cast %get3A_1136 : vector<1x32xbf16> to vector<32xbf16>
        %get3A_1138 = arith.index_cast %scan3A_1125 : i32 to index
        %get3A_1139 = arith.constant 96 : index
        %get3A_1140 = tpu.vector_load %arg15[%get3A_1138, %get3A_1139] {strides = array<i32>} : memref<128x128xbf16, #tpu.memory_space<vmem>>, vector<1x32xbf16>,
        %get3A_1141 = vector.shape_cast %get3A_1140 : vector<1x32xbf16> to vector<32xbf16>
        %get3A_1142 = arith.index_cast %scan3A_1125 : i32 to index
        %get3A_1143 = arith.constant 0 : index
        %get3A_1144 = tpu.vector_load %arg17[%get3A_1142, %get3A_1143] {strides = array<i32>} : memref<128x128xbf16, #tpu.memory_space<vmem>>, vector<1x32xbf16>,
        %get3A_1145 = vector.shape_cast %get3A_1144 : vector<1x32xbf16> to vector<32xbf16>
        %get3A_1146 = arith.index_cast %scan3A_1125 : i32 to index
        %get3A_1147 = arith.constant 32 : index
        %get3A_1148 = tpu.vector_load %arg17[%get3A_1146, %get3A_1147] {strides = array<i32>} : memref<128x128xbf16, #tpu.memory_space<vmem>>, vector<1x32xbf16>,
        %get3A_1149 = vector.shape_cast %get3A_1148 : vector<1x32xbf16> to vector<32xbf16>
        %get3A_1150 = arith.index_cast %scan3A_1125 : i32 to index
        %get3A_1151 = arith.constant 64 : index
        %get3A_1152 = tpu.vector_load %arg17[%get3A_1150, %get3A_1151] {strides = array<i32>} : memref<128x128xbf16, #tpu.memory_space<vmem>>, vector<1x32xbf16>,
        %get3A_1153 = vector.shape_cast %get3A_1152 : vector<1x32xbf16> to vector<32xbf16>
        %get3A_1154 = arith.index_cast %scan3A_1125 : i32 to index
        %get3A_1155 = arith.constant 96 : index
        %get3A_1156 = tpu.vector_load %arg17[%get3A_1154, %get3A_1155] {strides = array<i32>} : memref<128x128xbf16, #tpu.memory_space<vmem>>, vector<1x32xbf16>,
        %get3A_1157 = vector.shape_cast %get3A_1156 : vector<1x32xbf16> to vector<32xbf16>
        %add3A_1158 = arith.addf %get3A_1129, %get3A_1145 : vector<32xbf16>
        %max3A_1159 = arith.constant 0.000000e+00 : bf16
        %max3A_1160 = vector.broadcast %max3A_1159 : bf16 to vector<32xbf16>
        %max3A_1161 = arith.maximumf %add3A_1158, %max3A_1160 : vector<32xbf16>
        %add3A_1162 = arith.addf %get3A_1133, %get3A_1149 : vector<32xbf16>
        %max3A_1163 = arith.constant 0.000000e+00 : bf16
        %max3A_1164 = vector.broadcast %max3A_1163 : bf16 to vector<32xbf16>
        %max3A_1165 = arith.maximumf %add3A_1162, %max3A_1164 : vector<32xbf16>
        %add3A_1166 = arith.addf %get3A_1137, %get3A_1153 : vector<32xbf16>
        %max3A_1167 = arith.constant 0.000000e+00 : bf16
        %max3A_1168 = vector.broadcast %max3A_1167 : bf16 to vector<32xbf16>
        %max3A_1169 = arith.maximumf %add3A_1166, %max3A_1168 : vector<32xbf16>
        %add3A_1170 = arith.addf %get3A_1141, %get3A_1157 : vector<32xbf16>
        %max3A_1171 = arith.constant 0.000000e+00 : bf16
        %max3A_1172 = vector.broadcast %max3A_1171 : bf16 to vector<32xbf16>
        %max3A_1173 = arith.maximumf %add3A_1170, %max3A_1172 : vector<32xbf16>
        %swap3A_1174 = arith.index_cast %scan3A_1125 : i32 to index
        %swap3A_1175 = arith.constant 0 : index
        %swap3A_1176 = tpu.vector_load %arg19[%swap3A_1174, %swap3A_1175] {strides = array<i32>} : memref<128x128xbf16, #tpu.memory_space<vmem>>, vector<1x32xbf16>,
        %swap3A_1177 = vector.shape_cast %swap3A_1176 : vector<1x32xbf16> to vector<32xbf16>
        %swap3A_1178 = vector.shape_cast %max3A_1161 : vector<32xbf16> to vector<1x32xbf16>
        tpu.vector_store %arg19[%swap3A_1174, %swap3A_1175], %swap3A_1178 {strides = array<i32>} : memref<128x128xbf16, #tpu.memory_space<vmem>>, vector<1x32xbf16>,
        %swap3A_1179 = arith.index_cast %scan3A_1125 : i32 to index
        %swap3A_1180 = arith.constant 32 : index
        %swap3A_1181 = tpu.vector_load %arg19[%swap3A_1179, %swap3A_1180] {strides = array<i32>} : memref<128x128xbf16, #tpu.memory_space<vmem>>, vector<1x32xbf16>,
        %swap3A_1182 = vector.shape_cast %swap3A_1181 : vector<1x32xbf16> to vector<32xbf16>
        %swap3A_1183 = vector.shape_cast %max3A_1165 : vector<32xbf16> to vector<1x32xbf16>
        tpu.vector_store %arg19[%swap3A_1179, %swap3A_1180], %swap3A_1183 {strides = array<i32>} : memref<128x128xbf16, #tpu.memory_space<vmem>>, vector<1x32xbf16>,
        %swap3A_1184 = arith.index_cast %scan3A_1125 : i32 to index
        %swap3A_1185 = arith.constant 64 : index
        %swap3A_1186 = tpu.vector_load %arg19[%swap3A_1184, %swap3A_1185] {strides = array<i32>} : memref<128x128xbf16, #tpu.memory_space<vmem>>, vector<1x32xbf16>,
        %swap3A_1187 = vector.shape_cast %swap3A_1186 : vector<1x32xbf16> to vector<32xbf16>
        %swap3A_1188 = vector.shape_cast %max3A_1169 : vector<32xbf16> to vector<1x32xbf16>
        tpu.vector_store %arg19[%swap3A_1184, %swap3A_1185], %swap3A_1188 {strides = array<i32>} : memref<128x128xbf16, #tpu.memory_space<vmem>>, vector<1x32xbf16>,
        %swap3A_1189 = arith.index_cast %scan3A_1125 : i32 to index
        %swap3A_1190 = arith.constant 96 : index
        %swap3A_1191 = tpu.vector_load %arg19[%swap3A_1189, %swap3A_1190] {strides = array<i32>} : memref<128x128xbf16, #tpu.memory_space<vmem>>, vector<1x32xbf16>,
        %swap3A_1192 = vector.shape_cast %swap3A_1191 : vector<1x32xbf16> to vector<32xbf16>
        %swap3A_1193 = vector.shape_cast %max3A_1173 : vector<32xbf16> to vector<1x32xbf16>
        tpu.vector_store %arg19[%swap3A_1189, %swap3A_1190], %swap3A_1193 {strides = array<i32>} : memref<128x128xbf16, #tpu.memory_space<vmem>>, vector<1x32xbf16>,
        %scan3A_1194 = arith.constant 3 : i32
        %scan3A_1195 = arith.addi %scan3A_986, %scan3A_1194 : i32
        %get3A_1196 = arith.index_cast %scan3A_1195 : i32 to index
        %get3A_1197 = arith.constant 0 : index
        %get3A_1198 = tpu.vector_load %arg15[%get3A_1196, %get3A_1197] {strides = array<i32>} : memref<128x128xbf16, #tpu.memory_space<vmem>>, vector<1x32xbf16>,
        %get3A_1199 = vector.shape_cast %get3A_1198 : vector<1x32xbf16> to vector<32xbf16>
        %get3A_1200 = arith.index_cast %scan3A_1195 : i32 to index
        %get3A_1201 = arith.constant 32 : index
        %get3A_1202 = tpu.vector_load %arg15[%get3A_1200, %get3A_1201] {strides = array<i32>} : memref<128x128xbf16, #tpu.memory_space<vmem>>, vector<1x32xbf16>,
        %get3A_1203 = vector.shape_cast %get3A_1202 : vector<1x32xbf16> to vector<32xbf16>
        %get3A_1204 = arith.index_cast %scan3A_1195 : i32 to index
        %get3A_1205 = arith.constant 64 : index
        %get3A_1206 = tpu.vector_load %arg15[%get3A_1204, %get3A_1205] {strides = array<i32>} : memref<128x128xbf16, #tpu.memory_space<vmem>>, vector<1x32xbf16>,
        %get3A_1207 = vector.shape_cast %get3A_1206 : vector<1x32xbf16> to vector<32xbf16>
        %get3A_1208 = arith.index_cast %scan3A_1195 : i32 to index
        %get3A_1209 = arith.constant 96 : index
        %get3A_1210 = tpu.vector_load %arg15[%get3A_1208, %get3A_1209] {strides = array<i32>} : memref<128x128xbf16, #tpu.memory_space<vmem>>, vector<1x32xbf16>,
        %get3A_1211 = vector.shape_cast %get3A_1210 : vector<1x32xbf16> to vector<32xbf16>
        %get3A_1212 = arith.index_cast %scan3A_1195 : i32 to index
        %get3A_1213 = arith.constant 0 : index
        %get3A_1214 = tpu.vector_load %arg17[%get3A_1212, %get3A_1213] {strides = array<i32>} : memref<128x128xbf16, #tpu.memory_space<vmem>>, vector<1x32xbf16>,
        %get3A_1215 = vector.shape_cast %get3A_1214 : vector<1x32xbf16> to vector<32xbf16>
        %get3A_1216 = arith.index_cast %scan3A_1195 : i32 to index
        %get3A_1217 = arith.constant 32 : index
        %get3A_1218 = tpu.vector_load %arg17[%get3A_1216, %get3A_1217] {strides = array<i32>} : memref<128x128xbf16, #tpu.memory_space<vmem>>, vector<1x32xbf16>,
        %get3A_1219 = vector.shape_cast %get3A_1218 : vector<1x32xbf16> to vector<32xbf16>
        %get3A_1220 = arith.index_cast %scan3A_1195 : i32 to index
        %get3A_1221 = arith.constant 64 : index
        %get3A_1222 = tpu.vector_load %arg17[%get3A_1220, %get3A_1221] {strides = array<i32>} : memref<128x128xbf16, #tpu.memory_space<vmem>>, vector<1x32xbf16>,
        %get3A_1223 = vector.shape_cast %get3A_1222 : vector<1x32xbf16> to vector<32xbf16>
        %get3A_1224 = arith.index_cast %scan3A_1195 : i32 to index
        %get3A_1225 = arith.constant 96 : index
        %get3A_1226 = tpu.vector_load %arg17[%get3A_1224, %get3A_1225] {strides = array<i32>} : memref<128x128xbf16, #tpu.memory_space<vmem>>, vector<1x32xbf16>,
        %get3A_1227 = vector.shape_cast %get3A_1226 : vector<1x32xbf16> to vector<32xbf16>
        %add3A_1228 = arith.addf %get3A_1199, %get3A_1215 : vector<32xbf16>
        %max3A_1229 = arith.constant 0.000000e+00 : bf16
        %max3A_1230 = vector.broadcast %max3A_1229 : bf16 to vector<32xbf16>
        %max3A_1231 = arith.maximumf %add3A_1228, %max3A_1230 : vector<32xbf16>
        %add3A_1232 = arith.addf %get3A_1203, %get3A_1219 : vector<32xbf16>
        %max3A_1233 = arith.constant 0.000000e+00 : bf16
        %max3A_1234 = vector.broadcast %max3A_1233 : bf16 to vector<32xbf16>
        %max3A_1235 = arith.maximumf %add3A_1232, %max3A_1234 : vector<32xbf16>
        %add3A_1236 = arith.addf %get3A_1207, %get3A_1223 : vector<32xbf16>
        %max3A_1237 = arith.constant 0.000000e+00 : bf16
        %max3A_1238 = vector.broadcast %max3A_1237 : bf16 to vector<32xbf16>
        %max3A_1239 = arith.maximumf %add3A_1236, %max3A_1238 : vector<32xbf16>
        %add3A_1240 = arith.addf %get3A_1211, %get3A_1227 : vector<32xbf16>
        %max3A_1241 = arith.constant 0.000000e+00 : bf16
        %max3A_1242 = vector.broadcast %max3A_1241 : bf16 to vector<32xbf16>
        %max3A_1243 = arith.maximumf %add3A_1240, %max3A_1242 : vector<32xbf16>
        %swap3A_1244 = arith.index_cast %scan3A_1195 : i32 to index
        %swap3A_1245 = arith.constant 0 : index
        %swap3A_1246 = tpu.vector_load %arg19[%swap3A_1244, %swap3A_1245] {strides = array<i32>} : memref<128x128xbf16, #tpu.memory_space<vmem>>, vector<1x32xbf16>,
        %swap3A_1247 = vector.shape_cast %swap3A_1246 : vector<1x32xbf16> to vector<32xbf16>
        %swap3A_1248 = vector.shape_cast %max3A_1231 : vector<32xbf16> to vector<1x32xbf16>
        tpu.vector_store %arg19[%swap3A_1244, %swap3A_1245], %swap3A_1248 {strides = array<i32>} : memref<128x128xbf16, #tpu.memory_space<vmem>>, vector<1x32xbf16>,
        %swap3A_1249 = arith.index_cast %scan3A_1195 : i32 to index
        %swap3A_1250 = arith.constant 32 : index
        %swap3A_1251 = tpu.vector_load %arg19[%swap3A_1249, %swap3A_1250] {strides = array<i32>} : memref<128x128xbf16, #tpu.memory_space<vmem>>, vector<1x32xbf16>,
        %swap3A_1252 = vector.shape_cast %swap3A_1251 : vector<1x32xbf16> to vector<32xbf16>
        %swap3A_1253 = vector.shape_cast %max3A_1235 : vector<32xbf16> to vector<1x32xbf16>
        tpu.vector_store %arg19[%swap3A_1249, %swap3A_1250], %swap3A_1253 {strides = array<i32>} : memref<128x128xbf16, #tpu.memory_space<vmem>>, vector<1x32xbf16>,
        %swap3A_1254 = arith.index_cast %scan3A_1195 : i32 to index
        %swap3A_1255 = arith.constant 64 : index
        %swap3A_1256 = tpu.vector_load %arg19[%swap3A_1254, %swap3A_1255] {strides = array<i32>} : memref<128x128xbf16, #tpu.memory_space<vmem>>, vector<1x32xbf16>,
        %swap3A_1257 = vector.shape_cast %swap3A_1256 : vector<1x32xbf16> to vector<32xbf16>
        %swap3A_1258 = vector.shape_cast %max3A_1239 : vector<32xbf16> to vector<1x32xbf16>
        tpu.vector_store %arg19[%swap3A_1254, %swap3A_1255], %swap3A_1258 {strides = array<i32>} : memref<128x128xbf16, #tpu.memory_space<vmem>>, vector<1x32xbf16>,
        %swap3A_1259 = arith.index_cast %scan3A_1195 : i32 to index
        %swap3A_1260 = arith.constant 96 : index
        %swap3A_1261 = tpu.vector_load %arg19[%swap3A_1259, %swap3A_1260] {strides = array<i32>} : memref<128x128xbf16, #tpu.memory_space<vmem>>, vector<1x32xbf16>,
        %swap3A_1262 = vector.shape_cast %swap3A_1261 : vector<1x32xbf16> to vector<32xbf16>
        %swap3A_1263 = vector.shape_cast %max3A_1243 : vector<32xbf16> to vector<1x32xbf16>
        tpu.vector_store %arg19[%swap3A_1259, %swap3A_1260], %swap3A_1263 {strides = array<i32>} : memref<128x128xbf16, #tpu.memory_space<vmem>>, vector<1x32xbf16>,
      }
      %scan3A_802 = arith.constant 128 : i32
      %mul3A_803 = arith.constant 128 : i32
      %mul3A_804 = arith.muli %add3A_788, %mul3A_803 : i32
      %add3A_805 = arith.constant 0 : i32
      %add3A_806 = arith.addi %mul3A_804, %add3A_805 : i32
      %get3A_807 = arith.index_cast %add3A_806 : i32 to index
      %get3A_808 = tpu.vector_load %arg7[%get3A_807] {strides = array<i32>} : memref<10240xi32, #tpu.memory_space<vmem>>, vector<16xi32>,
      %get3A_809 = vector.shape_cast %get3A_808 : vector<16xi32> to vector<16xi32>
      %swap3A_810 = arith.constant 0 : index
      %swap3A_811 = tpu.vector_load %arg13[%swap3A_810] {strides = array<i32>} : memref<128xi32, #tpu.memory_space<vmem>>, vector<16xi32>,
      %swap3A_812 = vector.shape_cast %swap3A_811 : vector<16xi32> to vector<16xi32>
      %swap3A_813 = vector.shape_cast %get3A_809 : vector<16xi32> to vector<16xi32>
      tpu.vector_store %arg13[%swap3A_810], %swap3A_813 {strides = array<i32>} : memref<128xi32, #tpu.memory_space<vmem>>, vector<16xi32>,
      %add3A_814 = arith.constant 16 : i32
      %add3A_815 = arith.addi %mul3A_804, %add3A_814 : i32
      %get3A_816 = arith.index_cast %add3A_815 : i32 to index
      %get3A_817 = tpu.vector_load %arg7[%get3A_816] {strides = array<i32>} : memref<10240xi32, #tpu.memory_space<vmem>>, vector<16xi32>,
      %get3A_818 = vector.shape_cast %get3A_817 : vector<16xi32> to vector<16xi32>
      %swap3A_819 = arith.constant 16 : index
      %swap3A_820 = tpu.vector_load %arg13[%swap3A_819] {strides = array<i32>} : memref<128xi32, #tpu.memory_space<vmem>>, vector<16xi32>,
      %swap3A_821 = vector.shape_cast %swap3A_820 : vector<16xi32> to vector<16xi32>
      %swap3A_822 = vector.shape_cast %get3A_818 : vector<16xi32> to vector<16xi32>
      tpu.vector_store %arg13[%swap3A_819], %swap3A_822 {strides = array<i32>} : memref<128xi32, #tpu.memory_space<vmem>>, vector<16xi32>,
      %add3A_823 = arith.constant 32 : i32
      %add3A_824 = arith.addi %mul3A_804, %add3A_823 : i32
      %get3A_825 = arith.index_cast %add3A_824 : i32 to index
      %get3A_826 = tpu.vector_load %arg7[%get3A_825] {strides = array<i32>} : memref<10240xi32, #tpu.memory_space<vmem>>, vector<16xi32>,
      %get3A_827 = vector.shape_cast %get3A_826 : vector<16xi32> to vector<16xi32>
      %swap3A_828 = arith.constant 32 : index
      %swap3A_829 = tpu.vector_load %arg13[%swap3A_828] {strides = array<i32>} : memref<128xi32, #tpu.memory_space<vmem>>, vector<16xi32>,
      %swap3A_830 = vector.shape_cast %swap3A_829 : vector<16xi32> to vector<16xi32>
      %swap3A_831 = vector.shape_cast %get3A_827 : vector<16xi32> to vector<16xi32>
      tpu.vector_store %arg13[%swap3A_828], %swap3A_831 {strides = array<i32>} : memref<128xi32, #tpu.memory_space<vmem>>, vector<16xi32>,
      %add3A_832 = arith.constant 48 : i32
      %add3A_833 = arith.addi %mul3A_804, %add3A_832 : i32
      %get3A_834 = arith.index_cast %add3A_833 : i32 to index
      %get3A_835 = tpu.vector_load %arg7[%get3A_834] {strides = array<i32>} : memref<10240xi32, #tpu.memory_space<vmem>>, vector<16xi32>,
      %get3A_836 = vector.shape_cast %get3A_835 : vector<16xi32> to vector<16xi32>
      %swap3A_837 = arith.constant 48 : index
      %swap3A_838 = tpu.vector_load %arg13[%swap3A_837] {strides = array<i32>} : memref<128xi32, #tpu.memory_space<vmem>>, vector<16xi32>,
      %swap3A_839 = vector.shape_cast %swap3A_838 : vector<16xi32> to vector<16xi32>
      %swap3A_840 = vector.shape_cast %get3A_836 : vector<16xi32> to vector<16xi32>
      tpu.vector_store %arg13[%swap3A_837], %swap3A_840 {strides = array<i32>} : memref<128xi32, #tpu.memory_space<vmem>>, vector<16xi32>,
      %add3A_841 = arith.constant 64 : i32
      %add3A_842 = arith.addi %mul3A_804, %add3A_841 : i32
      %get3A_843 = arith.index_cast %add3A_842 : i32 to index
      %get3A_844 = tpu.vector_load %arg7[%get3A_843] {strides = array<i32>} : memref<10240xi32, #tpu.memory_space<vmem>>, vector<16xi32>,
      %get3A_845 = vector.shape_cast %get3A_844 : vector<16xi32> to vector<16xi32>
      %swap3A_846 = arith.constant 64 : index
      %swap3A_847 = tpu.vector_load %arg13[%swap3A_846] {strides = array<i32>} : memref<128xi32, #tpu.memory_space<vmem>>, vector<16xi32>,
      %swap3A_848 = vector.shape_cast %swap3A_847 : vector<16xi32> to vector<16xi32>
      %swap3A_849 = vector.shape_cast %get3A_845 : vector<16xi32> to vector<16xi32>
      tpu.vector_store %arg13[%swap3A_846], %swap3A_849 {strides = array<i32>} : memref<128xi32, #tpu.memory_space<vmem>>, vector<16xi32>,
      %add3A_850 = arith.constant 80 : i32
      %add3A_851 = arith.addi %mul3A_804, %add3A_850 : i32
      %get3A_852 = arith.index_cast %add3A_851 : i32 to index
      %get3A_853 = tpu.vector_load %arg7[%get3A_852] {strides = array<i32>} : memref<10240xi32, #tpu.memory_space<vmem>>, vector<16xi32>,
      %get3A_854 = vector.shape_cast %get3A_853 : vector<16xi32> to vector<16xi32>
      %swap3A_855 = arith.constant 80 : index
      %swap3A_856 = tpu.vector_load %arg13[%swap3A_855] {strides = array<i32>} : memref<128xi32, #tpu.memory_space<vmem>>, vector<16xi32>,
      %swap3A_857 = vector.shape_cast %swap3A_856 : vector<16xi32> to vector<16xi32>
      %swap3A_858 = vector.shape_cast %get3A_854 : vector<16xi32> to vector<16xi32>
      tpu.vector_store %arg13[%swap3A_855], %swap3A_858 {strides = array<i32>} : memref<128xi32, #tpu.memory_space<vmem>>, vector<16xi32>,
      %add3A_859 = arith.constant 96 : i32
      %add3A_860 = arith.addi %mul3A_804, %add3A_859 : i32
      %get3A_861 = arith.index_cast %add3A_860 : i32 to index
      %get3A_862 = tpu.vector_load %arg7[%get3A_861] {strides = array<i32>} : memref<10240xi32, #tpu.memory_space<vmem>>, vector<16xi32>,
      %get3A_863 = vector.shape_cast %get3A_862 : vector<16xi32> to vector<16xi32>
      %swap3A_864 = arith.constant 96 : index
      %swap3A_865 = tpu.vector_load %arg13[%swap3A_864] {strides = array<i32>} : memref<128xi32, #tpu.memory_space<vmem>>, vector<16xi32>,
      %swap3A_866 = vector.shape_cast %swap3A_865 : vector<16xi32> to vector<16xi32>
      %swap3A_867 = vector.shape_cast %get3A_863 : vector<16xi32> to vector<16xi32>
      tpu.vector_store %arg13[%swap3A_864], %swap3A_867 {strides = array<i32>} : memref<128xi32, #tpu.memory_space<vmem>>, vector<16xi32>,
      %add3A_868 = arith.constant 112 : i32
      %add3A_869 = arith.addi %mul3A_804, %add3A_868 : i32
      %get3A_870 = arith.index_cast %add3A_869 : i32 to index
      %get3A_871 = tpu.vector_load %arg7[%get3A_870] {strides = array<i32>} : memref<10240xi32, #tpu.memory_space<vmem>>, vector<16xi32>,
      %get3A_872 = vector.shape_cast %get3A_871 : vector<16xi32> to vector<16xi32>
      %swap3A_873 = arith.constant 112 : index
      %swap3A_874 = tpu.vector_load %arg13[%swap3A_873] {strides = array<i32>} : memref<128xi32, #tpu.memory_space<vmem>>, vector<16xi32>,
      %swap3A_875 = vector.shape_cast %swap3A_874 : vector<16xi32> to vector<16xi32>
      %swap3A_876 = vector.shape_cast %get3A_872 : vector<16xi32> to vector<16xi32>
      tpu.vector_store %arg13[%swap3A_873], %swap3A_876 {strides = array<i32>} : memref<128xi32, #tpu.memory_space<vmem>>, vector<16xi32>,
      %dma_start3A_877 = arith.constant 0 : i32
      %dma_start3A_878 = arith.constant 0 : i32
      %dma_start3A_879 = tpu.memref_slice %arg6[%dma_start3A_877, %dma_start3A_878] : memref<10112x128xbf16, #tpu.memory_space<vmem_shared>> -> memref<10112x128xbf16, #tpu.memory_space<vmem_shared>>
      tpu.enqueue_indirect_dma source(%arg19 : memref<128x128xbf16, #tpu.memory_space<vmem>>) target(%dma_start3A_879 : memref<10112x128xbf16, #tpu.memory_space<vmem_shared>>) offsets(%arg13 : memref<128xi32, #tpu.memory_space<vmem>>) semaphore(%arg25 : memref<!tpu.dma_semaphore, #tpu.memory_space<semaphore_mem>>) {add = true}
      %add3A_880 = arith.constant 2 : i32
      %add3A_881 = arith.addi %add3A_788, %add3A_880 : i32
      %lt3A = arith.constant 80 : i32
      %lt3A_882 = arith.cmpi slt, %add3A_881, %lt3A : i32
      %convert_element_type3A = arith.extui %lt3A_882 : i1 to i32
      %cond3A = arith.constant 0 : i32
      %cond3A_883 = arith.cmpi ne, %convert_element_type3A, %cond3A : i32
      scf.if %cond3A_883 {
        %add3A_986 = arith.constant 2 : i32
        %add3A_987 = arith.addi %add3A_788, %add3A_986 : i32
        %mul3A_988 = arith.constant 128 : i32
        %mul3A_989 = arith.muli %add3A_987, %mul3A_988 : i32
        %add3A_990 = arith.constant 0 : i32
        %add3A_991 = arith.addi %mul3A_989, %add3A_990 : i32
        %get3A_992 = arith.index_cast %add3A_991 : i32 to index
        %get3A_993 = tpu.vector_load %arg7[%get3A_992] {strides = array<i32>} : memref<10240xi32, #tpu.memory_space<vmem>>, vector<16xi32>,
        %get3A_994 = vector.shape_cast %get3A_993 : vector<16xi32> to vector<16xi32>
        %add3A_995 = vector.broadcast %mul3A_4 : i32 to vector<16xi32>
        %add3A_996 = arith.addi %get3A_994, %add3A_995 : vector<16xi32>
        %swap3A_997 = arith.constant 0 : index
        %swap3A_998 = tpu.vector_load %arg9[%swap3A_997] {strides = array<i32>} : memref<128xi32, #tpu.memory_space<vmem>>, vector<16xi32>,
        %swap3A_999 = vector.shape_cast %swap3A_998 : vector<16xi32> to vector<16xi32>
        %swap3A_1000 = vector.shape_cast %add3A_996 : vector<16xi32> to vector<16xi32>
        tpu.vector_store %arg9[%swap3A_997], %swap3A_1000 {strides = array<i32>} : memref<128xi32, #tpu.memory_space<vmem>>, vector<16xi32>,
        %add3A_1001 = arith.constant 0 : i32
        %add3A_1002 = arith.addi %mul3A_989, %add3A_1001 : i32
        %get3A_1003 = arith.index_cast %add3A_1002 : i32 to index
        %get3A_1004 = tpu.vector_load %arg8[%get3A_1003] {strides = array<i32>} : memref<10240xi32, #tpu.memory_space<vmem>>, vector<16xi32>,
        %get3A_1005 = vector.shape_cast %get3A_1004 : vector<16xi32> to vector<16xi32>
        %add3A_1006 = vector.broadcast %add3A_7 : i32 to vector<16xi32>
        %add3A_1007 = arith.addi %get3A_1005, %add3A_1006 : vector<16xi32>
        %swap3A_1008 = arith.constant 0 : index
        %swap3A_1009 = tpu.vector_load %arg11[%swap3A_1008] {strides = array<i32>} : memref<128xi32, #tpu.memory_space<vmem>>, vector<16xi32>,
        %swap3A_1010 = vector.shape_cast %swap3A_1009 : vector<16xi32> to vector<16xi32>
        %swap3A_1011 = vector.shape_cast %add3A_1007 : vector<16xi32> to vector<16xi32>
        tpu.vector_store %arg11[%swap3A_1008], %swap3A_1011 {strides = array<i32>} : memref<128xi32, #tpu.memory_space<vmem>>, vector<16xi32>,
        %add3A_1012 = arith.constant 16 : i32
        %add3A_1013 = arith.addi %mul3A_989, %add3A_1012 : i32
        %get3A_1014 = arith.index_cast %add3A_1013 : i32 to index
        %get3A_1015 = tpu.vector_load %arg7[%get3A_1014] {strides = array<i32>} : memref<10240xi32, #tpu.memory_space<vmem>>, vector<16xi32>,
        %get3A_1016 = vector.shape_cast %get3A_1015 : vector<16xi32> to vector<16xi32>
        %add3A_1017 = vector.broadcast %mul3A_4 : i32 to vector<16xi32>
        %add3A_1018 = arith.addi %get3A_1016, %add3A_1017 : vector<16xi32>
        %swap3A_1019 = arith.constant 16 : index
        %swap3A_1020 = tpu.vector_load %arg9[%swap3A_1019] {strides = array<i32>} : memref<128xi32, #tpu.memory_space<vmem>>, vector<16xi32>,
        %swap3A_1021 = vector.shape_cast %swap3A_1020 : vector<16xi32> to vector<16xi32>
        %swap3A_1022 = vector.shape_cast %add3A_1018 : vector<16xi32> to vector<16xi32>
        tpu.vector_store %arg9[%swap3A_1019], %swap3A_1022 {strides = array<i32>} : memref<128xi32, #tpu.memory_space<vmem>>, vector<16xi32>,
        %add3A_1023 = arith.constant 16 : i32
        %add3A_1024 = arith.addi %mul3A_989, %add3A_1023 : i32
        %get3A_1025 = arith.index_cast %add3A_1024 : i32 to index
        %get3A_1026 = tpu.vector_load %arg8[%get3A_1025] {strides = array<i32>} : memref<10240xi32, #tpu.memory_space<vmem>>, vector<16xi32>,
        %get3A_1027 = vector.shape_cast %get3A_1026 : vector<16xi32> to vector<16xi32>
        %add3A_1028 = vector.broadcast %add3A_7 : i32 to vector<16xi32>
        %add3A_1029 = arith.addi %get3A_1027, %add3A_1028 : vector<16xi32>
        %swap3A_1030 = arith.constant 16 : index
        %swap3A_1031 = tpu.vector_load %arg11[%swap3A_1030] {strides = array<i32>} : memref<128xi32, #tpu.memory_space<vmem>>, vector<16xi32>,
        %swap3A_1032 = vector.shape_cast %swap3A_1031 : vector<16xi32> to vector<16xi32>
        %swap3A_1033 = vector.shape_cast %add3A_1029 : vector<16xi32> to vector<16xi32>
        tpu.vector_store %arg11[%swap3A_1030], %swap3A_1033 {strides = array<i32>} : memref<128xi32, #tpu.memory_space<vmem>>, vector<16xi32>,
        %add3A_1034 = arith.constant 32 : i32
        %add3A_1035 = arith.addi %mul3A_989, %add3A_1034 : i32
        %get3A_1036 = arith.index_cast %add3A_1035 : i32 to index
        %get3A_1037 = tpu.vector_load %arg7[%get3A_1036] {strides = array<i32>} : memref<10240xi32, #tpu.memory_space<vmem>>, vector<16xi32>,
        %get3A_1038 = vector.shape_cast %get3A_1037 : vector<16xi32> to vector<16xi32>
        %add3A_1039 = vector.broadcast %mul3A_4 : i32 to vector<16xi32>
        %add3A_1040 = arith.addi %get3A_1038, %add3A_1039 : vector<16xi32>
        %swap3A_1041 = arith.constant 32 : index
        %swap3A_1042 = tpu.vector_load %arg9[%swap3A_1041] {strides = array<i32>} : memref<128xi32, #tpu.memory_space<vmem>>, vector<16xi32>,
        %swap3A_1043 = vector.shape_cast %swap3A_1042 : vector<16xi32> to vector<16xi32>
        %swap3A_1044 = vector.shape_cast %add3A_1040 : vector<16xi32> to vector<16xi32>
        tpu.vector_store %arg9[%swap3A_1041], %swap3A_1044 {strides = array<i32>} : memref<128xi32, #tpu.memory_space<vmem>>, vector<16xi32>,
        %add3A_1045 = arith.constant 32 : i32
        %add3A_1046 = arith.addi %mul3A_989, %add3A_1045 : i32
        %get3A_1047 = arith.index_cast %add3A_1046 : i32 to index
        %get3A_1048 = tpu.vector_load %arg8[%get3A_1047] {strides = array<i32>} : memref<10240xi32, #tpu.memory_space<vmem>>, vector<16xi32>,
        %get3A_1049 = vector.shape_cast %get3A_1048 : vector<16xi32> to vector<16xi32>
        %add3A_1050 = vector.broadcast %add3A_7 : i32 to vector<16xi32>
        %add3A_1051 = arith.addi %get3A_1049, %add3A_1050 : vector<16xi32>
        %swap3A_1052 = arith.constant 32 : index
        %swap3A_1053 = tpu.vector_load %arg11[%swap3A_1052] {strides = array<i32>} : memref<128xi32, #tpu.memory_space<vmem>>, vector<16xi32>,
        %swap3A_1054 = vector.shape_cast %swap3A_1053 : vector<16xi32> to vector<16xi32>
        %swap3A_1055 = vector.shape_cast %add3A_1051 : vector<16xi32> to vector<16xi32>
        tpu.vector_store %arg11[%swap3A_1052], %swap3A_1055 {strides = array<i32>} : memref<128xi32, #tpu.memory_space<vmem>>, vector<16xi32>,
        %add3A_1056 = arith.constant 48 : i32
        %add3A_1057 = arith.addi %mul3A_989, %add3A_1056 : i32
        %get3A_1058 = arith.index_cast %add3A_1057 : i32 to index
        %get3A_1059 = tpu.vector_load %arg7[%get3A_1058] {strides = array<i32>} : memref<10240xi32, #tpu.memory_space<vmem>>, vector<16xi32>,
        %get3A_1060 = vector.shape_cast %get3A_1059 : vector<16xi32> to vector<16xi32>
        %add3A_1061 = vector.broadcast %mul3A_4 : i32 to vector<16xi32>
        %add3A_1062 = arith.addi %get3A_1060, %add3A_1061 : vector<16xi32>
        %swap3A_1063 = arith.constant 48 : index
        %swap3A_1064 = tpu.vector_load %arg9[%swap3A_1063] {strides = array<i32>} : memref<128xi32, #tpu.memory_space<vmem>>, vector<16xi32>,
        %swap3A_1065 = vector.shape_cast %swap3A_1064 : vector<16xi32> to vector<16xi32>
        %swap3A_1066 = vector.shape_cast %add3A_1062 : vector<16xi32> to vector<16xi32>
        tpu.vector_store %arg9[%swap3A_1063], %swap3A_1066 {strides = array<i32>} : memref<128xi32, #tpu.memory_space<vmem>>, vector<16xi32>,
        %add3A_1067 = arith.constant 48 : i32
        %add3A_1068 = arith.addi %mul3A_989, %add3A_1067 : i32
        %get3A_1069 = arith.index_cast %add3A_1068 : i32 to index
        %get3A_1070 = tpu.vector_load %arg8[%get3A_1069] {strides = array<i32>} : memref<10240xi32, #tpu.memory_space<vmem>>, vector<16xi32>,
        %get3A_1071 = vector.shape_cast %get3A_1070 : vector<16xi32> to vector<16xi32>
        %add3A_1072 = vector.broadcast %add3A_7 : i32 to vector<16xi32>
        %add3A_1073 = arith.addi %get3A_1071, %add3A_1072 : vector<16xi32>
        %swap3A_1074 = arith.constant 48 : index
        %swap3A_1075 = tpu.vector_load %arg11[%swap3A_1074] {strides = array<i32>} : memref<128xi32, #tpu.memory_space<vmem>>, vector<16xi32>,
        %swap3A_1076 = vector.shape_cast %swap3A_1075 : vector<16xi32> to vector<16xi32>
        %swap3A_1077 = vector.shape_cast %add3A_1073 : vector<16xi32> to vector<16xi32>
        tpu.vector_store %arg11[%swap3A_1074], %swap3A_1077 {strides = array<i32>} : memref<128xi32, #tpu.memory_space<vmem>>, vector<16xi32>,
        %add3A_1078 = arith.constant 64 : i32
        %add3A_1079 = arith.addi %mul3A_989, %add3A_1078 : i32
        %get3A_1080 = arith.index_cast %add3A_1079 : i32 to index
        %get3A_1081 = tpu.vector_load %arg7[%get3A_1080] {strides = array<i32>} : memref<10240xi32, #tpu.memory_space<vmem>>, vector<16xi32>,
        %get3A_1082 = vector.shape_cast %get3A_1081 : vector<16xi32> to vector<16xi32>
        %add3A_1083 = vector.broadcast %mul3A_4 : i32 to vector<16xi32>
        %add3A_1084 = arith.addi %get3A_1082, %add3A_1083 : vector<16xi32>
        %swap3A_1085 = arith.constant 64 : index
        %swap3A_1086 = tpu.vector_load %arg9[%swap3A_1085] {strides = array<i32>} : memref<128xi32, #tpu.memory_space<vmem>>, vector<16xi32>,
        %swap3A_1087 = vector.shape_cast %swap3A_1086 : vector<16xi32> to vector<16xi32>
        %swap3A_1088 = vector.shape_cast %add3A_1084 : vector<16xi32> to vector<16xi32>
        tpu.vector_store %arg9[%swap3A_1085], %swap3A_1088 {strides = array<i32>} : memref<128xi32, #tpu.memory_space<vmem>>, vector<16xi32>,
        %add3A_1089 = arith.constant 64 : i32
        %add3A_1090 = arith.addi %mul3A_989, %add3A_1089 : i32
        %get3A_1091 = arith.index_cast %add3A_1090 : i32 to index
        %get3A_1092 = tpu.vector_load %arg8[%get3A_1091] {strides = array<i32>} : memref<10240xi32, #tpu.memory_space<vmem>>, vector<16xi32>,
        %get3A_1093 = vector.shape_cast %get3A_1092 : vector<16xi32> to vector<16xi32>
        %add3A_1094 = vector.broadcast %add3A_7 : i32 to vector<16xi32>
        %add3A_1095 = arith.addi %get3A_1093, %add3A_1094 : vector<16xi32>
        %swap3A_1096 = arith.constant 64 : index
        %swap3A_1097 = tpu.vector_load %arg11[%swap3A_1096] {strides = array<i32>} : memref<128xi32, #tpu.memory_space<vmem>>, vector<16xi32>,
        %swap3A_1098 = vector.shape_cast %swap3A_1097 : vector<16xi32> to vector<16xi32>
        %swap3A_1099 = vector.shape_cast %add3A_1095 : vector<16xi32> to vector<16xi32>
        tpu.vector_store %arg11[%swap3A_1096], %swap3A_1099 {strides = array<i32>} : memref<128xi32, #tpu.memory_space<vmem>>, vector<16xi32>,
        %add3A_1100 = arith.constant 80 : i32
        %add3A_1101 = arith.addi %mul3A_989, %add3A_1100 : i32
        %get3A_1102 = arith.index_cast %add3A_1101 : i32 to index
        %get3A_1103 = tpu.vector_load %arg7[%get3A_1102] {strides = array<i32>} : memref<10240xi32, #tpu.memory_space<vmem>>, vector<16xi32>,
        %get3A_1104 = vector.shape_cast %get3A_1103 : vector<16xi32> to vector<16xi32>
        %add3A_1105 = vector.broadcast %mul3A_4 : i32 to vector<16xi32>
        %add3A_1106 = arith.addi %get3A_1104, %add3A_1105 : vector<16xi32>
        %swap3A_1107 = arith.constant 80 : index
        %swap3A_1108 = tpu.vector_load %arg9[%swap3A_1107] {strides = array<i32>} : memref<128xi32, #tpu.memory_space<vmem>>, vector<16xi32>,
        %swap3A_1109 = vector.shape_cast %swap3A_1108 : vector<16xi32> to vector<16xi32>
        %swap3A_1110 = vector.shape_cast %add3A_1106 : vector<16xi32> to vector<16xi32>
        tpu.vector_store %arg9[%swap3A_1107], %swap3A_1110 {strides = array<i32>} : memref<128xi32, #tpu.memory_space<vmem>>, vector<16xi32>,
        %add3A_1111 = arith.constant 80 : i32
        %add3A_1112 = arith.addi %mul3A_989, %add3A_1111 : i32
        %get3A_1113 = arith.index_cast %add3A_1112 : i32 to index
        %get3A_1114 = tpu.vector_load %arg8[%get3A_1113] {strides = array<i32>} : memref<10240xi32, #tpu.memory_space<vmem>>, vector<16xi32>,
        %get3A_1115 = vector.shape_cast %get3A_1114 : vector<16xi32> to vector<16xi32>
        %add3A_1116 = vector.broadcast %add3A_7 : i32 to vector<16xi32>
        %add3A_1117 = arith.addi %get3A_1115, %add3A_1116 : vector<16xi32>
        %swap3A_1118 = arith.constant 80 : index
        %swap3A_1119 = tpu.vector_load %arg11[%swap3A_1118] {strides = array<i32>} : memref<128xi32, #tpu.memory_space<vmem>>, vector<16xi32>,
        %swap3A_1120 = vector.shape_cast %swap3A_1119 : vector<16xi32> to vector<16xi32>
        %swap3A_1121 = vector.shape_cast %add3A_1117 : vector<16xi32> to vector<16xi32>
        tpu.vector_store %arg11[%swap3A_1118], %swap3A_1121 {strides = array<i32>} : memref<128xi32, #tpu.memory_space<vmem>>, vector<16xi32>,
        %add3A_1122 = arith.constant 96 : i32
        %add3A_1123 = arith.addi %mul3A_989, %add3A_1122 : i32
        %get3A_1124 = arith.index_cast %add3A_1123 : i32 to index
        %get3A_1125 = tpu.vector_load %arg7[%get3A_1124] {strides = array<i32>} : memref<10240xi32, #tpu.memory_space<vmem>>, vector<16xi32>,
        %get3A_1126 = vector.shape_cast %get3A_1125 : vector<16xi32> to vector<16xi32>
        %add3A_1127 = vector.broadcast %mul3A_4 : i32 to vector<16xi32>
        %add3A_1128 = arith.addi %get3A_1126, %add3A_1127 : vector<16xi32>
        %swap3A_1129 = arith.constant 96 : index
        %swap3A_1130 = tpu.vector_load %arg9[%swap3A_1129] {strides = array<i32>} : memref<128xi32, #tpu.memory_space<vmem>>, vector<16xi32>,
        %swap3A_1131 = vector.shape_cast %swap3A_1130 : vector<16xi32> to vector<16xi32>
        %swap3A_1132 = vector.shape_cast %add3A_1128 : vector<16xi32> to vector<16xi32>
        tpu.vector_store %arg9[%swap3A_1129], %swap3A_1132 {strides = array<i32>} : memref<128xi32, #tpu.memory_space<vmem>>, vector<16xi32>,
        %add3A_1133 = arith.constant 96 : i32
        %add3A_1134 = arith.addi %mul3A_989, %add3A_1133 : i32
        %get3A_1135 = arith.index_cast %add3A_1134 : i32 to index
        %get3A_1136 = tpu.vector_load %arg8[%get3A_1135] {strides = array<i32>} : memref<10240xi32, #tpu.memory_space<vmem>>, vector<16xi32>,
        %get3A_1137 = vector.shape_cast %get3A_1136 : vector<16xi32> to vector<16xi32>
        %add3A_1138 = vector.broadcast %add3A_7 : i32 to vector<16xi32>
        %add3A_1139 = arith.addi %get3A_1137, %add3A_1138 : vector<16xi32>
        %swap3A_1140 = arith.constant 96 : index
        %swap3A_1141 = tpu.vector_load %arg11[%swap3A_1140] {strides = array<i32>} : memref<128xi32, #tpu.memory_space<vmem>>, vector<16xi32>,
        %swap3A_1142 = vector.shape_cast %swap3A_1141 : vector<16xi32> to vector<16xi32>
        %swap3A_1143 = vector.shape_cast %add3A_1139 : vector<16xi32> to vector<16xi32>
        tpu.vector_store %arg11[%swap3A_1140], %swap3A_1143 {strides = array<i32>} : memref<128xi32, #tpu.memory_space<vmem>>, vector<16xi32>,
        %add3A_1144 = arith.constant 112 : i32
        %add3A_1145 = arith.addi %mul3A_989, %add3A_1144 : i32
        %get3A_1146 = arith.index_cast %add3A_1145 : i32 to index
        %get3A_1147 = tpu.vector_load %arg7[%get3A_1146] {strides = array<i32>} : memref<10240xi32, #tpu.memory_space<vmem>>, vector<16xi32>,
        %get3A_1148 = vector.shape_cast %get3A_1147 : vector<16xi32> to vector<16xi32>
        %add3A_1149 = vector.broadcast %mul3A_4 : i32 to vector<16xi32>
        %add3A_1150 = arith.addi %get3A_1148, %add3A_1149 : vector<16xi32>
        %swap3A_1151 = arith.constant 112 : index
        %swap3A_1152 = tpu.vector_load %arg9[%swap3A_1151] {strides = array<i32>} : memref<128xi32, #tpu.memory_space<vmem>>, vector<16xi32>,
        %swap3A_1153 = vector.shape_cast %swap3A_1152 : vector<16xi32> to vector<16xi32>
        %swap3A_1154 = vector.shape_cast %add3A_1150 : vector<16xi32> to vector<16xi32>
        tpu.vector_store %arg9[%swap3A_1151], %swap3A_1154 {strides = array<i32>} : memref<128xi32, #tpu.memory_space<vmem>>, vector<16xi32>,
        %add3A_1155 = arith.constant 112 : i32
        %add3A_1156 = arith.addi %mul3A_989, %add3A_1155 : i32
        %get3A_1157 = arith.index_cast %add3A_1156 : i32 to index
        %get3A_1158 = tpu.vector_load %arg8[%get3A_1157] {strides = array<i32>} : memref<10240xi32, #tpu.memory_space<vmem>>, vector<16xi32>,
        %get3A_1159 = vector.shape_cast %get3A_1158 : vector<16xi32> to vector<16xi32>
        %add3A_1160 = vector.broadcast %add3A_7 : i32 to vector<16xi32>
        %add3A_1161 = arith.addi %get3A_1159, %add3A_1160 : vector<16xi32>
        %swap3A_1162 = arith.constant 112 : index
        %swap3A_1163 = tpu.vector_load %arg11[%swap3A_1162] {strides = array<i32>} : memref<128xi32, #tpu.memory_space<vmem>>, vector<16xi32>,
        %swap3A_1164 = vector.shape_cast %swap3A_1163 : vector<16xi32> to vector<16xi32>
        %swap3A_1165 = vector.shape_cast %add3A_1161 : vector<16xi32> to vector<16xi32>
        tpu.vector_store %arg11[%swap3A_1162], %swap3A_1165 {strides = array<i32>} : memref<128xi32, #tpu.memory_space<vmem>>, vector<16xi32>,
        %dma_start3A_1166 = arith.constant 0 : i32
        %dma_start3A_1167 = arith.constant 0 : i32
        %dma_start3A_1168 = tpu.memref_slice %arg2[%dma_start3A_1166, %dma_start3A_1167] : memref<40960x128xbf16, #tpu.memory_space<hbm>> -> memref<40960x128xbf16, #tpu.memory_space<hbm>>
        tpu.enqueue_indirect_dma source(%dma_start3A_1168 : memref<40960x128xbf16, #tpu.memory_space<hbm>>) target(%arg15 : memref<128x128xbf16, #tpu.memory_space<vmem>>) offsets(%arg9 : memref<128xi32, #tpu.memory_space<vmem>>) semaphore(%arg21 : memref<!tpu.dma_semaphore, #tpu.memory_space<semaphore_mem>>)
        %dma_start3A_1169 = arith.constant 0 : i32
        %dma_start3A_1170 = arith.constant 0 : i32
        %dma_start3A_1171 = tpu.memref_slice %arg2[%dma_start3A_1169, %dma_start3A_1170] : memref<40960x128xbf16, #tpu.memory_space<hbm>> -> memref<40960x128xbf16, #tpu.memory_space<hbm>>
        tpu.enqueue_indirect_dma source(%dma_start3A_1171 : memref<40960x128xbf16, #tpu.memory_space<hbm>>) target(%arg17 : memref<128x128xbf16, #tpu.memory_space<vmem>>) offsets(%arg11 : memref<128xi32, #tpu.memory_space<vmem>>) semaphore(%arg23 : memref<!tpu.dma_semaphore, #tpu.memory_space<semaphore_mem>>)
      } else {
      }
      %mul3A_884 = arith.constant 2 : i32
      %mul3A_885 = arith.muli %mul3A_884, %scan3A_784 : i32
      %add3A_886 = arith.constant 1 : i32
      %add3A_887 = arith.addi %mul3A_885, %add3A_886 : i32
      %dma_wait3A_888 = arith.constant 0 : i32
      %dma_wait3A_889 = arith.constant 0 : i32
      %dma_wait3A_890 = tpu.memref_slice %arg2[%dma_wait3A_888, %dma_wait3A_889] : memref<40960x128xbf16, #tpu.memory_space<hbm>> -> memref<40960x128xbf16, #tpu.memory_space<hbm>>
      tpu.wait_indirect_dma semaphore(%arg22 : memref<!tpu.dma_semaphore, #tpu.memory_space<semaphore_mem>>) src(%dma_wait3A_890 : memref<40960x128xbf16, #tpu.memory_space<hbm>>) dst(%arg16 : memref<128x128xbf16, #tpu.memory_space<vmem>>)
      %dma_wait3A_891 = arith.constant 0 : i32
      %dma_wait3A_892 = arith.constant 0 : i32
      %dma_wait3A_893 = tpu.memref_slice %arg2[%dma_wait3A_891, %dma_wait3A_892] : memref<40960x128xbf16, #tpu.memory_space<hbm>> -> memref<40960x128xbf16, #tpu.memory_space<hbm>>
      tpu.wait_indirect_dma semaphore(%arg24 : memref<!tpu.dma_semaphore, #tpu.memory_space<semaphore_mem>>) src(%dma_wait3A_893 : memref<40960x128xbf16, #tpu.memory_space<hbm>>) dst(%arg18 : memref<128x128xbf16, #tpu.memory_space<vmem>>)
      %dma_wait3A_894 = arith.constant 0 : i32
      %dma_wait3A_895 = arith.constant 0 : i32
      %dma_wait3A_896 = tpu.memref_slice %arg6[%dma_wait3A_894, %dma_wait3A_895] : memref<10112x128xbf16, #tpu.memory_space<vmem_shared>> -> memref<10112x128xbf16, #tpu.memory_space<vmem_shared>>
      tpu.wait_indirect_dma semaphore(%arg26 : memref<!tpu.dma_semaphore, #tpu.memory_space<semaphore_mem>>) src(%arg20 : memref<128x128xbf16, #tpu.memory_space<vmem>>) dst(%dma_wait3A_896 : memref<10112x128xbf16, #tpu.memory_space<vmem_shared>>)
      %scan3A_897 = arith.constant 0 : i32
      %scan3A_898 = arith.constant 128 : i32
      %scan3A_899 = arith.addi %scan3A_897, %scan3A_898 : i32
      %scan3A_900 = arith.constant 4 : i32
      scf.for %scan3A_986 = %scan3A_897 to %scan3A_899 step %scan3A_900  : i32 {
        %get3A_987 = arith.index_cast %scan3A_986 : i32 to index
        %get3A_988 = arith.constant 0 : index
        %get3A_989 = tpu.vector_load %arg16[%get3A_987, %get3A_988] {strides = array<i32>} : memref<128x128xbf16, #tpu.memory_space<vmem>>, vector<1x32xbf16>,
        %get3A_990 = vector.shape_cast %get3A_989 : vector<1x32xbf16> to vector<32xbf16>
        %get3A_991 = arith.index_cast %scan3A_986 : i32 to index
        %get3A_992 = arith.constant 32 : index
        %get3A_993 = tpu.vector_load %arg16[%get3A_991, %get3A_992] {strides = array<i32>} : memref<128x128xbf16, #tpu.memory_space<vmem>>, vector<1x32xbf16>,
        %get3A_994 = vector.shape_cast %get3A_993 : vector<1x32xbf16> to vector<32xbf16>
        %get3A_995 = arith.index_cast %scan3A_986 : i32 to index
        %get3A_996 = arith.constant 64 : index
        %get3A_997 = tpu.vector_load %arg16[%get3A_995, %get3A_996] {strides = array<i32>} : memref<128x128xbf16, #tpu.memory_space<vmem>>, vector<1x32xbf16>,
        %get3A_998 = vector.shape_cast %get3A_997 : vector<1x32xbf16> to vector<32xbf16>
        %get3A_999 = arith.index_cast %scan3A_986 : i32 to index
        %get3A_1000 = arith.constant 96 : index
        %get3A_1001 = tpu.vector_load %arg16[%get3A_999, %get3A_1000] {strides = array<i32>} : memref<128x128xbf16, #tpu.memory_space<vmem>>, vector<1x32xbf16>,
        %get3A_1002 = vector.shape_cast %get3A_1001 : vector<1x32xbf16> to vector<32xbf16>
        %get3A_1003 = arith.index_cast %scan3A_986 : i32 to index
        %get3A_1004 = arith.constant 0 : index
        %get3A_1005 = tpu.vector_load %arg18[%get3A_1003, %get3A_1004] {strides = array<i32>} : memref<128x128xbf16, #tpu.memory_space<vmem>>, vector<1x32xbf16>,
        %get3A_1006 = vector.shape_cast %get3A_1005 : vector<1x32xbf16> to vector<32xbf16>
        %get3A_1007 = arith.index_cast %scan3A_986 : i32 to index
        %get3A_1008 = arith.constant 32 : index
        %get3A_1009 = tpu.vector_load %arg18[%get3A_1007, %get3A_1008] {strides = array<i32>} : memref<128x128xbf16, #tpu.memory_space<vmem>>, vector<1x32xbf16>,
        %get3A_1010 = vector.shape_cast %get3A_1009 : vector<1x32xbf16> to vector<32xbf16>
        %get3A_1011 = arith.index_cast %scan3A_986 : i32 to index
        %get3A_1012 = arith.constant 64 : index
        %get3A_1013 = tpu.vector_load %arg18[%get3A_1011, %get3A_1012] {strides = array<i32>} : memref<128x128xbf16, #tpu.memory_space<vmem>>, vector<1x32xbf16>,
        %get3A_1014 = vector.shape_cast %get3A_1013 : vector<1x32xbf16> to vector<32xbf16>
        %get3A_1015 = arith.index_cast %scan3A_986 : i32 to index
        %get3A_1016 = arith.constant 96 : index
        %get3A_1017 = tpu.vector_load %arg18[%get3A_1015, %get3A_1016] {strides = array<i32>} : memref<128x128xbf16, #tpu.memory_space<vmem>>, vector<1x32xbf16>,
        %get3A_1018 = vector.shape_cast %get3A_1017 : vector<1x32xbf16> to vector<32xbf16>
        %add3A_1019 = arith.addf %get3A_990, %get3A_1006 : vector<32xbf16>
        %max3A = arith.constant 0.000000e+00 : bf16
        %max3A_1020 = vector.broadcast %max3A : bf16 to vector<32xbf16>
        %max3A_1021 = arith.maximumf %add3A_1019, %max3A_1020 : vector<32xbf16>
        %add3A_1022 = arith.addf %get3A_994, %get3A_1010 : vector<32xbf16>
        %max3A_1023 = arith.constant 0.000000e+00 : bf16
        %max3A_1024 = vector.broadcast %max3A_1023 : bf16 to vector<32xbf16>
        %max3A_1025 = arith.maximumf %add3A_1022, %max3A_1024 : vector<32xbf16>
        %add3A_1026 = arith.addf %get3A_998, %get3A_1014 : vector<32xbf16>
        %max3A_1027 = arith.constant 0.000000e+00 : bf16
        %max3A_1028 = vector.broadcast %max3A_1027 : bf16 to vector<32xbf16>
        %max3A_1029 = arith.maximumf %add3A_1026, %max3A_1028 : vector<32xbf16>
        %add3A_1030 = arith.addf %get3A_1002, %get3A_1018 : vector<32xbf16>
        %max3A_1031 = arith.constant 0.000000e+00 : bf16
        %max3A_1032 = vector.broadcast %max3A_1031 : bf16 to vector<32xbf16>
        %max3A_1033 = arith.maximumf %add3A_1030, %max3A_1032 : vector<32xbf16>
        %swap3A_1034 = arith.index_cast %scan3A_986 : i32 to index
        %swap3A_1035 = arith.constant 0 : index
        %swap3A_1036 = tpu.vector_load %arg20[%swap3A_1034, %swap3A_1035] {strides = array<i32>} : memref<128x128xbf16, #tpu.memory_space<vmem>>, vector<1x32xbf16>,
        %swap3A_1037 = vector.shape_cast %swap3A_1036 : vector<1x32xbf16> to vector<32xbf16>
        %swap3A_1038 = vector.shape_cast %max3A_1021 : vector<32xbf16> to vector<1x32xbf16>
        tpu.vector_store %arg20[%swap3A_1034, %swap3A_1035], %swap3A_1038 {strides = array<i32>} : memref<128x128xbf16, #tpu.memory_space<vmem>>, vector<1x32xbf16>,
        %swap3A_1039 = arith.index_cast %scan3A_986 : i32 to index
        %swap3A_1040 = arith.constant 32 : index
        %swap3A_1041 = tpu.vector_load %arg20[%swap3A_1039, %swap3A_1040] {strides = array<i32>} : memref<128x128xbf16, #tpu.memory_space<vmem>>, vector<1x32xbf16>,
        %swap3A_1042 = vector.shape_cast %swap3A_1041 : vector<1x32xbf16> to vector<32xbf16>
        %swap3A_1043 = vector.shape_cast %max3A_1025 : vector<32xbf16> to vector<1x32xbf16>
        tpu.vector_store %arg20[%swap3A_1039, %swap3A_1040], %swap3A_1043 {strides = array<i32>} : memref<128x128xbf16, #tpu.memory_space<vmem>>, vector<1x32xbf16>,
        %swap3A_1044 = arith.index_cast %scan3A_986 : i32 to index
        %swap3A_1045 = arith.constant 64 : index
        %swap3A_1046 = tpu.vector_load %arg20[%swap3A_1044, %swap3A_1045] {strides = array<i32>} : memref<128x128xbf16, #tpu.memory_space<vmem>>, vector<1x32xbf16>,
        %swap3A_1047 = vector.shape_cast %swap3A_1046 : vector<1x32xbf16> to vector<32xbf16>
        %swap3A_1048 = vector.shape_cast %max3A_1029 : vector<32xbf16> to vector<1x32xbf16>
        tpu.vector_store %arg20[%swap3A_1044, %swap3A_1045], %swap3A_1048 {strides = array<i32>} : memref<128x128xbf16, #tpu.memory_space<vmem>>, vector<1x32xbf16>,
        %swap3A_1049 = arith.index_cast %scan3A_986 : i32 to index
        %swap3A_1050 = arith.constant 96 : index
        %swap3A_1051 = tpu.vector_load %arg20[%swap3A_1049, %swap3A_1050] {strides = array<i32>} : memref<128x128xbf16, #tpu.memory_space<vmem>>, vector<1x32xbf16>,
        %swap3A_1052 = vector.shape_cast %swap3A_1051 : vector<1x32xbf16> to vector<32xbf16>
        %swap3A_1053 = vector.shape_cast %max3A_1033 : vector<32xbf16> to vector<1x32xbf16>
        tpu.vector_store %arg20[%swap3A_1049, %swap3A_1050], %swap3A_1053 {strides = array<i32>} : memref<128x128xbf16, #tpu.memory_space<vmem>>, vector<1x32xbf16>,
        %scan3A_1054 = arith.constant 1 : i32
        %scan3A_1055 = arith.addi %scan3A_986, %scan3A_1054 : i32
        %get3A_1056 = arith.index_cast %scan3A_1055 : i32 to index
        %get3A_1057 = arith.constant 0 : index
        %get3A_1058 = tpu.vector_load %arg16[%get3A_1056, %get3A_1057] {strides = array<i32>} : memref<128x128xbf16, #tpu.memory_space<vmem>>, vector<1x32xbf16>,
        %get3A_1059 = vector.shape_cast %get3A_1058 : vector<1x32xbf16> to vector<32xbf16>
        %get3A_1060 = arith.index_cast %scan3A_1055 : i32 to index
        %get3A_1061 = arith.constant 32 : index
        %get3A_1062 = tpu.vector_load %arg16[%get3A_1060, %get3A_1061] {strides = array<i32>} : memref<128x128xbf16, #tpu.memory_space<vmem>>, vector<1x32xbf16>,
        %get3A_1063 = vector.shape_cast %get3A_1062 : vector<1x32xbf16> to vector<32xbf16>
        %get3A_1064 = arith.index_cast %scan3A_1055 : i32 to index
        %get3A_1065 = arith.constant 64 : index
        %get3A_1066 = tpu.vector_load %arg16[%get3A_1064, %get3A_1065] {strides = array<i32>} : memref<128x128xbf16, #tpu.memory_space<vmem>>, vector<1x32xbf16>,
        %get3A_1067 = vector.shape_cast %get3A_1066 : vector<1x32xbf16> to vector<32xbf16>
        %get3A_1068 = arith.index_cast %scan3A_1055 : i32 to index
        %get3A_1069 = arith.constant 96 : index
        %get3A_1070 = tpu.vector_load %arg16[%get3A_1068, %get3A_1069] {strides = array<i32>} : memref<128x128xbf16, #tpu.memory_space<vmem>>, vector<1x32xbf16>,
        %get3A_1071 = vector.shape_cast %get3A_1070 : vector<1x32xbf16> to vector<32xbf16>
        %get3A_1072 = arith.index_cast %scan3A_1055 : i32 to index
        %get3A_1073 = arith.constant 0 : index
        %get3A_1074 = tpu.vector_load %arg18[%get3A_1072, %get3A_1073] {strides = array<i32>} : memref<128x128xbf16, #tpu.memory_space<vmem>>, vector<1x32xbf16>,
        %get3A_1075 = vector.shape_cast %get3A_1074 : vector<1x32xbf16> to vector<32xbf16>
        %get3A_1076 = arith.index_cast %scan3A_1055 : i32 to index
        %get3A_1077 = arith.constant 32 : index
        %get3A_1078 = tpu.vector_load %arg18[%get3A_1076, %get3A_1077] {strides = array<i32>} : memref<128x128xbf16, #tpu.memory_space<vmem>>, vector<1x32xbf16>,
        %get3A_1079 = vector.shape_cast %get3A_1078 : vector<1x32xbf16> to vector<32xbf16>
        %get3A_1080 = arith.index_cast %scan3A_1055 : i32 to index
        %get3A_1081 = arith.constant 64 : index
        %get3A_1082 = tpu.vector_load %arg18[%get3A_1080, %get3A_1081] {strides = array<i32>} : memref<128x128xbf16, #tpu.memory_space<vmem>>, vector<1x32xbf16>,
        %get3A_1083 = vector.shape_cast %get3A_1082 : vector<1x32xbf16> to vector<32xbf16>
        %get3A_1084 = arith.index_cast %scan3A_1055 : i32 to index
        %get3A_1085 = arith.constant 96 : index
        %get3A_1086 = tpu.vector_load %arg18[%get3A_1084, %get3A_1085] {strides = array<i32>} : memref<128x128xbf16, #tpu.memory_space<vmem>>, vector<1x32xbf16>,
        %get3A_1087 = vector.shape_cast %get3A_1086 : vector<1x32xbf16> to vector<32xbf16>
        %add3A_1088 = arith.addf %get3A_1059, %get3A_1075 : vector<32xbf16>
        %max3A_1089 = arith.constant 0.000000e+00 : bf16
        %max3A_1090 = vector.broadcast %max3A_1089 : bf16 to vector<32xbf16>
        %max3A_1091 = arith.maximumf %add3A_1088, %max3A_1090 : vector<32xbf16>
        %add3A_1092 = arith.addf %get3A_1063, %get3A_1079 : vector<32xbf16>
        %max3A_1093 = arith.constant 0.000000e+00 : bf16
        %max3A_1094 = vector.broadcast %max3A_1093 : bf16 to vector<32xbf16>
        %max3A_1095 = arith.maximumf %add3A_1092, %max3A_1094 : vector<32xbf16>
        %add3A_1096 = arith.addf %get3A_1067, %get3A_1083 : vector<32xbf16>
        %max3A_1097 = arith.constant 0.000000e+00 : bf16
        %max3A_1098 = vector.broadcast %max3A_1097 : bf16 to vector<32xbf16>
        %max3A_1099 = arith.maximumf %add3A_1096, %max3A_1098 : vector<32xbf16>
        %add3A_1100 = arith.addf %get3A_1071, %get3A_1087 : vector<32xbf16>
        %max3A_1101 = arith.constant 0.000000e+00 : bf16
        %max3A_1102 = vector.broadcast %max3A_1101 : bf16 to vector<32xbf16>
        %max3A_1103 = arith.maximumf %add3A_1100, %max3A_1102 : vector<32xbf16>
        %swap3A_1104 = arith.index_cast %scan3A_1055 : i32 to index
        %swap3A_1105 = arith.constant 0 : index
        %swap3A_1106 = tpu.vector_load %arg20[%swap3A_1104, %swap3A_1105] {strides = array<i32>} : memref<128x128xbf16, #tpu.memory_space<vmem>>, vector<1x32xbf16>,
        %swap3A_1107 = vector.shape_cast %swap3A_1106 : vector<1x32xbf16> to vector<32xbf16>
        %swap3A_1108 = vector.shape_cast %max3A_1091 : vector<32xbf16> to vector<1x32xbf16>
        tpu.vector_store %arg20[%swap3A_1104, %swap3A_1105], %swap3A_1108 {strides = array<i32>} : memref<128x128xbf16, #tpu.memory_space<vmem>>, vector<1x32xbf16>,
        %swap3A_1109 = arith.index_cast %scan3A_1055 : i32 to index
        %swap3A_1110 = arith.constant 32 : index
        %swap3A_1111 = tpu.vector_load %arg20[%swap3A_1109, %swap3A_1110] {strides = array<i32>} : memref<128x128xbf16, #tpu.memory_space<vmem>>, vector<1x32xbf16>,
        %swap3A_1112 = vector.shape_cast %swap3A_1111 : vector<1x32xbf16> to vector<32xbf16>
        %swap3A_1113 = vector.shape_cast %max3A_1095 : vector<32xbf16> to vector<1x32xbf16>
        tpu.vector_store %arg20[%swap3A_1109, %swap3A_1110], %swap3A_1113 {strides = array<i32>} : memref<128x128xbf16, #tpu.memory_space<vmem>>, vector<1x32xbf16>,
        %swap3A_1114 = arith.index_cast %scan3A_1055 : i32 to index
        %swap3A_1115 = arith.constant 64 : index
        %swap3A_1116 = tpu.vector_load %arg20[%swap3A_1114, %swap3A_1115] {strides = array<i32>} : memref<128x128xbf16, #tpu.memory_space<vmem>>, vector<1x32xbf16>,
        %swap3A_1117 = vector.shape_cast %swap3A_1116 : vector<1x32xbf16> to vector<32xbf16>
        %swap3A_1118 = vector.shape_cast %max3A_1099 : vector<32xbf16> to vector<1x32xbf16>
        tpu.vector_store %arg20[%swap3A_1114, %swap3A_1115], %swap3A_1118 {strides = array<i32>} : memref<128x128xbf16, #tpu.memory_space<vmem>>, vector<1x32xbf16>,
        %swap3A_1119 = arith.index_cast %scan3A_1055 : i32 to index
        %swap3A_1120 = arith.constant 96 : index
        %swap3A_1121 = tpu.vector_load %arg20[%swap3A_1119, %swap3A_1120] {strides = array<i32>} : memref<128x128xbf16, #tpu.memory_space<vmem>>, vector<1x32xbf16>,
        %swap3A_1122 = vector.shape_cast %swap3A_1121 : vector<1x32xbf16> to vector<32xbf16>
        %swap3A_1123 = vector.shape_cast %max3A_1103 : vector<32xbf16> to vector<1x32xbf16>
        tpu.vector_store %arg20[%swap3A_1119, %swap3A_1120], %swap3A_1123 {strides = array<i32>} : memref<128x128xbf16, #tpu.memory_space<vmem>>, vector<1x32xbf16>,
        %scan3A_1124 = arith.constant 2 : i32
        %scan3A_1125 = arith.addi %scan3A_986, %scan3A_1124 : i32
        %get3A_1126 = arith.index_cast %scan3A_1125 : i32 to index
        %get3A_1127 = arith.constant 0 : index
        %get3A_1128 = tpu.vector_load %arg16[%get3A_1126, %get3A_1127] {strides = array<i32>} : memref<128x128xbf16, #tpu.memory_space<vmem>>, vector<1x32xbf16>,
        %get3A_1129 = vector.shape_cast %get3A_1128 : vector<1x32xbf16> to vector<32xbf16>
        %get3A_1130 = arith.index_cast %scan3A_1125 : i32 to index
        %get3A_1131 = arith.constant 32 : index
        %get3A_1132 = tpu.vector_load %arg16[%get3A_1130, %get3A_1131] {strides = array<i32>} : memref<128x128xbf16, #tpu.memory_space<vmem>>, vector<1x32xbf16>,
        %get3A_1133 = vector.shape_cast %get3A_1132 : vector<1x32xbf16> to vector<32xbf16>
        %get3A_1134 = arith.index_cast %scan3A_1125 : i32 to index
        %get3A_1135 = arith.constant 64 : index
        %get3A_1136 = tpu.vector_load %arg16[%get3A_1134, %get3A_1135] {strides = array<i32>} : memref<128x128xbf16, #tpu.memory_space<vmem>>, vector<1x32xbf16>,
        %get3A_1137 = vector.shape_cast %get3A_1136 : vector<1x32xbf16> to vector<32xbf16>
        %get3A_1138 = arith.index_cast %scan3A_1125 : i32 to index
        %get3A_1139 = arith.constant 96 : index
        %get3A_1140 = tpu.vector_load %arg16[%get3A_1138, %get3A_1139] {strides = array<i32>} : memref<128x128xbf16, #tpu.memory_space<vmem>>, vector<1x32xbf16>,
        %get3A_1141 = vector.shape_cast %get3A_1140 : vector<1x32xbf16> to vector<32xbf16>
        %get3A_1142 = arith.index_cast %scan3A_1125 : i32 to index
        %get3A_1143 = arith.constant 0 : index
        %get3A_1144 = tpu.vector_load %arg18[%get3A_1142, %get3A_1143] {strides = array<i32>} : memref<128x128xbf16, #tpu.memory_space<vmem>>, vector<1x32xbf16>,
        %get3A_1145 = vector.shape_cast %get3A_1144 : vector<1x32xbf16> to vector<32xbf16>
        %get3A_1146 = arith.index_cast %scan3A_1125 : i32 to index
        %get3A_1147 = arith.constant 32 : index
        %get3A_1148 = tpu.vector_load %arg18[%get3A_1146, %get3A_1147] {strides = array<i32>} : memref<128x128xbf16, #tpu.memory_space<vmem>>, vector<1x32xbf16>,
        %get3A_1149 = vector.shape_cast %get3A_1148 : vector<1x32xbf16> to vector<32xbf16>
        %get3A_1150 = arith.index_cast %scan3A_1125 : i32 to index
        %get3A_1151 = arith.constant 64 : index
        %get3A_1152 = tpu.vector_load %arg18[%get3A_1150, %get3A_1151] {strides = array<i32>} : memref<128x128xbf16, #tpu.memory_space<vmem>>, vector<1x32xbf16>,
        %get3A_1153 = vector.shape_cast %get3A_1152 : vector<1x32xbf16> to vector<32xbf16>
        %get3A_1154 = arith.index_cast %scan3A_1125 : i32 to index
        %get3A_1155 = arith.constant 96 : index
        %get3A_1156 = tpu.vector_load %arg18[%get3A_1154, %get3A_1155] {strides = array<i32>} : memref<128x128xbf16, #tpu.memory_space<vmem>>, vector<1x32xbf16>,
        %get3A_1157 = vector.shape_cast %get3A_1156 : vector<1x32xbf16> to vector<32xbf16>
        %add3A_1158 = arith.addf %get3A_1129, %get3A_1145 : vector<32xbf16>
        %max3A_1159 = arith.constant 0.000000e+00 : bf16
        %max3A_1160 = vector.broadcast %max3A_1159 : bf16 to vector<32xbf16>
        %max3A_1161 = arith.maximumf %add3A_1158, %max3A_1160 : vector<32xbf16>
        %add3A_1162 = arith.addf %get3A_1133, %get3A_1149 : vector<32xbf16>
        %max3A_1163 = arith.constant 0.000000e+00 : bf16
        %max3A_1164 = vector.broadcast %max3A_1163 : bf16 to vector<32xbf16>
        %max3A_1165 = arith.maximumf %add3A_1162, %max3A_1164 : vector<32xbf16>
        %add3A_1166 = arith.addf %get3A_1137, %get3A_1153 : vector<32xbf16>
        %max3A_1167 = arith.constant 0.000000e+00 : bf16
        %max3A_1168 = vector.broadcast %max3A_1167 : bf16 to vector<32xbf16>
        %max3A_1169 = arith.maximumf %add3A_1166, %max3A_1168 : vector<32xbf16>
        %add3A_1170 = arith.addf %get3A_1141, %get3A_1157 : vector<32xbf16>
        %max3A_1171 = arith.constant 0.000000e+00 : bf16
        %max3A_1172 = vector.broadcast %max3A_1171 : bf16 to vector<32xbf16>
        %max3A_1173 = arith.maximumf %add3A_1170, %max3A_1172 : vector<32xbf16>
        %swap3A_1174 = arith.index_cast %scan3A_1125 : i32 to index
        %swap3A_1175 = arith.constant 0 : index
        %swap3A_1176 = tpu.vector_load %arg20[%swap3A_1174, %swap3A_1175] {strides = array<i32>} : memref<128x128xbf16, #tpu.memory_space<vmem>>, vector<1x32xbf16>,
        %swap3A_1177 = vector.shape_cast %swap3A_1176 : vector<1x32xbf16> to vector<32xbf16>
        %swap3A_1178 = vector.shape_cast %max3A_1161 : vector<32xbf16> to vector<1x32xbf16>
        tpu.vector_store %arg20[%swap3A_1174, %swap3A_1175], %swap3A_1178 {strides = array<i32>} : memref<128x128xbf16, #tpu.memory_space<vmem>>, vector<1x32xbf16>,
        %swap3A_1179 = arith.index_cast %scan3A_1125 : i32 to index
        %swap3A_1180 = arith.constant 32 : index
        %swap3A_1181 = tpu.vector_load %arg20[%swap3A_1179, %swap3A_1180] {strides = array<i32>} : memref<128x128xbf16, #tpu.memory_space<vmem>>, vector<1x32xbf16>,
        %swap3A_1182 = vector.shape_cast %swap3A_1181 : vector<1x32xbf16> to vector<32xbf16>
        %swap3A_1183 = vector.shape_cast %max3A_1165 : vector<32xbf16> to vector<1x32xbf16>
        tpu.vector_store %arg20[%swap3A_1179, %swap3A_1180], %swap3A_1183 {strides = array<i32>} : memref<128x128xbf16, #tpu.memory_space<vmem>>, vector<1x32xbf16>,
        %swap3A_1184 = arith.index_cast %scan3A_1125 : i32 to index
        %swap3A_1185 = arith.constant 64 : index
        %swap3A_1186 = tpu.vector_load %arg20[%swap3A_1184, %swap3A_1185] {strides = array<i32>} : memref<128x128xbf16, #tpu.memory_space<vmem>>, vector<1x32xbf16>,
        %swap3A_1187 = vector.shape_cast %swap3A_1186 : vector<1x32xbf16> to vector<32xbf16>
        %swap3A_1188 = vector.shape_cast %max3A_1169 : vector<32xbf16> to vector<1x32xbf16>
        tpu.vector_store %arg20[%swap3A_1184, %swap3A_1185], %swap3A_1188 {strides = array<i32>} : memref<128x128xbf16, #tpu.memory_space<vmem>>, vector<1x32xbf16>,
        %swap3A_1189 = arith.index_cast %scan3A_1125 : i32 to index
        %swap3A_1190 = arith.constant 96 : index
        %swap3A_1191 = tpu.vector_load %arg20[%swap3A_1189, %swap3A_1190] {strides = array<i32>} : memref<128x128xbf16, #tpu.memory_space<vmem>>, vector<1x32xbf16>,
        %swap3A_1192 = vector.shape_cast %swap3A_1191 : vector<1x32xbf16> to vector<32xbf16>
        %swap3A_1193 = vector.shape_cast %max3A_1173 : vector<32xbf16> to vector<1x32xbf16>
        tpu.vector_store %arg20[%swap3A_1189, %swap3A_1190], %swap3A_1193 {strides = array<i32>} : memref<128x128xbf16, #tpu.memory_space<vmem>>, vector<1x32xbf16>,
        %scan3A_1194 = arith.constant 3 : i32
        %scan3A_1195 = arith.addi %scan3A_986, %scan3A_1194 : i32
        %get3A_1196 = arith.index_cast %scan3A_1195 : i32 to index
        %get3A_1197 = arith.constant 0 : index
        %get3A_1198 = tpu.vector_load %arg16[%get3A_1196, %get3A_1197] {strides = array<i32>} : memref<128x128xbf16, #tpu.memory_space<vmem>>, vector<1x32xbf16>,
        %get3A_1199 = vector.shape_cast %get3A_1198 : vector<1x32xbf16> to vector<32xbf16>
        %get3A_1200 = arith.index_cast %scan3A_1195 : i32 to index
        %get3A_1201 = arith.constant 32 : index
        %get3A_1202 = tpu.vector_load %arg16[%get3A_1200, %get3A_1201] {strides = array<i32>} : memref<128x128xbf16, #tpu.memory_space<vmem>>, vector<1x32xbf16>,
        %get3A_1203 = vector.shape_cast %get3A_1202 : vector<1x32xbf16> to vector<32xbf16>
        %get3A_1204 = arith.index_cast %scan3A_1195 : i32 to index
        %get3A_1205 = arith.constant 64 : index
        %get3A_1206 = tpu.vector_load %arg16[%get3A_1204, %get3A_1205] {strides = array<i32>} : memref<128x128xbf16, #tpu.memory_space<vmem>>, vector<1x32xbf16>,
        %get3A_1207 = vector.shape_cast %get3A_1206 : vector<1x32xbf16> to vector<32xbf16>
        %get3A_1208 = arith.index_cast %scan3A_1195 : i32 to index
        %get3A_1209 = arith.constant 96 : index
        %get3A_1210 = tpu.vector_load %arg16[%get3A_1208, %get3A_1209] {strides = array<i32>} : memref<128x128xbf16, #tpu.memory_space<vmem>>, vector<1x32xbf16>,
        %get3A_1211 = vector.shape_cast %get3A_1210 : vector<1x32xbf16> to vector<32xbf16>
        %get3A_1212 = arith.index_cast %scan3A_1195 : i32 to index
        %get3A_1213 = arith.constant 0 : index
        %get3A_1214 = tpu.vector_load %arg18[%get3A_1212, %get3A_1213] {strides = array<i32>} : memref<128x128xbf16, #tpu.memory_space<vmem>>, vector<1x32xbf16>,
        %get3A_1215 = vector.shape_cast %get3A_1214 : vector<1x32xbf16> to vector<32xbf16>
        %get3A_1216 = arith.index_cast %scan3A_1195 : i32 to index
        %get3A_1217 = arith.constant 32 : index
        %get3A_1218 = tpu.vector_load %arg18[%get3A_1216, %get3A_1217] {strides = array<i32>} : memref<128x128xbf16, #tpu.memory_space<vmem>>, vector<1x32xbf16>,
        %get3A_1219 = vector.shape_cast %get3A_1218 : vector<1x32xbf16> to vector<32xbf16>
        %get3A_1220 = arith.index_cast %scan3A_1195 : i32 to index
        %get3A_1221 = arith.constant 64 : index
        %get3A_1222 = tpu.vector_load %arg18[%get3A_1220, %get3A_1221] {strides = array<i32>} : memref<128x128xbf16, #tpu.memory_space<vmem>>, vector<1x32xbf16>,
        %get3A_1223 = vector.shape_cast %get3A_1222 : vector<1x32xbf16> to vector<32xbf16>
        %get3A_1224 = arith.index_cast %scan3A_1195 : i32 to index
        %get3A_1225 = arith.constant 96 : index
        %get3A_1226 = tpu.vector_load %arg18[%get3A_1224, %get3A_1225] {strides = array<i32>} : memref<128x128xbf16, #tpu.memory_space<vmem>>, vector<1x32xbf16>,
        %get3A_1227 = vector.shape_cast %get3A_1226 : vector<1x32xbf16> to vector<32xbf16>
        %add3A_1228 = arith.addf %get3A_1199, %get3A_1215 : vector<32xbf16>
        %max3A_1229 = arith.constant 0.000000e+00 : bf16
        %max3A_1230 = vector.broadcast %max3A_1229 : bf16 to vector<32xbf16>
        %max3A_1231 = arith.maximumf %add3A_1228, %max3A_1230 : vector<32xbf16>
        %add3A_1232 = arith.addf %get3A_1203, %get3A_1219 : vector<32xbf16>
        %max3A_1233 = arith.constant 0.000000e+00 : bf16
        %max3A_1234 = vector.broadcast %max3A_1233 : bf16 to vector<32xbf16>
        %max3A_1235 = arith.maximumf %add3A_1232, %max3A_1234 : vector<32xbf16>
        %add3A_1236 = arith.addf %get3A_1207, %get3A_1223 : vector<32xbf16>
        %max3A_1237 = arith.constant 0.000000e+00 : bf16
        %max3A_1238 = vector.broadcast %max3A_1237 : bf16 to vector<32xbf16>
        %max3A_1239 = arith.maximumf %add3A_1236, %max3A_1238 : vector<32xbf16>
        %add3A_1240 = arith.addf %get3A_1211, %get3A_1227 : vector<32xbf16>
        %max3A_1241 = arith.constant 0.000000e+00 : bf16
        %max3A_1242 = vector.broadcast %max3A_1241 : bf16 to vector<32xbf16>
        %max3A_1243 = arith.maximumf %add3A_1240, %max3A_1242 : vector<32xbf16>
        %swap3A_1244 = arith.index_cast %scan3A_1195 : i32 to index
        %swap3A_1245 = arith.constant 0 : index
        %swap3A_1246 = tpu.vector_load %arg20[%swap3A_1244, %swap3A_1245] {strides = array<i32>} : memref<128x128xbf16, #tpu.memory_space<vmem>>, vector<1x32xbf16>,
        %swap3A_1247 = vector.shape_cast %swap3A_1246 : vector<1x32xbf16> to vector<32xbf16>
        %swap3A_1248 = vector.shape_cast %max3A_1231 : vector<32xbf16> to vector<1x32xbf16>
        tpu.vector_store %arg20[%swap3A_1244, %swap3A_1245], %swap3A_1248 {strides = array<i32>} : memref<128x128xbf16, #tpu.memory_space<vmem>>, vector<1x32xbf16>,
        %swap3A_1249 = arith.index_cast %scan3A_1195 : i32 to index
        %swap3A_1250 = arith.constant 32 : index
        %swap3A_1251 = tpu.vector_load %arg20[%swap3A_1249, %swap3A_1250] {strides = array<i32>} : memref<128x128xbf16, #tpu.memory_space<vmem>>, vector<1x32xbf16>,
        %swap3A_1252 = vector.shape_cast %swap3A_1251 : vector<1x32xbf16> to vector<32xbf16>
        %swap3A_1253 = vector.shape_cast %max3A_1235 : vector<32xbf16> to vector<1x32xbf16>
        tpu.vector_store %arg20[%swap3A_1249, %swap3A_1250], %swap3A_1253 {strides = array<i32>} : memref<128x128xbf16, #tpu.memory_space<vmem>>, vector<1x32xbf16>,
        %swap3A_1254 = arith.index_cast %scan3A_1195 : i32 to index
        %swap3A_1255 = arith.constant 64 : index
        %swap3A_1256 = tpu.vector_load %arg20[%swap3A_1254, %swap3A_1255] {strides = array<i32>} : memref<128x128xbf16, #tpu.memory_space<vmem>>, vector<1x32xbf16>,
        %swap3A_1257 = vector.shape_cast %swap3A_1256 : vector<1x32xbf16> to vector<32xbf16>
        %swap3A_1258 = vector.shape_cast %max3A_1239 : vector<32xbf16> to vector<1x32xbf16>
        tpu.vector_store %arg20[%swap3A_1254, %swap3A_1255], %swap3A_1258 {strides = array<i32>} : memref<128x128xbf16, #tpu.memory_space<vmem>>, vector<1x32xbf16>,
        %swap3A_1259 = arith.index_cast %scan3A_1195 : i32 to index
        %swap3A_1260 = arith.constant 96 : index
        %swap3A_1261 = tpu.vector_load %arg20[%swap3A_1259, %swap3A_1260] {strides = array<i32>} : memref<128x128xbf16, #tpu.memory_space<vmem>>, vector<1x32xbf16>,
        %swap3A_1262 = vector.shape_cast %swap3A_1261 : vector<1x32xbf16> to vector<32xbf16>
        %swap3A_1263 = vector.shape_cast %max3A_1243 : vector<32xbf16> to vector<1x32xbf16>
        tpu.vector_store %arg20[%swap3A_1259, %swap3A_1260], %swap3A_1263 {strides = array<i32>} : memref<128x128xbf16, #tpu.memory_space<vmem>>, vector<1x32xbf16>,
      }
      %scan3A_901 = arith.constant 128 : i32
      %mul3A_902 = arith.constant 128 : i32
      %mul3A_903 = arith.muli %add3A_887, %mul3A_902 : i32
      %add3A_904 = arith.constant 0 : i32
      %add3A_905 = arith.addi %mul3A_903, %add3A_904 : i32
      %get3A_906 = arith.index_cast %add3A_905 : i32 to index
      %get3A_907 = tpu.vector_load %arg7[%get3A_906] {strides = array<i32>} : memref<10240xi32, #tpu.memory_space<vmem>>, vector<16xi32>,
      %get3A_908 = vector.shape_cast %get3A_907 : vector<16xi32> to vector<16xi32>
      %swap3A_909 = arith.constant 0 : index
      %swap3A_910 = tpu.vector_load %arg14[%swap3A_909] {strides = array<i32>} : memref<128xi32, #tpu.memory_space<vmem>>, vector<16xi32>,
      %swap3A_911 = vector.shape_cast %swap3A_910 : vector<16xi32> to vector<16xi32>
      %swap3A_912 = vector.shape_cast %get3A_908 : vector<16xi32> to vector<16xi32>
      tpu.vector_store %arg14[%swap3A_909], %swap3A_912 {strides = array<i32>} : memref<128xi32, #tpu.memory_space<vmem>>, vector<16xi32>,
      %add3A_913 = arith.constant 16 : i32
      %add3A_914 = arith.addi %mul3A_903, %add3A_913 : i32
      %get3A_915 = arith.index_cast %add3A_914 : i32 to index
      %get3A_916 = tpu.vector_load %arg7[%get3A_915] {strides = array<i32>} : memref<10240xi32, #tpu.memory_space<vmem>>, vector<16xi32>,
      %get3A_917 = vector.shape_cast %get3A_916 : vector<16xi32> to vector<16xi32>
      %swap3A_918 = arith.constant 16 : index
      %swap3A_919 = tpu.vector_load %arg14[%swap3A_918] {strides = array<i32>} : memref<128xi32, #tpu.memory_space<vmem>>, vector<16xi32>,
      %swap3A_920 = vector.shape_cast %swap3A_919 : vector<16xi32> to vector<16xi32>
      %swap3A_921 = vector.shape_cast %get3A_917 : vector<16xi32> to vector<16xi32>
      tpu.vector_store %arg14[%swap3A_918], %swap3A_921 {strides = array<i32>} : memref<128xi32, #tpu.memory_space<vmem>>, vector<16xi32>,
      %add3A_922 = arith.constant 32 : i32
      %add3A_923 = arith.addi %mul3A_903, %add3A_922 : i32
      %get3A_924 = arith.index_cast %add3A_923 : i32 to index
      %get3A_925 = tpu.vector_load %arg7[%get3A_924] {strides = array<i32>} : memref<10240xi32, #tpu.memory_space<vmem>>, vector<16xi32>,
      %get3A_926 = vector.shape_cast %get3A_925 : vector<16xi32> to vector<16xi32>
      %swap3A_927 = arith.constant 32 : index
      %swap3A_928 = tpu.vector_load %arg14[%swap3A_927] {strides = array<i32>} : memref<128xi32, #tpu.memory_space<vmem>>, vector<16xi32>,
      %swap3A_929 = vector.shape_cast %swap3A_928 : vector<16xi32> to vector<16xi32>
      %swap3A_930 = vector.shape_cast %get3A_926 : vector<16xi32> to vector<16xi32>
      tpu.vector_store %arg14[%swap3A_927], %swap3A_930 {strides = array<i32>} : memref<128xi32, #tpu.memory_space<vmem>>, vector<16xi32>,
      %add3A_931 = arith.constant 48 : i32
      %add3A_932 = arith.addi %mul3A_903, %add3A_931 : i32
      %get3A_933 = arith.index_cast %add3A_932 : i32 to index
      %get3A_934 = tpu.vector_load %arg7[%get3A_933] {strides = array<i32>} : memref<10240xi32, #tpu.memory_space<vmem>>, vector<16xi32>,
      %get3A_935 = vector.shape_cast %get3A_934 : vector<16xi32> to vector<16xi32>
      %swap3A_936 = arith.constant 48 : index
      %swap3A_937 = tpu.vector_load %arg14[%swap3A_936] {strides = array<i32>} : memref<128xi32, #tpu.memory_space<vmem>>, vector<16xi32>,
      %swap3A_938 = vector.shape_cast %swap3A_937 : vector<16xi32> to vector<16xi32>
      %swap3A_939 = vector.shape_cast %get3A_935 : vector<16xi32> to vector<16xi32>
      tpu.vector_store %arg14[%swap3A_936], %swap3A_939 {strides = array<i32>} : memref<128xi32, #tpu.memory_space<vmem>>, vector<16xi32>,
      %add3A_940 = arith.constant 64 : i32
      %add3A_941 = arith.addi %mul3A_903, %add3A_940 : i32
      %get3A_942 = arith.index_cast %add3A_941 : i32 to index
      %get3A_943 = tpu.vector_load %arg7[%get3A_942] {strides = array<i32>} : memref<10240xi32, #tpu.memory_space<vmem>>, vector<16xi32>,
      %get3A_944 = vector.shape_cast %get3A_943 : vector<16xi32> to vector<16xi32>
      %swap3A_945 = arith.constant 64 : index
      %swap3A_946 = tpu.vector_load %arg14[%swap3A_945] {strides = array<i32>} : memref<128xi32, #tpu.memory_space<vmem>>, vector<16xi32>,
      %swap3A_947 = vector.shape_cast %swap3A_946 : vector<16xi32> to vector<16xi32>
      %swap3A_948 = vector.shape_cast %get3A_944 : vector<16xi32> to vector<16xi32>
      tpu.vector_store %arg14[%swap3A_945], %swap3A_948 {strides = array<i32>} : memref<128xi32, #tpu.memory_space<vmem>>, vector<16xi32>,
      %add3A_949 = arith.constant 80 : i32
      %add3A_950 = arith.addi %mul3A_903, %add3A_949 : i32
      %get3A_951 = arith.index_cast %add3A_950 : i32 to index
      %get3A_952 = tpu.vector_load %arg7[%get3A_951] {strides = array<i32>} : memref<10240xi32, #tpu.memory_space<vmem>>, vector<16xi32>,
      %get3A_953 = vector.shape_cast %get3A_952 : vector<16xi32> to vector<16xi32>
      %swap3A_954 = arith.constant 80 : index
      %swap3A_955 = tpu.vector_load %arg14[%swap3A_954] {strides = array<i32>} : memref<128xi32, #tpu.memory_space<vmem>>, vector<16xi32>,
      %swap3A_956 = vector.shape_cast %swap3A_955 : vector<16xi32> to vector<16xi32>
      %swap3A_957 = vector.shape_cast %get3A_953 : vector<16xi32> to vector<16xi32>
      tpu.vector_store %arg14[%swap3A_954], %swap3A_957 {strides = array<i32>} : memref<128xi32, #tpu.memory_space<vmem>>, vector<16xi32>,
      %add3A_958 = arith.constant 96 : i32
      %add3A_959 = arith.addi %mul3A_903, %add3A_958 : i32
      %get3A_960 = arith.index_cast %add3A_959 : i32 to index
      %get3A_961 = tpu.vector_load %arg7[%get3A_960] {strides = array<i32>} : memref<10240xi32, #tpu.memory_space<vmem>>, vector<16xi32>,
      %get3A_962 = vector.shape_cast %get3A_961 : vector<16xi32> to vector<16xi32>
      %swap3A_963 = arith.constant 96 : index
      %swap3A_964 = tpu.vector_load %arg14[%swap3A_963] {strides = array<i32>} : memref<128xi32, #tpu.memory_space<vmem>>, vector<16xi32>,
      %swap3A_965 = vector.shape_cast %swap3A_964 : vector<16xi32> to vector<16xi32>
      %swap3A_966 = vector.shape_cast %get3A_962 : vector<16xi32> to vector<16xi32>
      tpu.vector_store %arg14[%swap3A_963], %swap3A_966 {strides = array<i32>} : memref<128xi32, #tpu.memory_space<vmem>>, vector<16xi32>,
      %add3A_967 = arith.constant 112 : i32
      %add3A_968 = arith.addi %mul3A_903, %add3A_967 : i32
      %get3A_969 = arith.index_cast %add3A_968 : i32 to index
      %get3A_970 = tpu.vector_load %arg7[%get3A_969] {strides = array<i32>} : memref<10240xi32, #tpu.memory_space<vmem>>, vector<16xi32>,
      %get3A_971 = vector.shape_cast %get3A_970 : vector<16xi32> to vector<16xi32>
      %swap3A_972 = arith.constant 112 : index
      %swap3A_973 = tpu.vector_load %arg14[%swap3A_972] {strides = array<i32>} : memref<128xi32, #tpu.memory_space<vmem>>, vector<16xi32>,
      %swap3A_974 = vector.shape_cast %swap3A_973 : vector<16xi32> to vector<16xi32>
      %swap3A_975 = vector.shape_cast %get3A_971 : vector<16xi32> to vector<16xi32>
      tpu.vector_store %arg14[%swap3A_972], %swap3A_975 {strides = array<i32>} : memref<128xi32, #tpu.memory_space<vmem>>, vector<16xi32>,
      %dma_start3A_976 = arith.constant 0 : i32
      %dma_start3A_977 = arith.constant 0 : i32
      %dma_start3A_978 = tpu.memref_slice %arg6[%dma_start3A_976, %dma_start3A_977] : memref<10112x128xbf16, #tpu.memory_space<vmem_shared>> -> memref<10112x128xbf16, #tpu.memory_space<vmem_shared>>
      tpu.enqueue_indirect_dma source(%arg20 : memref<128x128xbf16, #tpu.memory_space<vmem>>) target(%dma_start3A_978 : memref<10112x128xbf16, #tpu.memory_space<vmem_shared>>) offsets(%arg14 : memref<128xi32, #tpu.memory_space<vmem>>) semaphore(%arg26 : memref<!tpu.dma_semaphore, #tpu.memory_space<semaphore_mem>>) {add = true}
      %add3A_979 = arith.constant 2 : i32
      %add3A_980 = arith.addi %add3A_887, %add3A_979 : i32
      %lt3A_981 = arith.constant 80 : i32
      %lt3A_982 = arith.cmpi slt, %add3A_980, %lt3A_981 : i32
      %convert_element_type3A_983 = arith.extui %lt3A_982 : i1 to i32
      %cond3A_984 = arith.constant 0 : i32
      %cond3A_985 = arith.cmpi ne, %convert_element_type3A_983, %cond3A_984 : i32
      scf.if %cond3A_985 {
        %add3A_986 = arith.constant 2 : i32
        %add3A_987 = arith.addi %add3A_887, %add3A_986 : i32
        %mul3A_988 = arith.constant 128 : i32
        %mul3A_989 = arith.muli %add3A_987, %mul3A_988 : i32
        %add3A_990 = arith.constant 0 : i32
        %add3A_991 = arith.addi %mul3A_989, %add3A_990 : i32
        %get3A_992 = arith.index_cast %add3A_991 : i32 to index
        %get3A_993 = tpu.vector_load %arg7[%get3A_992] {strides = array<i32>} : memref<10240xi32, #tpu.memory_space<vmem>>, vector<16xi32>,
        %get3A_994 = vector.shape_cast %get3A_993 : vector<16xi32> to vector<16xi32>
        %add3A_995 = vector.broadcast %mul3A_4 : i32 to vector<16xi32>
        %add3A_996 = arith.addi %get3A_994, %add3A_995 : vector<16xi32>
        %swap3A_997 = arith.constant 0 : index
        %swap3A_998 = tpu.vector_load %arg10[%swap3A_997] {strides = array<i32>} : memref<128xi32, #tpu.memory_space<vmem>>, vector<16xi32>,
        %swap3A_999 = vector.shape_cast %swap3A_998 : vector<16xi32> to vector<16xi32>
        %swap3A_1000 = vector.shape_cast %add3A_996 : vector<16xi32> to vector<16xi32>
        tpu.vector_store %arg10[%swap3A_997], %swap3A_1000 {strides = array<i32>} : memref<128xi32, #tpu.memory_space<vmem>>, vector<16xi32>,
        %add3A_1001 = arith.constant 0 : i32
        %add3A_1002 = arith.addi %mul3A_989, %add3A_1001 : i32
        %get3A_1003 = arith.index_cast %add3A_1002 : i32 to index
        %get3A_1004 = tpu.vector_load %arg8[%get3A_1003] {strides = array<i32>} : memref<10240xi32, #tpu.memory_space<vmem>>, vector<16xi32>,
        %get3A_1005 = vector.shape_cast %get3A_1004 : vector<16xi32> to vector<16xi32>
        %add3A_1006 = vector.broadcast %add3A_7 : i32 to vector<16xi32>
        %add3A_1007 = arith.addi %get3A_1005, %add3A_1006 : vector<16xi32>
        %swap3A_1008 = arith.constant 0 : index
        %swap3A_1009 = tpu.vector_load %arg12[%swap3A_1008] {strides = array<i32>} : memref<128xi32, #tpu.memory_space<vmem>>, vector<16xi32>,
        %swap3A_1010 = vector.shape_cast %swap3A_1009 : vector<16xi32> to vector<16xi32>
        %swap3A_1011 = vector.shape_cast %add3A_1007 : vector<16xi32> to vector<16xi32>
        tpu.vector_store %arg12[%swap3A_1008], %swap3A_1011 {strides = array<i32>} : memref<128xi32, #tpu.memory_space<vmem>>, vector<16xi32>,
        %add3A_1012 = arith.constant 16 : i32
        %add3A_1013 = arith.addi %mul3A_989, %add3A_1012 : i32
        %get3A_1014 = arith.index_cast %add3A_1013 : i32 to index
        %get3A_1015 = tpu.vector_load %arg7[%get3A_1014] {strides = array<i32>} : memref<10240xi32, #tpu.memory_space<vmem>>, vector<16xi32>,
        %get3A_1016 = vector.shape_cast %get3A_1015 : vector<16xi32> to vector<16xi32>
        %add3A_1017 = vector.broadcast %mul3A_4 : i32 to vector<16xi32>
        %add3A_1018 = arith.addi %get3A_1016, %add3A_1017 : vector<16xi32>
        %swap3A_1019 = arith.constant 16 : index
        %swap3A_1020 = tpu.vector_load %arg10[%swap3A_1019] {strides = array<i32>} : memref<128xi32, #tpu.memory_space<vmem>>, vector<16xi32>,
        %swap3A_1021 = vector.shape_cast %swap3A_1020 : vector<16xi32> to vector<16xi32>
        %swap3A_1022 = vector.shape_cast %add3A_1018 : vector<16xi32> to vector<16xi32>
        tpu.vector_store %arg10[%swap3A_1019], %swap3A_1022 {strides = array<i32>} : memref<128xi32, #tpu.memory_space<vmem>>, vector<16xi32>,
        %add3A_1023 = arith.constant 16 : i32
        %add3A_1024 = arith.addi %mul3A_989, %add3A_1023 : i32
        %get3A_1025 = arith.index_cast %add3A_1024 : i32 to index
        %get3A_1026 = tpu.vector_load %arg8[%get3A_1025] {strides = array<i32>} : memref<10240xi32, #tpu.memory_space<vmem>>, vector<16xi32>,
        %get3A_1027 = vector.shape_cast %get3A_1026 : vector<16xi32> to vector<16xi32>
        %add3A_1028 = vector.broadcast %add3A_7 : i32 to vector<16xi32>
        %add3A_1029 = arith.addi %get3A_1027, %add3A_1028 : vector<16xi32>
        %swap3A_1030 = arith.constant 16 : index
        %swap3A_1031 = tpu.vector_load %arg12[%swap3A_1030] {strides = array<i32>} : memref<128xi32, #tpu.memory_space<vmem>>, vector<16xi32>,
        %swap3A_1032 = vector.shape_cast %swap3A_1031 : vector<16xi32> to vector<16xi32>
        %swap3A_1033 = vector.shape_cast %add3A_1029 : vector<16xi32> to vector<16xi32>
        tpu.vector_store %arg12[%swap3A_1030], %swap3A_1033 {strides = array<i32>} : memref<128xi32, #tpu.memory_space<vmem>>, vector<16xi32>,
        %add3A_1034 = arith.constant 32 : i32
        %add3A_1035 = arith.addi %mul3A_989, %add3A_1034 : i32
        %get3A_1036 = arith.index_cast %add3A_1035 : i32 to index
        %get3A_1037 = tpu.vector_load %arg7[%get3A_1036] {strides = array<i32>} : memref<10240xi32, #tpu.memory_space<vmem>>, vector<16xi32>,
        %get3A_1038 = vector.shape_cast %get3A_1037 : vector<16xi32> to vector<16xi32>
        %add3A_1039 = vector.broadcast %mul3A_4 : i32 to vector<16xi32>
        %add3A_1040 = arith.addi %get3A_1038, %add3A_1039 : vector<16xi32>
        %swap3A_1041 = arith.constant 32 : index
        %swap3A_1042 = tpu.vector_load %arg10[%swap3A_1041] {strides = array<i32>} : memref<128xi32, #tpu.memory_space<vmem>>, vector<16xi32>,
        %swap3A_1043 = vector.shape_cast %swap3A_1042 : vector<16xi32> to vector<16xi32>
        %swap3A_1044 = vector.shape_cast %add3A_1040 : vector<16xi32> to vector<16xi32>
        tpu.vector_store %arg10[%swap3A_1041], %swap3A_1044 {strides = array<i32>} : memref<128xi32, #tpu.memory_space<vmem>>, vector<16xi32>,
        %add3A_1045 = arith.constant 32 : i32
        %add3A_1046 = arith.addi %mul3A_989, %add3A_1045 : i32
        %get3A_1047 = arith.index_cast %add3A_1046 : i32 to index
        %get3A_1048 = tpu.vector_load %arg8[%get3A_1047] {strides = array<i32>} : memref<10240xi32, #tpu.memory_space<vmem>>, vector<16xi32>,
        %get3A_1049 = vector.shape_cast %get3A_1048 : vector<16xi32> to vector<16xi32>
        %add3A_1050 = vector.broadcast %add3A_7 : i32 to vector<16xi32>
        %add3A_1051 = arith.addi %get3A_1049, %add3A_1050 : vector<16xi32>
        %swap3A_1052 = arith.constant 32 : index
        %swap3A_1053 = tpu.vector_load %arg12[%swap3A_1052] {strides = array<i32>} : memref<128xi32, #tpu.memory_space<vmem>>, vector<16xi32>,
        %swap3A_1054 = vector.shape_cast %swap3A_1053 : vector<16xi32> to vector<16xi32>
        %swap3A_1055 = vector.shape_cast %add3A_1051 : vector<16xi32> to vector<16xi32>
        tpu.vector_store %arg12[%swap3A_1052], %swap3A_1055 {strides = array<i32>} : memref<128xi32, #tpu.memory_space<vmem>>, vector<16xi32>,
        %add3A_1056 = arith.constant 48 : i32
        %add3A_1057 = arith.addi %mul3A_989, %add3A_1056 : i32
        %get3A_1058 = arith.index_cast %add3A_1057 : i32 to index
        %get3A_1059 = tpu.vector_load %arg7[%get3A_1058] {strides = array<i32>} : memref<10240xi32, #tpu.memory_space<vmem>>, vector<16xi32>,
        %get3A_1060 = vector.shape_cast %get3A_1059 : vector<16xi32> to vector<16xi32>
        %add3A_1061 = vector.broadcast %mul3A_4 : i32 to vector<16xi32>
        %add3A_1062 = arith.addi %get3A_1060, %add3A_1061 : vector<16xi32>
        %swap3A_1063 = arith.constant 48 : index
        %swap3A_1064 = tpu.vector_load %arg10[%swap3A_1063] {strides = array<i32>} : memref<128xi32, #tpu.memory_space<vmem>>, vector<16xi32>,
        %swap3A_1065 = vector.shape_cast %swap3A_1064 : vector<16xi32> to vector<16xi32>
        %swap3A_1066 = vector.shape_cast %add3A_1062 : vector<16xi32> to vector<16xi32>
        tpu.vector_store %arg10[%swap3A_1063], %swap3A_1066 {strides = array<i32>} : memref<128xi32, #tpu.memory_space<vmem>>, vector<16xi32>,
        %add3A_1067 = arith.constant 48 : i32
        %add3A_1068 = arith.addi %mul3A_989, %add3A_1067 : i32
        %get3A_1069 = arith.index_cast %add3A_1068 : i32 to index
        %get3A_1070 = tpu.vector_load %arg8[%get3A_1069] {strides = array<i32>} : memref<10240xi32, #tpu.memory_space<vmem>>, vector<16xi32>,
        %get3A_1071 = vector.shape_cast %get3A_1070 : vector<16xi32> to vector<16xi32>
        %add3A_1072 = vector.broadcast %add3A_7 : i32 to vector<16xi32>
        %add3A_1073 = arith.addi %get3A_1071, %add3A_1072 : vector<16xi32>
        %swap3A_1074 = arith.constant 48 : index
        %swap3A_1075 = tpu.vector_load %arg12[%swap3A_1074] {strides = array<i32>} : memref<128xi32, #tpu.memory_space<vmem>>, vector<16xi32>,
        %swap3A_1076 = vector.shape_cast %swap3A_1075 : vector<16xi32> to vector<16xi32>
        %swap3A_1077 = vector.shape_cast %add3A_1073 : vector<16xi32> to vector<16xi32>
        tpu.vector_store %arg12[%swap3A_1074], %swap3A_1077 {strides = array<i32>} : memref<128xi32, #tpu.memory_space<vmem>>, vector<16xi32>,
        %add3A_1078 = arith.constant 64 : i32
        %add3A_1079 = arith.addi %mul3A_989, %add3A_1078 : i32
        %get3A_1080 = arith.index_cast %add3A_1079 : i32 to index
        %get3A_1081 = tpu.vector_load %arg7[%get3A_1080] {strides = array<i32>} : memref<10240xi32, #tpu.memory_space<vmem>>, vector<16xi32>,
        %get3A_1082 = vector.shape_cast %get3A_1081 : vector<16xi32> to vector<16xi32>
        %add3A_1083 = vector.broadcast %mul3A_4 : i32 to vector<16xi32>
        %add3A_1084 = arith.addi %get3A_1082, %add3A_1083 : vector<16xi32>
        %swap3A_1085 = arith.constant 64 : index
        %swap3A_1086 = tpu.vector_load %arg10[%swap3A_1085] {strides = array<i32>} : memref<128xi32, #tpu.memory_space<vmem>>, vector<16xi32>,
        %swap3A_1087 = vector.shape_cast %swap3A_1086 : vector<16xi32> to vector<16xi32>
        %swap3A_1088 = vector.shape_cast %add3A_1084 : vector<16xi32> to vector<16xi32>
        tpu.vector_store %arg10[%swap3A_1085], %swap3A_1088 {strides = array<i32>} : memref<128xi32, #tpu.memory_space<vmem>>, vector<16xi32>,
        %add3A_1089 = arith.constant 64 : i32
        %add3A_1090 = arith.addi %mul3A_989, %add3A_1089 : i32
        %get3A_1091 = arith.index_cast %add3A_1090 : i32 to index
        %get3A_1092 = tpu.vector_load %arg8[%get3A_1091] {strides = array<i32>} : memref<10240xi32, #tpu.memory_space<vmem>>, vector<16xi32>,
        %get3A_1093 = vector.shape_cast %get3A_1092 : vector<16xi32> to vector<16xi32>
        %add3A_1094 = vector.broadcast %add3A_7 : i32 to vector<16xi32>
        %add3A_1095 = arith.addi %get3A_1093, %add3A_1094 : vector<16xi32>
        %swap3A_1096 = arith.constant 64 : index
        %swap3A_1097 = tpu.vector_load %arg12[%swap3A_1096] {strides = array<i32>} : memref<128xi32, #tpu.memory_space<vmem>>, vector<16xi32>,
        %swap3A_1098 = vector.shape_cast %swap3A_1097 : vector<16xi32> to vector<16xi32>
        %swap3A_1099 = vector.shape_cast %add3A_1095 : vector<16xi32> to vector<16xi32>
        tpu.vector_store %arg12[%swap3A_1096], %swap3A_1099 {strides = array<i32>} : memref<128xi32, #tpu.memory_space<vmem>>, vector<16xi32>,
        %add3A_1100 = arith.constant 80 : i32
        %add3A_1101 = arith.addi %mul3A_989, %add3A_1100 : i32
        %get3A_1102 = arith.index_cast %add3A_1101 : i32 to index
        %get3A_1103 = tpu.vector_load %arg7[%get3A_1102] {strides = array<i32>} : memref<10240xi32, #tpu.memory_space<vmem>>, vector<16xi32>,
        %get3A_1104 = vector.shape_cast %get3A_1103 : vector<16xi32> to vector<16xi32>
        %add3A_1105 = vector.broadcast %mul3A_4 : i32 to vector<16xi32>
        %add3A_1106 = arith.addi %get3A_1104, %add3A_1105 : vector<16xi32>
        %swap3A_1107 = arith.constant 80 : index
        %swap3A_1108 = tpu.vector_load %arg10[%swap3A_1107] {strides = array<i32>} : memref<128xi32, #tpu.memory_space<vmem>>, vector<16xi32>,
        %swap3A_1109 = vector.shape_cast %swap3A_1108 : vector<16xi32> to vector<16xi32>
        %swap3A_1110 = vector.shape_cast %add3A_1106 : vector<16xi32> to vector<16xi32>
        tpu.vector_store %arg10[%swap3A_1107], %swap3A_1110 {strides = array<i32>} : memref<128xi32, #tpu.memory_space<vmem>>, vector<16xi32>,
        %add3A_1111 = arith.constant 80 : i32
        %add3A_1112 = arith.addi %mul3A_989, %add3A_1111 : i32
        %get3A_1113 = arith.index_cast %add3A_1112 : i32 to index
        %get3A_1114 = tpu.vector_load %arg8[%get3A_1113] {strides = array<i32>} : memref<10240xi32, #tpu.memory_space<vmem>>, vector<16xi32>,
        %get3A_1115 = vector.shape_cast %get3A_1114 : vector<16xi32> to vector<16xi32>
        %add3A_1116 = vector.broadcast %add3A_7 : i32 to vector<16xi32>
        %add3A_1117 = arith.addi %get3A_1115, %add3A_1116 : vector<16xi32>
        %swap3A_1118 = arith.constant 80 : index
        %swap3A_1119 = tpu.vector_load %arg12[%swap3A_1118] {strides = array<i32>} : memref<128xi32, #tpu.memory_space<vmem>>, vector<16xi32>,
        %swap3A_1120 = vector.shape_cast %swap3A_1119 : vector<16xi32> to vector<16xi32>
        %swap3A_1121 = vector.shape_cast %add3A_1117 : vector<16xi32> to vector<16xi32>
        tpu.vector_store %arg12[%swap3A_1118], %swap3A_1121 {strides = array<i32>} : memref<128xi32, #tpu.memory_space<vmem>>, vector<16xi32>,
        %add3A_1122 = arith.constant 96 : i32
        %add3A_1123 = arith.addi %mul3A_989, %add3A_1122 : i32
        %get3A_1124 = arith.index_cast %add3A_1123 : i32 to index
        %get3A_1125 = tpu.vector_load %arg7[%get3A_1124] {strides = array<i32>} : memref<10240xi32, #tpu.memory_space<vmem>>, vector<16xi32>,
        %get3A_1126 = vector.shape_cast %get3A_1125 : vector<16xi32> to vector<16xi32>
        %add3A_1127 = vector.broadcast %mul3A_4 : i32 to vector<16xi32>
        %add3A_1128 = arith.addi %get3A_1126, %add3A_1127 : vector<16xi32>
        %swap3A_1129 = arith.constant 96 : index
        %swap3A_1130 = tpu.vector_load %arg10[%swap3A_1129] {strides = array<i32>} : memref<128xi32, #tpu.memory_space<vmem>>, vector<16xi32>,
        %swap3A_1131 = vector.shape_cast %swap3A_1130 : vector<16xi32> to vector<16xi32>
        %swap3A_1132 = vector.shape_cast %add3A_1128 : vector<16xi32> to vector<16xi32>
        tpu.vector_store %arg10[%swap3A_1129], %swap3A_1132 {strides = array<i32>} : memref<128xi32, #tpu.memory_space<vmem>>, vector<16xi32>,
        %add3A_1133 = arith.constant 96 : i32
        %add3A_1134 = arith.addi %mul3A_989, %add3A_1133 : i32
        %get3A_1135 = arith.index_cast %add3A_1134 : i32 to index
        %get3A_1136 = tpu.vector_load %arg8[%get3A_1135] {strides = array<i32>} : memref<10240xi32, #tpu.memory_space<vmem>>, vector<16xi32>,
        %get3A_1137 = vector.shape_cast %get3A_1136 : vector<16xi32> to vector<16xi32>
        %add3A_1138 = vector.broadcast %add3A_7 : i32 to vector<16xi32>
        %add3A_1139 = arith.addi %get3A_1137, %add3A_1138 : vector<16xi32>
        %swap3A_1140 = arith.constant 96 : index
        %swap3A_1141 = tpu.vector_load %arg12[%swap3A_1140] {strides = array<i32>} : memref<128xi32, #tpu.memory_space<vmem>>, vector<16xi32>,
        %swap3A_1142 = vector.shape_cast %swap3A_1141 : vector<16xi32> to vector<16xi32>
        %swap3A_1143 = vector.shape_cast %add3A_1139 : vector<16xi32> to vector<16xi32>
        tpu.vector_store %arg12[%swap3A_1140], %swap3A_1143 {strides = array<i32>} : memref<128xi32, #tpu.memory_space<vmem>>, vector<16xi32>,
        %add3A_1144 = arith.constant 112 : i32
        %add3A_1145 = arith.addi %mul3A_989, %add3A_1144 : i32
        %get3A_1146 = arith.index_cast %add3A_1145 : i32 to index
        %get3A_1147 = tpu.vector_load %arg7[%get3A_1146] {strides = array<i32>} : memref<10240xi32, #tpu.memory_space<vmem>>, vector<16xi32>,
        %get3A_1148 = vector.shape_cast %get3A_1147 : vector<16xi32> to vector<16xi32>
        %add3A_1149 = vector.broadcast %mul3A_4 : i32 to vector<16xi32>
        %add3A_1150 = arith.addi %get3A_1148, %add3A_1149 : vector<16xi32>
        %swap3A_1151 = arith.constant 112 : index
        %swap3A_1152 = tpu.vector_load %arg10[%swap3A_1151] {strides = array<i32>} : memref<128xi32, #tpu.memory_space<vmem>>, vector<16xi32>,
        %swap3A_1153 = vector.shape_cast %swap3A_1152 : vector<16xi32> to vector<16xi32>
        %swap3A_1154 = vector.shape_cast %add3A_1150 : vector<16xi32> to vector<16xi32>
        tpu.vector_store %arg10[%swap3A_1151], %swap3A_1154 {strides = array<i32>} : memref<128xi32, #tpu.memory_space<vmem>>, vector<16xi32>,
        %add3A_1155 = arith.constant 112 : i32
        %add3A_1156 = arith.addi %mul3A_989, %add3A_1155 : i32
        %get3A_1157 = arith.index_cast %add3A_1156 : i32 to index
        %get3A_1158 = tpu.vector_load %arg8[%get3A_1157] {strides = array<i32>} : memref<10240xi32, #tpu.memory_space<vmem>>, vector<16xi32>,
        %get3A_1159 = vector.shape_cast %get3A_1158 : vector<16xi32> to vector<16xi32>
        %add3A_1160 = vector.broadcast %add3A_7 : i32 to vector<16xi32>
        %add3A_1161 = arith.addi %get3A_1159, %add3A_1160 : vector<16xi32>
        %swap3A_1162 = arith.constant 112 : index
        %swap3A_1163 = tpu.vector_load %arg12[%swap3A_1162] {strides = array<i32>} : memref<128xi32, #tpu.memory_space<vmem>>, vector<16xi32>,
        %swap3A_1164 = vector.shape_cast %swap3A_1163 : vector<16xi32> to vector<16xi32>
        %swap3A_1165 = vector.shape_cast %add3A_1161 : vector<16xi32> to vector<16xi32>
        tpu.vector_store %arg12[%swap3A_1162], %swap3A_1165 {strides = array<i32>} : memref<128xi32, #tpu.memory_space<vmem>>, vector<16xi32>,
        %dma_start3A_1166 = arith.constant 0 : i32
        %dma_start3A_1167 = arith.constant 0 : i32
        %dma_start3A_1168 = tpu.memref_slice %arg2[%dma_start3A_1166, %dma_start3A_1167] : memref<40960x128xbf16, #tpu.memory_space<hbm>> -> memref<40960x128xbf16, #tpu.memory_space<hbm>>
        tpu.enqueue_indirect_dma source(%dma_start3A_1168 : memref<40960x128xbf16, #tpu.memory_space<hbm>>) target(%arg16 : memref<128x128xbf16, #tpu.memory_space<vmem>>) offsets(%arg10 : memref<128xi32, #tpu.memory_space<vmem>>) semaphore(%arg22 : memref<!tpu.dma_semaphore, #tpu.memory_space<semaphore_mem>>)
        %dma_start3A_1169 = arith.constant 0 : i32
        %dma_start3A_1170 = arith.constant 0 : i32
        %dma_start3A_1171 = tpu.memref_slice %arg2[%dma_start3A_1169, %dma_start3A_1170] : memref<40960x128xbf16, #tpu.memory_space<hbm>> -> memref<40960x128xbf16, #tpu.memory_space<hbm>>
        tpu.enqueue_indirect_dma source(%dma_start3A_1171 : memref<40960x128xbf16, #tpu.memory_space<hbm>>) target(%arg18 : memref<128x128xbf16, #tpu.memory_space<vmem>>) offsets(%arg12 : memref<128xi32, #tpu.memory_space<vmem>>) semaphore(%arg24 : memref<!tpu.dma_semaphore, #tpu.memory_space<semaphore_mem>>)
      } else {
      }
    }
    %scan3A_772 = arith.constant 39 : i32
    %dma_wait3A_773 = arith.constant 0 : i32
    %dma_wait3A_774 = arith.constant 0 : i32
    %dma_wait3A_775 = tpu.memref_slice %arg6[%dma_wait3A_773, %dma_wait3A_774] : memref<10112x128xbf16, #tpu.memory_space<vmem_shared>> -> memref<10112x128xbf16, #tpu.memory_space<vmem_shared>>
    tpu.wait_indirect_dma semaphore(%arg25 : memref<!tpu.dma_semaphore, #tpu.memory_space<semaphore_mem>>) src(%arg19 : memref<128x128xbf16, #tpu.memory_space<vmem>>) dst(%dma_wait3A_775 : memref<10112x128xbf16, #tpu.memory_space<vmem_shared>>)
    %dma_wait3A_776 = arith.constant 0 : i32
    %dma_wait3A_777 = arith.constant 0 : i32
    %dma_wait3A_778 = tpu.memref_slice %arg6[%dma_wait3A_776, %dma_wait3A_777] : memref<10112x128xbf16, #tpu.memory_space<vmem_shared>> -> memref<10112x128xbf16, #tpu.memory_space<vmem_shared>>
    tpu.wait_indirect_dma semaphore(%arg26 : memref<!tpu.dma_semaphore, #tpu.memory_space<semaphore_mem>>) src(%arg20 : memref<128x128xbf16, #tpu.memory_space<vmem>>) dst(%dma_wait3A_778 : memref<10112x128xbf16, #tpu.memory_space<vmem_shared>>)
    %barrier3A_779 = arith.constant 0 : index
    tpu.barrier barrier_id(%barrier3A_779)
    %mul3A_780 = arith.constant 632 : i32
    %mul3A_781 = arith.muli %arg1, %mul3A_780 : i32
    %mul3A_782 = arith.constant 632 : i32
    %mul3A_783 = arith.muli %arg1, %mul3A_782 : i32
    "tpu.region"() ({
      %run_scoped3A = tpu.sem_alloc : memref<!tpu.dma_semaphore, #tpu.memory_space<semaphore_mem>>
      %dma_start3A_784 = arith.constant 0 : i32
      %dma_start3A_785 = tpu.memref_slice %arg5[%arg0, %mul3A_783, %dma_start3A_784] : memref<2x10112x128xbf16, #tpu.memory_space<hbm>> -> memref<1x632x128xbf16, #tpu.memory_space<hbm>>
      %dma_start3A_786 = tpu.memref_squeeze %dma_start3A_785 : memref<1x632x128xbf16, #tpu.memory_space<hbm>> -> memref<632x128xbf16, #tpu.memory_space<hbm>>
      %dma_start3A_787 = arith.constant 0 : i32
      %dma_start3A_788 = tpu.memref_slice %arg6[%mul3A_781, %dma_start3A_787] : memref<10112x128xbf16, #tpu.memory_space<vmem_shared>> -> memref<632x128xbf16, #tpu.memory_space<vmem_shared>>
      tpu.enqueue_dma source(%dma_start3A_788 : memref<632x128xbf16, #tpu.memory_space<vmem_shared>>) target(%dma_start3A_786 : memref<632x128xbf16, #tpu.memory_space<hbm>>) target_semaphore(%run_scoped3A : memref<!tpu.dma_semaphore, #tpu.memory_space<semaphore_mem>>)
      %dma_wait3A_789 = arith.constant 0 : i32
      %dma_wait3A_790 = tpu.memref_slice %arg5[%arg0, %mul3A_783, %dma_wait3A_789] : memref<2x10112x128xbf16, #tpu.memory_space<hbm>> -> memref<1x632x128xbf16, #tpu.memory_space<hbm>>
      %dma_wait3A_791 = tpu.memref_squeeze %dma_wait3A_790 : memref<1x632x128xbf16, #tpu.memory_space<hbm>> -> memref<632x128xbf16, #tpu.memory_space<hbm>>
      %dma_wait3A_792 = arith.constant 0 : i32
      %dma_wait3A_793 = tpu.memref_slice %arg6[%mul3A_781, %dma_wait3A_792] : memref<10112x128xbf16, #tpu.memory_space<vmem_shared>> -> memref<632x128xbf16, #tpu.memory_space<vmem_shared>>
      tpu.wait_dma2 semaphore(%run_scoped3A : memref<!tpu.dma_semaphore, #tpu.memory_space<semaphore_mem>>) src(%dma_wait3A_793 : memref<632x128xbf16, #tpu.memory_space<vmem_shared>>) dst(%dma_wait3A_791 : memref<632x128xbf16, #tpu.memory_space<hbm>>)
      tpu.yield
    }) : () -> ()
    return
  }
}

module attributes {stable_mosaic.version = 14 : i64} {
  func.func @_project_body(%arg0: i32, %arg1: memref<1024x256xf32, #tpu.memory_space<vmem>>, %arg2: memref<256x256xf32, #tpu.memory_space<vmem>>, %arg3: memref<1x256xf32, #tpu.memory_space<vmem>>, %arg4: memref<2x1024x128xbf16, #tpu.memory_space<vmem>>) attributes {dimension_semantics = [#tpu.dimension_semantics<arbitrary>], iteration_bounds = array<i64: 20>, scalar_prefetch = 0 : i64, scratch_operands = 0 : i64, tpu.core_type = #tpu.core_type<tc>, window_params = [{transform_indices = @transform_0, window_bounds = array<i64: 1024, 256>}, {transform_indices = @transform_1, window_bounds = array<i64: 256, 256>}, {pipeline_mode = #tpu.pipeline_mode<synchronous>, transform_indices = @transform_2, window_bounds = array<i64: 1, 256>}, {transform_indices = @transform_3, window_bounds = array<i64: 2, 1024, 128>}]} {
    %lt3A = arith.constant 10 : i32
    %lt3A_0 = arith.cmpi slt, %arg0, %lt3A : i32
    %convert_element_type3A = arith.extui %lt3A_0 : i1 to i32
    %convert_element_type3A_1 = arith.sitofp %convert_element_type3A : i32 to f32
    %get3A = arith.constant 0 : index
    %get3A_2 = arith.constant 0 : index
    %get3A_3 = vector.load %arg1[%get3A, %get3A_2] : memref<1024x256xf32, #tpu.memory_space<vmem>>, vector<1024x256xf32>
    %get3A_4 = arith.constant 0 : index
    %get3A_5 = arith.constant 0 : index
    %get3A_6 = vector.load %arg2[%get3A_4, %get3A_5] : memref<256x256xf32, #tpu.memory_space<vmem>>, vector<256x256xf32>
    %dot_general3A = arith.constant dense<0.000000e+00> : vector<1024x256xf32>
    %dot_general3A_7 = tpu.matmul %get3A_3, %get3A_6, %dot_general3A {dimension_numbers = #tpu.dot_dimension_numbers<[1], [0], [0], [1], [0, 0, 1, 1], [], []>, transpose_lhs_hint = false} : vector<1024x256xf32>, vector<256x256xf32>, vector<1024x256xf32> -> vector<1024x256xf32>
    %get3A_8 = arith.constant 0 : index
    %get3A_9 = arith.constant 0 : index
    %get3A_10 = vector.load %arg3[%get3A_8, %get3A_9] : memref<1x256xf32, #tpu.memory_space<vmem>>, vector<1x256xf32>
    %mul3A = vector.broadcast %convert_element_type3A_1 : f32 to vector<1x256xf32>
    %mul3A_11 = arith.mulf %mul3A, %get3A_10 : vector<1x256xf32>
    %add3A = vector.broadcast %mul3A_11 : vector<1x256xf32> to vector<1024x256xf32>
    %add3A_12 = arith.addf %dot_general3A_7, %add3A : vector<1024x256xf32>
    %convert_element_type3A_13 = arith.truncf %add3A_12 : vector<1024x256xf32> to vector<1024x256xbf16>
    %slice3A = vector.extract_strided_slice %convert_element_type3A_13 {offsets = [0, 0], sizes = [1024, 128], strides = [1, 1]} : vector<1024x256xbf16> to vector<1024x128xbf16>
    %swap3A = arith.constant 0 : index
    %swap3A_14 = arith.constant 0 : index
    %swap3A_15 = arith.constant 0 : index
    %swap3A_16 = vector.load %arg4[%swap3A, %swap3A_14, %swap3A_15] : memref<2x1024x128xbf16, #tpu.memory_space<vmem>>, vector<1x1024x128xbf16>
    %swap3A_17 = vector.shape_cast %swap3A_16 : vector<1x1024x128xbf16> to vector<1024x128xbf16>
    %swap3A_18 = vector.shape_cast %slice3A : vector<1024x128xbf16> to vector<1x1024x128xbf16>
    tpu.vector_store %arg4[%swap3A, %swap3A_14, %swap3A_15], %swap3A_18 {strides = array<i32>} : memref<2x1024x128xbf16, #tpu.memory_space<vmem>>, vector<1x1024x128xbf16>,
    %slice3A_19 = vector.extract_strided_slice %convert_element_type3A_13 {offsets = [0, 128], sizes = [1024, 128], strides = [1, 1]} : vector<1024x256xbf16> to vector<1024x128xbf16>
    %swap3A_20 = arith.constant 1 : index
    %swap3A_21 = arith.constant 0 : index
    %swap3A_22 = arith.constant 0 : index
    %swap3A_23 = vector.load %arg4[%swap3A_20, %swap3A_21, %swap3A_22] : memref<2x1024x128xbf16, #tpu.memory_space<vmem>>, vector<1x1024x128xbf16>
    %swap3A_24 = vector.shape_cast %swap3A_23 : vector<1x1024x128xbf16> to vector<1024x128xbf16>
    %swap3A_25 = vector.shape_cast %slice3A_19 : vector<1024x128xbf16> to vector<1x1024x128xbf16>
    tpu.vector_store %arg4[%swap3A_20, %swap3A_21, %swap3A_22], %swap3A_25 {strides = array<i32>} : memref<2x1024x128xbf16, #tpu.memory_space<vmem>>, vector<1x1024x128xbf16>,
    return
  }
  func.func @transform_0(%arg0: i32) -> (i32, i32) {
    %c0_i32 = arith.constant 0 : i32
    %c0_i32_0 = arith.constant 0 : i32
    return %arg0, %c0_i32 : i32, i32
  }
  func.func @transform_1(%arg0: i32) -> (i32, i32) {
    %jit3A = arith.constant 10 : i32
    %div3A = arith.divsi %arg0, %jit3A : i32
    %sign3A = arith.constant 0 : i32
    %sign3A_0 = arith.cmpi sgt, %arg0, %sign3A : i32
    %sign3A_1 = arith.extui %sign3A_0 : i1 to i32
    %sign3A_2 = arith.constant 0 : i32
    %sign3A_3 = arith.cmpi slt, %arg0, %sign3A_2 : i32
    %sign3A_4 = arith.extui %sign3A_3 : i1 to i32
    %sign3A_5 = arith.subi %sign3A_1, %sign3A_4 : i32
    %sign3A_6 = arith.constant 0 : i32
    %sign3A_7 = arith.cmpi sgt, %jit3A, %sign3A_6 : i32
    %sign3A_8 = arith.extui %sign3A_7 : i1 to i32
    %sign3A_9 = arith.constant 0 : i32
    %sign3A_10 = arith.cmpi slt, %jit3A, %sign3A_9 : i32
    %sign3A_11 = arith.extui %sign3A_10 : i1 to i32
    %sign3A_12 = arith.subi %sign3A_8, %sign3A_11 : i32
    %ne3A = arith.cmpi ne, %sign3A_5, %sign3A_12 : i32
    %rem3A = arith.remsi %arg0, %jit3A : i32
    %ne3A_13 = arith.constant 0 : i32
    %ne3A_14 = arith.cmpi ne, %rem3A, %ne3A_13 : i32
    %and3A = arith.andi %ne3A, %ne3A_14 : i1
    %sub3A = arith.constant 1 : i32
    %sub3A_15 = arith.subi %div3A, %sub3A : i32
    %select_n3A = arith.select %and3A, %sub3A_15, %div3A : i32
    %c0_i32 = arith.constant 0 : i32
    %c0_i32_16 = arith.constant 0 : i32
    return %select_n3A, %c0_i32 : i32, i32
  }
  func.func @transform_2(%arg0: i32) -> (i32, i32) {
    %c0_i32 = arith.constant 0 : i32
    %c0_i32_0 = arith.constant 0 : i32
    %c0_i32_1 = arith.constant 0 : i32
    return %c0_i32, %c0_i32_0 : i32, i32
  }
  func.func @transform_3(%arg0: i32) -> (i32, i32, i32) {
    %c0_i32 = arith.constant 0 : i32
    %c0_i32_0 = arith.constant 0 : i32
    %c0_i32_1 = arith.constant 0 : i32
    return %c0_i32, %arg0, %c0_i32_0 : i32, i32, i32
  }
}

module attributes {stable_mosaic.version = 14 : i64} {
  func.func @_combine_body(%arg0: i32, %arg1: memref<1000x256xf32, #tpu.memory_space<vmem>>, %arg2: memref<2x1000x128xbf16, #tpu.memory_space<vmem>>, %arg3: memref<512x256xf32, #tpu.memory_space<vmem>>, %arg4: memref<1x256xf32, #tpu.memory_space<vmem>>, %arg5: memref<1000x256xf32, #tpu.memory_space<vmem>>) attributes {dimension_semantics = [#tpu.dimension_semantics<arbitrary>], iteration_bounds = array<i64: 10>, scalar_prefetch = 0 : i64, scratch_operands = 0 : i64, tpu.core_type = #tpu.core_type<tc>, window_params = [{transform_indices = @transform_0, window_bounds = array<i64: 1000, 256>}, {transform_indices = @transform_1, window_bounds = array<i64: 2, 1000, 128>}, {pipeline_mode = #tpu.pipeline_mode<synchronous>, transform_indices = @transform_2, window_bounds = array<i64: 512, 256>}, {pipeline_mode = #tpu.pipeline_mode<synchronous>, transform_indices = @transform_3, window_bounds = array<i64: 1, 256>}, {transform_indices = @transform_4, window_bounds = array<i64: 1000, 256>}]} {
    %get3A = arith.constant 0 : index
    %get3A_0 = arith.constant 0 : index
    %get3A_1 = vector.load %arg1[%get3A, %get3A_0] : memref<1000x256xf32, #tpu.memory_space<vmem>>, vector<1000x256xf32>
    %get3A_2 = arith.constant 0 : index
    %get3A_3 = arith.constant 0 : index
    %get3A_4 = vector.load %arg3[%get3A_2, %get3A_3] : memref<512x256xf32, #tpu.memory_space<vmem>>, vector<256x256xf32>
    %dot_general3A = arith.constant dense<0.000000e+00> : vector<1000x256xf32>
    %dot_general3A_5 = tpu.matmul %get3A_1, %get3A_4, %dot_general3A {dimension_numbers = #tpu.dot_dimension_numbers<[1], [0], [0], [1], [0, 0, 1, 1], [], []>, transpose_lhs_hint = false} : vector<1000x256xf32>, vector<256x256xf32>, vector<1000x256xf32> -> vector<1000x256xf32>
    %get3A_6 = arith.constant 0 : index
    %get3A_7 = arith.constant 0 : index
    %get3A_8 = arith.constant 0 : index
    %get3A_9 = vector.load %arg2[%get3A_6, %get3A_7, %get3A_8] : memref<2x1000x128xbf16, #tpu.memory_space<vmem>>, vector<1x1000x128xbf16>
    %get3A_10 = vector.shape_cast %get3A_9 : vector<1x1000x128xbf16> to vector<1000x128xbf16>
    %convert_element_type3A = arith.extf %get3A_10 : vector<1000x128xbf16> to vector<1000x128xf32>
    %get3A_11 = arith.constant 256 : index
    %get3A_12 = arith.constant 0 : index
    %get3A_13 = vector.load %arg3[%get3A_11, %get3A_12] : memref<512x256xf32, #tpu.memory_space<vmem>>, vector<128x256xf32>
    %dot_general3A_14 = arith.constant dense<0.000000e+00> : vector<1000x256xf32>
    %dot_general3A_15 = tpu.matmul %convert_element_type3A, %get3A_13, %dot_general3A_14 {dimension_numbers = #tpu.dot_dimension_numbers<[1], [0], [0], [1], [0, 0, 1, 1], [], []>, transpose_lhs_hint = false} : vector<1000x128xf32>, vector<128x256xf32>, vector<1000x256xf32> -> vector<1000x256xf32>
    %add3A = arith.addf %dot_general3A_5, %dot_general3A_15 : vector<1000x256xf32>
    %get3A_16 = arith.constant 1 : index
    %get3A_17 = arith.constant 0 : index
    %get3A_18 = arith.constant 0 : index
    %get3A_19 = vector.load %arg2[%get3A_16, %get3A_17, %get3A_18] : memref<2x1000x128xbf16, #tpu.memory_space<vmem>>, vector<1x1000x128xbf16>
    %get3A_20 = vector.shape_cast %get3A_19 : vector<1x1000x128xbf16> to vector<1000x128xbf16>
    %convert_element_type3A_21 = arith.extf %get3A_20 : vector<1000x128xbf16> to vector<1000x128xf32>
    %get3A_22 = arith.constant 384 : index
    %get3A_23 = arith.constant 0 : index
    %get3A_24 = vector.load %arg3[%get3A_22, %get3A_23] : memref<512x256xf32, #tpu.memory_space<vmem>>, vector<128x256xf32>
    %dot_general3A_25 = arith.constant dense<0.000000e+00> : vector<1000x256xf32>
    %dot_general3A_26 = tpu.matmul %convert_element_type3A_21, %get3A_24, %dot_general3A_25 {dimension_numbers = #tpu.dot_dimension_numbers<[1], [0], [0], [1], [0, 0, 1, 1], [], []>, transpose_lhs_hint = false} : vector<1000x128xf32>, vector<128x256xf32>, vector<1000x256xf32> -> vector<1000x256xf32>
    %add3A_27 = arith.addf %add3A, %dot_general3A_26 : vector<1000x256xf32>
    %get3A_28 = arith.constant 0 : index
    %get3A_29 = arith.constant 0 : index
    %get3A_30 = vector.load %arg4[%get3A_28, %get3A_29] : memref<1x256xf32, #tpu.memory_space<vmem>>, vector<1x256xf32>
    %add3A_31 = vector.broadcast %get3A_30 : vector<1x256xf32> to vector<1000x256xf32>
    %add3A_32 = arith.addf %add3A_27, %add3A_31 : vector<1000x256xf32>
    %max3A = arith.constant 0.000000e+00 : f32
    %max3A_33 = vector.broadcast %max3A : f32 to vector<1000x256xf32>
    %max3A_34 = arith.maximumf %add3A_32, %max3A_33 : vector<1000x256xf32>
    %swap3A = arith.constant 0 : index
    %swap3A_35 = arith.constant 0 : index
    %swap3A_36 = vector.load %arg5[%swap3A, %swap3A_35] : memref<1000x256xf32, #tpu.memory_space<vmem>>, vector<1000x256xf32>
    tpu.vector_store %arg5[%swap3A, %swap3A_35], %max3A_34 {strides = array<i32>} : memref<1000x256xf32, #tpu.memory_space<vmem>>, vector<1000x256xf32>,
    return
  }
  func.func @transform_0(%arg0: i32) -> (i32, i32) {
    %c0_i32 = arith.constant 0 : i32
    %c0_i32_0 = arith.constant 0 : i32
    return %arg0, %c0_i32 : i32, i32
  }
  func.func @transform_1(%arg0: i32) -> (i32, i32, i32) {
    %c0_i32 = arith.constant 0 : i32
    %c0_i32_0 = arith.constant 0 : i32
    %c0_i32_1 = arith.constant 0 : i32
    return %c0_i32, %arg0, %c0_i32_0 : i32, i32, i32
  }
  func.func @transform_2(%arg0: i32) -> (i32, i32) {
    %c0_i32 = arith.constant 0 : i32
    %c0_i32_0 = arith.constant 0 : i32
    %c0_i32_1 = arith.constant 0 : i32
    return %c0_i32, %c0_i32_0 : i32, i32
  }
  func.func @transform_3(%arg0: i32) -> (i32, i32) {
    %c0_i32 = arith.constant 0 : i32
    %c0_i32_0 = arith.constant 0 : i32
    %c0_i32_1 = arith.constant 0 : i32
    return %c0_i32, %c0_i32_0 : i32, i32
  }
  func.func @transform_4(%arg0: i32) -> (i32, i32) {
    %c0_i32 = arith.constant 0 : i32
    %c0_i32_0 = arith.constant 0 : i32
    return %arg0, %c0_i32 : i32, i32
  }
}

</mosaic_0001>

<sc_bundles>
// kernel: kernel.5.cloned.1.call-start
scs
__scs_entry_jumppad:
0x0: {  	(pc) =	sbr.rel $0x88, $3  }
0x1: {  	(tag) =	ssettag $0x0;
	lr =	simm.s32 $0x1  }
0x2: {  	[smem:$0x3F99] =	sst lr;
	_ =	strace $0xD0000000  }
0x3: {  	_ = 	snop  }
0x4: {  	_ = 	snop  }
0x5: {  	_ = 	snop  }
0x6: {  	_ = 	snop  }
0x7: {  	_ = 	snop  }
__scs_overlays_trampoline_lowered:
0x8: {  	[smem:$0x3FA8] =	sst s0  }
0x9: {  	[smem:$0x3FA9] =	sst s1  }
0xa: {  	[smem:$0x3FAA] =	sst s2  }
0xb: {  	[smem:$0x3FAB] =	sst s3  }
0xc: {  	[smem:$0x3FAC] =	sst s4  }
0xd: {  	[smem:$0x3FAD] =	sst s5  }
0xe: {  	[smem:$0x3FAE] =	sst s6  }
0xf: {  	[smem:$0x3FAF] =	sst s7  }
0x10: {  	[smem:$0x3FB0] =	sst s8  }
0x11: {  	[smem:$0x3FB1] =	sst s9;
	s0 =	simm.s32 @!p0 $0x0  }
0x12: {  	s1 =	sld [smem:$0x3F97];
	s0 =	simm.s32 @p0 $0x1  }
0x13: {  	[smem:$0x3FB2] =	sst s0;
	s0 =	simm.s32 @!p1 $0x0  }
0x14: {  	s2 =	sld [smem:$0x3F96];
	s0 =	simm.s32 @p1 $0x1  }
0x15: {  	[smem:$0x3FB3] =	sst s0;
	s0 =	simm.s32 @!p2 $0x0  }
0x16: {  	s3 =	sld [smem:$0x3FDB];
	s0 =	simm.s32 @p2 $0x1  }
0x17: {  	s4 =	simm.s32 $0x1BF5;
	[smem:$0x3FB5] =	sst s0  }
0x18: {  	s0 =	sld [smem:$0x3F98];
	_ =	swait.ge [sflag:s4], $0x0  }
0x19: {  	s7 =	sld [smem:$0x3F99]  }
0x1a: {  	s8 =	sadd.s32 $0xFFFFE003, lr  }
0x1b: {  	s9 =	sadd.s32 $0xFFFFFEF7, lr;
	s5 =	simm.s32 $0xFFFFFFFF;
	p2 =	slt.u32 s8, $0xFFFFF086  }
0x1c: {  	p1 =	slt.u32 s9, $0xF7A;
	s5 =	simm.s32 @!p2 $0x0  }
0x1d: {  	s5 =	simm.s32 @p1 $0x1;
	p0 =	seq.s32 s7, s2  }
0x1e: {  	s7 =	smul.u32 @!p0 $0xF7A, s2;
	p2 =	seq.s32 @!p0 s5, $0x0  }
0x1f: {  	s9 =	smul.u32 $0xF7A, s1;
	s8 =	simm.s32 @!p0 $0x1BF5;
	p2 =	por !p2, p0  }
0x20: {  	[sflag:s8] =	ssyncset.s32 @!p0 $0xFFFFF086;
	s6 =	sadd.s32 @!p0 s3, s7;
	s7 =	simm.s32 @!p0 $0x108  }
0x21: {  	s3 =	sadd.s32 s3, s9;
	s6 =	sadd.s32 @!p0 $0x88, s6;
	s7 =	simm.s32 @p2 $0x1082  }
0x22: {  	[simem:s7], [sflag:s8] =	dma.local @!p0 [hbm:s6], $0xF7A  }
0x23: {  	s9 =	sor.u32 $0xD0000000, s2;
	s6 =	simm.s32 $0x108;
	_ =	swait.ge @!p0 [sflag:s8], $0x0  }
0x24: {  	s3 =	sadd.s32 $0x88, s3;
	s6 =	simm.s32 @!p1 $0x1082;
	[sflag:s4] =	ssyncset.s32 $0xFFFFF086  }
0x25: {  	[simem:s6], [sflag:s4] =	dma.local [hbm:s3], $0xF7A  }
0x26: {  	[smem:$0x3F99] =	sst s1;
	(tag) =	ssettag s2;
	_ =	strace s9  }
0x27: {  	s1 =	sld [smem:$0x3FA9]  }
0x28: {  	s2 =	sld [smem:$0x3FAA]  }
0x29: {  	s4 =	sld [smem:$0x3FAC]  }
0x2a: {  	p0 =	seq.s32 s5, $0x0;
	s5 =	sld [smem:$0x3FAD]  }
0x2b: {  	s6 =	sld [smem:$0x3FAE]  }
0x2c: {  	s7 =	sld [smem:$0x3FAF]  }
0x2d: {  	s3 =	simm.s32 $0x108;
	s8 =	sld [smem:$0x3FB0]  }
0x2e: {  	s3 =	simm.s32 @!p0 $0x1082;
	s9 =	sld [smem:$0x3FB1]  }
0x2f: {  	lr =	sadd.s32 s0, s3;
	s0 =	sld [smem:$0x3FA8]  }
0x30: {  	s3 =	sld [smem:$0x3FAB]  }
0x31: {  	[smem:$0x3FB4] =	sst s10  }
0x32: {  	s10 =	sld [smem:$0x3FB2];
	_ =	sdelay $0x3  }
0x33: {  	p0 =	seq.s32 s10, $0x1;
	s10 =	sld [smem:$0x3FB4];
	_ =	sdelay $0x3  }
0x34: {  	[smem:$0x3FB4] =	sst s10  }
0x35: {  	s10 =	sld [smem:$0x3FB3];
	_ =	sdelay $0x3  }
0x36: {  	p1 =	seq.s32 s10, $0x1;
	s10 =	sld [smem:$0x3FB4];
	_ =	sdelay $0x3  }
0x37: {  	[smem:$0x3FB4] =	sst s10  }
0x38: {  	s10 =	sld [smem:$0x3FB5]  }
0x39: {  	_ = 	snop;
	(pc) =	sbr.ind lr, $3  }
0x3a: {  	_ = 	snop  }
0x3b: {  	_ = 	snop  }
0x3c: {  	p2 =	seq.s32 s10, $0x1;
	s10 =	sld [smem:$0x3FB4]  }
0x3d: {  	_ =	shalt  }
0x3e: {  	_ =	shalt  }
0x3f: {  	_ =	shalt  }
0x40: {  	_ =	shalt  }
0x41: {  	_ =	shalt  }
0x42: {  	_ =	shalt  }
0x43: {  	_ =	shalt  }
0x44: {  	_ =	shalt  }
0x45: {  	_ =	shalt  }
0x46: {  	_ =	shalt  }
0x47: {  	_ =	shalt  }
0x48: {  	_ =	shalt  }
0x49: {  	_ =	shalt  }
0x4a: {  	_ =	shalt  }
0x4b: {  	_ =	shalt  }
0x4c: {  	_ =	shalt  }
0x4d: {  	_ =	shalt  }
0x4e: {  	_ =	shalt  }
0x4f: {  	_ =	shalt  }
0x50: {  	_ =	shalt  }
0x51: {  	_ =	shalt  }
0x52: {  	_ =	shalt  }
0x53: {  	_ =	shalt  }
0x54: {  	_ =	shalt  }
0x55: {  	_ =	shalt  }
0x56: {  	_ =	shalt  }
0x57: {  	_ =	shalt  }
0x58: {  	_ =	shalt  }
0x59: {  	_ =	shalt  }
0x5a: {  	_ =	shalt  }
0x5b: {  	_ =	shalt  }
0x5c: {  	_ =	shalt  }
0x5d: {  	_ =	shalt  }
0x5e: {  	_ =	shalt  }
0x5f: {  	_ =	shalt  }
0x60: {  	_ =	shalt  }
0x61: {  	_ =	shalt  }
0x62: {  	_ =	shalt  }
0x63: {  	_ =	shalt  }
0x64: {  	_ =	shalt  }
0x65: {  	_ =	shalt  }
0x66: {  	_ =	shalt  }
0x67: {  	_ =	shalt  }
0x68: {  	_ =	shalt  }
0x69: {  	_ =	shalt  }
0x6a: {  	_ =	shalt  }
0x6b: {  	_ =	shalt  }
0x6c: {  	_ =	shalt  }
0x6d: {  	_ =	shalt  }
0x6e: {  	_ =	shalt  }
0x6f: {  	_ =	shalt  }
0x70: {  	_ =	shalt  }
0x71: {  	_ =	shalt  }
0x72: {  	_ =	shalt  }
0x73: {  	_ =	shalt  }
0x74: {  	_ =	shalt  }
0x75: {  	_ =	shalt  }
0x76: {  	_ =	shalt  }
0x77: {  	_ =	shalt  }
0x78: {  	_ =	shalt  }
0x79: {  	_ =	shalt  }
0x7a: {  	_ =	shalt  }
0x7b: {  	_ =	shalt  }
0x7c: {  	_ =	shalt  }
0x7d: {  	_ =	shalt  }
0x7e: {  	_ =	shalt  }
0x7f: {  	_ =	shalt  }
0x80: {  	_ =	shalt  }
0x81: {  	_ =	shalt  }
0x82: {  	_ =	shalt  }
0x83: {  	_ =	shalt  }
0x84: {  	_ =	shalt  }
0x85: {  	_ =	shalt  }
0x86: {  	_ =	shalt  }
0x87: {  	_ =	shalt  }
.Lfunc_end0:
.L_simem_size_0:
called_computation_lowered:
.L_overlay_start_0:
0x88: {  	s2 =	sld [smem:$0x3FD9]  }
0x89: {  	s3 =	sld [smem:$0x3FFE];
	_ =	sdelay $0x1  }
0x8a: {  	s1 =	srdreg.scid  }
0x8b: {  	s0 =	sand.u32 $0x1, s1  }
0x8c: {  	s17 =	sshll.u32 s0, $0xA;
	s2 =	sadd.s32 s3, s2  }
0x8d: {  	s2 =	sadd.s32 s2, s17  }
0x8e: {  	[smem:$0x3FC0] =	sst s2  }
0x8f: {  	_ = 	snop  }
0x90: {  	s2 =	sld [smem:$0x3FD0];
	(tm) =	ssettm $0x1  }
0x91: {  	s18 =	sld [smem:$0x3FFB];
	_ =	sdelay $0x3  }
0x92: {  	_ =	strace s18  }
0x93: {  	s3 =	sld [smem:$0x3FFC];
	_ =	sdelay $0x3  }
0x94: {  	_ =	strace s3  }
0x95: {  	s3 =	sld [smem:$0x3FFD];
	_ =	sdelay $0x3  }
0x96: {  	_ =	strace s3  }
0x97: {  	_ =	strace $0x8FFFFFFF  }
0x98: {  	s19 =	sld [smem:$0x3FDB];
	_ =	sdelay $0x1  }
0x99: {  	s4 =	simm.s32 $_scs_section_size  }
0x9a: {  	s5 =	simm.s32 $_size__tile_overlayer_lowered;
	s6 =	simm.s32 $_tile_overlayer_lowered  }
0x9b: {  	s22 =	simm.s32 $0x1BFF;
	s21 =	sshll.u32 s6, $0x1;
	s3 =	sadd.s32 s4, s19  }
0x9c: {  	s7 =	simm.s32 $0x0;
	s20 =	sshll.u32 s5, $0x1;
	s5 =	sadd.s32 s21, s3  }
0x9d: {  	[timem:s7], [sflag:s22] =	dma.local [hbm:s5], s20  }
0x9e: {  	_ =	swait.ge [sflag:s22], s20  }
0x9f: {  	s4 =	ssub.s32 $0x0, s20;
	[sflag:s22] =	ssyncset.done $0x0  }
0xa0: {  	[sflag:s22] =	ssyncadd.s32 s4;
	_ =	sdelay $0x1  }
0xa1: {  	s23 =	simm.s32 $0x1B8B  }
0xa2: {  	_ =	swait.ge [sflag:s23], $0x1  }
0xa3: {  	[sflag:s23] =	ssyncset.done $0x0  }
0xa4: {  	s25 =	simm.s32 $0x1B8E;
	s24 =	sld [smem:$0x3FFE];
	[sflag:s23] =	ssyncadd.s32 $0xFFFFFFFF  }
0xa5: {  	s26 =	simm.s32 $execute0_lowered;
	[smem:$0x3FD2] =	sst s25  }
0xa6: {  	s5 =	sshll.u32 s26, $0x1;
	_ =	strace $0x80000046;
	[dreg:$0x1] =	wrdreg $0xFFFFFFFF  }
0xa7: {  	s28 =	simm.s32 $_size_execute0_lowered;
	s3 =	sadd.s32 s3, s5;
	[dreg:$0x0] =	wrdreg $0x0  }
0xa8: {  	s5 =	sshll.u32 s28, $0x1;
	[dreg:$0x2] =	wrdreg s3  }
0xa9: {  	[dreg:$0x3] =	wrdreg s5  }
0xaa: {  	[dreg:$0x4] =	wrdreg $0xC0  }
0xab: {  	_ =	task [dreg:s7], $0x5FFFF  }
0xac: {  	[dreg:$0x1] =	wrdreg $0xFFFFFFFF  }
0xad: {  	[dreg:$0x0] =	wrdreg $0x60  }
0xae: {  	[dreg:$0x2] =	wrdreg s24  }
0xaf: {  	[dreg:$0x3] =	wrdreg s2  }
0xb0: {  	[dreg:$0x4] =	wrdreg $0x0  }
0xb1: {  	[dreg:$0x5] =	wrdreg $0x9  }
0xb2: {  	_ =	task.clear_ibuf [dreg:s7], $0x6FFFF;
	_ =	strace $0x90000046  }
0xb3: {  	s29 =	simm.s32 $0x9;
	_ =	strace $0x80000048  }
0xb4: {  	_ =	swait.ge [sflag:s29], $0x1  }
0xb5: {  	[sflag:s29] =	ssyncadd.s32 $0xFFFFFFFF  }
0xb6: {  	_ =	strace $0x90000048  }
0xb7: {  	_ =	sfence  }
0xb8: {  	s30 =	sld [smem:$0x0];
	_ =	sdelay $0x2  }
0xb9: {  	s31 =	sshll.u32 s1, $0xD;
	s1 =	sshrl.u32 s1, $0x2  }
0xba: {  	s3 =	sand.u32 $0x4000, s31;
	s1 =	sadd.s32 s1, s30  }
0xbb: {  	s0 =	sor.u32 s3, s0;
	s1 =	sshll.u32 s1, $0x11  }
0xbc: {  	s0 =	sor.u32 s1, s0  }
0xbd: {  	s0 =	sadd.s32 $0x8F2B, s0  }
0xbe: {  	[sflag:s0] =	ssyncadd.remote.s32 $0x1  }
0xbf: {  	_ =	sfence.sel $0xFFFF  }
0xc0: {  	[dreg:$0x0] =	wrdreg $0xFFFFFFFF;
	(pc) =	sbr.abs _section_cstart, $3  }
0xc1: {  	[dreg:$0x1] =	wrdreg $0xFFFFFFFF  }
0xc2: {  	_ =	task.clear_ibuf [dreg:s7], $0x2FFFF;
	_ =	strace $0x9FFFFFFF  }
0xc3: {  	(tm) =	ssettm $0x7FFFFFFF  }
tec
execute0_lowered:
.L_overlay_start_1:
0x0: {  	(tag) =	ssettag $0x1  }
0x1: {  	s0 =	rddreg [dreg:$0x0]  }
0x2: {  	s1 =	rddreg [dreg:$0x1]  }
0x3: {  	s2 =	rddreg [dreg:$0x2]  }
0x4: {  	s4 =	simm.s32 $0x0;
	s10 =	stileid.u32;
	s3 =	srdreg.scid  }
0x5: {  	s15 =	simm.s32 $0x7;
	s11 =	simm.s32 $0xEE00;
	s22 =	simm.s32 $0xF100  }
0x6: {  	s28 =	simm.s32 $0x1;
	s29 =	simm.s32 $0x3;
	s30 =	simm.s32 $0xF000  }
0x7: {  	s31 =	simm.s32 $0x2;
	s14 =	simm.s32 $0xF080;
	s5 =	smul.u32 $0x500, s10  }
0x8: {  	s16 =	simm.s32 $0x19100;
	[smem:$0x7FF] =	sst s4;
	s9 =	smul.u32 $0x13C00, s10  }
0x9: {  	s3 =	sand.u32 $0x1, s3;
	s4 =	sadd.s32 $0x2000, s0;
	s18 =	smul.u32 $0x27800, s10  }
0xa: {  	_ =	strace $0x80000047;
	s6 =	ssub.s32 $0x2, s3;
	s8 =	smul.u32 $0x5000, s3  }
0xb: {  	s20 =	smul.u32 $0x13C000, s3;
	s3 =	simm.s32 $0x6;
	s7 =	sshrl.u32 s6, $0x1  }
0xc: {  	s0 =	sadd.s32 s5, s0;
	s23 =	sshrl.u32 s9, $0x1;
	s17 =	ssub.s32 s6, s7  }
0xd: {  	s19 =	sadd.s32 $0x52000, s0;
	s0 =	sadd.s32 $0x57000, s0;
	s21 =	sadd.s32 $0x2800, s8  }
0xe: {  	s6 =	sshrl.u32 s18, $0x2;
	s7 =	sadd.s32 s23, s2;
	s18 =	simm.s32 $0x80  }
0xf: {  	s23 =	simm.s32 $0xEE80;
	[dreg:$0x4] =	wrdreg s19;
	s6 =	sadd.s32 s6, s2  }
0x10: {  	[dreg:$0x5] =	wrdreg s0;
	s0 =	sadd.s32 s9, s20;
	s24 =	sadd.s32 $0x2000, s6  }
0x11: {  	s13 =	smax.u32 s17, $0x1;
	s25 =	sadd.s32 $0x4000, s6;
	[dreg:$0x6] =	wrdreg s24  }
.Ltmp0:
0x12: {  	s26 =	sadd.s32 $0x6000, s6;
	[dreg:$0x7] =	wrdreg s25;
	(pc) =	sbr.rel .LBB2_1-.Ltmp0, $4  }
0x13: {  	s17 =	simm.s32 $0x17100;
	s6 =	sadd.s32 $0x8000, s6;
	[dreg:$0x8] =	wrdreg s26  }
0x14: {  	s19 =	simm.s32 $0x0;
	s0 =	sshrl.u32 s0, $0x4;
	[dreg:$0x9] =	wrdreg s6  }
0x15: {  	s12 =	sadd.s32 s1, s0;
	s24 =	simm.s32 $0x11100;
	s25 =	simm.s32 $0xEF80  }
0x16: {  	v2 =	vimm.bf16 $0.0e+00;
	v0 =	vmov s8;
	v1 =	vmov s21;
	s26 =	simm.s32 $0x15100;
	s0 =	simm.s32 $0x4;
	s1 =	simm.s32 $0x5  }
.LBB2_14:
0x17: {  	_ =	swait.ge [sflag:s1], $0x2000  }
0x18: {  	[sflag:s1] =	ssyncset.done $0x0  }
0x19: {  	[sflag:s1] =	ssyncadd.s32 $0xFFFFE000  }
0x1a: {  	s5 =	stileid.u32;
	_ =	swait.ge [sflag:s3], $0x2000  }
0x1b: {  	s6 =	sshrl.u32 s7, $0x3;
	s19 =	sadd.s32 $0x1, s19;
	[sflag:s3] =	ssyncset.done $0x0  }
0x1c: {  	s5 =	sshll.u32 s5, $0x6;
	p0 =	sne.s32 s19, s13;
	[sflag:s3] =	ssyncadd.s32 $0xFFFFE000  }
.Ltmp1:
0x1d: {  	s5 =	sor.u32 $0x1C07, s5;
	[bflag:$0x0] =	sbarrier.arrive $0xFFFF;
	(pc) =	sbr.rel @!p0 .LBB2_15-.Ltmp1, $4  }
0x1e: {  	[hbm:s12], [sflag:s5] =	dma.local [spmem:s6], $0x13C0  }
0x1f: {  	_ =	swait.ge [sflag:s15], $0x13C0  }
0x20: {  	[sflag:s15] =	ssyncset.done $0x0  }
0x21: {  	s11 =	simm.s32 $0xEE00;
	s22 =	simm.s32 $0xF100;
	[sflag:s15] =	ssyncadd.s32 $0xFFFFEC40  }
.LBB2_1:
0x22: {  	s5 =	simm.s32 $0x0;
	s6 =	rddreg [dreg:$0x4];
	s8 =	simm.s32 $0x9E00  }
0x23: {  	[tilespmem:s8], [sflag:$0x7] =	stream.linear.gather [hbm4b:s6+s5], $0x2800, $0x38;
	[tilespmem:$0x1B100] =	vst v63  }
0x24: {  	_ =	swait.ge [sflag:s15], $0x2800  }
0x25: {  	[sflag:s15] =	ssyncset.done $0x0  }
0x26: {  	s21 =	simm.s32 $0xC600;
	s20 =	rddreg [dreg:$0x5];
	[sflag:s15] =	ssyncadd.s32 $0xFFFFD800  }
0x27: {  	[tilespmem:s21], [sflag:$0x7] =	stream.linear.gather [hbm4b:s20+s5], $0x2800, $0x38;
	[tilespmem:$0x1B100] =	vst v63  }
0x28: {  	_ =	swait.ge [sflag:s15], $0x2800  }
0x29: {  	[sflag:s15] =	ssyncset.done $0x0  }
0x2a: {  	s6 =	simm.s32 $0x100;
	s5 =	simm.s32 $0x0;
	[sflag:s15] =	ssyncadd.s32 $0xFFFFD800  }
.LBB2_2:
0x2b: {  	p0 =	sne.s32 s6, $0x7F00;
	[tilespmem:s5+$0x17130] =	vst v2;
	s8 =	smov.u32 s6;
	s6 =	sadd.s32 $0x100, s6  }
.Ltmp2:
0x2c: {  	[tilespmem:s5+$0x17120] =	vst v2;
	(pc) =	sbr.rel @p0 .LBB2_2-.Ltmp2, $3  }
0x2d: {  	[tilespmem:s5+$0x17100] =	vst v2  }
0x2e: {  	[tilespmem:s5+$0x17110] =	vst v2;
	_ =	sdelay $0x1  }
0x2f: {  	s5 =	sshra.s32 s8, $0x2  }
0x30: {  	[tilespmem:s5+$0x17130] =	vst v2  }
0x31: {  	[tilespmem:s5+$0x17120] =	vst v2  }
0x32: {  	[tilespmem:s5+$0x17100] =	vst v2  }
0x33: {  	[tilespmem:s5+$0x17110] =	vst v2  }
0x34: {  	[spmem:s7] =	stream.linear.scatter [tilespmem:s17], [sflag:$0x7], $0x2000, $0x38;
	[tilespmem:$0x1B100] =	vst v63  }
0x35: {  	_ =	swait.ge [sflag:s15], $0x2000  }
0x36: {  	[sflag:s15] =	ssyncset.done $0x0  }
0x37: {  	s8 =	rddreg [dreg:$0x6];
	[sflag:s15] =	ssyncadd.s32 $0xFFFFE000  }
0x38: {  	[spmem:s8] =	stream.linear.scatter [tilespmem:s17], [sflag:$0x7], $0x2000, $0x38;
	[tilespmem:$0x1B100] =	vst v63  }
0x39: {  	_ =	swait.ge [sflag:s15], $0x2000  }
0x3a: {  	[sflag:s15] =	ssyncset.done $0x0  }
0x3b: {  	s9 =	rddreg [dreg:$0x7];
	[sflag:s15] =	ssyncadd.s32 $0xFFFFE000  }
0x3c: {  	[spmem:s9] =	stream.linear.scatter [tilespmem:s17], [sflag:$0x7], $0x2000, $0x38;
	[tilespmem:$0x1B100] =	vst v63  }
0x3d: {  	_ =	swait.ge [sflag:s15], $0x2000  }
0x3e: {  	[sflag:s15] =	ssyncset.done $0x0  }
0x3f: {  	s10 =	rddreg [dreg:$0x8];
	[sflag:s15] =	ssyncadd.s32 $0xFFFFE000  }
0x40: {  	[spmem:s10] =	stream.linear.scatter [tilespmem:s17], [sflag:$0x7], $0x2000, $0x38;
	[tilespmem:$0x1B100] =	vst v63  }
0x41: {  	_ =	swait.ge [sflag:s15], $0x2000  }
0x42: {  	[sflag:s15] =	ssyncset.done $0x0  }
0x43: {  	s20 =	rddreg [dreg:$0x9];
	[sflag:s15] =	ssyncadd.s32 $0xFFFFE000  }
0x44: {  	[spmem:s20] =	stream.linear.scatter [tilespmem:s17], [sflag:$0x7], $0x1E00, $0x38;
	[tilespmem:$0x1B100] =	vst v63  }
0x45: {  	_ =	swait.ge [sflag:s15], $0x1E00  }
0x46: {  	[sflag:s15] =	ssyncset.done $0x0  }
0x47: {  	[sflag:s15] =	ssyncadd.s32 $0xFFFFE200  }
0x48: {  	[bflag:$0x0] =	sbarrier.arrive $0xFFFF  }
0x49: {  	v3 =	vld [tilespmem:$0x9E00]  }
0x4a: {  	v4 =	vld [tilespmem:$0xC600]  }
0x4b: {  	v5 =	vld [tilespmem:$0x9E10]  }
0x4c: {  	v6 =	vld [tilespmem:$0xC610]  }
0x4d: {  	v7 =	vld [tilespmem:$0x9E20]  }
0x4e: {  	v8 =	vld [tilespmem:$0xC620];
	v3 =	vadd.s32 v0, v3  }
0x4f: {  	[tilespmem:$0xEE00] =	vst v3;
	v3 =	vadd.s32 v1, v4;
	v4 =	vld [tilespmem:$0x9E30]  }
0x50: {  	[tilespmem:$0xEF00] =	vst v3;
	v3 =	vadd.s32 v0, v5;
	v5 =	vld [tilespmem:$0xC630]  }
0x51: {  	[tilespmem:$0xEE10] =	vst v3;
	v3 =	vadd.s32 v1, v6;
	v6 =	vld [tilespmem:$0x9E40]  }
0x52: {  	[tilespmem:$0xEF10] =	vst v3;
	v3 =	vadd.s32 v0, v7;
	v7 =	vld [tilespmem:$0xC640]  }
0x53: {  	[tilespmem:$0xEE20] =	vst v3;
	v3 =	vadd.s32 v1, v8;
	v8 =	vld [tilespmem:$0x9E50]  }
0x54: {  	[tilespmem:$0xEF20] =	vst v3;
	v3 =	vadd.s32 v0, v4;
	v4 =	vld [tilespmem:$0xC650]  }
0x55: {  	[tilespmem:$0xEE30] =	vst v3;
	v3 =	vadd.s32 v1, v5;
	v5 =	vld [tilespmem:$0x9E60]  }
0x56: {  	[tilespmem:$0xEF30] =	vst v3;
	v3 =	vadd.s32 v0, v6;
	v6 =	vld [tilespmem:$0xC660]  }
0x57: {  	[tilespmem:$0xEE40] =	vst v3;
	v3 =	vadd.s32 v1, v7;
	v7 =	vld [tilespmem:$0x9E70]  }
0x58: {  	[tilespmem:$0xEF40] =	vst v3;
	v3 =	vadd.s32 v0, v8;
	v8 =	vld [tilespmem:$0xC670]  }
0x59: {  	[tilespmem:$0xEE50] =	vst v3;
	v3 =	vadd.s32 v1, v4  }
0x5a: {  	[tilespmem:$0xEF50] =	vst v3;
	v3 =	vadd.s32 v0, v5  }
0x5b: {  	[tilespmem:$0xEE60] =	vst v3;
	v3 =	vadd.s32 v1, v6  }
0x5c: {  	[tilespmem:$0xEF60] =	vst v3;
	v3 =	vadd.s32 v0, v7  }
0x5d: {  	[tilespmem:$0xEE70] =	vst v3;
	v3 =	vadd.s32 v1, v8  }
0x5e: {  	[tilespmem:$0xEF70] =	vst v3  }
0x5f: {  	[tilespmem:s22], [sflag:$0x1] =	stream.indirect.gather [hbm4b:s4+s18], $0x40, s11, s18, $0xb8;
	[tilespmem:$0x1B100] =	vst v63  }
0x60: {  	s21 =	simm.s32 $0xEF00;
	s6 =	simm.s32 $0x13100  }
0x61: {  	[tilespmem:s6], [sflag:$0x3] =	stream.indirect.gather [hbm4b:s4+s18], $0x40, s21, s18, $0xb8;
	[tilespmem:$0x1B100] =	vst v63  }
0x62: {  	v3 =	vld [tilespmem:$0x9E80]  }
0x63: {  	v4 =	vld [tilespmem:$0xC680]  }
0x64: {  	v5 =	vld [tilespmem:$0x9E90]  }
0x65: {  	v6 =	vld [tilespmem:$0xC690]  }
0x66: {  	v7 =	vld [tilespmem:$0x9EA0]  }
0x67: {  	v8 =	vld [tilespmem:$0xC6A0];
	v3 =	vadd.s32 v0, v3  }
0x68: {  	[tilespmem:$0xEE80] =	vst v3;
	v3 =	vadd.s32 v1, v4;
	v4 =	vld [tilespmem:$0x9EB0]  }
0x69: {  	[tilespmem:$0xEF80] =	vst v3;
	v3 =	vadd.s32 v0, v5;
	v5 =	vld [tilespmem:$0xC6B0]  }
0x6a: {  	[tilespmem:$0xEE90] =	vst v3;
	v3 =	vadd.s32 v1, v6;
	v6 =	vld [tilespmem:$0x9EC0]  }
0x6b: {  	[tilespmem:$0xEF90] =	vst v3;
	v3 =	vadd.s32 v0, v7;
	v7 =	vld [tilespmem:$0xC6C0]  }
0x6c: {  	[tilespmem:$0xEEA0] =	vst v3;
	v3 =	vadd.s32 v1, v8;
	v8 =	vld [tilespmem:$0x9ED0]  }
0x6d: {  	[tilespmem:$0xEFA0] =	vst v3;
	v3 =	vadd.s32 v0, v4;
	v4 =	vld [tilespmem:$0xC6D0]  }
0x6e: {  	[tilespmem:$0xEEB0] =	vst v3;
	v3 =	vadd.s32 v1, v5;
	v5 =	vld [tilespmem:$0x9EE0]  }
0x6f: {  	[tilespmem:$0xEFB0] =	vst v3;
	v3 =	vadd.s32 v0, v6;
	v6 =	vld [tilespmem:$0xC6E0]  }
0x70: {  	[tilespmem:$0xEEC0] =	vst v3;
	v3 =	vadd.s32 v1, v7;
	v7 =	vld [tilespmem:$0x9EF0]  }
0x71: {  	[tilespmem:$0xEFC0] =	vst v3;
	v3 =	vadd.s32 v0, v8;
	v8 =	vld [tilespmem:$0xC6F0]  }
0x72: {  	[tilespmem:$0xEED0] =	vst v3;
	v3 =	vadd.s32 v1, v4  }
0x73: {  	[tilespmem:$0xEFD0] =	vst v3;
	v3 =	vadd.s32 v0, v5  }
0x74: {  	[tilespmem:$0xEEE0] =	vst v3;
	v3 =	vadd.s32 v1, v6  }
0x75: {  	[tilespmem:$0xEFE0] =	vst v3;
	v3 =	vadd.s32 v0, v7  }
0x76: {  	[tilespmem:$0xEEF0] =	vst v3;
	v3 =	vadd.s32 v1, v8  }
0x77: {  	[tilespmem:$0xEFF0] =	vst v3  }
0x78: {  	[tilespmem:s24], [sflag:$0x2] =	stream.indirect.gather [hbm4b:s4+s18], $0x40, s23, s18, $0xb8;
	[tilespmem:$0x1B100] =	vst v63  }
0x79: {  	_ = 	snop  }
0x7a: {  	[tilespmem:s26], [sflag:$0x4] =	stream.indirect.gather [hbm4b:s4+s18], $0x40, s25, s18, $0xb8;
	[tilespmem:$0x1B100] =	vst v63  }
0x7b: {  	_ =	swait.ge [sflag:s28], $0x2000  }
0x7c: {  	[sflag:s28] =	ssyncset.done $0x0  }
0x7d: {  	[sflag:s28] =	ssyncadd.s32 $0xFFFFE000  }
0x7e: {  	_ =	swait.ge [sflag:s29], $0x2000  }
0x7f: {  	[sflag:s29] =	ssyncset.done $0x0  }
0x80: {  	s5 =	simm.s32 $0x13180;
	[sflag:s29] =	ssyncadd.s32 $0xFFFFE000  }
0x81: {  	s21 =	simm.s32 $0xF180;
	v3 =	vld [tilespmem:s5+$0xFFFFFF90]  }
0x82: {  	v4 =	vld [tilespmem:s21+$0xFFFFFF80]  }
0x83: {  	v5 =	vld [tilespmem:s5+$0xFFFFFFA0]  }
0x84: {  	v6 =	vld [tilespmem:s5+$0xFFFFFFB0]  }
0x85: {  	v7 =	vld [tilespmem:s21+$0xFFFFFFB0]  }
0x86: {  	v8 =	vld [tilespmem:s21+$0xFFFFFFA0]  }
0x87: {  	v9 =	vld [tilespmem:s5+$0xFFFFFF80]  }
0x88: {  	v10 =	vld [tilespmem:s21+$0xFFFFFF90];
	_ =	sdelay $0x1  }
0x89: {  	v6 =	vadd.bf16 v6, v7  }
0x8a: {  	v5 =	vadd.bf16 v5, v8  }
0x8b: {  	s20 =	simm.s32 $0x17180;
	v4 =	vadd.bf16 v9, v4;
	v6 =	vmax.bf16 v6, v2  }
0x8c: {  	v3 =	vadd.bf16 v3, v10;
	v5 =	vmax.bf16 v5, v2;
	[tilespmem:s20+$0xFFFFFFB0] =	vst v6  }
0x8d: {  	v4 =	vmax.bf16 v4, v2;
	[tilespmem:s20+$0xFFFFFFA0] =	vst v5  }
0x8e: {  	v3 =	vmax.bf16 v3, v2;
	[tilespmem:s20+$0xFFFFFF80] =	vst v4  }
0x8f: {  	[tilespmem:s20+$0xFFFFFF90] =	vst v3  }
0x90: {  	v3 =	vld [tilespmem:s5+$0xFFFFFFF0]  }
0x91: {  	v4 =	vld [tilespmem:s5+$0xFFFFFFE0]  }
0x92: {  	v5 =	vld [tilespmem:s5+$0xFFFFFFC0]  }
0x93: {  	v6 =	vld [tilespmem:s5+$0xFFFFFFD0]  }
0x94: {  	v7 =	vld [tilespmem:s21+$0xFFFFFFD0]  }
0x95: {  	v8 =	vld [tilespmem:s21+$0xFFFFFFF0]  }
0x96: {  	v9 =	vld [tilespmem:s21+$0xFFFFFFE0]  }
0x97: {  	v10 =	vld [tilespmem:s21+$0xFFFFFFC0];
	_ =	sdelay $0x1  }
0x98: {  	v6 =	vadd.bf16 v6, v7  }
0x99: {  	v3 =	vadd.bf16 v3, v8  }
0x9a: {  	v4 =	vadd.bf16 v4, v9;
	v6 =	vmax.bf16 v6, v2  }
0x9b: {  	v5 =	vadd.bf16 v5, v10;
	v3 =	vmax.bf16 v3, v2;
	[tilespmem:s20+$0xFFFFFFD0] =	vst v6  }
0x9c: {  	v4 =	vmax.bf16 v4, v2;
	[tilespmem:s20+$0xFFFFFFF0] =	vst v3  }
0x9d: {  	v3 =	vmax.bf16 v5, v2;
	[tilespmem:s20+$0xFFFFFFE0] =	vst v4  }
0x9e: {  	[tilespmem:s20+$0xFFFFFFC0] =	vst v3  }
0x9f: {  	v7 =	vld [tilespmem:s21+$0x10]  }
0xa0: {  	v8 =	vld [tilespmem:s5+$0x20]  }
0xa1: {  	v9 =	vld [tilespmem:s5+$0x10]  }
0xa2: {  	v10 =	vld [tilespmem:s21+$0x20]  }
0xa3: {  	v3 =	vld [tilespmem:s5+$0x0]  }
0xa4: {  	v4 =	vld [tilespmem:s21+$0x0]  }
0xa5: {  	v5 =	vld [tilespmem:s21+$0x30]  }
0xa6: {  	v6 =	vld [tilespmem:s5+$0x30]  }
0xa7: {  	s8 =	simm.s32 $0xF180  }
0xa8: {  	s9 =	simm.s32 $0x0;
	s10 =	simm.s32 $0x17280;
	s6 =	simm.s32 $0x13180;
	v7 =	vadd.bf16 v9, v7;
	v8 =	vadd.bf16 v8, v10  }
.LBB2_4:
0xa9: {  	s9 =	sadd.s32 $0x4, s9;
	s21 =	sadd.s32 $0x100, s21;
	s5 =	sadd.s32 $0x100, s5  }
0xaa: {  	v7 =	vmax.bf16 v7, v2;
	p0 =	slt.u32 s9, $0x7C;
	v8 =	vmax.bf16 v8, v2  }
0xab: {  	v3 =	vadd.bf16 v3, v4;
	v4 =	vadd.bf16 v6, v5;
	[tilespmem:s20+$0x20] =	vst v8  }
0xac: {  	[tilespmem:s20+$0x10] =	vst v7  }
0xad: {  	v3 =	vmax.bf16 v3, v2;
	v4 =	vmax.bf16 v4, v2  }
0xae: {  	[tilespmem:s20+$0x30] =	vst v4  }
0xaf: {  	[tilespmem:s20+$0x0] =	vst v3  }
0xb0: {  	v3 =	vld [tilespmem:s8+$0x40]  }
0xb1: {  	v4 =	vld [tilespmem:s8+$0x50]  }
0xb2: {  	v5 =	vld [tilespmem:s8+$0x60]  }
0xb3: {  	v6 =	vld [tilespmem:s8+$0x70];
	s8 =	smov.u32 s21  }
0xb4: {  	v7 =	vld [tilespmem:s6+$0x40];
	_ =	sdelay $0x1  }
0xb5: {  	v8 =	vld [tilespmem:s6+$0x70]  }
0xb6: {  	v9 =	vld [tilespmem:s6+$0x50]  }
0xb7: {  	v10 =	vld [tilespmem:s6+$0x60];
	s6 =	smov.u32 s5  }
0xb8: {  	v3 =	vadd.bf16 v7, v3;
	_ =	sdelay $0x1  }
0xb9: {  	v3 =	vmax.bf16 v3, v2;
	v6 =	vadd.bf16 v8, v6  }
0xba: {  	v4 =	vadd.bf16 v9, v4;
	[tilespmem:s20+$0x40] =	vst v3  }
0xbb: {  	v3 =	vadd.bf16 v10, v5;
	v5 =	vmax.bf16 v6, v2  }
0xbc: {  	v4 =	vmax.bf16 v4, v2;
	[tilespmem:s20+$0x70] =	vst v5  }
0xbd: {  	v3 =	vmax.bf16 v3, v2;
	[tilespmem:s20+$0x50] =	vst v4  }
0xbe: {  	[tilespmem:s20+$0x60] =	vst v3;
	s20 =	smov.u32 s10;
	_ =	sdelay $0x3  }
0xbf: {  	v3 =	vld [tilespmem:s5+$0xFFFFFF90]  }
0xc0: {  	v4 =	vld [tilespmem:s21+$0xFFFFFF80]  }
0xc1: {  	v5 =	vld [tilespmem:s5+$0xFFFFFFA0]  }
0xc2: {  	v6 =	vld [tilespmem:s5+$0xFFFFFFB0]  }
0xc3: {  	v7 =	vld [tilespmem:s21+$0xFFFFFFB0]  }
0xc4: {  	v8 =	vld [tilespmem:s21+$0xFFFFFFA0]  }
0xc5: {  	v9 =	vld [tilespmem:s5+$0xFFFFFF80]  }
0xc6: {  	v10 =	vld [tilespmem:s21+$0xFFFFFF90];
	_ =	sdelay $0x1  }
0xc7: {  	v6 =	vadd.bf16 v6, v7  }
0xc8: {  	v5 =	vadd.bf16 v5, v8  }
0xc9: {  	v4 =	vadd.bf16 v9, v4;
	v6 =	vmax.bf16 v6, v2  }
0xca: {  	v3 =	vadd.bf16 v3, v10;
	v5 =	vmax.bf16 v5, v2;
	[tilespmem:s10+$0xFFFFFFB0] =	vst v6  }
0xcb: {  	v4 =	vmax.bf16 v4, v2;
	[tilespmem:s10+$0xFFFFFFA0] =	vst v5  }
0xcc: {  	v3 =	vmax.bf16 v3, v2;
	[tilespmem:s10+$0xFFFFFF80] =	vst v4  }
0xcd: {  	[tilespmem:s10+$0xFFFFFF90] =	vst v3  }
0xce: {  	v3 =	vld [tilespmem:s5+$0xFFFFFFF0]  }
0xcf: {  	v4 =	vld [tilespmem:s5+$0xFFFFFFE0]  }
0xd0: {  	v5 =	vld [tilespmem:s5+$0xFFFFFFC0]  }
0xd1: {  	v6 =	vld [tilespmem:s5+$0xFFFFFFD0]  }
0xd2: {  	v7 =	vld [tilespmem:s21+$0xFFFFFFD0]  }
0xd3: {  	v8 =	vld [tilespmem:s21+$0xFFFFFFF0]  }
0xd4: {  	v9 =	vld [tilespmem:s21+$0xFFFFFFE0]  }
0xd5: {  	v10 =	vld [tilespmem:s21+$0xFFFFFFC0];
	_ =	sdelay $0x1  }
0xd6: {  	v6 =	vadd.bf16 v6, v7  }
0xd7: {  	v3 =	vadd.bf16 v3, v8  }
0xd8: {  	v6 =	vmax.bf16 v6, v2;
	v4 =	vadd.bf16 v4, v9  }
0xd9: {  	v5 =	vadd.bf16 v5, v10;
	v3 =	vmax.bf16 v3, v2;
	[tilespmem:s10+$0xFFFFFFD0] =	vst v6  }
0xda: {  	v4 =	vmax.bf16 v4, v2;
	[tilespmem:s10+$0xFFFFFFF0] =	vst v3  }
0xdb: {  	v3 =	vmax.bf16 v5, v2;
	[tilespmem:s10+$0xFFFFFFE0] =	vst v4  }
0xdc: {  	[tilespmem:s10+$0xFFFFFFC0] =	vst v3  }
0xdd: {  	v3 =	vld [tilespmem:s5+$0x0]  }
0xde: {  	v7 =	vld [tilespmem:s21+$0x10]  }
0xdf: {  	v8 =	vld [tilespmem:s5+$0x20]  }
0xe0: {  	v9 =	vld [tilespmem:s5+$0x10]  }
0xe1: {  	v10 =	vld [tilespmem:s21+$0x20]  }
.Ltmp3:
0xe2: {  	v4 =	vld [tilespmem:s21+$0x0];
	(pc) =	sbr.rel @p0 .LBB2_4-.Ltmp3, $4  }
0xe3: {  	v5 =	vld [tilespmem:s21+$0x30]  }
0xe4: {  	v6 =	vld [tilespmem:s5+$0x30]  }
0xe5: {  	v7 =	vadd.bf16 v9, v7  }
0xe6: {  	s10 =	sadd.s32 $0x100, s10;
	v8 =	vadd.bf16 v8, v10  }
0xe7: {  	_ = 	snop  }
0xe8: {  	v3 =	vadd.bf16 v3, v4;
	v8 =	vmax.bf16 v8, v2  }
0xe9: {  	v5 =	vadd.bf16 v6, v5;
	v6 =	vmax.bf16 v7, v2;
	[tilespmem:s20+$0x20] =	vst v8  }
0xea: {  	v3 =	vmax.bf16 v3, v2;
	[tilespmem:s20+$0x10] =	vst v6  }
0xeb: {  	[tilespmem:s20+$0x0] =	vst v3;
	v4 =	vmax.bf16 v5, v2  }
0xec: {  	[tilespmem:s20+$0x30] =	vst v4  }
0xed: {  	v3 =	vld [tilespmem:s8+$0x40]  }
0xee: {  	v4 =	vld [tilespmem:s8+$0x50]  }
0xef: {  	v5 =	vld [tilespmem:s8+$0x60]  }
0xf0: {  	v6 =	vld [tilespmem:s8+$0x70]  }
0xf1: {  	v7 =	vld [tilespmem:s6+$0x40]  }
0xf2: {  	v9 =	vld [tilespmem:s6+$0x50]  }
0xf3: {  	v8 =	vld [tilespmem:s6+$0x70]  }
0xf4: {  	v10 =	vld [tilespmem:s6+$0x60];
	_ =	sdelay $0x1  }
0xf5: {  	v3 =	vadd.bf16 v7, v3  }
0xf6: {  	v4 =	vadd.bf16 v9, v4  }
0xf7: {  	v6 =	vadd.bf16 v8, v6;
	v3 =	vmax.bf16 v3, v2  }
0xf8: {  	v4 =	vmax.bf16 v4, v2;
	[tilespmem:s20+$0x40] =	vst v3;
	v3 =	vadd.bf16 v10, v5  }
0xf9: {  	v5 =	vmax.bf16 v6, v2;
	[tilespmem:s20+$0x50] =	vst v4  }
0xfa: {  	[tilespmem:s20+$0x70] =	vst v5;
	v3 =	vmax.bf16 v3, v2  }
0xfb: {  	[tilespmem:s20+$0x60] =	vst v3  }
0xfc: {  	v3 =	vld [tilespmem:$0x9E00]  }
0xfd: {  	v4 =	vld [tilespmem:$0x9E10]  }
0xfe: {  	v5 =	vld [tilespmem:$0x9E20]  }
0xff: {  	v6 =	vld [tilespmem:$0x9E30]  }
0x100: {  	v7 =	vld [tilespmem:$0x9E40]  }
0x101: {  	[tilespmem:$0xF000] =	vst v3;
	v3 =	vld [tilespmem:$0x9E50]  }
0x102: {  	[tilespmem:$0xF010] =	vst v4;
	v4 =	vld [tilespmem:$0x9E60]  }
0x103: {  	[tilespmem:$0xF020] =	vst v5;
	v5 =	vld [tilespmem:$0x9E70]  }
0x104: {  	[tilespmem:$0xF030] =	vst v6  }
0x105: {  	[tilespmem:$0xF040] =	vst v7  }
0x106: {  	[tilespmem:$0xF050] =	vst v3  }
0x107: {  	[tilespmem:$0xF060] =	vst v4  }
0x108: {  	[tilespmem:$0xF070] =	vst v5  }
0x109: {  	[spmem:s2] =	stream.indirect.scatter.add.bf16 [tilespmem:s17], [sflag:$0x5], $0x40, s30, s18, $0xb8;
	[tilespmem:$0x1B100] =	vst v63  }
0x10a: {  	v3 =	vld [tilespmem:$0x9F00]  }
0x10b: {  	v4 =	vld [tilespmem:$0xC700]  }
0x10c: {  	v5 =	vld [tilespmem:$0x9F10]  }
0x10d: {  	v6 =	vld [tilespmem:$0xC710]  }
0x10e: {  	v7 =	vld [tilespmem:$0x9F20]  }
0x10f: {  	v8 =	vld [tilespmem:$0xC720];
	v3 =	vadd.s32 v0, v3  }
0x110: {  	[tilespmem:$0xEE00] =	vst v3;
	v3 =	vadd.s32 v1, v4;
	v4 =	vld [tilespmem:$0x9F30]  }
0x111: {  	[tilespmem:$0xEF00] =	vst v3;
	v3 =	vadd.s32 v0, v5;
	v5 =	vld [tilespmem:$0xC730]  }
0x112: {  	[tilespmem:$0xEE10] =	vst v3;
	v3 =	vadd.s32 v1, v6;
	v6 =	vld [tilespmem:$0x9F40]  }
0x113: {  	[tilespmem:$0xEF10] =	vst v3;
	v3 =	vadd.s32 v0, v7;
	v7 =	vld [tilespmem:$0xC740]  }
0x114: {  	[tilespmem:$0xEE20] =	vst v3;
	v3 =	vadd.s32 v1, v8;
	v8 =	vld [tilespmem:$0x9F50]  }
0x115: {  	[tilespmem:$0xEF20] =	vst v3;
	v3 =	vadd.s32 v0, v4;
	v4 =	vld [tilespmem:$0xC750]  }
0x116: {  	[tilespmem:$0xEE30] =	vst v3;
	v3 =	vadd.s32 v1, v5;
	v5 =	vld [tilespmem:$0x9F60]  }
0x117: {  	[tilespmem:$0xEF30] =	vst v3;
	v3 =	vadd.s32 v0, v6;
	v6 =	vld [tilespmem:$0xC760]  }
0x118: {  	[tilespmem:$0xEE40] =	vst v3;
	v3 =	vadd.s32 v1, v7;
	v7 =	vld [tilespmem:$0x9F70]  }
0x119: {  	[tilespmem:$0xEF40] =	vst v3;
	v3 =	vadd.s32 v0, v8;
	v8 =	vld [tilespmem:$0xC770]  }
0x11a: {  	[tilespmem:$0xEE50] =	vst v3;
	v3 =	vadd.s32 v1, v4  }
0x11b: {  	[tilespmem:$0xEF50] =	vst v3;
	v3 =	vadd.s32 v0, v5  }
0x11c: {  	[tilespmem:$0xEE60] =	vst v3;
	v3 =	vadd.s32 v1, v6  }
0x11d: {  	[tilespmem:$0xEF60] =	vst v3;
	v3 =	vadd.s32 v0, v7  }
0x11e: {  	[tilespmem:$0xEE70] =	vst v3;
	v3 =	vadd.s32 v1, v8  }
0x11f: {  	[tilespmem:$0xEF70] =	vst v3  }
0x120: {  	[tilespmem:s22], [sflag:$0x1] =	stream.indirect.gather [hbm4b:s4+s18], $0x40, s11, s18, $0xb8;
	[tilespmem:$0x1B100] =	vst v63  }
0x121: {  	s5 =	simm.s32 $0xEF00;
	s22 =	simm.s32 $0x13100  }
0x122: {  	[tilespmem:s22], [sflag:$0x3] =	stream.indirect.gather [hbm4b:s4+s18], $0x40, s5, s18, $0xb8;
	[tilespmem:$0x1B100] =	vst v63  }
0x123: {  	_ =	swait.ge [sflag:s31], $0x2000  }
0x124: {  	[sflag:s31] =	ssyncset.done $0x0  }
0x125: {  	[sflag:s31] =	ssyncadd.s32 $0xFFFFE000  }
0x126: {  	_ =	swait.ge [sflag:s0], $0x2000  }
0x127: {  	[sflag:s0] =	ssyncset.done $0x0  }
0x128: {  	s5 =	simm.s32 $0x15180;
	[sflag:s0] =	ssyncadd.s32 $0xFFFFE000  }
0x129: {  	s21 =	simm.s32 $0x11180;
	v3 =	vld [tilespmem:s5+$0xFFFFFF90]  }
0x12a: {  	v4 =	vld [tilespmem:s21+$0xFFFFFF80]  }
0x12b: {  	v5 =	vld [tilespmem:s5+$0xFFFFFFA0]  }
0x12c: {  	v6 =	vld [tilespmem:s5+$0xFFFFFFB0]  }
0x12d: {  	v7 =	vld [tilespmem:s21+$0xFFFFFFB0]  }
0x12e: {  	v8 =	vld [tilespmem:s21+$0xFFFFFFA0]  }
0x12f: {  	v9 =	vld [tilespmem:s5+$0xFFFFFF80]  }
0x130: {  	v10 =	vld [tilespmem:s21+$0xFFFFFF90];
	_ =	sdelay $0x1  }
0x131: {  	v6 =	vadd.bf16 v6, v7  }
0x132: {  	v5 =	vadd.bf16 v5, v8  }
0x133: {  	s20 =	simm.s32 $0x19180;
	v4 =	vadd.bf16 v9, v4;
	v6 =	vmax.bf16 v6, v2  }
0x134: {  	v3 =	vadd.bf16 v3, v10;
	v5 =	vmax.bf16 v5, v2;
	[tilespmem:s20+$0xFFFFFFB0] =	vst v6  }
0x135: {  	v4 =	vmax.bf16 v4, v2;
	[tilespmem:s20+$0xFFFFFFA0] =	vst v5  }
0x136: {  	v3 =	vmax.bf16 v3, v2;
	[tilespmem:s20+$0xFFFFFF80] =	vst v4  }
0x137: {  	[tilespmem:s20+$0xFFFFFF90] =	vst v3  }
0x138: {  	v3 =	vld [tilespmem:s5+$0xFFFFFFF0]  }
0x139: {  	v4 =	vld [tilespmem:s5+$0xFFFFFFE0]  }
0x13a: {  	v5 =	vld [tilespmem:s5+$0xFFFFFFC0]  }
0x13b: {  	v6 =	vld [tilespmem:s5+$0xFFFFFFD0]  }
0x13c: {  	v7 =	vld [tilespmem:s21+$0xFFFFFFD0]  }
0x13d: {  	v8 =	vld [tilespmem:s21+$0xFFFFFFF0]  }
0x13e: {  	v9 =	vld [tilespmem:s21+$0xFFFFFFE0]  }
0x13f: {  	v10 =	vld [tilespmem:s21+$0xFFFFFFC0];
	_ =	sdelay $0x1  }
0x140: {  	v6 =	vadd.bf16 v6, v7  }
0x141: {  	v3 =	vadd.bf16 v3, v8  }
0x142: {  	v4 =	vadd.bf16 v4, v9;
	v6 =	vmax.bf16 v6, v2  }
0x143: {  	v5 =	vadd.bf16 v5, v10;
	v3 =	vmax.bf16 v3, v2;
	[tilespmem:s20+$0xFFFFFFD0] =	vst v6  }
0x144: {  	v4 =	vmax.bf16 v4, v2;
	[tilespmem:s20+$0xFFFFFFF0] =	vst v3  }
0x145: {  	v3 =	vmax.bf16 v5, v2;
	[tilespmem:s20+$0xFFFFFFE0] =	vst v4  }
0x146: {  	[tilespmem:s20+$0xFFFFFFC0] =	vst v3  }
0x147: {  	v7 =	vld [tilespmem:s21+$0x10]  }
0x148: {  	v8 =	vld [tilespmem:s5+$0x20]  }
0x149: {  	v9 =	vld [tilespmem:s5+$0x10]  }
0x14a: {  	v10 =	vld [tilespmem:s21+$0x20]  }
0x14b: {  	v3 =	vld [tilespmem:s5+$0x0]  }
0x14c: {  	v4 =	vld [tilespmem:s21+$0x0]  }
0x14d: {  	v5 =	vld [tilespmem:s21+$0x30]  }
0x14e: {  	v6 =	vld [tilespmem:s5+$0x30]  }
0x14f: {  	s9 =	simm.s32 $0x0  }
0x150: {  	s10 =	simm.s32 $0x19280;
	s8 =	simm.s32 $0x11180;
	s6 =	simm.s32 $0x15180;
	v7 =	vadd.bf16 v9, v7;
	v8 =	vadd.bf16 v8, v10  }
.LBB2_6:
0x151: {  	s9 =	sadd.s32 $0x4, s9;
	s21 =	sadd.s32 $0x100, s21;
	s5 =	sadd.s32 $0x100, s5  }
0x152: {  	v7 =	vmax.bf16 v7, v2;
	p0 =	slt.u32 s9, $0x7C;
	v8 =	vmax.bf16 v8, v2  }
0x153: {  	v3 =	vadd.bf16 v3, v4;
	v4 =	vadd.bf16 v6, v5;
	[tilespmem:s20+$0x20] =	vst v8  }
0x154: {  	[tilespmem:s20+$0x10] =	vst v7  }
0x155: {  	v3 =	vmax.bf16 v3, v2;
	v4 =	vmax.bf16 v4, v2  }
0x156: {  	[tilespmem:s20+$0x30] =	vst v4  }
0x157: {  	[tilespmem:s20+$0x0] =	vst v3  }
0x158: {  	v3 =	vld [tilespmem:s8+$0x40]  }
0x159: {  	v4 =	vld [tilespmem:s8+$0x50]  }
0x15a: {  	v5 =	vld [tilespmem:s8+$0x60]  }
0x15b: {  	v6 =	vld [tilespmem:s8+$0x70];
	s8 =	smov.u32 s21  }
0x15c: {  	v7 =	vld [tilespmem:s6+$0x40];
	_ =	sdelay $0x1  }
0x15d: {  	v8 =	vld [tilespmem:s6+$0x70]  }
0x15e: {  	v9 =	vld [tilespmem:s6+$0x50]  }
0x15f: {  	v10 =	vld [tilespmem:s6+$0x60];
	s6 =	smov.u32 s5  }
0x160: {  	v3 =	vadd.bf16 v7, v3;
	_ =	sdelay $0x1  }
0x161: {  	v3 =	vmax.bf16 v3, v2;
	v6 =	vadd.bf16 v8, v6  }
0x162: {  	v4 =	vadd.bf16 v9, v4;
	[tilespmem:s20+$0x40] =	vst v3  }
0x163: {  	v3 =	vadd.bf16 v10, v5;
	v5 =	vmax.bf16 v6, v2  }
0x164: {  	v4 =	vmax.bf16 v4, v2;
	[tilespmem:s20+$0x70] =	vst v5  }
0x165: {  	v3 =	vmax.bf16 v3, v2;
	[tilespmem:s20+$0x50] =	vst v4  }
0x166: {  	[tilespmem:s20+$0x60] =	vst v3;
	s20 =	smov.u32 s10;
	_ =	sdelay $0x3  }
0x167: {  	v3 =	vld [tilespmem:s5+$0xFFFFFF90]  }
0x168: {  	v4 =	vld [tilespmem:s21+$0xFFFFFF80]  }
0x169: {  	v5 =	vld [tilespmem:s5+$0xFFFFFFA0]  }
0x16a: {  	v6 =	vld [tilespmem:s5+$0xFFFFFFB0]  }
0x16b: {  	v7 =	vld [tilespmem:s21+$0xFFFFFFB0]  }
0x16c: {  	v8 =	vld [tilespmem:s21+$0xFFFFFFA0]  }
0x16d: {  	v9 =	vld [tilespmem:s5+$0xFFFFFF80]  }
0x16e: {  	v10 =	vld [tilespmem:s21+$0xFFFFFF90];
	_ =	sdelay $0x1  }
0x16f: {  	v6 =	vadd.bf16 v6, v7  }
0x170: {  	v5 =	vadd.bf16 v5, v8  }
0x171: {  	v4 =	vadd.bf16 v9, v4;
	v6 =	vmax.bf16 v6, v2  }
0x172: {  	v3 =	vadd.bf16 v3, v10;
	v5 =	vmax.bf16 v5, v2;
	[tilespmem:s10+$0xFFFFFFB0] =	vst v6  }
0x173: {  	v4 =	vmax.bf16 v4, v2;
	[tilespmem:s10+$0xFFFFFFA0] =	vst v5  }
0x174: {  	v3 =	vmax.bf16 v3, v2;
	[tilespmem:s10+$0xFFFFFF80] =	vst v4  }
0x175: {  	[tilespmem:s10+$0xFFFFFF90] =	vst v3  }
0x176: {  	v3 =	vld [tilespmem:s5+$0xFFFFFFF0]  }
0x177: {  	v4 =	vld [tilespmem:s5+$0xFFFFFFE0]  }
0x178: {  	v5 =	vld [tilespmem:s5+$0xFFFFFFC0]  }
0x179: {  	v6 =	vld [tilespmem:s5+$0xFFFFFFD0]  }
0x17a: {  	v7 =	vld [tilespmem:s21+$0xFFFFFFD0]  }
0x17b: {  	v8 =	vld [tilespmem:s21+$0xFFFFFFF0]  }
0x17c: {  	v9 =	vld [tilespmem:s21+$0xFFFFFFE0]  }
0x17d: {  	v10 =	vld [tilespmem:s21+$0xFFFFFFC0];
	_ =	sdelay $0x1  }
0x17e: {  	v6 =	vadd.bf16 v6, v7  }
0x17f: {  	v3 =	vadd.bf16 v3, v8  }
0x180: {  	v6 =	vmax.bf16 v6, v2;
	v4 =	vadd.bf16 v4, v9  }
0x181: {  	v5 =	vadd.bf16 v5, v10;
	v3 =	vmax.bf16 v3, v2;
	[tilespmem:s10+$0xFFFFFFD0] =	vst v6  }
0x182: {  	v4 =	vmax.bf16 v4, v2;
	[tilespmem:s10+$0xFFFFFFF0] =	vst v3  }
0x183: {  	v3 =	vmax.bf16 v5, v2;
	[tilespmem:s10+$0xFFFFFFE0] =	vst v4  }
0x184: {  	[tilespmem:s10+$0xFFFFFFC0] =	vst v3  }
0x185: {  	v3 =	vld [tilespmem:s5+$0x0]  }
0x186: {  	v7 =	vld [tilespmem:s21+$0x10]  }
0x187: {  	v8 =	vld [tilespmem:s5+$0x20]  }
0x188: {  	v9 =	vld [tilespmem:s5+$0x10]  }
0x189: {  	v10 =	vld [tilespmem:s21+$0x20]  }
.Ltmp4:
0x18a: {  	v4 =	vld [tilespmem:s21+$0x0];
	(pc) =	sbr.rel @p0 .LBB2_6-.Ltmp4, $4  }
0x18b: {  	v5 =	vld [tilespmem:s21+$0x30]  }
0x18c: {  	v6 =	vld [tilespmem:s5+$0x30]  }
0x18d: {  	v7 =	vadd.bf16 v9, v7  }
0x18e: {  	s10 =	sadd.s32 $0x100, s10;
	v8 =	vadd.bf16 v8, v10  }
0x18f: {  	_ = 	snop  }
0x190: {  	v40 =	vmax.bf16 v7, v2;
	v3 =	vadd.bf16 v3, v4  }
0x191: {  	v8 =	vmax.bf16 v8, v2;
	[tilespmem:s20+$0x10] =	vst v40;
	v5 =	vadd.bf16 v6, v5  }
0x192: {  	[tilespmem:s20+$0x20] =	vst v8;
	v3 =	vmax.bf16 v3, v2  }
0x193: {  	[tilespmem:s20+$0x0] =	vst v3;
	v41 =	vmax.bf16 v5, v2  }
0x194: {  	[tilespmem:s20+$0x30] =	vst v41  }
0x195: {  	v3 =	vld [tilespmem:s8+$0x40]  }
0x196: {  	v4 =	vld [tilespmem:s8+$0x50]  }
0x197: {  	v42 =	vld [tilespmem:s8+$0x60]  }
0x198: {  	v6 =	vld [tilespmem:s8+$0x70]  }
0x199: {  	v43 =	vld [tilespmem:s6+$0x40]  }
0x19a: {  	v8 =	vld [tilespmem:s6+$0x70]  }
0x19b: {  	v9 =	vld [tilespmem:s6+$0x50]  }
0x19c: {  	v10 =	vld [tilespmem:s6+$0x60];
	_ =	sdelay $0x1  }
0x19d: {  	v3 =	vadd.bf16 v43, v3  }
0x19e: {  	v6 =	vadd.bf16 v8, v6  }
0x19f: {  	v4 =	vadd.bf16 v9, v4;
	v3 =	vmax.bf16 v3, v2  }
0x1a0: {  	v44 =	vmax.bf16 v6, v2;
	[tilespmem:s20+$0x40] =	vst v3;
	v3 =	vadd.bf16 v10, v42  }
0x1a1: {  	v4 =	vmax.bf16 v4, v2;
	[tilespmem:s20+$0x70] =	vst v44  }
0x1a2: {  	[tilespmem:s20+$0x50] =	vst v4;
	v3 =	vmax.bf16 v3, v2  }
0x1a3: {  	[tilespmem:s20+$0x60] =	vst v3  }
0x1a4: {  	v3 =	vld [tilespmem:$0x9E80]  }
0x1a5: {  	v4 =	vld [tilespmem:$0x9E90]  }
0x1a6: {  	v5 =	vld [tilespmem:$0x9EA0]  }
0x1a7: {  	v45 =	vld [tilespmem:$0x9EB0]  }
0x1a8: {  	v46 =	vld [tilespmem:$0x9EC0]  }
0x1a9: {  	v47 =	vld [tilespmem:$0x9EE0];
	[tilespmem:$0xF080] =	vst v3  }
0x1aa: {  	v48 =	vld [tilespmem:$0x9EF0];
	[tilespmem:$0xF090] =	vst v4  }
0x1ab: {  	v3 =	vld [tilespmem:$0x9ED0];
	[tilespmem:$0xF0A0] =	vst v5  }
0x1ac: {  	[tilespmem:$0xF0B0] =	vst v45  }
0x1ad: {  	[tilespmem:$0xF0C0] =	vst v46  }
0x1ae: {  	[tilespmem:$0xF0E0] =	vst v47  }
0x1af: {  	[tilespmem:$0xF0F0] =	vst v48  }
0x1b0: {  	[tilespmem:$0xF0D0] =	vst v3  }
0x1b1: {  	[spmem:s2] =	stream.indirect.scatter.add.bf16 [tilespmem:s16], [sflag:$0x6], $0x40, s14, s18, $0xb8;
	[tilespmem:$0x1B100] =	vst v63  }
0x1b2: {  	v3 =	vld [tilespmem:$0x9F80]  }
0x1b3: {  	v49 =	vld [tilespmem:$0xC780]  }
0x1b4: {  	v50 =	vld [tilespmem:$0x9F90]  }
0x1b5: {  	v51 =	vld [tilespmem:$0xC790]  }
0x1b6: {  	v52 =	vld [tilespmem:$0x9FA0]  }
0x1b7: {  	v53 =	vld [tilespmem:$0xC7A0];
	v3 =	vadd.s32 v0, v3  }
0x1b8: {  	v54 =	vld [tilespmem:$0x9FB0];
	[tilespmem:$0xEE80] =	vst v3;
	v3 =	vadd.s32 v1, v49  }
0x1b9: {  	v55 =	vld [tilespmem:$0xC7B0];
	[tilespmem:$0xEF80] =	vst v3;
	v3 =	vadd.s32 v0, v50  }
0x1ba: {  	v56 =	vld [tilespmem:$0x9FC0];
	[tilespmem:$0xEE90] =	vst v3;
	v3 =	vadd.s32 v1, v51  }
0x1bb: {  	v57 =	vld [tilespmem:$0xC7C0];
	[tilespmem:$0xEF90] =	vst v3;
	v3 =	vadd.s32 v0, v52  }
0x1bc: {  	v58 =	vld [tilespmem:$0x9FD0];
	[tilespmem:$0xEEA0] =	vst v3;
	v3 =	vadd.s32 v1, v53  }
0x1bd: {  	v59 =	vld [tilespmem:$0xC7D0];
	[tilespmem:$0xEFA0] =	vst v3;
	v3 =	vadd.s32 v0, v54  }
0x1be: {  	v60 =	vld [tilespmem:$0x9FE0];
	[tilespmem:$0xEEB0] =	vst v3;
	v3 =	vadd.s32 v1, v55  }
0x1bf: {  	v61 =	vld [tilespmem:$0xC7E0];
	[tilespmem:$0xEFB0] =	vst v3;
	v3 =	vadd.s32 v0, v56  }
0x1c0: {  	v62 =	vld [tilespmem:$0x9FF0];
	[tilespmem:$0xEEC0] =	vst v3;
	v3 =	vadd.s32 v1, v57  }
0x1c1: {  	v63 =	vld [tilespmem:$0xC7F0];
	[tilespmem:$0xEFC0] =	vst v3;
	v3 =	vadd.s32 v0, v58  }
0x1c2: {  	[tilespmem:$0xEED0] =	vst v3;
	v3 =	vadd.s32 v1, v59  }
0x1c3: {  	[tilespmem:$0xEFD0] =	vst v3;
	v3 =	vadd.s32 v0, v60  }
0x1c4: {  	[tilespmem:$0xEEE0] =	vst v3;
	v3 =	vadd.s32 v1, v61  }
0x1c5: {  	[tilespmem:$0xEFE0] =	vst v3;
	v3 =	vadd.s32 v0, v62  }
0x1c6: {  	[tilespmem:$0xEEF0] =	vst v3;
	v3 =	vadd.s32 v1, v63  }
0x1c7: {  	[tilespmem:$0xEFF0] =	vst v3  }
0x1c8: {  	[tilespmem:s24], [sflag:$0x2] =	stream.indirect.gather [hbm4b:s4+s18], $0x40, s23, s18, $0xb8;
	[tilespmem:$0x1B100] =	vst v63  }
0x1c9: {  	s20 =	simm.s32 $0x1  }
0x1ca: {  	[tilespmem:s26], [sflag:$0x4] =	stream.indirect.gather [hbm4b:s4+s18], $0x40, s25, s18, $0xb8;
	[tilespmem:$0x1B100] =	vst v63  }
.LBB2_8:
0x1cb: {  	_ =	swait.ge [sflag:s28], $0x2000  }
0x1cc: {  	[sflag:s28] =	ssyncset.done $0x0  }
0x1cd: {  	[sflag:s28] =	ssyncadd.s32 $0xFFFFE000  }
0x1ce: {  	_ =	swait.ge [sflag:s29], $0x2000  }
0x1cf: {  	[sflag:s29] =	ssyncset.done $0x0  }
0x1d0: {  	[sflag:s29] =	ssyncadd.s32 $0xFFFFE000  }
0x1d1: {  	_ =	swait.ge [sflag:s1], $0x2000  }
0x1d2: {  	[sflag:s1] =	ssyncset.done $0x0  }
0x1d3: {  	s5 =	simm.s32 $0x13180;
	[sflag:s1] =	ssyncadd.s32 $0xFFFFE000  }
0x1d4: {  	s22 =	simm.s32 $0xF180;
	v3 =	vld [tilespmem:s5+$0xFFFFFF90]  }
0x1d5: {  	v4 =	vld [tilespmem:s22+$0xFFFFFF80]  }
0x1d6: {  	v5 =	vld [tilespmem:s5+$0xFFFFFFA0]  }
0x1d7: {  	v6 =	vld [tilespmem:s5+$0xFFFFFFB0]  }
0x1d8: {  	v7 =	vld [tilespmem:s22+$0xFFFFFFB0]  }
0x1d9: {  	v8 =	vld [tilespmem:s22+$0xFFFFFFA0]  }
0x1da: {  	v9 =	vld [tilespmem:s5+$0xFFFFFF80]  }
0x1db: {  	v10 =	vld [tilespmem:s22+$0xFFFFFF90];
	_ =	sdelay $0x1  }
0x1dc: {  	v6 =	vadd.bf16 v6, v7  }
0x1dd: {  	v5 =	vadd.bf16 v5, v8  }
0x1de: {  	s21 =	simm.s32 $0x17180;
	v4 =	vadd.bf16 v9, v4;
	v6 =	vmax.bf16 v6, v2  }
0x1df: {  	v3 =	vadd.bf16 v3, v10;
	v5 =	vmax.bf16 v5, v2;
	[tilespmem:s21+$0xFFFFFFB0] =	vst v6  }
0x1e0: {  	v4 =	vmax.bf16 v4, v2;
	[tilespmem:s21+$0xFFFFFFA0] =	vst v5  }
0x1e1: {  	v3 =	vmax.bf16 v3, v2;
	[tilespmem:s21+$0xFFFFFF80] =	vst v4  }
0x1e2: {  	[tilespmem:s21+$0xFFFFFF90] =	vst v3  }
0x1e3: {  	v3 =	vld [tilespmem:s5+$0xFFFFFFF0]  }
0x1e4: {  	v4 =	vld [tilespmem:s5+$0xFFFFFFE0]  }
0x1e5: {  	v5 =	vld [tilespmem:s5+$0xFFFFFFC0]  }
0x1e6: {  	v6 =	vld [tilespmem:s5+$0xFFFFFFD0]  }
0x1e7: {  	v7 =	vld [tilespmem:s22+$0xFFFFFFD0]  }
0x1e8: {  	v8 =	vld [tilespmem:s22+$0xFFFFFFF0]  }
0x1e9: {  	v9 =	vld [tilespmem:s22+$0xFFFFFFE0]  }
0x1ea: {  	v10 =	vld [tilespmem:s22+$0xFFFFFFC0];
	_ =	sdelay $0x1  }
0x1eb: {  	v6 =	vadd.bf16 v6, v7  }
0x1ec: {  	v3 =	vadd.bf16 v3, v8  }
0x1ed: {  	v4 =	vadd.bf16 v4, v9;
	v6 =	vmax.bf16 v6, v2  }
0x1ee: {  	v5 =	vadd.bf16 v5, v10;
	v3 =	vmax.bf16 v3, v2;
	[tilespmem:s21+$0xFFFFFFD0] =	vst v6  }
0x1ef: {  	v4 =	vmax.bf16 v4, v2;
	[tilespmem:s21+$0xFFFFFFF0] =	vst v3  }
0x1f0: {  	v3 =	vmax.bf16 v5, v2;
	[tilespmem:s21+$0xFFFFFFE0] =	vst v4  }
0x1f1: {  	[tilespmem:s21+$0xFFFFFFC0] =	vst v3  }
0x1f2: {  	v7 =	vld [tilespmem:s22+$0x10]  }
0x1f3: {  	v8 =	vld [tilespmem:s5+$0x20]  }
0x1f4: {  	v9 =	vld [tilespmem:s5+$0x10]  }
0x1f5: {  	v10 =	vld [tilespmem:s22+$0x20]  }
0x1f6: {  	v3 =	vld [tilespmem:s5+$0x0]  }
0x1f7: {  	v4 =	vld [tilespmem:s22+$0x0]  }
0x1f8: {  	v5 =	vld [tilespmem:s22+$0x30]  }
0x1f9: {  	v6 =	vld [tilespmem:s5+$0x30]  }
0x1fa: {  	s9 =	simm.s32 $0x0  }
0x1fb: {  	s10 =	simm.s32 $0x17280;
	s8 =	simm.s32 $0xF180;
	s6 =	simm.s32 $0x13180;
	v7 =	vadd.bf16 v9, v7;
	v8 =	vadd.bf16 v8, v10  }
.LBB2_9:
0x1fc: {  	s9 =	sadd.s32 $0x4, s9;
	s22 =	sadd.s32 $0x100, s22;
	s5 =	sadd.s32 $0x100, s5  }
0x1fd: {  	v7 =	vmax.bf16 v7, v2;
	p0 =	slt.u32 s9, $0x7C;
	v8 =	vmax.bf16 v8, v2  }
0x1fe: {  	v3 =	vadd.bf16 v3, v4;
	v4 =	vadd.bf16 v6, v5;
	[tilespmem:s21+$0x20] =	vst v8  }
0x1ff: {  	[tilespmem:s21+$0x10] =	vst v7  }
0x200: {  	v3 =	vmax.bf16 v3, v2;
	v4 =	vmax.bf16 v4, v2  }
0x201: {  	[tilespmem:s21+$0x30] =	vst v4  }
0x202: {  	[tilespmem:s21+$0x0] =	vst v3  }
0x203: {  	v3 =	vld [tilespmem:s8+$0x40]  }
0x204: {  	v4 =	vld [tilespmem:s8+$0x50]  }
0x205: {  	v5 =	vld [tilespmem:s8+$0x60]  }
0x206: {  	v6 =	vld [tilespmem:s8+$0x70];
	s8 =	smov.u32 s22  }
0x207: {  	v7 =	vld [tilespmem:s6+$0x40];
	_ =	sdelay $0x1  }
0x208: {  	v8 =	vld [tilespmem:s6+$0x70]  }
0x209: {  	v9 =	vld [tilespmem:s6+$0x50]  }
0x20a: {  	v10 =	vld [tilespmem:s6+$0x60];
	s6 =	smov.u32 s5  }
0x20b: {  	v3 =	vadd.bf16 v7, v3;
	_ =	sdelay $0x1  }
0x20c: {  	v3 =	vmax.bf16 v3, v2;
	v6 =	vadd.bf16 v8, v6  }
0x20d: {  	v4 =	vadd.bf16 v9, v4;
	[tilespmem:s21+$0x40] =	vst v3  }
0x20e: {  	v3 =	vadd.bf16 v10, v5;
	v5 =	vmax.bf16 v6, v2  }
0x20f: {  	v4 =	vmax.bf16 v4, v2;
	[tilespmem:s21+$0x70] =	vst v5  }
0x210: {  	v3 =	vmax.bf16 v3, v2;
	[tilespmem:s21+$0x50] =	vst v4  }
0x211: {  	[tilespmem:s21+$0x60] =	vst v3;
	s21 =	smov.u32 s10;
	_ =	sdelay $0x3  }
0x212: {  	v3 =	vld [tilespmem:s5+$0xFFFFFF90]  }
0x213: {  	v4 =	vld [tilespmem:s22+$0xFFFFFF80]  }
0x214: {  	v5 =	vld [tilespmem:s5+$0xFFFFFFA0]  }
0x215: {  	v6 =	vld [tilespmem:s5+$0xFFFFFFB0]  }
0x216: {  	v7 =	vld [tilespmem:s22+$0xFFFFFFB0]  }
0x217: {  	v8 =	vld [tilespmem:s22+$0xFFFFFFA0]  }
0x218: {  	v9 =	vld [tilespmem:s5+$0xFFFFFF80]  }
0x219: {  	v10 =	vld [tilespmem:s22+$0xFFFFFF90];
	_ =	sdelay $0x1  }
0x21a: {  	v6 =	vadd.bf16 v6, v7  }
0x21b: {  	v5 =	vadd.bf16 v5, v8  }
0x21c: {  	v4 =	vadd.bf16 v9, v4;
	v6 =	vmax.bf16 v6, v2  }
0x21d: {  	v3 =	vadd.bf16 v3, v10;
	v5 =	vmax.bf16 v5, v2;
	[tilespmem:s10+$0xFFFFFFB0] =	vst v6  }
0x21e: {  	v4 =	vmax.bf16 v4, v2;
	[tilespmem:s10+$0xFFFFFFA0] =	vst v5  }
0x21f: {  	v3 =	vmax.bf16 v3, v2;
	[tilespmem:s10+$0xFFFFFF80] =	vst v4  }
0x220: {  	[tilespmem:s10+$0xFFFFFF90] =	vst v3  }
0x221: {  	v3 =	vld [tilespmem:s5+$0xFFFFFFF0]  }
0x222: {  	v4 =	vld [tilespmem:s5+$0xFFFFFFE0]  }
0x223: {  	v5 =	vld [tilespmem:s5+$0xFFFFFFC0]  }
0x224: {  	v6 =	vld [tilespmem:s5+$0xFFFFFFD0]  }
0x225: {  	v7 =	vld [tilespmem:s22+$0xFFFFFFD0]  }
0x226: {  	v8 =	vld [tilespmem:s22+$0xFFFFFFF0]  }
0x227: {  	v9 =	vld [tilespmem:s22+$0xFFFFFFE0]  }
0x228: {  	v10 =	vld [tilespmem:s22+$0xFFFFFFC0];
	_ =	sdelay $0x1  }
0x229: {  	v6 =	vadd.bf16 v6, v7  }
0x22a: {  	v3 =	vadd.bf16 v3, v8  }
0x22b: {  	v6 =	vmax.bf16 v6, v2;
	v4 =	vadd.bf16 v4, v9  }
0x22c: {  	v5 =	vadd.bf16 v5, v10;
	v3 =	vmax.bf16 v3, v2;
	[tilespmem:s10+$0xFFFFFFD0] =	vst v6  }
0x22d: {  	v4 =	vmax.bf16 v4, v2;
	[tilespmem:s10+$0xFFFFFFF0] =	vst v3  }
0x22e: {  	v3 =	vmax.bf16 v5, v2;
	[tilespmem:s10+$0xFFFFFFE0] =	vst v4  }
0x22f: {  	[tilespmem:s10+$0xFFFFFFC0] =	vst v3  }
0x230: {  	v3 =	vld [tilespmem:s5+$0x0]  }
0x231: {  	v7 =	vld [tilespmem:s22+$0x10]  }
0x232: {  	v8 =	vld [tilespmem:s5+$0x20]  }
0x233: {  	v9 =	vld [tilespmem:s5+$0x10]  }
0x234: {  	v10 =	vld [tilespmem:s22+$0x20]  }
.Ltmp5:
0x235: {  	v4 =	vld [tilespmem:s22+$0x0];
	(pc) =	sbr.rel @p0 .LBB2_9-.Ltmp5, $4  }
0x236: {  	v5 =	vld [tilespmem:s22+$0x30]  }
0x237: {  	v6 =	vld [tilespmem:s5+$0x30]  }
0x238: {  	v7 =	vadd.bf16 v9, v7  }
0x239: {  	s10 =	sadd.s32 $0x100, s10;
	v8 =	vadd.bf16 v8, v10  }
0x23a: {  	_ = 	snop  }
0x23b: {  	v3 =	vadd.bf16 v3, v4;
	v8 =	vmax.bf16 v8, v2  }
0x23c: {  	v5 =	vadd.bf16 v6, v5;
	v6 =	vmax.bf16 v7, v2;
	[tilespmem:s21+$0x20] =	vst v8  }
0x23d: {  	v3 =	vmax.bf16 v3, v2;
	[tilespmem:s21+$0x10] =	vst v6  }
0x23e: {  	[tilespmem:s21+$0x0] =	vst v3;
	v4 =	vmax.bf16 v5, v2  }
0x23f: {  	[tilespmem:s21+$0x30] =	vst v4  }
0x240: {  	v3 =	vld [tilespmem:s8+$0x40]  }
0x241: {  	v4 =	vld [tilespmem:s8+$0x50]  }
0x242: {  	v5 =	vld [tilespmem:s8+$0x60]  }
0x243: {  	v6 =	vld [tilespmem:s8+$0x70]  }
0x244: {  	v7 =	vld [tilespmem:s6+$0x40]  }
0x245: {  	v9 =	vld [tilespmem:s6+$0x50]  }
0x246: {  	v8 =	vld [tilespmem:s6+$0x70]  }
0x247: {  	v10 =	vld [tilespmem:s6+$0x60];
	_ =	sdelay $0x1  }
0x248: {  	v3 =	vadd.bf16 v7, v3  }
0x249: {  	v4 =	vadd.bf16 v9, v4  }
0x24a: {  	v6 =	vadd.bf16 v8, v6;
	v3 =	vmax.bf16 v3, v2  }
0x24b: {  	v4 =	vmax.bf16 v4, v2;
	[tilespmem:s21+$0x40] =	vst v3;
	v3 =	vadd.bf16 v10, v5  }
0x24c: {  	v5 =	vmax.bf16 v6, v2;
	[tilespmem:s21+$0x50] =	vst v4  }
0x24d: {  	[tilespmem:s21+$0x70] =	vst v5;
	v3 =	vmax.bf16 v3, v2  }
0x24e: {  	[tilespmem:s21+$0x60] =	vst v3;
	s21 =	sshll.u32 s20, $0x8  }
0x24f: {  	v3 =	vld [tilespmem:s21+$0x9E00];
	_ =	sdelay $0x4  }
0x250: {  	[tilespmem:$0xF000] =	vst v3  }
0x251: {  	v3 =	vld [tilespmem:s21+$0x9E10];
	_ =	sdelay $0x4  }
0x252: {  	[tilespmem:$0xF010] =	vst v3  }
0x253: {  	v3 =	vld [tilespmem:s21+$0x9E20];
	_ =	sdelay $0x4  }
0x254: {  	[tilespmem:$0xF020] =	vst v3  }
0x255: {  	v3 =	vld [tilespmem:s21+$0x9E30];
	_ =	sdelay $0x4  }
0x256: {  	[tilespmem:$0xF030] =	vst v3  }
0x257: {  	v3 =	vld [tilespmem:s21+$0x9E40];
	_ =	sdelay $0x4  }
0x258: {  	[tilespmem:$0xF040] =	vst v3  }
0x259: {  	v3 =	vld [tilespmem:s21+$0x9E50];
	_ =	sdelay $0x4  }
0x25a: {  	[tilespmem:$0xF050] =	vst v3  }
0x25b: {  	v3 =	vld [tilespmem:s21+$0x9E60];
	_ =	sdelay $0x4  }
0x25c: {  	[tilespmem:$0xF060] =	vst v3  }
0x25d: {  	v3 =	vld [tilespmem:s21+$0x9E70];
	_ =	sdelay $0x4  }
0x25e: {  	p0 =	seq.s32 s20, $0x27;
	[tilespmem:$0xF070] =	vst v3  }
0x25f: {  	[spmem:s2] =	stream.indirect.scatter.add.bf16 [tilespmem:s17], [sflag:$0x5], $0x40, s30, s18, $0xb8;
	[tilespmem:$0x1B100] =	vst v63  }
0x260: {  	v3 =	vld @!p0 [tilespmem:s21+$0x9F00];
	_ =	sdelay $0x4  }
0x261: {  	v3 =	vadd.s32 @!p0 v0, v3  }
0x262: {  	[tilespmem:$0xEE00] =	vst @!p0 v3  }
0x263: {  	v3 =	vld @!p0 [tilespmem:s21+$0xC700];
	_ =	sdelay $0x4  }
0x264: {  	v3 =	vadd.s32 @!p0 v1, v3  }
0x265: {  	[tilespmem:$0xEF00] =	vst @!p0 v3  }
0x266: {  	v3 =	vld @!p0 [tilespmem:s21+$0x9F10];
	_ =	sdelay $0x4  }
0x267: {  	v3 =	vadd.s32 @!p0 v0, v3  }
0x268: {  	[tilespmem:$0xEE10] =	vst @!p0 v3  }
0x269: {  	v3 =	vld @!p0 [tilespmem:s21+$0xC710];
	_ =	sdelay $0x4  }
0x26a: {  	v3 =	vadd.s32 @!p0 v1, v3  }
0x26b: {  	[tilespmem:$0xEF10] =	vst @!p0 v3  }
0x26c: {  	v3 =	vld @!p0 [tilespmem:s21+$0x9F20];
	_ =	sdelay $0x4  }
0x26d: {  	v3 =	vadd.s32 @!p0 v0, v3  }
0x26e: {  	[tilespmem:$0xEE20] =	vst @!p0 v3  }
0x26f: {  	v3 =	vld @!p0 [tilespmem:s21+$0xC720];
	_ =	sdelay $0x4  }
0x270: {  	v3 =	vadd.s32 @!p0 v1, v3  }
0x271: {  	[tilespmem:$0xEF20] =	vst @!p0 v3  }
0x272: {  	v3 =	vld @!p0 [tilespmem:s21+$0x9F30];
	_ =	sdelay $0x4  }
0x273: {  	v3 =	vadd.s32 @!p0 v0, v3  }
0x274: {  	[tilespmem:$0xEE30] =	vst @!p0 v3  }
0x275: {  	v3 =	vld @!p0 [tilespmem:s21+$0xC730];
	_ =	sdelay $0x4  }
0x276: {  	v3 =	vadd.s32 @!p0 v1, v3  }
0x277: {  	[tilespmem:$0xEF30] =	vst @!p0 v3  }
0x278: {  	v3 =	vld @!p0 [tilespmem:s21+$0x9F40];
	_ =	sdelay $0x4  }
0x279: {  	v3 =	vadd.s32 @!p0 v0, v3  }
0x27a: {  	[tilespmem:$0xEE40] =	vst @!p0 v3  }
0x27b: {  	v3 =	vld @!p0 [tilespmem:s21+$0xC740];
	_ =	sdelay $0x4  }
0x27c: {  	v3 =	vadd.s32 @!p0 v1, v3  }
0x27d: {  	[tilespmem:$0xEF40] =	vst @!p0 v3  }
0x27e: {  	v3 =	vld @!p0 [tilespmem:s21+$0x9F50];
	_ =	sdelay $0x4  }
0x27f: {  	v3 =	vadd.s32 @!p0 v0, v3  }
0x280: {  	[tilespmem:$0xEE50] =	vst @!p0 v3  }
0x281: {  	v3 =	vld @!p0 [tilespmem:s21+$0xC750];
	_ =	sdelay $0x4  }
0x282: {  	v3 =	vadd.s32 @!p0 v1, v3  }
0x283: {  	[tilespmem:$0xEF50] =	vst @!p0 v3  }
0x284: {  	v3 =	vld @!p0 [tilespmem:s21+$0x9F60];
	_ =	sdelay $0x4  }
0x285: {  	v3 =	vadd.s32 @!p0 v0, v3  }
0x286: {  	[tilespmem:$0xEE60] =	vst @!p0 v3  }
0x287: {  	v3 =	vld @!p0 [tilespmem:s21+$0xC760];
	_ =	sdelay $0x4  }
0x288: {  	v3 =	vadd.s32 @!p0 v1, v3  }
0x289: {  	[tilespmem:$0xEF60] =	vst @!p0 v3  }
0x28a: {  	v3 =	vld @!p0 [tilespmem:s21+$0x9F70];
	_ =	sdelay $0x4  }
0x28b: {  	v3 =	vadd.s32 @!p0 v0, v3  }
0x28c: {  	[tilespmem:$0xEE70] =	vst @!p0 v3  }
0x28d: {  	v3 =	vld @!p0 [tilespmem:s21+$0xC770];
	_ =	sdelay $0x4  }
0x28e: {  	v3 =	vadd.s32 @!p0 v1, v3  }
0x28f: {  	s5 =	simm.s32 @!p0 $0x80;
	s6 =	simm.s32 @!p0 $0xEE00;
	s8 =	simm.s32 @!p0 $0xF100;
	[tilespmem:$0xEF70] =	vst @!p0 v3  }
0x290: {  	[tilespmem:s8], [sflag:$0x1] =	stream.indirect.gather @!p0 [hbm4b:s4+s5], $0x40, s6, s5, $0xb8;
	[tilespmem:$0x1B100] =	vst v63  }
0x291: {  	s6 =	simm.s32 @!p0 $0xEF00;
	s8 =	simm.s32 @!p0 $0x13100  }
0x292: {  	[tilespmem:s8], [sflag:$0x3] =	stream.indirect.gather @!p0 [hbm4b:s4+s5], $0x40, s6, s5, $0xb8;
	[tilespmem:$0x1B100] =	vst v63  }
0x293: {  	_ =	swait.ge [sflag:s31], $0x2000  }
0x294: {  	[sflag:s31] =	ssyncset.done $0x0  }
0x295: {  	[sflag:s31] =	ssyncadd.s32 $0xFFFFE000  }
0x296: {  	_ =	swait.ge [sflag:s0], $0x2000  }
0x297: {  	[sflag:s0] =	ssyncset.done $0x0  }
0x298: {  	[sflag:s0] =	ssyncadd.s32 $0xFFFFE000  }
0x299: {  	_ =	swait.ge [sflag:s3], $0x2000  }
0x29a: {  	[sflag:s3] =	ssyncset.done $0x0  }
0x29b: {  	s22 =	simm.s32 $0x15180;
	[sflag:s3] =	ssyncadd.s32 $0xFFFFE000  }
0x29c: {  	s6 =	simm.s32 $0x11180;
	v3 =	vld [tilespmem:s22+$0xFFFFFF90]  }
0x29d: {  	v4 =	vld [tilespmem:s6+$0xFFFFFF80]  }
0x29e: {  	v5 =	vld [tilespmem:s22+$0xFFFFFFA0]  }
0x29f: {  	v6 =	vld [tilespmem:s22+$0xFFFFFFB0]  }
0x2a0: {  	v7 =	vld [tilespmem:s6+$0xFFFFFFB0]  }
0x2a1: {  	v8 =	vld [tilespmem:s6+$0xFFFFFFA0]  }
0x2a2: {  	v9 =	vld [tilespmem:s22+$0xFFFFFF80]  }
0x2a3: {  	v10 =	vld [tilespmem:s6+$0xFFFFFF90];
	_ =	sdelay $0x1  }
0x2a4: {  	v6 =	vadd.bf16 v6, v7  }
0x2a5: {  	v5 =	vadd.bf16 v5, v8  }
0x2a6: {  	s5 =	simm.s32 $0x19180;
	v4 =	vadd.bf16 v9, v4;
	v6 =	vmax.bf16 v6, v2  }
0x2a7: {  	v3 =	vadd.bf16 v3, v10;
	v5 =	vmax.bf16 v5, v2;
	[tilespmem:s5+$0xFFFFFFB0] =	vst v6  }
0x2a8: {  	v4 =	vmax.bf16 v4, v2;
	[tilespmem:s5+$0xFFFFFFA0] =	vst v5  }
0x2a9: {  	v3 =	vmax.bf16 v3, v2;
	[tilespmem:s5+$0xFFFFFF80] =	vst v4  }
0x2aa: {  	[tilespmem:s5+$0xFFFFFF90] =	vst v3  }
0x2ab: {  	v3 =	vld [tilespmem:s22+$0xFFFFFFF0]  }
0x2ac: {  	v4 =	vld [tilespmem:s22+$0xFFFFFFE0]  }
0x2ad: {  	v5 =	vld [tilespmem:s22+$0xFFFFFFC0]  }
0x2ae: {  	v6 =	vld [tilespmem:s22+$0xFFFFFFD0]  }
0x2af: {  	v7 =	vld [tilespmem:s6+$0xFFFFFFD0]  }
0x2b0: {  	v8 =	vld [tilespmem:s6+$0xFFFFFFF0]  }
0x2b1: {  	v9 =	vld [tilespmem:s6+$0xFFFFFFE0]  }
0x2b2: {  	v10 =	vld [tilespmem:s6+$0xFFFFFFC0];
	_ =	sdelay $0x1  }
0x2b3: {  	v6 =	vadd.bf16 v6, v7  }
0x2b4: {  	v3 =	vadd.bf16 v3, v8  }
0x2b5: {  	v4 =	vadd.bf16 v4, v9;
	v6 =	vmax.bf16 v6, v2  }
0x2b6: {  	v5 =	vadd.bf16 v5, v10;
	v3 =	vmax.bf16 v3, v2;
	[tilespmem:s5+$0xFFFFFFD0] =	vst v6  }
0x2b7: {  	v4 =	vmax.bf16 v4, v2;
	[tilespmem:s5+$0xFFFFFFF0] =	vst v3  }
0x2b8: {  	v3 =	vmax.bf16 v5, v2;
	[tilespmem:s5+$0xFFFFFFE0] =	vst v4  }
0x2b9: {  	[tilespmem:s5+$0xFFFFFFC0] =	vst v3  }
0x2ba: {  	v7 =	vld [tilespmem:s6+$0x10]  }
0x2bb: {  	v8 =	vld [tilespmem:s22+$0x20]  }
0x2bc: {  	v9 =	vld [tilespmem:s22+$0x10]  }
0x2bd: {  	v10 =	vld [tilespmem:s6+$0x20]  }
0x2be: {  	v3 =	vld [tilespmem:s22+$0x0]  }
0x2bf: {  	v4 =	vld [tilespmem:s6+$0x0]  }
0x2c0: {  	v5 =	vld [tilespmem:s6+$0x30]  }
0x2c1: {  	v6 =	vld [tilespmem:s22+$0x30]  }
0x2c2: {  	s10 =	simm.s32 $0x0  }
0x2c3: {  	s11 =	simm.s32 $0x19280;
	s9 =	simm.s32 $0x11180;
	s8 =	simm.s32 $0x15180;
	v7 =	vadd.bf16 v9, v7;
	v8 =	vadd.bf16 v8, v10  }
.LBB2_11:
0x2c4: {  	s10 =	sadd.s32 $0x4, s10;
	s6 =	sadd.s32 $0x100, s6;
	s22 =	sadd.s32 $0x100, s22  }
0x2c5: {  	v7 =	vmax.bf16 v7, v2;
	p1 =	slt.u32 s10, $0x7C;
	v8 =	vmax.bf16 v8, v2  }
0x2c6: {  	v3 =	vadd.bf16 v3, v4;
	v4 =	vadd.bf16 v6, v5;
	[tilespmem:s5+$0x20] =	vst v8  }
0x2c7: {  	[tilespmem:s5+$0x10] =	vst v7  }
0x2c8: {  	v3 =	vmax.bf16 v3, v2;
	v4 =	vmax.bf16 v4, v2  }
0x2c9: {  	[tilespmem:s5+$0x30] =	vst v4  }
0x2ca: {  	[tilespmem:s5+$0x0] =	vst v3  }
0x2cb: {  	v3 =	vld [tilespmem:s9+$0x40]  }
0x2cc: {  	v4 =	vld [tilespmem:s9+$0x50]  }
0x2cd: {  	v5 =	vld [tilespmem:s9+$0x60]  }
0x2ce: {  	v6 =	vld [tilespmem:s9+$0x70];
	s9 =	smov.u32 s6  }
0x2cf: {  	v7 =	vld [tilespmem:s8+$0x40];
	_ =	sdelay $0x1  }
0x2d0: {  	v8 =	vld [tilespmem:s8+$0x70]  }
0x2d1: {  	v9 =	vld [tilespmem:s8+$0x50]  }
0x2d2: {  	v10 =	vld [tilespmem:s8+$0x60];
	s8 =	smov.u32 s22  }
0x2d3: {  	v3 =	vadd.bf16 v7, v3;
	_ =	sdelay $0x1  }
0x2d4: {  	v3 =	vmax.bf16 v3, v2;
	v6 =	vadd.bf16 v8, v6  }
0x2d5: {  	v4 =	vadd.bf16 v9, v4;
	[tilespmem:s5+$0x40] =	vst v3  }
0x2d6: {  	v3 =	vadd.bf16 v10, v5;
	v5 =	vmax.bf16 v6, v2  }
0x2d7: {  	v4 =	vmax.bf16 v4, v2;
	[tilespmem:s5+$0x70] =	vst v5  }
0x2d8: {  	v3 =	vmax.bf16 v3, v2;
	[tilespmem:s5+$0x50] =	vst v4  }
0x2d9: {  	[tilespmem:s5+$0x60] =	vst v3;
	s5 =	smov.u32 s11;
	_ =	sdelay $0x3  }
0x2da: {  	v3 =	vld [tilespmem:s22+$0xFFFFFF90]  }
0x2db: {  	v4 =	vld [tilespmem:s6+$0xFFFFFF80]  }
0x2dc: {  	v5 =	vld [tilespmem:s22+$0xFFFFFFA0]  }
0x2dd: {  	v6 =	vld [tilespmem:s22+$0xFFFFFFB0]  }
0x2de: {  	v7 =	vld [tilespmem:s6+$0xFFFFFFB0]  }
0x2df: {  	v8 =	vld [tilespmem:s6+$0xFFFFFFA0]  }
0x2e0: {  	v9 =	vld [tilespmem:s22+$0xFFFFFF80]  }
0x2e1: {  	v10 =	vld [tilespmem:s6+$0xFFFFFF90];
	_ =	sdelay $0x1  }
0x2e2: {  	v6 =	vadd.bf16 v6, v7  }
0x2e3: {  	v5 =	vadd.bf16 v5, v8  }
0x2e4: {  	v4 =	vadd.bf16 v9, v4;
	v6 =	vmax.bf16 v6, v2  }
0x2e5: {  	v3 =	vadd.bf16 v3, v10;
	v5 =	vmax.bf16 v5, v2;
	[tilespmem:s11+$0xFFFFFFB0] =	vst v6  }
0x2e6: {  	v4 =	vmax.bf16 v4, v2;
	[tilespmem:s11+$0xFFFFFFA0] =	vst v5  }
0x2e7: {  	v3 =	vmax.bf16 v3, v2;
	[tilespmem:s11+$0xFFFFFF80] =	vst v4  }
0x2e8: {  	[tilespmem:s11+$0xFFFFFF90] =	vst v3  }
0x2e9: {  	v3 =	vld [tilespmem:s22+$0xFFFFFFF0]  }
0x2ea: {  	v4 =	vld [tilespmem:s22+$0xFFFFFFE0]  }
0x2eb: {  	v5 =	vld [tilespmem:s22+$0xFFFFFFC0]  }
0x2ec: {  	v6 =	vld [tilespmem:s22+$0xFFFFFFD0]  }
0x2ed: {  	v7 =	vld [tilespmem:s6+$0xFFFFFFD0]  }
0x2ee: {  	v8 =	vld [tilespmem:s6+$0xFFFFFFF0]  }
0x2ef: {  	v9 =	vld [tilespmem:s6+$0xFFFFFFE0]  }
0x2f0: {  	v10 =	vld [tilespmem:s6+$0xFFFFFFC0];
	_ =	sdelay $0x1  }
0x2f1: {  	v6 =	vadd.bf16 v6, v7  }
0x2f2: {  	v3 =	vadd.bf16 v3, v8  }
0x2f3: {  	v6 =	vmax.bf16 v6, v2;
	v4 =	vadd.bf16 v4, v9  }
0x2f4: {  	v5 =	vadd.bf16 v5, v10;
	v3 =	vmax.bf16 v3, v2;
	[tilespmem:s11+$0xFFFFFFD0] =	vst v6  }
0x2f5: {  	v4 =	vmax.bf16 v4, v2;
	[tilespmem:s11+$0xFFFFFFF0] =	vst v3  }
0x2f6: {  	v3 =	vmax.bf16 v5, v2;
	[tilespmem:s11+$0xFFFFFFE0] =	vst v4  }
0x2f7: {  	[tilespmem:s11+$0xFFFFFFC0] =	vst v3  }
0x2f8: {  	v3 =	vld [tilespmem:s22+$0x0]  }
0x2f9: {  	v7 =	vld [tilespmem:s6+$0x10]  }
0x2fa: {  	v8 =	vld [tilespmem:s22+$0x20]  }
0x2fb: {  	v9 =	vld [tilespmem:s22+$0x10]  }
0x2fc: {  	v10 =	vld [tilespmem:s6+$0x20]  }
.Ltmp6:
0x2fd: {  	v4 =	vld [tilespmem:s6+$0x0];
	(pc) =	sbr.rel @p1 .LBB2_11-.Ltmp6, $4  }
0x2fe: {  	v5 =	vld [tilespmem:s6+$0x30]  }
0x2ff: {  	v6 =	vld [tilespmem:s22+$0x30]  }
0x300: {  	v7 =	vadd.bf16 v9, v7  }
0x301: {  	s11 =	sadd.s32 $0x100, s11;
	v8 =	vadd.bf16 v8, v10  }
0x302: {  	_ = 	snop  }
0x303: {  	v59 =	vmax.bf16 v7, v2;
	v3 =	vadd.bf16 v3, v4  }
0x304: {  	v8 =	vmax.bf16 v8, v2;
	[tilespmem:s5+$0x10] =	vst v59;
	v5 =	vadd.bf16 v6, v5  }
0x305: {  	[tilespmem:s5+$0x20] =	vst v8;
	v3 =	vmax.bf16 v3, v2  }
0x306: {  	[tilespmem:s5+$0x0] =	vst v3;
	v60 =	vmax.bf16 v5, v2  }
0x307: {  	[tilespmem:s5+$0x30] =	vst v60  }
0x308: {  	v3 =	vld [tilespmem:s9+$0x40]  }
0x309: {  	v4 =	vld [tilespmem:s9+$0x50]  }
0x30a: {  	v61 =	vld [tilespmem:s9+$0x60]  }
0x30b: {  	v6 =	vld [tilespmem:s9+$0x70]  }
0x30c: {  	v62 =	vld [tilespmem:s8+$0x40]  }
0x30d: {  	v8 =	vld [tilespmem:s8+$0x70]  }
0x30e: {  	v9 =	vld [tilespmem:s8+$0x50]  }
0x30f: {  	v10 =	vld [tilespmem:s8+$0x60];
	_ =	sdelay $0x1  }
0x310: {  	v3 =	vadd.bf16 v62, v3  }
0x311: {  	v6 =	vadd.bf16 v8, v6  }
0x312: {  	v4 =	vadd.bf16 v9, v4;
	v3 =	vmax.bf16 v3, v2  }
0x313: {  	v63 =	vmax.bf16 v6, v2;
	[tilespmem:s5+$0x40] =	vst v3;
	v3 =	vadd.bf16 v10, v61  }
0x314: {  	v4 =	vmax.bf16 v4, v2;
	[tilespmem:s5+$0x70] =	vst v63  }
0x315: {  	[tilespmem:s5+$0x50] =	vst v4;
	v3 =	vmax.bf16 v3, v2  }
0x316: {  	[tilespmem:s5+$0x60] =	vst v3  }
0x317: {  	v3 =	vld [tilespmem:s21+$0x9E80];
	_ =	sdelay $0x4  }
0x318: {  	[tilespmem:$0xF080] =	vst v3  }
0x319: {  	v3 =	vld [tilespmem:s21+$0x9E90];
	_ =	sdelay $0x4  }
0x31a: {  	[tilespmem:$0xF090] =	vst v3  }
0x31b: {  	v3 =	vld [tilespmem:s21+$0x9EA0];
	_ =	sdelay $0x4  }
0x31c: {  	[tilespmem:$0xF0A0] =	vst v3  }
0x31d: {  	v3 =	vld [tilespmem:s21+$0x9EB0];
	_ =	sdelay $0x4  }
0x31e: {  	[tilespmem:$0xF0B0] =	vst v3  }
0x31f: {  	v3 =	vld [tilespmem:s21+$0x9EC0];
	_ =	sdelay $0x4  }
0x320: {  	[tilespmem:$0xF0C0] =	vst v3  }
0x321: {  	v3 =	vld [tilespmem:s21+$0x9ED0];
	_ =	sdelay $0x4  }
0x322: {  	[tilespmem:$0xF0D0] =	vst v3  }
0x323: {  	v3 =	vld [tilespmem:s21+$0x9EE0];
	_ =	sdelay $0x4  }
0x324: {  	[tilespmem:$0xF0E0] =	vst v3  }
0x325: {  	v3 =	vld [tilespmem:s21+$0x9EF0];
	_ =	sdelay $0x1  }
.Ltmp7:
0x326: {  	_ = 	snop;
	(pc) =	sbr.rel @p0 .LBB2_14-.Ltmp7, $3  }
0x327: {  	_ =	sdelay $0x1  }
0x328: {  	[tilespmem:$0xF0F0] =	vst v3  }
0x329: {  	[spmem:s2] =	stream.indirect.scatter.add.bf16 [tilespmem:s16], [sflag:$0x6], $0x40, s14, s18, $0xb8;
	[tilespmem:$0x1B100] =	vst v63  }
0x32a: {  	v3 =	vld [tilespmem:s21+$0x9F80];
	_ =	sdelay $0x4  }
0x32b: {  	v3 =	vadd.s32 v0, v3  }
0x32c: {  	[tilespmem:$0xEE80] =	vst v3  }
0x32d: {  	v3 =	vld [tilespmem:s21+$0xC780];
	_ =	sdelay $0x4  }
0x32e: {  	v3 =	vadd.s32 v1, v3  }
0x32f: {  	[tilespmem:$0xEF80] =	vst v3  }
0x330: {  	v3 =	vld [tilespmem:s21+$0x9F90];
	_ =	sdelay $0x4  }
0x331: {  	v3 =	vadd.s32 v0, v3  }
0x332: {  	[tilespmem:$0xEE90] =	vst v3  }
0x333: {  	v3 =	vld [tilespmem:s21+$0xC790];
	_ =	sdelay $0x4  }
0x334: {  	v3 =	vadd.s32 v1, v3  }
0x335: {  	[tilespmem:$0xEF90] =	vst v3  }
0x336: {  	v3 =	vld [tilespmem:s21+$0x9FA0];
	_ =	sdelay $0x4  }
0x337: {  	v3 =	vadd.s32 v0, v3  }
0x338: {  	[tilespmem:$0xEEA0] =	vst v3  }
0x339: {  	v3 =	vld [tilespmem:s21+$0xC7A0];
	_ =	sdelay $0x4  }
0x33a: {  	v3 =	vadd.s32 v1, v3  }
0x33b: {  	[tilespmem:$0xEFA0] =	vst v3  }
0x33c: {  	v3 =	vld [tilespmem:s21+$0x9FB0];
	_ =	sdelay $0x4  }
0x33d: {  	v3 =	vadd.s32 v0, v3  }
0x33e: {  	[tilespmem:$0xEEB0] =	vst v3  }
0x33f: {  	v3 =	vld [tilespmem:s21+$0xC7B0];
	_ =	sdelay $0x4  }
0x340: {  	v3 =	vadd.s32 v1, v3  }
0x341: {  	[tilespmem:$0xEFB0] =	vst v3  }
0x342: {  	v3 =	vld [tilespmem:s21+$0x9FC0];
	_ =	sdelay $0x4  }
0x343: {  	v3 =	vadd.s32 v0, v3  }
0x344: {  	[tilespmem:$0xEEC0] =	vst v3  }
0x345: {  	v3 =	vld [tilespmem:s21+$0xC7C0];
	_ =	sdelay $0x4  }
0x346: {  	v3 =	vadd.s32 v1, v3  }
0x347: {  	[tilespmem:$0xEFC0] =	vst v3  }
0x348: {  	v3 =	vld [tilespmem:s21+$0x9FD0];
	_ =	sdelay $0x4  }
0x349: {  	v3 =	vadd.s32 v0, v3  }
0x34a: {  	[tilespmem:$0xEED0] =	vst v3  }
0x34b: {  	v3 =	vld [tilespmem:s21+$0xC7D0];
	_ =	sdelay $0x4  }
0x34c: {  	v3 =	vadd.s32 v1, v3  }
0x34d: {  	[tilespmem:$0xEFD0] =	vst v3  }
0x34e: {  	v3 =	vld [tilespmem:s21+$0x9FE0];
	_ =	sdelay $0x4  }
0x34f: {  	v3 =	vadd.s32 v0, v3  }
0x350: {  	[tilespmem:$0xEEE0] =	vst v3  }
0x351: {  	v3 =	vld [tilespmem:s21+$0xC7E0];
	_ =	sdelay $0x4  }
0x352: {  	v3 =	vadd.s32 v1, v3  }
0x353: {  	[tilespmem:$0xEFE0] =	vst v3  }
0x354: {  	v3 =	vld [tilespmem:s21+$0x9FF0];
	_ =	sdelay $0x4  }
0x355: {  	v3 =	vadd.s32 v0, v3  }
0x356: {  	[tilespmem:$0xEEF0] =	vst v3  }
0x357: {  	v3 =	vld [tilespmem:s21+$0xC7F0];
	_ =	sdelay $0x4  }
.Ltmp8:
0x358: {  	v3 =	vadd.s32 v1, v3;
	(pc) =	sbr.rel .LBB2_8-.Ltmp8, $4  }
0x359: {  	[tilespmem:$0xEFF0] =	vst v3  }
0x35a: {  	[tilespmem:s24], [sflag:$0x2] =	stream.indirect.gather [hbm4b:s4+s18], $0x40, s23, s18, $0xb8;
	[tilespmem:$0x1B100] =	vst v63  }
0x35b: {  	s20 =	sadd.s32 $0x1, s20  }
0x35c: {  	[tilespmem:s26], [sflag:$0x4] =	stream.indirect.gather [hbm4b:s4+s18], $0x40, s25, s18, $0xb8;
	[tilespmem:$0x1B100] =	vst v63  }
.LBB2_15:
0x35d: {  	_ =	sfence.sel $0x180000  }
0x35e: {  	[bflag:$0x0] =	sbarrier.arrive $0xFFFF  }
0x35f: {  	_ =	strace $0x90000047  }
0x360: {  	s0 =	stileid.u32;
	[bflag:$0x2] =	sbarrier.arrive $0xFFFF  }
0x361: {  	p0 =	sne.s32 s0, $0x0;
	s0 =	rddreg [dreg:$0x3]  }
0x362: {  	s0 =	sadd.s32 @!p0 $0x100000, s0  }
0x363: {  	[sflag:s0] =	ssyncadd.tile.s32 @!p0 $0x1;
	_ =	shalt  }
.Lfunc_end2:
_tile_overlayer_lowered:
.L_overlay_start_2:
0x364: {  	(tag) =	ssettag $0x2  }
0x365: {  	s0 =	rddreg [dreg:$0x0];
	s2 =	stileid.u32  }
0x366: {  	s1 =	rddreg [dreg:$0x1];
	p0 =	sne.s32 s2, $0x0  }
0x367: {  	s3 =	rddreg [dreg:$0x2];
	[bflag:$0x3] =	sbarrier.arrive $0xFFFF;
	s2 =	simm.s32 @!p0 $0x1C07  }
0x368: {  	[timem:s3], [sflag:s2] =	dma.local @!p0 [hbm:s0], s1  }
0x369: {  	s0 =	simm.s32 @!p0 $0x7  }
0x36a: {  	_ =	swait.ge @!p0 [sflag:s0], s1  }
0x36b: {  	s1 =	ssub.s32 @!p0 $0x0, s1;
	[sflag:s0] =	ssyncset.done @!p0 $0x0  }
0x36c: {  	[sflag:s0] =	ssyncadd.s32 @!p0 s1  }
0x36d: {  	[bflag:$0x3] =	sbarrier.arrive $0xFFFF  }
0x36e: {  	_ =	shalt  }

</sc_bundles>
